<compile_context>
chip_gen: v7x
topology: tpu7x:2x2x1
jax: 0.10.2.dev20260603
libtpu: 0.0.44.dev20260713+nightly
codegen_flags: <defaults>
</compile_context>

<pallas_src>
import functools

import jax
import jax.numpy as jnp
from jax import lax
from jax.experimental import pallas as pl
from jax.experimental.pallas import tpu as pltpu
from jax.experimental.pallas import tpu_sc as plsc

N_NODES = 10000
N_EDGES = 160000
NFEAT = 256
NHID = 256
NCLASS = 64
NCLS_P = 128

NC = 2
NS = 16

ROW_BLK = 1000
N_ROW_BLK = N_NODES // ROW_BLK

DRCH = 80
NDRCH = N_NODES // DRCH
DR_PER_TILE = -(-NDRCH // NS)

CHW1 = 80
CHW2 = 100
IB = 25
NB1 = N_EDGES // NS // (IB * CHW1)
NB2 = N_EDGES // (NC * NS) // (IB * CHW2)
D1 = 4
D2 = 4


@functools.lru_cache(maxsize=None)
def _mesh():
    return plsc.VectorSubcoreMesh(
        core_axis_name="c", subcore_axis_name="s", num_cores=NC, num_subcores=NS
    )


def _mm1_body(x_ref, w_ref, o_ref):
    o_ref[...] = jnp.dot(x_ref[...], w_ref[...],
                         preferred_element_type=jnp.float32)


def _mm1(x, W1):
    return pl.pallas_call(
        _mm1_body,
        grid=(NC, N_ROW_BLK),
        in_specs=[
            pl.BlockSpec((ROW_BLK, NFEAT), lambda h, i: (i, 0)),
            pl.BlockSpec((NFEAT, 128), lambda h, i: (0, h)),
        ],
        out_specs=pl.BlockSpec((ROW_BLK, 128),
                               lambda h, i: (h * N_ROW_BLK + i, 0)),
        out_shape=jax.ShapeDtypeStruct((NC * N_NODES, 128), jnp.float32),
    )(x, W1)


def _zero_acc(zeros_hbm, buf_v, acc, s):
    pltpu.sync_copy(zeros_hbm, buf_v)
    for i in range(DR_PER_TILE):
        ch = s + NS * i

        @pl.when(ch < NDRCH)
        def _():
            pltpu.sync_copy(buf_v, acc.at[pl.ds(ch * DRCH, DRCH)])


@functools.lru_cache(maxsize=None)
def _spmm1_kernel():
    @functools.partial(
        pl.kernel,
        out_type=jax.ShapeDtypeStruct((NC * N_NODES, 128), jnp.float32),
        mesh=_mesh(),
        scratch_types=[
            pltpu.VMEM((IB, CHW1), jnp.int32),
            pltpu.VMEM((IB, CHW1), jnp.int32),
            [pltpu.VMEM((CHW1, 128), jnp.float32) for _ in range(D1)],
            pltpu.VMEM_SHARED((N_NODES, 128), jnp.float32),
            [pltpu.SemaphoreType.DMA for _ in range(D1)],
        ],
    )
    def spmm1(sup_hbm, src_hbm, dst_hbm, zeros_hbm, h_hbm,
              isrc_v, idst_v, bufs, acc, sems):
        c = lax.axis_index("c")
        s = lax.axis_index("s")

        pltpu.sync_copy(src_hbm.at[s, 0], isrc_v)
        pltpu.sync_copy(dst_hbm.at[s, 0], idst_v)
        _zero_acc(zeros_hbm, bufs[0], acc, s)
        plsc.subcore_barrier()

        half = sup_hbm.at[pl.ds(c * N_NODES, N_NODES)]

        def gather(j, k):
            pltpu.async_copy(half.at[isrc_v.at[j]], bufs[k], sems[k])

        def wait_gather(k):
            pltpu.make_async_copy(
                half.at[isrc_v.at[0]], bufs[k], sems[k]).wait()

        def block_body(b, carry):
            @pl.when(b > 0)
            def _():
                pltpu.sync_copy(src_hbm.at[s, b], isrc_v)
                pltpu.sync_copy(dst_hbm.at[s, b], idst_v)
            for k in range(D1 - 1):
                gather(k, k)
            for j in range(IB):
                wait_gather(j % D1)
                if j + D1 - 1 < IB:
                    gather(j + D1 - 1, (j + D1 - 1) % D1)
                pltpu.sync_copy(bufs[j % D1], acc.at[idst_v.at[j]], add=True)
            return carry

        lax.fori_loop(0, NB1, block_body, 0)

        plsc.subcore_barrier()

        for i in range(DR_PER_TILE):
            ch = s + NS * i

            @pl.when(ch < NDRCH)
            def _():
                r0 = ch * DRCH
                pltpu.sync_copy(acc.at[pl.ds(r0, DRCH)], bufs[0])
                pltpu.sync_copy(bufs[0],
                                h_hbm.at[pl.ds(c * N_NODES + r0, DRCH)])

    return spmm1


def _mm2_body(h0_ref, h1_ref, b1a_ref, b1b_ref, w2_ref, o_ref):
    h0 = jnp.maximum(h0_ref[...] + b1a_ref[0:1, :], 0.0)
    h1 = jnp.maximum(h1_ref[...] + b1b_ref[0:1, :], 0.0)
    a = jnp.dot(h0, w2_ref[:128, :], preferred_element_type=jnp.float32)
    b = jnp.dot(h1, w2_ref[128:, :], preferred_element_type=jnp.float32)
    o_ref[...] = a + b


NCLS = NCLASS


def _mm2(h_all, b1a, b1b, W2):
    return pl.pallas_call(
        _mm2_body,
        grid=(N_ROW_BLK,),
        in_specs=[
            pl.BlockSpec((ROW_BLK, 128), lambda i: (i, 0)),
            pl.BlockSpec((ROW_BLK, 128), lambda i: (N_ROW_BLK + i, 0)),
            pl.BlockSpec((8, 128), lambda i: (0, 0)),
            pl.BlockSpec((8, 128), lambda i: (0, 0)),
            pl.BlockSpec((NHID, NCLS), lambda i: (0, 0)),
        ],
        out_specs=pl.BlockSpec((ROW_BLK, NCLS), lambda i: (i, 0)),
        out_shape=jax.ShapeDtypeStruct((N_NODES, NCLS), jnp.float32),
    )(h_all, h_all, b1a, b1b, W2)


@functools.lru_cache(maxsize=None)
def _spmm2_kernel():
    @functools.partial(
        pl.kernel,
        out_type=jax.ShapeDtypeStruct((NC * N_NODES, NCLS), jnp.float32),
        mesh=_mesh(),
        scratch_types=[
            pltpu.VMEM((IB, CHW2), jnp.int32),
            pltpu.VMEM((IB, CHW2), jnp.int32),
            [pltpu.VMEM((CHW2, NCLS), jnp.float32) for _ in range(D2)],
            pltpu.VMEM_SHARED((N_NODES, NCLS), jnp.float32),
            [pltpu.SemaphoreType.DMA for _ in range(D2)],
        ],
        compiler_params=pltpu.CompilerParams(use_tc_tiling_on_sc=False),
    )
    def spmm2(s2_hbm, src_hbm, dst_hbm, zeros_hbm, p_hbm,
              isrc_v, idst_v, bufs, acc, sems):
        c = lax.axis_index("c")
        s = lax.axis_index("s")
        wid = c * NS + s

        pltpu.sync_copy(src_hbm.at[wid, 0], isrc_v)
        pltpu.sync_copy(dst_hbm.at[wid, 0], idst_v)
        _zero_acc(zeros_hbm, bufs[0].at[pl.ds(0, DRCH)], acc, s)
        plsc.subcore_barrier()

        def gather(j, k):
            pltpu.async_copy(s2_hbm.at[isrc_v.at[j]], bufs[k], sems[k])

        def wait_gather(k):
            pltpu.make_async_copy(
                s2_hbm.at[isrc_v.at[0]], bufs[k], sems[k]).wait()

        def block_body(b, carry):
            @pl.when(b > 0)
            def _():
                pltpu.sync_copy(src_hbm.at[wid, b], isrc_v)
                pltpu.sync_copy(dst_hbm.at[wid, b], idst_v)
            for k in range(D2 - 1):
                gather(k, k)
            for j in range(IB):
                wait_gather(j % D2)
                if j + D2 - 1 < IB:
                    gather(j + D2 - 1, (j + D2 - 1) % D2)
                pltpu.sync_copy(bufs[j % D2], acc.at[idst_v.at[j]], add=True)
            return carry

        lax.fori_loop(0, NB2, block_body, 0)

        plsc.subcore_barrier()

        for i in range(DR_PER_TILE):
            ch = s + NS * i

            @pl.when(ch < NDRCH)
            def _():
                r0 = ch * DRCH
                pltpu.sync_copy(acc.at[pl.ds(r0, DRCH)], bufs[0].at[pl.ds(0, DRCH)])
                pltpu.sync_copy(bufs[0].at[pl.ds(0, DRCH)],
                                p_hbm.at[pl.ds(c * N_NODES + r0, DRCH)])

    return spmm2


def _comb_body(p0_ref, p1_ref, b2_ref, o_ref):
    o_ref[...] = p0_ref[...] + p1_ref[...] + b2_ref[0:1, :]


def _comb(p_all, b2):
    return pl.pallas_call(
        _comb_body,
        grid=(N_ROW_BLK,),
        in_specs=[
            pl.BlockSpec((ROW_BLK, NCLS), lambda i: (i, 0)),
            pl.BlockSpec((ROW_BLK, NCLS), lambda i: (N_ROW_BLK + i, 0)),
            pl.BlockSpec((8, NCLASS), lambda i: (0, 0)),
        ],
        out_specs=pl.BlockSpec((ROW_BLK, NCLASS), lambda i: (i, 0)),
        out_shape=jax.ShapeDtypeStruct((N_NODES, NCLASS), jnp.float32),
    )(p_all, p_all, b2)


@jax.jit
def kernel(x, adj, W1, b1, W2, b2):
    src = adj[0].astype(jnp.int32)
    dst = adj[1].astype(jnp.int32)
    src1 = src.reshape(NS, NB1, IB, CHW1)
    dst1 = dst.reshape(NS, NB1, IB, CHW1)
    src2 = src.reshape(NC * NS, NB2, IB, CHW2)
    dst2 = dst.reshape(NC * NS, NB2, IB, CHW2)
    zeros1 = jnp.zeros((DRCH, 128), jnp.float32)
    zeros2 = jnp.zeros((DRCH, NCLASS), jnp.float32)
    b1a = jnp.broadcast_to(b1[:128].reshape(1, 128), (8, 128))
    b1b = jnp.broadcast_to(b1[128:].reshape(1, 128), (8, 128))
    b2r = jnp.broadcast_to(b2.reshape(1, NCLASS), (8, NCLASS))

    sup = _mm1(x, W1)
    h_all = _spmm1_kernel()(sup, src1, dst1, zeros1)
    s2 = _mm2(h_all, b1a, b1b, W2)
    p_all = _spmm2_kernel()(s2, src2, dst2, zeros2)
    return _comb(p_all, b2r)

# --- scband reference (transcript-rebuilt; emitter-appended) ---
"""Pipeline reference for scband-gcn-5875515261519 (READ-ONLY COPY).

The authoritative reference and input builder live on the scoring server;
editing this copy changes nothing except your own understanding.
"""

import jax, jax.numpy as jnp
import numpy as np

N_NODES = 10000
N_EDGES = 160000
NFEAT = 256
NHID = 256
NCLASS = 64


def setup_inputs(seed: int = 0) -> dict:
    key = jax.random.key(seed)
    k_x, k_adj, k_w1, k_b1, k_w2, k_b2 = jax.random.split(key, 6)
    x = jax.random.normal(k_x, (N_NODES, NFEAT), dtype=jnp.float32)
    adj = jax.random.randint(k_adj, (2, N_EDGES), 0, N_NODES, dtype=jnp.int64)
    # GraphConvolution params (Kipf & Welling style: support = x @ W; out = spmm(adj, support) + b)
    s1 = 1.0 / np.sqrt(NHID)
    s2 = 1.0 / np.sqrt(NCLASS)
    W1 = jax.random.uniform(k_w1, (NFEAT, NHID), dtype=jnp.float32, minval=-s1, maxval=s1)
    b1 = jax.random.uniform(k_b1, (NHID,), dtype=jnp.float32, minval=-s1, maxval=s1)
    W2 = jax.random.uniform(k_w2, (NHID, NCLASS), dtype=jnp.float32, minval=-s2, maxval=s2)
    b2 = jax.random.uniform(k_b2, (NCLASS,), dtype=jnp.float32, minval=-s2, maxval=s2)
    return {"x": x, "adj": adj, "W1": W1, "b1": b1, "W2": W2, "b2": b2}


def _spmm(adj, m):
    # sparse adjacency (binary values) times dense matrix, via gather + scatter-add
    src = adj[0]
    dst = adj[1]
    gathered = jnp.take(m, src, axis=0)
    return jax.ops.segment_sum(gathered, dst, num_segments=N_NODES)


def reference(x, adj, W1, b1, W2, b2):
    # gc1: support = x @ W1; out = spmm(adj, support) + b1
    support = x @ W1
    h = _spmm(adj, support) + b1
    h = jax.nn.relu(h)
    # dropout is identity in eval mode (training=False)
    # gc2
    support2 = h @ W2
    out = _spmm(adj, support2) + b2
    return out

if __name__ == "__main__":
    import jax
    _d = setup_inputs()
    print(jax.jit(kernel)(*tuple(_d.values())))

</pallas_src>

<mosaic_0001>
#map = affine_map<(d0, d1) -> (0, 0)>
#map1 = affine_map<(d0, d1) -> (0, 0, 0, 0)>
module attributes {stable_mosaic.version = 14 : i64} {
  func.func @spmm1(%arg0: i32, %arg1: i32, %arg2: memref<20000x128xf32, #tpu.memory_space<hbm>>, %arg3: memref<16x5x25x80xi32, #tpu.memory_space<hbm>>, %arg4: memref<16x5x25x80xi32, #tpu.memory_space<hbm>>, %arg5: memref<80x128xf32, #tpu.memory_space<hbm>>, %arg6: memref<20000x128xf32, #tpu.memory_space<hbm>>, %arg7: memref<25x80xi32, #tpu.memory_space<vmem>>, %arg8: memref<25x80xi32, #tpu.memory_space<vmem>>, %arg9: memref<80x128xf32, #tpu.memory_space<vmem>>, %arg10: memref<80x128xf32, #tpu.memory_space<vmem>>, %arg11: memref<80x128xf32, #tpu.memory_space<vmem>>, %arg12: memref<80x128xf32, #tpu.memory_space<vmem>>, %arg13: memref<10000x128xf32, #tpu.memory_space<vmem_shared>>, %arg14: memref<!tpu.dma_semaphore, #tpu.memory_space<semaphore_mem>>, %arg15: memref<!tpu.dma_semaphore, #tpu.memory_space<semaphore_mem>>, %arg16: memref<!tpu.dma_semaphore, #tpu.memory_space<semaphore_mem>>, %arg17: memref<!tpu.dma_semaphore, #tpu.memory_space<semaphore_mem>>) attributes {dimension_semantics = [#tpu.dimension_semantics<core_parallel>, #tpu.dimension_semantics<subcore_parallel>], iteration_bounds = array<i64: 2, 16>, scalar_prefetch = 0 : i64, scratch_operands = 11 : i64, tpu.core_type = #tpu.core_type<sc_vector_subcore>, window_params = [{transform_indices = #map}, {transform_indices = #map1}, {transform_indices = #map1}, {transform_indices = #map}, {transform_indices = #map}]} {
    %run_scoped3A = arith.constant 0 : i32
    "tpu.region"() ({
      %run_scoped3A_116 = tpu.sem_alloc : memref<!tpu.dma_semaphore, #tpu.memory_space<semaphore_mem>>
      %dma_start3A = arith.constant 0 : i32
      %dma_start3A_117 = arith.constant 0 : i32
      %dma_start3A_118 = tpu.memref_slice %arg3[%arg1, %run_scoped3A, %dma_start3A, %dma_start3A_117] : memref<16x5x25x80xi32, #tpu.memory_space<hbm>> -> memref<1x1x25x80xi32, #tpu.memory_space<hbm>>
      %dma_start3A_119 = tpu.memref_squeeze %dma_start3A_118 : memref<1x1x25x80xi32, #tpu.memory_space<hbm>> -> memref<25x80xi32, #tpu.memory_space<hbm>>
      %dma_start3A_120 = arith.constant 0 : i32
      %dma_start3A_121 = arith.constant 0 : i32
      %dma_start3A_122 = tpu.memref_slice %arg3[%arg1, %run_scoped3A, %dma_start3A_120, %dma_start3A_121] : memref<16x5x25x80xi32, #tpu.memory_space<hbm>> -> memref<1x1x25x80xi32, #tpu.memory_space<hbm>>
      %dma_start3A_123 = tpu.memref_squeeze %dma_start3A_122 : memref<1x1x25x80xi32, #tpu.memory_space<hbm>> -> memref<25x80xi32, #tpu.memory_space<hbm>>
      tpu.enqueue_dma source(%dma_start3A_123 : memref<25x80xi32, #tpu.memory_space<hbm>>) target(%arg7 : memref<25x80xi32, #tpu.memory_space<vmem>>) target_semaphore(%run_scoped3A_116 : memref<!tpu.dma_semaphore, #tpu.memory_space<semaphore_mem>>)
      %dma_wait3A = arith.constant 0 : i32
      %dma_wait3A_124 = arith.constant 0 : i32
      %dma_wait3A_125 = tpu.memref_slice %arg3[%arg1, %run_scoped3A, %dma_wait3A, %dma_wait3A_124] : memref<16x5x25x80xi32, #tpu.memory_space<hbm>> -> memref<1x1x25x80xi32, #tpu.memory_space<hbm>>
      %dma_wait3A_126 = tpu.memref_squeeze %dma_wait3A_125 : memref<1x1x25x80xi32, #tpu.memory_space<hbm>> -> memref<25x80xi32, #tpu.memory_space<hbm>>
      %dma_wait3A_127 = arith.constant 0 : i32
      %dma_wait3A_128 = arith.constant 0 : i32
      %dma_wait3A_129 = tpu.memref_slice %arg3[%arg1, %run_scoped3A, %dma_wait3A_127, %dma_wait3A_128] : memref<16x5x25x80xi32, #tpu.memory_space<hbm>> -> memref<1x1x25x80xi32, #tpu.memory_space<hbm>>
      %dma_wait3A_130 = tpu.memref_squeeze %dma_wait3A_129 : memref<1x1x25x80xi32, #tpu.memory_space<hbm>> -> memref<25x80xi32, #tpu.memory_space<hbm>>
      tpu.wait_dma2 semaphore(%run_scoped3A_116 : memref<!tpu.dma_semaphore, #tpu.memory_space<semaphore_mem>>) src(%dma_wait3A_130 : memref<25x80xi32, #tpu.memory_space<hbm>>) dst(%arg7 : memref<25x80xi32, #tpu.memory_space<vmem>>)
      tpu.yield
    }) : () -> ()
    %run_scoped3A_0 = arith.constant 0 : i32
    "tpu.region"() ({
      %run_scoped3A_116 = tpu.sem_alloc : memref<!tpu.dma_semaphore, #tpu.memory_space<semaphore_mem>>
      %dma_start3A = arith.constant 0 : i32
      %dma_start3A_117 = arith.constant 0 : i32
      %dma_start3A_118 = tpu.memref_slice %arg4[%arg1, %run_scoped3A_0, %dma_start3A, %dma_start3A_117] : memref<16x5x25x80xi32, #tpu.memory_space<hbm>> -> memref<1x1x25x80xi32, #tpu.memory_space<hbm>>
      %dma_start3A_119 = tpu.memref_squeeze %dma_start3A_118 : memref<1x1x25x80xi32, #tpu.memory_space<hbm>> -> memref<25x80xi32, #tpu.memory_space<hbm>>
      %dma_start3A_120 = arith.constant 0 : i32
      %dma_start3A_121 = arith.constant 0 : i32
      %dma_start3A_122 = tpu.memref_slice %arg4[%arg1, %run_scoped3A_0, %dma_start3A_120, %dma_start3A_121] : memref<16x5x25x80xi32, #tpu.memory_space<hbm>> -> memref<1x1x25x80xi32, #tpu.memory_space<hbm>>
      %dma_start3A_123 = tpu.memref_squeeze %dma_start3A_122 : memref<1x1x25x80xi32, #tpu.memory_space<hbm>> -> memref<25x80xi32, #tpu.memory_space<hbm>>
      tpu.enqueue_dma source(%dma_start3A_123 : memref<25x80xi32, #tpu.memory_space<hbm>>) target(%arg8 : memref<25x80xi32, #tpu.memory_space<vmem>>) target_semaphore(%run_scoped3A_116 : memref<!tpu.dma_semaphore, #tpu.memory_space<semaphore_mem>>)
      %dma_wait3A = arith.constant 0 : i32
      %dma_wait3A_124 = arith.constant 0 : i32
      %dma_wait3A_125 = tpu.memref_slice %arg4[%arg1, %run_scoped3A_0, %dma_wait3A, %dma_wait3A_124] : memref<16x5x25x80xi32, #tpu.memory_space<hbm>> -> memref<1x1x25x80xi32, #tpu.memory_space<hbm>>
      %dma_wait3A_126 = tpu.memref_squeeze %dma_wait3A_125 : memref<1x1x25x80xi32, #tpu.memory_space<hbm>> -> memref<25x80xi32, #tpu.memory_space<hbm>>
      %dma_wait3A_127 = arith.constant 0 : i32
      %dma_wait3A_128 = arith.constant 0 : i32
      %dma_wait3A_129 = tpu.memref_slice %arg4[%arg1, %run_scoped3A_0, %dma_wait3A_127, %dma_wait3A_128] : memref<16x5x25x80xi32, #tpu.memory_space<hbm>> -> memref<1x1x25x80xi32, #tpu.memory_space<hbm>>
      %dma_wait3A_130 = tpu.memref_squeeze %dma_wait3A_129 : memref<1x1x25x80xi32, #tpu.memory_space<hbm>> -> memref<25x80xi32, #tpu.memory_space<hbm>>
      tpu.wait_dma2 semaphore(%run_scoped3A_116 : memref<!tpu.dma_semaphore, #tpu.memory_space<semaphore_mem>>) src(%dma_wait3A_130 : memref<25x80xi32, #tpu.memory_space<hbm>>) dst(%arg8 : memref<25x80xi32, #tpu.memory_space<vmem>>)
      tpu.yield
    }) : () -> ()
    "tpu.region"() ({
      %run_scoped3A_116 = tpu.sem_alloc : memref<!tpu.dma_semaphore, #tpu.memory_space<semaphore_mem>>
      tpu.enqueue_dma source(%arg5 : memref<80x128xf32, #tpu.memory_space<hbm>>) target(%arg9 : memref<80x128xf32, #tpu.memory_space<vmem>>) target_semaphore(%run_scoped3A_116 : memref<!tpu.dma_semaphore, #tpu.memory_space<semaphore_mem>>)
      tpu.wait_dma2 semaphore(%run_scoped3A_116 : memref<!tpu.dma_semaphore, #tpu.memory_space<semaphore_mem>>) src(%arg5 : memref<80x128xf32, #tpu.memory_space<hbm>>) dst(%arg9 : memref<80x128xf32, #tpu.memory_space<vmem>>)
      tpu.yield
    }) : () -> ()
    %add3A = arith.constant 0 : i32
    %add3A_1 = arith.addi %arg1, %add3A : i32
    %lt3A = arith.constant 125 : i32
    %lt3A_2 = arith.cmpi slt, %add3A_1, %lt3A : i32
    %convert_element_type3A = arith.extui %lt3A_2 : i1 to i32
    %cond3A = arith.constant 0 : i32
    %cond3A_3 = arith.cmpi ne, %convert_element_type3A, %cond3A : i32
    scf.if %cond3A_3 {
      %mul3A_116 = arith.constant 80 : i32
      %mul3A_117 = arith.muli %add3A_1, %mul3A_116 : i32
      "tpu.region"() ({
        %run_scoped3A_118 = tpu.sem_alloc : memref<!tpu.dma_semaphore, #tpu.memory_space<semaphore_mem>>
        %dma_start3A = arith.constant 0 : i32
        %dma_start3A_119 = tpu.memref_slice %arg13[%mul3A_117, %dma_start3A] : memref<10000x128xf32, #tpu.memory_space<vmem_shared>> -> memref<80x128xf32, #tpu.memory_space<vmem_shared>>
        %dma_start3A_120 = arith.constant 0 : i32
        %dma_start3A_121 = tpu.memref_slice %arg13[%mul3A_117, %dma_start3A_120] : memref<10000x128xf32, #tpu.memory_space<vmem_shared>> -> memref<80x128xf32, #tpu.memory_space<vmem_shared>>
        tpu.enqueue_dma source(%arg9 : memref<80x128xf32, #tpu.memory_space<vmem>>) target(%dma_start3A_121 : memref<80x128xf32, #tpu.memory_space<vmem_shared>>) target_semaphore(%run_scoped3A_118 : memref<!tpu.dma_semaphore, #tpu.memory_space<semaphore_mem>>)
        %dma_wait3A = arith.constant 0 : i32
        %dma_wait3A_122 = tpu.memref_slice %arg13[%mul3A_117, %dma_wait3A] : memref<10000x128xf32, #tpu.memory_space<vmem_shared>> -> memref<80x128xf32, #tpu.memory_space<vmem_shared>>
        %dma_wait3A_123 = arith.constant 0 : i32
        %dma_wait3A_124 = tpu.memref_slice %arg13[%mul3A_117, %dma_wait3A_123] : memref<10000x128xf32, #tpu.memory_space<vmem_shared>> -> memref<80x128xf32, #tpu.memory_space<vmem_shared>>
        tpu.wait_dma2 semaphore(%run_scoped3A_118 : memref<!tpu.dma_semaphore, #tpu.memory_space<semaphore_mem>>) src(%arg9 : memref<80x128xf32, #tpu.memory_space<vmem>>) dst(%dma_wait3A_124 : memref<80x128xf32, #tpu.memory_space<vmem_shared>>)
        tpu.yield
      }) : () -> ()
    } else {
    }
    %add3A_4 = arith.constant 16 : i32
    %add3A_5 = arith.addi %arg1, %add3A_4 : i32
    %lt3A_6 = arith.constant 125 : i32
    %lt3A_7 = arith.cmpi slt, %add3A_5, %lt3A_6 : i32
    %convert_element_type3A_8 = arith.extui %lt3A_7 : i1 to i32
    %cond3A_9 = arith.constant 0 : i32
    %cond3A_10 = arith.cmpi ne, %convert_element_type3A_8, %cond3A_9 : i32
    scf.if %cond3A_10 {
      %mul3A_116 = arith.constant 80 : i32
      %mul3A_117 = arith.muli %add3A_5, %mul3A_116 : i32
      "tpu.region"() ({
        %run_scoped3A_118 = tpu.sem_alloc : memref<!tpu.dma_semaphore, #tpu.memory_space<semaphore_mem>>
        %dma_start3A = arith.constant 0 : i32
        %dma_start3A_119 = tpu.memref_slice %arg13[%mul3A_117, %dma_start3A] : memref<10000x128xf32, #tpu.memory_space<vmem_shared>> -> memref<80x128xf32, #tpu.memory_space<vmem_shared>>
        %dma_start3A_120 = arith.constant 0 : i32
        %dma_start3A_121 = tpu.memref_slice %arg13[%mul3A_117, %dma_start3A_120] : memref<10000x128xf32, #tpu.memory_space<vmem_shared>> -> memref<80x128xf32, #tpu.memory_space<vmem_shared>>
        tpu.enqueue_dma source(%arg9 : memref<80x128xf32, #tpu.memory_space<vmem>>) target(%dma_start3A_121 : memref<80x128xf32, #tpu.memory_space<vmem_shared>>) target_semaphore(%run_scoped3A_118 : memref<!tpu.dma_semaphore, #tpu.memory_space<semaphore_mem>>)
        %dma_wait3A = arith.constant 0 : i32
        %dma_wait3A_122 = tpu.memref_slice %arg13[%mul3A_117, %dma_wait3A] : memref<10000x128xf32, #tpu.memory_space<vmem_shared>> -> memref<80x128xf32, #tpu.memory_space<vmem_shared>>
        %dma_wait3A_123 = arith.constant 0 : i32
        %dma_wait3A_124 = tpu.memref_slice %arg13[%mul3A_117, %dma_wait3A_123] : memref<10000x128xf32, #tpu.memory_space<vmem_shared>> -> memref<80x128xf32, #tpu.memory_space<vmem_shared>>
        tpu.wait_dma2 semaphore(%run_scoped3A_118 : memref<!tpu.dma_semaphore, #tpu.memory_space<semaphore_mem>>) src(%arg9 : memref<80x128xf32, #tpu.memory_space<vmem>>) dst(%dma_wait3A_124 : memref<80x128xf32, #tpu.memory_space<vmem_shared>>)
        tpu.yield
      }) : () -> ()
    } else {
    }
    %add3A_11 = arith.constant 32 : i32
    %add3A_12 = arith.addi %arg1, %add3A_11 : i32
    %lt3A_13 = arith.constant 125 : i32
    %lt3A_14 = arith.cmpi slt, %add3A_12, %lt3A_13 : i32
    %convert_element_type3A_15 = arith.extui %lt3A_14 : i1 to i32
    %cond3A_16 = arith.constant 0 : i32
    %cond3A_17 = arith.cmpi ne, %convert_element_type3A_15, %cond3A_16 : i32
    scf.if %cond3A_17 {
      %mul3A_116 = arith.constant 80 : i32
      %mul3A_117 = arith.muli %add3A_12, %mul3A_116 : i32
      "tpu.region"() ({
        %run_scoped3A_118 = tpu.sem_alloc : memref<!tpu.dma_semaphore, #tpu.memory_space<semaphore_mem>>
        %dma_start3A = arith.constant 0 : i32
        %dma_start3A_119 = tpu.memref_slice %arg13[%mul3A_117, %dma_start3A] : memref<10000x128xf32, #tpu.memory_space<vmem_shared>> -> memref<80x128xf32, #tpu.memory_space<vmem_shared>>
        %dma_start3A_120 = arith.constant 0 : i32
        %dma_start3A_121 = tpu.memref_slice %arg13[%mul3A_117, %dma_start3A_120] : memref<10000x128xf32, #tpu.memory_space<vmem_shared>> -> memref<80x128xf32, #tpu.memory_space<vmem_shared>>
        tpu.enqueue_dma source(%arg9 : memref<80x128xf32, #tpu.memory_space<vmem>>) target(%dma_start3A_121 : memref<80x128xf32, #tpu.memory_space<vmem_shared>>) target_semaphore(%run_scoped3A_118 : memref<!tpu.dma_semaphore, #tpu.memory_space<semaphore_mem>>)
        %dma_wait3A = arith.constant 0 : i32
        %dma_wait3A_122 = tpu.memref_slice %arg13[%mul3A_117, %dma_wait3A] : memref<10000x128xf32, #tpu.memory_space<vmem_shared>> -> memref<80x128xf32, #tpu.memory_space<vmem_shared>>
        %dma_wait3A_123 = arith.constant 0 : i32
        %dma_wait3A_124 = tpu.memref_slice %arg13[%mul3A_117, %dma_wait3A_123] : memref<10000x128xf32, #tpu.memory_space<vmem_shared>> -> memref<80x128xf32, #tpu.memory_space<vmem_shared>>
        tpu.wait_dma2 semaphore(%run_scoped3A_118 : memref<!tpu.dma_semaphore, #tpu.memory_space<semaphore_mem>>) src(%arg9 : memref<80x128xf32, #tpu.memory_space<vmem>>) dst(%dma_wait3A_124 : memref<80x128xf32, #tpu.memory_space<vmem_shared>>)
        tpu.yield
      }) : () -> ()
    } else {
    }
    %add3A_18 = arith.constant 48 : i32
    %add3A_19 = arith.addi %arg1, %add3A_18 : i32
    %lt3A_20 = arith.constant 125 : i32
    %lt3A_21 = arith.cmpi slt, %add3A_19, %lt3A_20 : i32
    %convert_element_type3A_22 = arith.extui %lt3A_21 : i1 to i32
    %cond3A_23 = arith.constant 0 : i32
    %cond3A_24 = arith.cmpi ne, %convert_element_type3A_22, %cond3A_23 : i32
    scf.if %cond3A_24 {
      %mul3A_116 = arith.constant 80 : i32
      %mul3A_117 = arith.muli %add3A_19, %mul3A_116 : i32
      "tpu.region"() ({
        %run_scoped3A_118 = tpu.sem_alloc : memref<!tpu.dma_semaphore, #tpu.memory_space<semaphore_mem>>
        %dma_start3A = arith.constant 0 : i32
        %dma_start3A_119 = tpu.memref_slice %arg13[%mul3A_117, %dma_start3A] : memref<10000x128xf32, #tpu.memory_space<vmem_shared>> -> memref<80x128xf32, #tpu.memory_space<vmem_shared>>
        %dma_start3A_120 = arith.constant 0 : i32
        %dma_start3A_121 = tpu.memref_slice %arg13[%mul3A_117, %dma_start3A_120] : memref<10000x128xf32, #tpu.memory_space<vmem_shared>> -> memref<80x128xf32, #tpu.memory_space<vmem_shared>>
        tpu.enqueue_dma source(%arg9 : memref<80x128xf32, #tpu.memory_space<vmem>>) target(%dma_start3A_121 : memref<80x128xf32, #tpu.memory_space<vmem_shared>>) target_semaphore(%run_scoped3A_118 : memref<!tpu.dma_semaphore, #tpu.memory_space<semaphore_mem>>)
        %dma_wait3A = arith.constant 0 : i32
        %dma_wait3A_122 = tpu.memref_slice %arg13[%mul3A_117, %dma_wait3A] : memref<10000x128xf32, #tpu.memory_space<vmem_shared>> -> memref<80x128xf32, #tpu.memory_space<vmem_shared>>
        %dma_wait3A_123 = arith.constant 0 : i32
        %dma_wait3A_124 = tpu.memref_slice %arg13[%mul3A_117, %dma_wait3A_123] : memref<10000x128xf32, #tpu.memory_space<vmem_shared>> -> memref<80x128xf32, #tpu.memory_space<vmem_shared>>
        tpu.wait_dma2 semaphore(%run_scoped3A_118 : memref<!tpu.dma_semaphore, #tpu.memory_space<semaphore_mem>>) src(%arg9 : memref<80x128xf32, #tpu.memory_space<vmem>>) dst(%dma_wait3A_124 : memref<80x128xf32, #tpu.memory_space<vmem_shared>>)
        tpu.yield
      }) : () -> ()
    } else {
    }
    %add3A_25 = arith.constant 64 : i32
    %add3A_26 = arith.addi %arg1, %add3A_25 : i32
    %lt3A_27 = arith.constant 125 : i32
    %lt3A_28 = arith.cmpi slt, %add3A_26, %lt3A_27 : i32
    %convert_element_type3A_29 = arith.extui %lt3A_28 : i1 to i32
    %cond3A_30 = arith.constant 0 : i32
    %cond3A_31 = arith.cmpi ne, %convert_element_type3A_29, %cond3A_30 : i32
    scf.if %cond3A_31 {
      %mul3A_116 = arith.constant 80 : i32
      %mul3A_117 = arith.muli %add3A_26, %mul3A_116 : i32
      "tpu.region"() ({
        %run_scoped3A_118 = tpu.sem_alloc : memref<!tpu.dma_semaphore, #tpu.memory_space<semaphore_mem>>
        %dma_start3A = arith.constant 0 : i32
        %dma_start3A_119 = tpu.memref_slice %arg13[%mul3A_117, %dma_start3A] : memref<10000x128xf32, #tpu.memory_space<vmem_shared>> -> memref<80x128xf32, #tpu.memory_space<vmem_shared>>
        %dma_start3A_120 = arith.constant 0 : i32
        %dma_start3A_121 = tpu.memref_slice %arg13[%mul3A_117, %dma_start3A_120] : memref<10000x128xf32, #tpu.memory_space<vmem_shared>> -> memref<80x128xf32, #tpu.memory_space<vmem_shared>>
        tpu.enqueue_dma source(%arg9 : memref<80x128xf32, #tpu.memory_space<vmem>>) target(%dma_start3A_121 : memref<80x128xf32, #tpu.memory_space<vmem_shared>>) target_semaphore(%run_scoped3A_118 : memref<!tpu.dma_semaphore, #tpu.memory_space<semaphore_mem>>)
        %dma_wait3A = arith.constant 0 : i32
        %dma_wait3A_122 = tpu.memref_slice %arg13[%mul3A_117, %dma_wait3A] : memref<10000x128xf32, #tpu.memory_space<vmem_shared>> -> memref<80x128xf32, #tpu.memory_space<vmem_shared>>
        %dma_wait3A_123 = arith.constant 0 : i32
        %dma_wait3A_124 = tpu.memref_slice %arg13[%mul3A_117, %dma_wait3A_123] : memref<10000x128xf32, #tpu.memory_space<vmem_shared>> -> memref<80x128xf32, #tpu.memory_space<vmem_shared>>
        tpu.wait_dma2 semaphore(%run_scoped3A_118 : memref<!tpu.dma_semaphore, #tpu.memory_space<semaphore_mem>>) src(%arg9 : memref<80x128xf32, #tpu.memory_space<vmem>>) dst(%dma_wait3A_124 : memref<80x128xf32, #tpu.memory_space<vmem_shared>>)
        tpu.yield
      }) : () -> ()
    } else {
    }
    %add3A_32 = arith.constant 80 : i32
    %add3A_33 = arith.addi %arg1, %add3A_32 : i32
    %lt3A_34 = arith.constant 125 : i32
    %lt3A_35 = arith.cmpi slt, %add3A_33, %lt3A_34 : i32
    %convert_element_type3A_36 = arith.extui %lt3A_35 : i1 to i32
    %cond3A_37 = arith.constant 0 : i32
    %cond3A_38 = arith.cmpi ne, %convert_element_type3A_36, %cond3A_37 : i32
    scf.if %cond3A_38 {
      %mul3A_116 = arith.constant 80 : i32
      %mul3A_117 = arith.muli %add3A_33, %mul3A_116 : i32
      "tpu.region"() ({
        %run_scoped3A_118 = tpu.sem_alloc : memref<!tpu.dma_semaphore, #tpu.memory_space<semaphore_mem>>
        %dma_start3A = arith.constant 0 : i32
        %dma_start3A_119 = tpu.memref_slice %arg13[%mul3A_117, %dma_start3A] : memref<10000x128xf32, #tpu.memory_space<vmem_shared>> -> memref<80x128xf32, #tpu.memory_space<vmem_shared>>
        %dma_start3A_120 = arith.constant 0 : i32
        %dma_start3A_121 = tpu.memref_slice %arg13[%mul3A_117, %dma_start3A_120] : memref<10000x128xf32, #tpu.memory_space<vmem_shared>> -> memref<80x128xf32, #tpu.memory_space<vmem_shared>>
        tpu.enqueue_dma source(%arg9 : memref<80x128xf32, #tpu.memory_space<vmem>>) target(%dma_start3A_121 : memref<80x128xf32, #tpu.memory_space<vmem_shared>>) target_semaphore(%run_scoped3A_118 : memref<!tpu.dma_semaphore, #tpu.memory_space<semaphore_mem>>)
        %dma_wait3A = arith.constant 0 : i32
        %dma_wait3A_122 = tpu.memref_slice %arg13[%mul3A_117, %dma_wait3A] : memref<10000x128xf32, #tpu.memory_space<vmem_shared>> -> memref<80x128xf32, #tpu.memory_space<vmem_shared>>
        %dma_wait3A_123 = arith.constant 0 : i32
        %dma_wait3A_124 = tpu.memref_slice %arg13[%mul3A_117, %dma_wait3A_123] : memref<10000x128xf32, #tpu.memory_space<vmem_shared>> -> memref<80x128xf32, #tpu.memory_space<vmem_shared>>
        tpu.wait_dma2 semaphore(%run_scoped3A_118 : memref<!tpu.dma_semaphore, #tpu.memory_space<semaphore_mem>>) src(%arg9 : memref<80x128xf32, #tpu.memory_space<vmem>>) dst(%dma_wait3A_124 : memref<80x128xf32, #tpu.memory_space<vmem_shared>>)
        tpu.yield
      }) : () -> ()
    } else {
    }
    %add3A_39 = arith.constant 96 : i32
    %add3A_40 = arith.addi %arg1, %add3A_39 : i32
    %lt3A_41 = arith.constant 125 : i32
    %lt3A_42 = arith.cmpi slt, %add3A_40, %lt3A_41 : i32
    %convert_element_type3A_43 = arith.extui %lt3A_42 : i1 to i32
    %cond3A_44 = arith.constant 0 : i32
    %cond3A_45 = arith.cmpi ne, %convert_element_type3A_43, %cond3A_44 : i32
    scf.if %cond3A_45 {
      %mul3A_116 = arith.constant 80 : i32
      %mul3A_117 = arith.muli %add3A_40, %mul3A_116 : i32
      "tpu.region"() ({
        %run_scoped3A_118 = tpu.sem_alloc : memref<!tpu.dma_semaphore, #tpu.memory_space<semaphore_mem>>
        %dma_start3A = arith.constant 0 : i32
        %dma_start3A_119 = tpu.memref_slice %arg13[%mul3A_117, %dma_start3A] : memref<10000x128xf32, #tpu.memory_space<vmem_shared>> -> memref<80x128xf32, #tpu.memory_space<vmem_shared>>
        %dma_start3A_120 = arith.constant 0 : i32
        %dma_start3A_121 = tpu.memref_slice %arg13[%mul3A_117, %dma_start3A_120] : memref<10000x128xf32, #tpu.memory_space<vmem_shared>> -> memref<80x128xf32, #tpu.memory_space<vmem_shared>>
        tpu.enqueue_dma source(%arg9 : memref<80x128xf32, #tpu.memory_space<vmem>>) target(%dma_start3A_121 : memref<80x128xf32, #tpu.memory_space<vmem_shared>>) target_semaphore(%run_scoped3A_118 : memref<!tpu.dma_semaphore, #tpu.memory_space<semaphore_mem>>)
        %dma_wait3A = arith.constant 0 : i32
        %dma_wait3A_122 = tpu.memref_slice %arg13[%mul3A_117, %dma_wait3A] : memref<10000x128xf32, #tpu.memory_space<vmem_shared>> -> memref<80x128xf32, #tpu.memory_space<vmem_shared>>
        %dma_wait3A_123 = arith.constant 0 : i32
        %dma_wait3A_124 = tpu.memref_slice %arg13[%mul3A_117, %dma_wait3A_123] : memref<10000x128xf32, #tpu.memory_space<vmem_shared>> -> memref<80x128xf32, #tpu.memory_space<vmem_shared>>
        tpu.wait_dma2 semaphore(%run_scoped3A_118 : memref<!tpu.dma_semaphore, #tpu.memory_space<semaphore_mem>>) src(%arg9 : memref<80x128xf32, #tpu.memory_space<vmem>>) dst(%dma_wait3A_124 : memref<80x128xf32, #tpu.memory_space<vmem_shared>>)
        tpu.yield
      }) : () -> ()
    } else {
    }
    %add3A_46 = arith.constant 112 : i32
    %add3A_47 = arith.addi %arg1, %add3A_46 : i32
    %lt3A_48 = arith.constant 125 : i32
    %lt3A_49 = arith.cmpi slt, %add3A_47, %lt3A_48 : i32
    %convert_element_type3A_50 = arith.extui %lt3A_49 : i1 to i32
    %cond3A_51 = arith.constant 0 : i32
    %cond3A_52 = arith.cmpi ne, %convert_element_type3A_50, %cond3A_51 : i32
    scf.if %cond3A_52 {
      %mul3A_116 = arith.constant 80 : i32
      %mul3A_117 = arith.muli %add3A_47, %mul3A_116 : i32
      "tpu.region"() ({
        %run_scoped3A_118 = tpu.sem_alloc : memref<!tpu.dma_semaphore, #tpu.memory_space<semaphore_mem>>
        %dma_start3A = arith.constant 0 : i32
        %dma_start3A_119 = tpu.memref_slice %arg13[%mul3A_117, %dma_start3A] : memref<10000x128xf32, #tpu.memory_space<vmem_shared>> -> memref<80x128xf32, #tpu.memory_space<vmem_shared>>
        %dma_start3A_120 = arith.constant 0 : i32
        %dma_start3A_121 = tpu.memref_slice %arg13[%mul3A_117, %dma_start3A_120] : memref<10000x128xf32, #tpu.memory_space<vmem_shared>> -> memref<80x128xf32, #tpu.memory_space<vmem_shared>>
        tpu.enqueue_dma source(%arg9 : memref<80x128xf32, #tpu.memory_space<vmem>>) target(%dma_start3A_121 : memref<80x128xf32, #tpu.memory_space<vmem_shared>>) target_semaphore(%run_scoped3A_118 : memref<!tpu.dma_semaphore, #tpu.memory_space<semaphore_mem>>)
        %dma_wait3A = arith.constant 0 : i32
        %dma_wait3A_122 = tpu.memref_slice %arg13[%mul3A_117, %dma_wait3A] : memref<10000x128xf32, #tpu.memory_space<vmem_shared>> -> memref<80x128xf32, #tpu.memory_space<vmem_shared>>
        %dma_wait3A_123 = arith.constant 0 : i32
        %dma_wait3A_124 = tpu.memref_slice %arg13[%mul3A_117, %dma_wait3A_123] : memref<10000x128xf32, #tpu.memory_space<vmem_shared>> -> memref<80x128xf32, #tpu.memory_space<vmem_shared>>
        tpu.wait_dma2 semaphore(%run_scoped3A_118 : memref<!tpu.dma_semaphore, #tpu.memory_space<semaphore_mem>>) src(%arg9 : memref<80x128xf32, #tpu.memory_space<vmem>>) dst(%dma_wait3A_124 : memref<80x128xf32, #tpu.memory_space<vmem_shared>>)
        tpu.yield
      }) : () -> ()
    } else {
    }
    %barrier3A = arith.constant 0 : index
    tpu.barrier barrier_id(%barrier3A)
    %mul3A = arith.constant 10000 : i32
    %mul3A_53 = arith.muli %arg0, %mul3A : i32
    %scan3A = arith.constant 0 : i32
    %scan3A_54 = arith.constant 0 : i32
    %scan3A_55 = arith.constant 5 : i32
    %scan3A_56 = arith.addi %scan3A_54, %scan3A_55 : i32
    %scan3A_57 = arith.constant 1 : i32
    scf.for %scan3A_116 = %scan3A_54 to %scan3A_56 step %scan3A_57  : i32 {
      %gt3A = arith.constant 0 : i32
      %gt3A_117 = arith.cmpi sgt, %scan3A_116, %gt3A : i32
      %convert_element_type3A_118 = arith.extui %gt3A_117 : i1 to i32
      %cond3A_119 = arith.constant 0 : i32
      %cond3A_120 = arith.cmpi ne, %convert_element_type3A_118, %cond3A_119 : i32
      scf.if %cond3A_120 {
        "tpu.region"() ({
          %run_scoped3A_594 = tpu.sem_alloc : memref<!tpu.dma_semaphore, #tpu.memory_space<semaphore_mem>>
          %dma_start3A_595 = arith.constant 0 : i32
          %dma_start3A_596 = arith.constant 0 : i32
          %dma_start3A_597 = tpu.memref_slice %arg3[%arg1, %scan3A_116, %dma_start3A_595, %dma_start3A_596] : memref<16x5x25x80xi32, #tpu.memory_space<hbm>> -> memref<1x1x25x80xi32, #tpu.memory_space<hbm>>
          %dma_start3A_598 = tpu.memref_squeeze %dma_start3A_597 : memref<1x1x25x80xi32, #tpu.memory_space<hbm>> -> memref<25x80xi32, #tpu.memory_space<hbm>>
          %dma_start3A_599 = arith.constant 0 : i32
          %dma_start3A_600 = arith.constant 0 : i32
          %dma_start3A_601 = tpu.memref_slice %arg3[%arg1, %scan3A_116, %dma_start3A_599, %dma_start3A_600] : memref<16x5x25x80xi32, #tpu.memory_space<hbm>> -> memref<1x1x25x80xi32, #tpu.memory_space<hbm>>
          %dma_start3A_602 = tpu.memref_squeeze %dma_start3A_601 : memref<1x1x25x80xi32, #tpu.memory_space<hbm>> -> memref<25x80xi32, #tpu.memory_space<hbm>>
          tpu.enqueue_dma source(%dma_start3A_602 : memref<25x80xi32, #tpu.memory_space<hbm>>) target(%arg7 : memref<25x80xi32, #tpu.memory_space<vmem>>) target_semaphore(%run_scoped3A_594 : memref<!tpu.dma_semaphore, #tpu.memory_space<semaphore_mem>>)
          %dma_wait3A_603 = arith.constant 0 : i32
          %dma_wait3A_604 = arith.constant 0 : i32
          %dma_wait3A_605 = tpu.memref_slice %arg3[%arg1, %scan3A_116, %dma_wait3A_603, %dma_wait3A_604] : memref<16x5x25x80xi32, #tpu.memory_space<hbm>> -> memref<1x1x25x80xi32, #tpu.memory_space<hbm>>
          %dma_wait3A_606 = tpu.memref_squeeze %dma_wait3A_605 : memref<1x1x25x80xi32, #tpu.memory_space<hbm>> -> memref<25x80xi32, #tpu.memory_space<hbm>>
          %dma_wait3A_607 = arith.constant 0 : i32
          %dma_wait3A_608 = arith.constant 0 : i32
          %dma_wait3A_609 = tpu.memref_slice %arg3[%arg1, %scan3A_116, %dma_wait3A_607, %dma_wait3A_608] : memref<16x5x25x80xi32, #tpu.memory_space<hbm>> -> memref<1x1x25x80xi32, #tpu.memory_space<hbm>>
          %dma_wait3A_610 = tpu.memref_squeeze %dma_wait3A_609 : memref<1x1x25x80xi32, #tpu.memory_space<hbm>> -> memref<25x80xi32, #tpu.memory_space<hbm>>
          tpu.wait_dma2 semaphore(%run_scoped3A_594 : memref<!tpu.dma_semaphore, #tpu.memory_space<semaphore_mem>>) src(%dma_wait3A_610 : memref<25x80xi32, #tpu.memory_space<hbm>>) dst(%arg7 : memref<25x80xi32, #tpu.memory_space<vmem>>)
          tpu.yield
        }) : () -> ()
        "tpu.region"() ({
          %run_scoped3A_594 = tpu.sem_alloc : memref<!tpu.dma_semaphore, #tpu.memory_space<semaphore_mem>>
          %dma_start3A_595 = arith.constant 0 : i32
          %dma_start3A_596 = arith.constant 0 : i32
          %dma_start3A_597 = tpu.memref_slice %arg4[%arg1, %scan3A_116, %dma_start3A_595, %dma_start3A_596] : memref<16x5x25x80xi32, #tpu.memory_space<hbm>> -> memref<1x1x25x80xi32, #tpu.memory_space<hbm>>
          %dma_start3A_598 = tpu.memref_squeeze %dma_start3A_597 : memref<1x1x25x80xi32, #tpu.memory_space<hbm>> -> memref<25x80xi32, #tpu.memory_space<hbm>>
          %dma_start3A_599 = arith.constant 0 : i32
          %dma_start3A_600 = arith.constant 0 : i32
          %dma_start3A_601 = tpu.memref_slice %arg4[%arg1, %scan3A_116, %dma_start3A_599, %dma_start3A_600] : memref<16x5x25x80xi32, #tpu.memory_space<hbm>> -> memref<1x1x25x80xi32, #tpu.memory_space<hbm>>
          %dma_start3A_602 = tpu.memref_squeeze %dma_start3A_601 : memref<1x1x25x80xi32, #tpu.memory_space<hbm>> -> memref<25x80xi32, #tpu.memory_space<hbm>>
          tpu.enqueue_dma source(%dma_start3A_602 : memref<25x80xi32, #tpu.memory_space<hbm>>) target(%arg8 : memref<25x80xi32, #tpu.memory_space<vmem>>) target_semaphore(%run_scoped3A_594 : memref<!tpu.dma_semaphore, #tpu.memory_space<semaphore_mem>>)
          %dma_wait3A_603 = arith.constant 0 : i32
          %dma_wait3A_604 = arith.constant 0 : i32
          %dma_wait3A_605 = tpu.memref_slice %arg4[%arg1, %scan3A_116, %dma_wait3A_603, %dma_wait3A_604] : memref<16x5x25x80xi32, #tpu.memory_space<hbm>> -> memref<1x1x25x80xi32, #tpu.memory_space<hbm>>
          %dma_wait3A_606 = tpu.memref_squeeze %dma_wait3A_605 : memref<1x1x25x80xi32, #tpu.memory_space<hbm>> -> memref<25x80xi32, #tpu.memory_space<hbm>>
          %dma_wait3A_607 = arith.constant 0 : i32
          %dma_wait3A_608 = arith.constant 0 : i32
          %dma_wait3A_609 = tpu.memref_slice %arg4[%arg1, %scan3A_116, %dma_wait3A_607, %dma_wait3A_608] : memref<16x5x25x80xi32, #tpu.memory_space<hbm>> -> memref<1x1x25x80xi32, #tpu.memory_space<hbm>>
          %dma_wait3A_610 = tpu.memref_squeeze %dma_wait3A_609 : memref<1x1x25x80xi32, #tpu.memory_space<hbm>> -> memref<25x80xi32, #tpu.memory_space<hbm>>
          tpu.wait_dma2 semaphore(%run_scoped3A_594 : memref<!tpu.dma_semaphore, #tpu.memory_space<semaphore_mem>>) src(%dma_wait3A_610 : memref<25x80xi32, #tpu.memory_space<hbm>>) dst(%arg8 : memref<25x80xi32, #tpu.memory_space<vmem>>)
          tpu.yield
        }) : () -> ()
      } else {
      }
      %dma_start3A = arith.constant 0 : i32
      %dma_start3A_121 = arith.constant 0 : i32
      %dma_start3A_122 = tpu.memref_slice %arg7[%dma_start3A, %dma_start3A_121] : memref<25x80xi32, #tpu.memory_space<vmem>> -> memref<1x80xi32, #tpu.memory_space<vmem>>
      %dma_start3A_123 = tpu.memref_squeeze %dma_start3A_122 : memref<1x80xi32, #tpu.memory_space<vmem>> -> memref<80xi32, #tpu.memory_space<vmem>>
      %dma_start3A_124 = arith.constant 0 : i32
      %dma_start3A_125 = tpu.memref_slice %arg2[%mul3A_53, %dma_start3A_124] : memref<20000x128xf32, #tpu.memory_space<hbm>> -> memref<10000x128xf32, #tpu.memory_space<hbm>>
      %dma_start3A_126 = arith.constant 0 : i32
      %dma_start3A_127 = arith.constant 0 : i32
      %dma_start3A_128 = tpu.memref_slice %dma_start3A_125[%dma_start3A_126, %dma_start3A_127] : memref<10000x128xf32, #tpu.memory_space<hbm>> -> memref<10000x128xf32, #tpu.memory_space<hbm>>
      tpu.enqueue_indirect_dma source(%dma_start3A_128 : memref<10000x128xf32, #tpu.memory_space<hbm>>) target(%arg9 : memref<80x128xf32, #tpu.memory_space<vmem>>) offsets(%dma_start3A_123 : memref<80xi32, #tpu.memory_space<vmem>>) semaphore(%arg14 : memref<!tpu.dma_semaphore, #tpu.memory_space<semaphore_mem>>)
      %dma_start3A_129 = arith.constant 1 : i32
      %dma_start3A_130 = arith.constant 0 : i32
      %dma_start3A_131 = tpu.memref_slice %arg7[%dma_start3A_129, %dma_start3A_130] : memref<25x80xi32, #tpu.memory_space<vmem>> -> memref<1x80xi32, #tpu.memory_space<vmem>>
      %dma_start3A_132 = tpu.memref_squeeze %dma_start3A_131 : memref<1x80xi32, #tpu.memory_space<vmem>> -> memref<80xi32, #tpu.memory_space<vmem>>
      %dma_start3A_133 = arith.constant 0 : i32
      %dma_start3A_134 = tpu.memref_slice %arg2[%mul3A_53, %dma_start3A_133] : memref<20000x128xf32, #tpu.memory_space<hbm>> -> memref<10000x128xf32, #tpu.memory_space<hbm>>
      %dma_start3A_135 = arith.constant 0 : i32
      %dma_start3A_136 = arith.constant 0 : i32
      %dma_start3A_137 = tpu.memref_slice %dma_start3A_134[%dma_start3A_135, %dma_start3A_136] : memref<10000x128xf32, #tpu.memory_space<hbm>> -> memref<10000x128xf32, #tpu.memory_space<hbm>>
      tpu.enqueue_indirect_dma source(%dma_start3A_137 : memref<10000x128xf32, #tpu.memory_space<hbm>>) target(%arg10 : memref<80x128xf32, #tpu.memory_space<vmem>>) offsets(%dma_start3A_132 : memref<80xi32, #tpu.memory_space<vmem>>) semaphore(%arg15 : memref<!tpu.dma_semaphore, #tpu.memory_space<semaphore_mem>>)
      %dma_start3A_138 = arith.constant 2 : i32
      %dma_start3A_139 = arith.constant 0 : i32
      %dma_start3A_140 = tpu.memref_slice %arg7[%dma_start3A_138, %dma_start3A_139] : memref<25x80xi32, #tpu.memory_space<vmem>> -> memref<1x80xi32, #tpu.memory_space<vmem>>
      %dma_start3A_141 = tpu.memref_squeeze %dma_start3A_140 : memref<1x80xi32, #tpu.memory_space<vmem>> -> memref<80xi32, #tpu.memory_space<vmem>>
      %dma_start3A_142 = arith.constant 0 : i32
      %dma_start3A_143 = tpu.memref_slice %arg2[%mul3A_53, %dma_start3A_142] : memref<20000x128xf32, #tpu.memory_space<hbm>> -> memref<10000x128xf32, #tpu.memory_space<hbm>>
      %dma_start3A_144 = arith.constant 0 : i32
      %dma_start3A_145 = arith.constant 0 : i32
      %dma_start3A_146 = tpu.memref_slice %dma_start3A_143[%dma_start3A_144, %dma_start3A_145] : memref<10000x128xf32, #tpu.memory_space<hbm>> -> memref<10000x128xf32, #tpu.memory_space<hbm>>
      tpu.enqueue_indirect_dma source(%dma_start3A_146 : memref<10000x128xf32, #tpu.memory_space<hbm>>) target(%arg11 : memref<80x128xf32, #tpu.memory_space<vmem>>) offsets(%dma_start3A_141 : memref<80xi32, #tpu.memory_space<vmem>>) semaphore(%arg16 : memref<!tpu.dma_semaphore, #tpu.memory_space<semaphore_mem>>)
      %dma_wait3A = arith.constant 0 : i32
      %dma_wait3A_147 = arith.constant 0 : i32
      %dma_wait3A_148 = tpu.memref_slice %arg7[%dma_wait3A, %dma_wait3A_147] : memref<25x80xi32, #tpu.memory_space<vmem>> -> memref<1x80xi32, #tpu.memory_space<vmem>>
      %dma_wait3A_149 = tpu.memref_squeeze %dma_wait3A_148 : memref<1x80xi32, #tpu.memory_space<vmem>> -> memref<80xi32, #tpu.memory_space<vmem>>
      %dma_wait3A_150 = arith.constant 0 : i32
      %dma_wait3A_151 = tpu.memref_slice %arg2[%mul3A_53, %dma_wait3A_150] : memref<20000x128xf32, #tpu.memory_space<hbm>> -> memref<10000x128xf32, #tpu.memory_space<hbm>>
      %dma_wait3A_152 = arith.constant 0 : i32
      %dma_wait3A_153 = arith.constant 0 : i32
      %dma_wait3A_154 = tpu.memref_slice %dma_wait3A_151[%dma_wait3A_152, %dma_wait3A_153] : memref<10000x128xf32, #tpu.memory_space<hbm>> -> memref<10000x128xf32, #tpu.memory_space<hbm>>
      tpu.wait_indirect_dma semaphore(%arg14 : memref<!tpu.dma_semaphore, #tpu.memory_space<semaphore_mem>>) src(%dma_wait3A_154 : memref<10000x128xf32, #tpu.memory_space<hbm>>) dst(%arg9 : memref<80x128xf32, #tpu.memory_space<vmem>>)
      %dma_start3A_155 = arith.constant 3 : i32
      %dma_start3A_156 = arith.constant 0 : i32
      %dma_start3A_157 = tpu.memref_slice %arg7[%dma_start3A_155, %dma_start3A_156] : memref<25x80xi32, #tpu.memory_space<vmem>> -> memref<1x80xi32, #tpu.memory_space<vmem>>
      %dma_start3A_158 = tpu.memref_squeeze %dma_start3A_157 : memref<1x80xi32, #tpu.memory_space<vmem>> -> memref<80xi32, #tpu.memory_space<vmem>>
      %dma_start3A_159 = arith.constant 0 : i32
      %dma_start3A_160 = tpu.memref_slice %arg2[%mul3A_53, %dma_start3A_159] : memref<20000x128xf32, #tpu.memory_space<hbm>> -> memref<10000x128xf32, #tpu.memory_space<hbm>>
      %dma_start3A_161 = arith.constant 0 : i32
      %dma_start3A_162 = arith.constant 0 : i32
      %dma_start3A_163 = tpu.memref_slice %dma_start3A_160[%dma_start3A_161, %dma_start3A_162] : memref<10000x128xf32, #tpu.memory_space<hbm>> -> memref<10000x128xf32, #tpu.memory_space<hbm>>
      tpu.enqueue_indirect_dma source(%dma_start3A_163 : memref<10000x128xf32, #tpu.memory_space<hbm>>) target(%arg12 : memref<80x128xf32, #tpu.memory_space<vmem>>) offsets(%dma_start3A_158 : memref<80xi32, #tpu.memory_space<vmem>>) semaphore(%arg17 : memref<!tpu.dma_semaphore, #tpu.memory_space<semaphore_mem>>)
      %run_scoped3A_164 = arith.constant 0 : i32
      "tpu.region"() ({
        %run_scoped3A_594 = tpu.sem_alloc : memref<!tpu.dma_semaphore, #tpu.memory_space<semaphore_mem>>
        %dma_start3A_595 = arith.constant 0 : i32
        %dma_start3A_596 = tpu.memref_slice %arg8[%run_scoped3A_164, %dma_start3A_595] : memref<25x80xi32, #tpu.memory_space<vmem>> -> memref<1x80xi32, #tpu.memory_space<vmem>>
        %dma_start3A_597 = tpu.memref_squeeze %dma_start3A_596 : memref<1x80xi32, #tpu.memory_space<vmem>> -> memref<80xi32, #tpu.memory_space<vmem>>
        %dma_start3A_598 = arith.constant 0 : i32
        %dma_start3A_599 = arith.constant 0 : i32
        %dma_start3A_600 = tpu.memref_slice %arg13[%dma_start3A_598, %dma_start3A_599] : memref<10000x128xf32, #tpu.memory_space<vmem_shared>> -> memref<10000x128xf32, #tpu.memory_space<vmem_shared>>
        tpu.enqueue_indirect_dma source(%arg9 : memref<80x128xf32, #tpu.memory_space<vmem>>) target(%dma_start3A_600 : memref<10000x128xf32, #tpu.memory_space<vmem_shared>>) offsets(%dma_start3A_597 : memref<80xi32, #tpu.memory_space<vmem>>) semaphore(%run_scoped3A_594 : memref<!tpu.dma_semaphore, #tpu.memory_space<semaphore_mem>>) {add = true}
        %dma_wait3A_601 = arith.constant 0 : i32
        %dma_wait3A_602 = tpu.memref_slice %arg8[%run_scoped3A_164, %dma_wait3A_601] : memref<25x80xi32, #tpu.memory_space<vmem>> -> memref<1x80xi32, #tpu.memory_space<vmem>>
        %dma_wait3A_603 = tpu.memref_squeeze %dma_wait3A_602 : memref<1x80xi32, #tpu.memory_space<vmem>> -> memref<80xi32, #tpu.memory_space<vmem>>
        %dma_wait3A_604 = arith.constant 0 : i32
        %dma_wait3A_605 = arith.constant 0 : i32
        %dma_wait3A_606 = tpu.memref_slice %arg13[%dma_wait3A_604, %dma_wait3A_605] : memref<10000x128xf32, #tpu.memory_space<vmem_shared>> -> memref<10000x128xf32, #tpu.memory_space<vmem_shared>>
        tpu.wait_indirect_dma semaphore(%run_scoped3A_594 : memref<!tpu.dma_semaphore, #tpu.memory_space<semaphore_mem>>) src(%arg9 : memref<80x128xf32, #tpu.memory_space<vmem>>) dst(%dma_wait3A_606 : memref<10000x128xf32, #tpu.memory_space<vmem_shared>>)
        tpu.yield
      }) : () -> ()
      %dma_wait3A_165 = arith.constant 0 : i32
      %dma_wait3A_166 = arith.constant 0 : i32
      %dma_wait3A_167 = tpu.memref_slice %arg7[%dma_wait3A_165, %dma_wait3A_166] : memref<25x80xi32, #tpu.memory_space<vmem>> -> memref<1x80xi32, #tpu.memory_space<vmem>>
      %dma_wait3A_168 = tpu.memref_squeeze %dma_wait3A_167 : memref<1x80xi32, #tpu.memory_space<vmem>> -> memref<80xi32, #tpu.memory_space<vmem>>
      %dma_wait3A_169 = arith.constant 0 : i32
      %dma_wait3A_170 = tpu.memref_slice %arg2[%mul3A_53, %dma_wait3A_169] : memref<20000x128xf32, #tpu.memory_space<hbm>> -> memref<10000x128xf32, #tpu.memory_space<hbm>>
      %dma_wait3A_171 = arith.constant 0 : i32
      %dma_wait3A_172 = arith.constant 0 : i32
      %dma_wait3A_173 = tpu.memref_slice %dma_wait3A_170[%dma_wait3A_171, %dma_wait3A_172] : memref<10000x128xf32, #tpu.memory_space<hbm>> -> memref<10000x128xf32, #tpu.memory_space<hbm>>
      tpu.wait_indirect_dma semaphore(%arg15 : memref<!tpu.dma_semaphore, #tpu.memory_space<semaphore_mem>>) src(%dma_wait3A_173 : memref<10000x128xf32, #tpu.memory_space<hbm>>) dst(%arg10 : memref<80x128xf32, #tpu.memory_space<vmem>>)
      %dma_start3A_174 = arith.constant 4 : i32
      %dma_start3A_175 = arith.constant 0 : i32
      %dma_start3A_176 = tpu.memref_slice %arg7[%dma_start3A_174, %dma_start3A_175] : memref<25x80xi32, #tpu.memory_space<vmem>> -> memref<1x80xi32, #tpu.memory_space<vmem>>
      %dma_start3A_177 = tpu.memref_squeeze %dma_start3A_176 : memref<1x80xi32, #tpu.memory_space<vmem>> -> memref<80xi32, #tpu.memory_space<vmem>>
      %dma_start3A_178 = arith.constant 0 : i32
      %dma_start3A_179 = tpu.memref_slice %arg2[%mul3A_53, %dma_start3A_178] : memref<20000x128xf32, #tpu.memory_space<hbm>> -> memref<10000x128xf32, #tpu.memory_space<hbm>>
      %dma_start3A_180 = arith.constant 0 : i32
      %dma_start3A_181 = arith.constant 0 : i32
      %dma_start3A_182 = tpu.memref_slice %dma_start3A_179[%dma_start3A_180, %dma_start3A_181] : memref<10000x128xf32, #tpu.memory_space<hbm>> -> memref<10000x128xf32, #tpu.memory_space<hbm>>
      tpu.enqueue_indirect_dma source(%dma_start3A_182 : memref<10000x128xf32, #tpu.memory_space<hbm>>) target(%arg9 : memref<80x128xf32, #tpu.memory_space<vmem>>) offsets(%dma_start3A_177 : memref<80xi32, #tpu.memory_space<vmem>>) semaphore(%arg14 : memref<!tpu.dma_semaphore, #tpu.memory_space<semaphore_mem>>)
      %run_scoped3A_183 = arith.constant 1 : i32
      "tpu.region"() ({
        %run_scoped3A_594 = tpu.sem_alloc : memref<!tpu.dma_semaphore, #tpu.memory_space<semaphore_mem>>
        %dma_start3A_595 = arith.constant 0 : i32
        %dma_start3A_596 = tpu.memref_slice %arg8[%run_scoped3A_183, %dma_start3A_595] : memref<25x80xi32, #tpu.memory_space<vmem>> -> memref<1x80xi32, #tpu.memory_space<vmem>>
        %dma_start3A_597 = tpu.memref_squeeze %dma_start3A_596 : memref<1x80xi32, #tpu.memory_space<vmem>> -> memref<80xi32, #tpu.memory_space<vmem>>
        %dma_start3A_598 = arith.constant 0 : i32
        %dma_start3A_599 = arith.constant 0 : i32
        %dma_start3A_600 = tpu.memref_slice %arg13[%dma_start3A_598, %dma_start3A_599] : memref<10000x128xf32, #tpu.memory_space<vmem_shared>> -> memref<10000x128xf32, #tpu.memory_space<vmem_shared>>
        tpu.enqueue_indirect_dma source(%arg10 : memref<80x128xf32, #tpu.memory_space<vmem>>) target(%dma_start3A_600 : memref<10000x128xf32, #tpu.memory_space<vmem_shared>>) offsets(%dma_start3A_597 : memref<80xi32, #tpu.memory_space<vmem>>) semaphore(%run_scoped3A_594 : memref<!tpu.dma_semaphore, #tpu.memory_space<semaphore_mem>>) {add = true}
        %dma_wait3A_601 = arith.constant 0 : i32
        %dma_wait3A_602 = tpu.memref_slice %arg8[%run_scoped3A_183, %dma_wait3A_601] : memref<25x80xi32, #tpu.memory_space<vmem>> -> memref<1x80xi32, #tpu.memory_space<vmem>>
        %dma_wait3A_603 = tpu.memref_squeeze %dma_wait3A_602 : memref<1x80xi32, #tpu.memory_space<vmem>> -> memref<80xi32, #tpu.memory_space<vmem>>
        %dma_wait3A_604 = arith.constant 0 : i32
        %dma_wait3A_605 = arith.constant 0 : i32
        %dma_wait3A_606 = tpu.memref_slice %arg13[%dma_wait3A_604, %dma_wait3A_605] : memref<10000x128xf32, #tpu.memory_space<vmem_shared>> -> memref<10000x128xf32, #tpu.memory_space<vmem_shared>>
        tpu.wait_indirect_dma semaphore(%run_scoped3A_594 : memref<!tpu.dma_semaphore, #tpu.memory_space<semaphore_mem>>) src(%arg10 : memref<80x128xf32, #tpu.memory_space<vmem>>) dst(%dma_wait3A_606 : memref<10000x128xf32, #tpu.memory_space<vmem_shared>>)
        tpu.yield
      }) : () -> ()
      %dma_wait3A_184 = arith.constant 0 : i32
      %dma_wait3A_185 = arith.constant 0 : i32
      %dma_wait3A_186 = tpu.memref_slice %arg7[%dma_wait3A_184, %dma_wait3A_185] : memref<25x80xi32, #tpu.memory_space<vmem>> -> memref<1x80xi32, #tpu.memory_space<vmem>>
      %dma_wait3A_187 = tpu.memref_squeeze %dma_wait3A_186 : memref<1x80xi32, #tpu.memory_space<vmem>> -> memref<80xi32, #tpu.memory_space<vmem>>
      %dma_wait3A_188 = arith.constant 0 : i32
      %dma_wait3A_189 = tpu.memref_slice %arg2[%mul3A_53, %dma_wait3A_188] : memref<20000x128xf32, #tpu.memory_space<hbm>> -> memref<10000x128xf32, #tpu.memory_space<hbm>>
      %dma_wait3A_190 = arith.constant 0 : i32
      %dma_wait3A_191 = arith.constant 0 : i32
      %dma_wait3A_192 = tpu.memref_slice %dma_wait3A_189[%dma_wait3A_190, %dma_wait3A_191] : memref<10000x128xf32, #tpu.memory_space<hbm>> -> memref<10000x128xf32, #tpu.memory_space<hbm>>
      tpu.wait_indirect_dma semaphore(%arg16 : memref<!tpu.dma_semaphore, #tpu.memory_space<semaphore_mem>>) src(%dma_wait3A_192 : memref<10000x128xf32, #tpu.memory_space<hbm>>) dst(%arg11 : memref<80x128xf32, #tpu.memory_space<vmem>>)
      %dma_start3A_193 = arith.constant 5 : i32
      %dma_start3A_194 = arith.constant 0 : i32
      %dma_start3A_195 = tpu.memref_slice %arg7[%dma_start3A_193, %dma_start3A_194] : memref<25x80xi32, #tpu.memory_space<vmem>> -> memref<1x80xi32, #tpu.memory_space<vmem>>
      %dma_start3A_196 = tpu.memref_squeeze %dma_start3A_195 : memref<1x80xi32, #tpu.memory_space<vmem>> -> memref<80xi32, #tpu.memory_space<vmem>>
      %dma_start3A_197 = arith.constant 0 : i32
      %dma_start3A_198 = tpu.memref_slice %arg2[%mul3A_53, %dma_start3A_197] : memref<20000x128xf32, #tpu.memory_space<hbm>> -> memref<10000x128xf32, #tpu.memory_space<hbm>>
      %dma_start3A_199 = arith.constant 0 : i32
      %dma_start3A_200 = arith.constant 0 : i32
      %dma_start3A_201 = tpu.memref_slice %dma_start3A_198[%dma_start3A_199, %dma_start3A_200] : memref<10000x128xf32, #tpu.memory_space<hbm>> -> memref<10000x128xf32, #tpu.memory_space<hbm>>
      tpu.enqueue_indirect_dma source(%dma_start3A_201 : memref<10000x128xf32, #tpu.memory_space<hbm>>) target(%arg10 : memref<80x128xf32, #tpu.memory_space<vmem>>) offsets(%dma_start3A_196 : memref<80xi32, #tpu.memory_space<vmem>>) semaphore(%arg15 : memref<!tpu.dma_semaphore, #tpu.memory_space<semaphore_mem>>)
      %run_scoped3A_202 = arith.constant 2 : i32
      "tpu.region"() ({
        %run_scoped3A_594 = tpu.sem_alloc : memref<!tpu.dma_semaphore, #tpu.memory_space<semaphore_mem>>
        %dma_start3A_595 = arith.constant 0 : i32
        %dma_start3A_596 = tpu.memref_slice %arg8[%run_scoped3A_202, %dma_start3A_595] : memref<25x80xi32, #tpu.memory_space<vmem>> -> memref<1x80xi32, #tpu.memory_space<vmem>>
        %dma_start3A_597 = tpu.memref_squeeze %dma_start3A_596 : memref<1x80xi32, #tpu.memory_space<vmem>> -> memref<80xi32, #tpu.memory_space<vmem>>
        %dma_start3A_598 = arith.constant 0 : i32
        %dma_start3A_599 = arith.constant 0 : i32
        %dma_start3A_600 = tpu.memref_slice %arg13[%dma_start3A_598, %dma_start3A_599] : memref<10000x128xf32, #tpu.memory_space<vmem_shared>> -> memref<10000x128xf32, #tpu.memory_space<vmem_shared>>
        tpu.enqueue_indirect_dma source(%arg11 : memref<80x128xf32, #tpu.memory_space<vmem>>) target(%dma_start3A_600 : memref<10000x128xf32, #tpu.memory_space<vmem_shared>>) offsets(%dma_start3A_597 : memref<80xi32, #tpu.memory_space<vmem>>) semaphore(%run_scoped3A_594 : memref<!tpu.dma_semaphore, #tpu.memory_space<semaphore_mem>>) {add = true}
        %dma_wait3A_601 = arith.constant 0 : i32
        %dma_wait3A_602 = tpu.memref_slice %arg8[%run_scoped3A_202, %dma_wait3A_601] : memref<25x80xi32, #tpu.memory_space<vmem>> -> memref<1x80xi32, #tpu.memory_space<vmem>>
        %dma_wait3A_603 = tpu.memref_squeeze %dma_wait3A_602 : memref<1x80xi32, #tpu.memory_space<vmem>> -> memref<80xi32, #tpu.memory_space<vmem>>
        %dma_wait3A_604 = arith.constant 0 : i32
        %dma_wait3A_605 = arith.constant 0 : i32
        %dma_wait3A_606 = tpu.memref_slice %arg13[%dma_wait3A_604, %dma_wait3A_605] : memref<10000x128xf32, #tpu.memory_space<vmem_shared>> -> memref<10000x128xf32, #tpu.memory_space<vmem_shared>>
        tpu.wait_indirect_dma semaphore(%run_scoped3A_594 : memref<!tpu.dma_semaphore, #tpu.memory_space<semaphore_mem>>) src(%arg11 : memref<80x128xf32, #tpu.memory_space<vmem>>) dst(%dma_wait3A_606 : memref<10000x128xf32, #tpu.memory_space<vmem_shared>>)
        tpu.yield
      }) : () -> ()
      %dma_wait3A_203 = arith.constant 0 : i32
      %dma_wait3A_204 = arith.constant 0 : i32
      %dma_wait3A_205 = tpu.memref_slice %arg7[%dma_wait3A_203, %dma_wait3A_204] : memref<25x80xi32, #tpu.memory_space<vmem>> -> memref<1x80xi32, #tpu.memory_space<vmem>>
      %dma_wait3A_206 = tpu.memref_squeeze %dma_wait3A_205 : memref<1x80xi32, #tpu.memory_space<vmem>> -> memref<80xi32, #tpu.memory_space<vmem>>
      %dma_wait3A_207 = arith.constant 0 : i32
      %dma_wait3A_208 = tpu.memref_slice %arg2[%mul3A_53, %dma_wait3A_207] : memref<20000x128xf32, #tpu.memory_space<hbm>> -> memref<10000x128xf32, #tpu.memory_space<hbm>>
      %dma_wait3A_209 = arith.constant 0 : i32
      %dma_wait3A_210 = arith.constant 0 : i32
      %dma_wait3A_211 = tpu.memref_slice %dma_wait3A_208[%dma_wait3A_209, %dma_wait3A_210] : memref<10000x128xf32, #tpu.memory_space<hbm>> -> memref<10000x128xf32, #tpu.memory_space<hbm>>
      tpu.wait_indirect_dma semaphore(%arg17 : memref<!tpu.dma_semaphore, #tpu.memory_space<semaphore_mem>>) src(%dma_wait3A_211 : memref<10000x128xf32, #tpu.memory_space<hbm>>) dst(%arg12 : memref<80x128xf32, #tpu.memory_space<vmem>>)
      %dma_start3A_212 = arith.constant 6 : i32
      %dma_start3A_213 = arith.constant 0 : i32
      %dma_start3A_214 = tpu.memref_slice %arg7[%dma_start3A_212, %dma_start3A_213] : memref<25x80xi32, #tpu.memory_space<vmem>> -> memref<1x80xi32, #tpu.memory_space<vmem>>
      %dma_start3A_215 = tpu.memref_squeeze %dma_start3A_214 : memref<1x80xi32, #tpu.memory_space<vmem>> -> memref<80xi32, #tpu.memory_space<vmem>>
      %dma_start3A_216 = arith.constant 0 : i32
      %dma_start3A_217 = tpu.memref_slice %arg2[%mul3A_53, %dma_start3A_216] : memref<20000x128xf32, #tpu.memory_space<hbm>> -> memref<10000x128xf32, #tpu.memory_space<hbm>>
      %dma_start3A_218 = arith.constant 0 : i32
      %dma_start3A_219 = arith.constant 0 : i32
      %dma_start3A_220 = tpu.memref_slice %dma_start3A_217[%dma_start3A_218, %dma_start3A_219] : memref<10000x128xf32, #tpu.memory_space<hbm>> -> memref<10000x128xf32, #tpu.memory_space<hbm>>
      tpu.enqueue_indirect_dma source(%dma_start3A_220 : memref<10000x128xf32, #tpu.memory_space<hbm>>) target(%arg11 : memref<80x128xf32, #tpu.memory_space<vmem>>) offsets(%dma_start3A_215 : memref<80xi32, #tpu.memory_space<vmem>>) semaphore(%arg16 : memref<!tpu.dma_semaphore, #tpu.memory_space<semaphore_mem>>)
      %run_scoped3A_221 = arith.constant 3 : i32
      "tpu.region"() ({
        %run_scoped3A_594 = tpu.sem_alloc : memref<!tpu.dma_semaphore, #tpu.memory_space<semaphore_mem>>
        %dma_start3A_595 = arith.constant 0 : i32
        %dma_start3A_596 = tpu.memref_slice %arg8[%run_scoped3A_221, %dma_start3A_595] : memref<25x80xi32, #tpu.memory_space<vmem>> -> memref<1x80xi32, #tpu.memory_space<vmem>>
        %dma_start3A_597 = tpu.memref_squeeze %dma_start3A_596 : memref<1x80xi32, #tpu.memory_space<vmem>> -> memref<80xi32, #tpu.memory_space<vmem>>
        %dma_start3A_598 = arith.constant 0 : i32
        %dma_start3A_599 = arith.constant 0 : i32
        %dma_start3A_600 = tpu.memref_slice %arg13[%dma_start3A_598, %dma_start3A_599] : memref<10000x128xf32, #tpu.memory_space<vmem_shared>> -> memref<10000x128xf32, #tpu.memory_space<vmem_shared>>
        tpu.enqueue_indirect_dma source(%arg12 : memref<80x128xf32, #tpu.memory_space<vmem>>) target(%dma_start3A_600 : memref<10000x128xf32, #tpu.memory_space<vmem_shared>>) offsets(%dma_start3A_597 : memref<80xi32, #tpu.memory_space<vmem>>) semaphore(%run_scoped3A_594 : memref<!tpu.dma_semaphore, #tpu.memory_space<semaphore_mem>>) {add = true}
        %dma_wait3A_601 = arith.constant 0 : i32
        %dma_wait3A_602 = tpu.memref_slice %arg8[%run_scoped3A_221, %dma_wait3A_601] : memref<25x80xi32, #tpu.memory_space<vmem>> -> memref<1x80xi32, #tpu.memory_space<vmem>>
        %dma_wait3A_603 = tpu.memref_squeeze %dma_wait3A_602 : memref<1x80xi32, #tpu.memory_space<vmem>> -> memref<80xi32, #tpu.memory_space<vmem>>
        %dma_wait3A_604 = arith.constant 0 : i32
        %dma_wait3A_605 = arith.constant 0 : i32
        %dma_wait3A_606 = tpu.memref_slice %arg13[%dma_wait3A_604, %dma_wait3A_605] : memref<10000x128xf32, #tpu.memory_space<vmem_shared>> -> memref<10000x128xf32, #tpu.memory_space<vmem_shared>>
        tpu.wait_indirect_dma semaphore(%run_scoped3A_594 : memref<!tpu.dma_semaphore, #tpu.memory_space<semaphore_mem>>) src(%arg12 : memref<80x128xf32, #tpu.memory_space<vmem>>) dst(%dma_wait3A_606 : memref<10000x128xf32, #tpu.memory_space<vmem_shared>>)
        tpu.yield
      }) : () -> ()
      %dma_wait3A_222 = arith.constant 0 : i32
      %dma_wait3A_223 = arith.constant 0 : i32
      %dma_wait3A_224 = tpu.memref_slice %arg7[%dma_wait3A_222, %dma_wait3A_223] : memref<25x80xi32, #tpu.memory_space<vmem>> -> memref<1x80xi32, #tpu.memory_space<vmem>>
      %dma_wait3A_225 = tpu.memref_squeeze %dma_wait3A_224 : memref<1x80xi32, #tpu.memory_space<vmem>> -> memref<80xi32, #tpu.memory_space<vmem>>
      %dma_wait3A_226 = arith.constant 0 : i32
      %dma_wait3A_227 = tpu.memref_slice %arg2[%mul3A_53, %dma_wait3A_226] : memref<20000x128xf32, #tpu.memory_space<hbm>> -> memref<10000x128xf32, #tpu.memory_space<hbm>>
      %dma_wait3A_228 = arith.constant 0 : i32
      %dma_wait3A_229 = arith.constant 0 : i32
      %dma_wait3A_230 = tpu.memref_slice %dma_wait3A_227[%dma_wait3A_228, %dma_wait3A_229] : memref<10000x128xf32, #tpu.memory_space<hbm>> -> memref<10000x128xf32, #tpu.memory_space<hbm>>
      tpu.wait_indirect_dma semaphore(%arg14 : memref<!tpu.dma_semaphore, #tpu.memory_space<semaphore_mem>>) src(%dma_wait3A_230 : memref<10000x128xf32, #tpu.memory_space<hbm>>) dst(%arg9 : memref<80x128xf32, #tpu.memory_space<vmem>>)
      %dma_start3A_231 = arith.constant 7 : i32
      %dma_start3A_232 = arith.constant 0 : i32
      %dma_start3A_233 = tpu.memref_slice %arg7[%dma_start3A_231, %dma_start3A_232] : memref<25x80xi32, #tpu.memory_space<vmem>> -> memref<1x80xi32, #tpu.memory_space<vmem>>
      %dma_start3A_234 = tpu.memref_squeeze %dma_start3A_233 : memref<1x80xi32, #tpu.memory_space<vmem>> -> memref<80xi32, #tpu.memory_space<vmem>>
      %dma_start3A_235 = arith.constant 0 : i32
      %dma_start3A_236 = tpu.memref_slice %arg2[%mul3A_53, %dma_start3A_235] : memref<20000x128xf32, #tpu.memory_space<hbm>> -> memref<10000x128xf32, #tpu.memory_space<hbm>>
      %dma_start3A_237 = arith.constant 0 : i32
      %dma_start3A_238 = arith.constant 0 : i32
      %dma_start3A_239 = tpu.memref_slice %dma_start3A_236[%dma_start3A_237, %dma_start3A_238] : memref<10000x128xf32, #tpu.memory_space<hbm>> -> memref<10000x128xf32, #tpu.memory_space<hbm>>
      tpu.enqueue_indirect_dma source(%dma_start3A_239 : memref<10000x128xf32, #tpu.memory_space<hbm>>) target(%arg12 : memref<80x128xf32, #tpu.memory_space<vmem>>) offsets(%dma_start3A_234 : memref<80xi32, #tpu.memory_space<vmem>>) semaphore(%arg17 : memref<!tpu.dma_semaphore, #tpu.memory_space<semaphore_mem>>)
      %run_scoped3A_240 = arith.constant 4 : i32
      "tpu.region"() ({
        %run_scoped3A_594 = tpu.sem_alloc : memref<!tpu.dma_semaphore, #tpu.memory_space<semaphore_mem>>
        %dma_start3A_595 = arith.constant 0 : i32
        %dma_start3A_596 = tpu.memref_slice %arg8[%run_scoped3A_240, %dma_start3A_595] : memref<25x80xi32, #tpu.memory_space<vmem>> -> memref<1x80xi32, #tpu.memory_space<vmem>>
        %dma_start3A_597 = tpu.memref_squeeze %dma_start3A_596 : memref<1x80xi32, #tpu.memory_space<vmem>> -> memref<80xi32, #tpu.memory_space<vmem>>
        %dma_start3A_598 = arith.constant 0 : i32
        %dma_start3A_599 = arith.constant 0 : i32
        %dma_start3A_600 = tpu.memref_slice %arg13[%dma_start3A_598, %dma_start3A_599] : memref<10000x128xf32, #tpu.memory_space<vmem_shared>> -> memref<10000x128xf32, #tpu.memory_space<vmem_shared>>
        tpu.enqueue_indirect_dma source(%arg9 : memref<80x128xf32, #tpu.memory_space<vmem>>) target(%dma_start3A_600 : memref<10000x128xf32, #tpu.memory_space<vmem_shared>>) offsets(%dma_start3A_597 : memref<80xi32, #tpu.memory_space<vmem>>) semaphore(%run_scoped3A_594 : memref<!tpu.dma_semaphore, #tpu.memory_space<semaphore_mem>>) {add = true}
        %dma_wait3A_601 = arith.constant 0 : i32
        %dma_wait3A_602 = tpu.memref_slice %arg8[%run_scoped3A_240, %dma_wait3A_601] : memref<25x80xi32, #tpu.memory_space<vmem>> -> memref<1x80xi32, #tpu.memory_space<vmem>>
        %dma_wait3A_603 = tpu.memref_squeeze %dma_wait3A_602 : memref<1x80xi32, #tpu.memory_space<vmem>> -> memref<80xi32, #tpu.memory_space<vmem>>
        %dma_wait3A_604 = arith.constant 0 : i32
        %dma_wait3A_605 = arith.constant 0 : i32
        %dma_wait3A_606 = tpu.memref_slice %arg13[%dma_wait3A_604, %dma_wait3A_605] : memref<10000x128xf32, #tpu.memory_space<vmem_shared>> -> memref<10000x128xf32, #tpu.memory_space<vmem_shared>>
        tpu.wait_indirect_dma semaphore(%run_scoped3A_594 : memref<!tpu.dma_semaphore, #tpu.memory_space<semaphore_mem>>) src(%arg9 : memref<80x128xf32, #tpu.memory_space<vmem>>) dst(%dma_wait3A_606 : memref<10000x128xf32, #tpu.memory_space<vmem_shared>>)
        tpu.yield
      }) : () -> ()
      %dma_wait3A_241 = arith.constant 0 : i32
      %dma_wait3A_242 = arith.constant 0 : i32
      %dma_wait3A_243 = tpu.memref_slice %arg7[%dma_wait3A_241, %dma_wait3A_242] : memref<25x80xi32, #tpu.memory_space<vmem>> -> memref<1x80xi32, #tpu.memory_space<vmem>>
      %dma_wait3A_244 = tpu.memref_squeeze %dma_wait3A_243 : memref<1x80xi32, #tpu.memory_space<vmem>> -> memref<80xi32, #tpu.memory_space<vmem>>
      %dma_wait3A_245 = arith.constant 0 : i32
      %dma_wait3A_246 = tpu.memref_slice %arg2[%mul3A_53, %dma_wait3A_245] : memref<20000x128xf32, #tpu.memory_space<hbm>> -> memref<10000x128xf32, #tpu.memory_space<hbm>>
      %dma_wait3A_247 = arith.constant 0 : i32
      %dma_wait3A_248 = arith.constant 0 : i32
      %dma_wait3A_249 = tpu.memref_slice %dma_wait3A_246[%dma_wait3A_247, %dma_wait3A_248] : memref<10000x128xf32, #tpu.memory_space<hbm>> -> memref<10000x128xf32, #tpu.memory_space<hbm>>
      tpu.wait_indirect_dma semaphore(%arg15 : memref<!tpu.dma_semaphore, #tpu.memory_space<semaphore_mem>>) src(%dma_wait3A_249 : memref<10000x128xf32, #tpu.memory_space<hbm>>) dst(%arg10 : memref<80x128xf32, #tpu.memory_space<vmem>>)
      %dma_start3A_250 = arith.constant 8 : i32
      %dma_start3A_251 = arith.constant 0 : i32
      %dma_start3A_252 = tpu.memref_slice %arg7[%dma_start3A_250, %dma_start3A_251] : memref<25x80xi32, #tpu.memory_space<vmem>> -> memref<1x80xi32, #tpu.memory_space<vmem>>
      %dma_start3A_253 = tpu.memref_squeeze %dma_start3A_252 : memref<1x80xi32, #tpu.memory_space<vmem>> -> memref<80xi32, #tpu.memory_space<vmem>>
      %dma_start3A_254 = arith.constant 0 : i32
      %dma_start3A_255 = tpu.memref_slice %arg2[%mul3A_53, %dma_start3A_254] : memref<20000x128xf32, #tpu.memory_space<hbm>> -> memref<10000x128xf32, #tpu.memory_space<hbm>>
      %dma_start3A_256 = arith.constant 0 : i32
      %dma_start3A_257 = arith.constant 0 : i32
      %dma_start3A_258 = tpu.memref_slice %dma_start3A_255[%dma_start3A_256, %dma_start3A_257] : memref<10000x128xf32, #tpu.memory_space<hbm>> -> memref<10000x128xf32, #tpu.memory_space<hbm>>
      tpu.enqueue_indirect_dma source(%dma_start3A_258 : memref<10000x128xf32, #tpu.memory_space<hbm>>) target(%arg9 : memref<80x128xf32, #tpu.memory_space<vmem>>) offsets(%dma_start3A_253 : memref<80xi32, #tpu.memory_space<vmem>>) semaphore(%arg14 : memref<!tpu.dma_semaphore, #tpu.memory_space<semaphore_mem>>)
      %run_scoped3A_259 = arith.constant 5 : i32
      "tpu.region"() ({
        %run_scoped3A_594 = tpu.sem_alloc : memref<!tpu.dma_semaphore, #tpu.memory_space<semaphore_mem>>
        %dma_start3A_595 = arith.constant 0 : i32
        %dma_start3A_596 = tpu.memref_slice %arg8[%run_scoped3A_259, %dma_start3A_595] : memref<25x80xi32, #tpu.memory_space<vmem>> -> memref<1x80xi32, #tpu.memory_space<vmem>>
        %dma_start3A_597 = tpu.memref_squeeze %dma_start3A_596 : memref<1x80xi32, #tpu.memory_space<vmem>> -> memref<80xi32, #tpu.memory_space<vmem>>
        %dma_start3A_598 = arith.constant 0 : i32
        %dma_start3A_599 = arith.constant 0 : i32
        %dma_start3A_600 = tpu.memref_slice %arg13[%dma_start3A_598, %dma_start3A_599] : memref<10000x128xf32, #tpu.memory_space<vmem_shared>> -> memref<10000x128xf32, #tpu.memory_space<vmem_shared>>
        tpu.enqueue_indirect_dma source(%arg10 : memref<80x128xf32, #tpu.memory_space<vmem>>) target(%dma_start3A_600 : memref<10000x128xf32, #tpu.memory_space<vmem_shared>>) offsets(%dma_start3A_597 : memref<80xi32, #tpu.memory_space<vmem>>) semaphore(%run_scoped3A_594 : memref<!tpu.dma_semaphore, #tpu.memory_space<semaphore_mem>>) {add = true}
        %dma_wait3A_601 = arith.constant 0 : i32
        %dma_wait3A_602 = tpu.memref_slice %arg8[%run_scoped3A_259, %dma_wait3A_601] : memref<25x80xi32, #tpu.memory_space<vmem>> -> memref<1x80xi32, #tpu.memory_space<vmem>>
        %dma_wait3A_603 = tpu.memref_squeeze %dma_wait3A_602 : memref<1x80xi32, #tpu.memory_space<vmem>> -> memref<80xi32, #tpu.memory_space<vmem>>
        %dma_wait3A_604 = arith.constant 0 : i32
        %dma_wait3A_605 = arith.constant 0 : i32
        %dma_wait3A_606 = tpu.memref_slice %arg13[%dma_wait3A_604, %dma_wait3A_605] : memref<10000x128xf32, #tpu.memory_space<vmem_shared>> -> memref<10000x128xf32, #tpu.memory_space<vmem_shared>>
        tpu.wait_indirect_dma semaphore(%run_scoped3A_594 : memref<!tpu.dma_semaphore, #tpu.memory_space<semaphore_mem>>) src(%arg10 : memref<80x128xf32, #tpu.memory_space<vmem>>) dst(%dma_wait3A_606 : memref<10000x128xf32, #tpu.memory_space<vmem_shared>>)
        tpu.yield
      }) : () -> ()
      %dma_wait3A_260 = arith.constant 0 : i32
      %dma_wait3A_261 = arith.constant 0 : i32
      %dma_wait3A_262 = tpu.memref_slice %arg7[%dma_wait3A_260, %dma_wait3A_261] : memref<25x80xi32, #tpu.memory_space<vmem>> -> memref<1x80xi32, #tpu.memory_space<vmem>>
      %dma_wait3A_263 = tpu.memref_squeeze %dma_wait3A_262 : memref<1x80xi32, #tpu.memory_space<vmem>> -> memref<80xi32, #tpu.memory_space<vmem>>
      %dma_wait3A_264 = arith.constant 0 : i32
      %dma_wait3A_265 = tpu.memref_slice %arg2[%mul3A_53, %dma_wait3A_264] : memref<20000x128xf32, #tpu.memory_space<hbm>> -> memref<10000x128xf32, #tpu.memory_space<hbm>>
      %dma_wait3A_266 = arith.constant 0 : i32
      %dma_wait3A_267 = arith.constant 0 : i32
      %dma_wait3A_268 = tpu.memref_slice %dma_wait3A_265[%dma_wait3A_266, %dma_wait3A_267] : memref<10000x128xf32, #tpu.memory_space<hbm>> -> memref<10000x128xf32, #tpu.memory_space<hbm>>
      tpu.wait_indirect_dma semaphore(%arg16 : memref<!tpu.dma_semaphore, #tpu.memory_space<semaphore_mem>>) src(%dma_wait3A_268 : memref<10000x128xf32, #tpu.memory_space<hbm>>) dst(%arg11 : memref<80x128xf32, #tpu.memory_space<vmem>>)
      %dma_start3A_269 = arith.constant 9 : i32
      %dma_start3A_270 = arith.constant 0 : i32
      %dma_start3A_271 = tpu.memref_slice %arg7[%dma_start3A_269, %dma_start3A_270] : memref<25x80xi32, #tpu.memory_space<vmem>> -> memref<1x80xi32, #tpu.memory_space<vmem>>
      %dma_start3A_272 = tpu.memref_squeeze %dma_start3A_271 : memref<1x80xi32, #tpu.memory_space<vmem>> -> memref<80xi32, #tpu.memory_space<vmem>>
      %dma_start3A_273 = arith.constant 0 : i32
      %dma_start3A_274 = tpu.memref_slice %arg2[%mul3A_53, %dma_start3A_273] : memref<20000x128xf32, #tpu.memory_space<hbm>> -> memref<10000x128xf32, #tpu.memory_space<hbm>>
      %dma_start3A_275 = arith.constant 0 : i32
      %dma_start3A_276 = arith.constant 0 : i32
      %dma_start3A_277 = tpu.memref_slice %dma_start3A_274[%dma_start3A_275, %dma_start3A_276] : memref<10000x128xf32, #tpu.memory_space<hbm>> -> memref<10000x128xf32, #tpu.memory_space<hbm>>
      tpu.enqueue_indirect_dma source(%dma_start3A_277 : memref<10000x128xf32, #tpu.memory_space<hbm>>) target(%arg10 : memref<80x128xf32, #tpu.memory_space<vmem>>) offsets(%dma_start3A_272 : memref<80xi32, #tpu.memory_space<vmem>>) semaphore(%arg15 : memref<!tpu.dma_semaphore, #tpu.memory_space<semaphore_mem>>)
      %run_scoped3A_278 = arith.constant 6 : i32
      "tpu.region"() ({
        %run_scoped3A_594 = tpu.sem_alloc : memref<!tpu.dma_semaphore, #tpu.memory_space<semaphore_mem>>
        %dma_start3A_595 = arith.constant 0 : i32
        %dma_start3A_596 = tpu.memref_slice %arg8[%run_scoped3A_278, %dma_start3A_595] : memref<25x80xi32, #tpu.memory_space<vmem>> -> memref<1x80xi32, #tpu.memory_space<vmem>>
        %dma_start3A_597 = tpu.memref_squeeze %dma_start3A_596 : memref<1x80xi32, #tpu.memory_space<vmem>> -> memref<80xi32, #tpu.memory_space<vmem>>
        %dma_start3A_598 = arith.constant 0 : i32
        %dma_start3A_599 = arith.constant 0 : i32
        %dma_start3A_600 = tpu.memref_slice %arg13[%dma_start3A_598, %dma_start3A_599] : memref<10000x128xf32, #tpu.memory_space<vmem_shared>> -> memref<10000x128xf32, #tpu.memory_space<vmem_shared>>
        tpu.enqueue_indirect_dma source(%arg11 : memref<80x128xf32, #tpu.memory_space<vmem>>) target(%dma_start3A_600 : memref<10000x128xf32, #tpu.memory_space<vmem_shared>>) offsets(%dma_start3A_597 : memref<80xi32, #tpu.memory_space<vmem>>) semaphore(%run_scoped3A_594 : memref<!tpu.dma_semaphore, #tpu.memory_space<semaphore_mem>>) {add = true}
        %dma_wait3A_601 = arith.constant 0 : i32
        %dma_wait3A_602 = tpu.memref_slice %arg8[%run_scoped3A_278, %dma_wait3A_601] : memref<25x80xi32, #tpu.memory_space<vmem>> -> memref<1x80xi32, #tpu.memory_space<vmem>>
        %dma_wait3A_603 = tpu.memref_squeeze %dma_wait3A_602 : memref<1x80xi32, #tpu.memory_space<vmem>> -> memref<80xi32, #tpu.memory_space<vmem>>
        %dma_wait3A_604 = arith.constant 0 : i32
        %dma_wait3A_605 = arith.constant 0 : i32
        %dma_wait3A_606 = tpu.memref_slice %arg13[%dma_wait3A_604, %dma_wait3A_605] : memref<10000x128xf32, #tpu.memory_space<vmem_shared>> -> memref<10000x128xf32, #tpu.memory_space<vmem_shared>>
        tpu.wait_indirect_dma semaphore(%run_scoped3A_594 : memref<!tpu.dma_semaphore, #tpu.memory_space<semaphore_mem>>) src(%arg11 : memref<80x128xf32, #tpu.memory_space<vmem>>) dst(%dma_wait3A_606 : memref<10000x128xf32, #tpu.memory_space<vmem_shared>>)
        tpu.yield
      }) : () -> ()
      %dma_wait3A_279 = arith.constant 0 : i32
      %dma_wait3A_280 = arith.constant 0 : i32
      %dma_wait3A_281 = tpu.memref_slice %arg7[%dma_wait3A_279, %dma_wait3A_280] : memref<25x80xi32, #tpu.memory_space<vmem>> -> memref<1x80xi32, #tpu.memory_space<vmem>>
      %dma_wait3A_282 = tpu.memref_squeeze %dma_wait3A_281 : memref<1x80xi32, #tpu.memory_space<vmem>> -> memref<80xi32, #tpu.memory_space<vmem>>
      %dma_wait3A_283 = arith.constant 0 : i32
      %dma_wait3A_284 = tpu.memref_slice %arg2[%mul3A_53, %dma_wait3A_283] : memref<20000x128xf32, #tpu.memory_space<hbm>> -> memref<10000x128xf32, #tpu.memory_space<hbm>>
      %dma_wait3A_285 = arith.constant 0 : i32
      %dma_wait3A_286 = arith.constant 0 : i32
      %dma_wait3A_287 = tpu.memref_slice %dma_wait3A_284[%dma_wait3A_285, %dma_wait3A_286] : memref<10000x128xf32, #tpu.memory_space<hbm>> -> memref<10000x128xf32, #tpu.memory_space<hbm>>
      tpu.wait_indirect_dma semaphore(%arg17 : memref<!tpu.dma_semaphore, #tpu.memory_space<semaphore_mem>>) src(%dma_wait3A_287 : memref<10000x128xf32, #tpu.memory_space<hbm>>) dst(%arg12 : memref<80x128xf32, #tpu.memory_space<vmem>>)
      %dma_start3A_288 = arith.constant 10 : i32
      %dma_start3A_289 = arith.constant 0 : i32
      %dma_start3A_290 = tpu.memref_slice %arg7[%dma_start3A_288, %dma_start3A_289] : memref<25x80xi32, #tpu.memory_space<vmem>> -> memref<1x80xi32, #tpu.memory_space<vmem>>
      %dma_start3A_291 = tpu.memref_squeeze %dma_start3A_290 : memref<1x80xi32, #tpu.memory_space<vmem>> -> memref<80xi32, #tpu.memory_space<vmem>>
      %dma_start3A_292 = arith.constant 0 : i32
      %dma_start3A_293 = tpu.memref_slice %arg2[%mul3A_53, %dma_start3A_292] : memref<20000x128xf32, #tpu.memory_space<hbm>> -> memref<10000x128xf32, #tpu.memory_space<hbm>>
      %dma_start3A_294 = arith.constant 0 : i32
      %dma_start3A_295 = arith.constant 0 : i32
      %dma_start3A_296 = tpu.memref_slice %dma_start3A_293[%dma_start3A_294, %dma_start3A_295] : memref<10000x128xf32, #tpu.memory_space<hbm>> -> memref<10000x128xf32, #tpu.memory_space<hbm>>
      tpu.enqueue_indirect_dma source(%dma_start3A_296 : memref<10000x128xf32, #tpu.memory_space<hbm>>) target(%arg11 : memref<80x128xf32, #tpu.memory_space<vmem>>) offsets(%dma_start3A_291 : memref<80xi32, #tpu.memory_space<vmem>>) semaphore(%arg16 : memref<!tpu.dma_semaphore, #tpu.memory_space<semaphore_mem>>)
      %run_scoped3A_297 = arith.constant 7 : i32
      "tpu.region"() ({
        %run_scoped3A_594 = tpu.sem_alloc : memref<!tpu.dma_semaphore, #tpu.memory_space<semaphore_mem>>
        %dma_start3A_595 = arith.constant 0 : i32
        %dma_start3A_596 = tpu.memref_slice %arg8[%run_scoped3A_297, %dma_start3A_595] : memref<25x80xi32, #tpu.memory_space<vmem>> -> memref<1x80xi32, #tpu.memory_space<vmem>>
        %dma_start3A_597 = tpu.memref_squeeze %dma_start3A_596 : memref<1x80xi32, #tpu.memory_space<vmem>> -> memref<80xi32, #tpu.memory_space<vmem>>
        %dma_start3A_598 = arith.constant 0 : i32
        %dma_start3A_599 = arith.constant 0 : i32
        %dma_start3A_600 = tpu.memref_slice %arg13[%dma_start3A_598, %dma_start3A_599] : memref<10000x128xf32, #tpu.memory_space<vmem_shared>> -> memref<10000x128xf32, #tpu.memory_space<vmem_shared>>
        tpu.enqueue_indirect_dma source(%arg12 : memref<80x128xf32, #tpu.memory_space<vmem>>) target(%dma_start3A_600 : memref<10000x128xf32, #tpu.memory_space<vmem_shared>>) offsets(%dma_start3A_597 : memref<80xi32, #tpu.memory_space<vmem>>) semaphore(%run_scoped3A_594 : memref<!tpu.dma_semaphore, #tpu.memory_space<semaphore_mem>>) {add = true}
        %dma_wait3A_601 = arith.constant 0 : i32
        %dma_wait3A_602 = tpu.memref_slice %arg8[%run_scoped3A_297, %dma_wait3A_601] : memref<25x80xi32, #tpu.memory_space<vmem>> -> memref<1x80xi32, #tpu.memory_space<vmem>>
        %dma_wait3A_603 = tpu.memref_squeeze %dma_wait3A_602 : memref<1x80xi32, #tpu.memory_space<vmem>> -> memref<80xi32, #tpu.memory_space<vmem>>
        %dma_wait3A_604 = arith.constant 0 : i32
        %dma_wait3A_605 = arith.constant 0 : i32
        %dma_wait3A_606 = tpu.memref_slice %arg13[%dma_wait3A_604, %dma_wait3A_605] : memref<10000x128xf32, #tpu.memory_space<vmem_shared>> -> memref<10000x128xf32, #tpu.memory_space<vmem_shared>>
        tpu.wait_indirect_dma semaphore(%run_scoped3A_594 : memref<!tpu.dma_semaphore, #tpu.memory_space<semaphore_mem>>) src(%arg12 : memref<80x128xf32, #tpu.memory_space<vmem>>) dst(%dma_wait3A_606 : memref<10000x128xf32, #tpu.memory_space<vmem_shared>>)
        tpu.yield
      }) : () -> ()
      %dma_wait3A_298 = arith.constant 0 : i32
      %dma_wait3A_299 = arith.constant 0 : i32
      %dma_wait3A_300 = tpu.memref_slice %arg7[%dma_wait3A_298, %dma_wait3A_299] : memref<25x80xi32, #tpu.memory_space<vmem>> -> memref<1x80xi32, #tpu.memory_space<vmem>>
      %dma_wait3A_301 = tpu.memref_squeeze %dma_wait3A_300 : memref<1x80xi32, #tpu.memory_space<vmem>> -> memref<80xi32, #tpu.memory_space<vmem>>
      %dma_wait3A_302 = arith.constant 0 : i32
      %dma_wait3A_303 = tpu.memref_slice %arg2[%mul3A_53, %dma_wait3A_302] : memref<20000x128xf32, #tpu.memory_space<hbm>> -> memref<10000x128xf32, #tpu.memory_space<hbm>>
      %dma_wait3A_304 = arith.constant 0 : i32
      %dma_wait3A_305 = arith.constant 0 : i32
      %dma_wait3A_306 = tpu.memref_slice %dma_wait3A_303[%dma_wait3A_304, %dma_wait3A_305] : memref<10000x128xf32, #tpu.memory_space<hbm>> -> memref<10000x128xf32, #tpu.memory_space<hbm>>
      tpu.wait_indirect_dma semaphore(%arg14 : memref<!tpu.dma_semaphore, #tpu.memory_space<semaphore_mem>>) src(%dma_wait3A_306 : memref<10000x128xf32, #tpu.memory_space<hbm>>) dst(%arg9 : memref<80x128xf32, #tpu.memory_space<vmem>>)
      %dma_start3A_307 = arith.constant 11 : i32
      %dma_start3A_308 = arith.constant 0 : i32
      %dma_start3A_309 = tpu.memref_slice %arg7[%dma_start3A_307, %dma_start3A_308] : memref<25x80xi32, #tpu.memory_space<vmem>> -> memref<1x80xi32, #tpu.memory_space<vmem>>
      %dma_start3A_310 = tpu.memref_squeeze %dma_start3A_309 : memref<1x80xi32, #tpu.memory_space<vmem>> -> memref<80xi32, #tpu.memory_space<vmem>>
      %dma_start3A_311 = arith.constant 0 : i32
      %dma_start3A_312 = tpu.memref_slice %arg2[%mul3A_53, %dma_start3A_311] : memref<20000x128xf32, #tpu.memory_space<hbm>> -> memref<10000x128xf32, #tpu.memory_space<hbm>>
      %dma_start3A_313 = arith.constant 0 : i32
      %dma_start3A_314 = arith.constant 0 : i32
      %dma_start3A_315 = tpu.memref_slice %dma_start3A_312[%dma_start3A_313, %dma_start3A_314] : memref<10000x128xf32, #tpu.memory_space<hbm>> -> memref<10000x128xf32, #tpu.memory_space<hbm>>
      tpu.enqueue_indirect_dma source(%dma_start3A_315 : memref<10000x128xf32, #tpu.memory_space<hbm>>) target(%arg12 : memref<80x128xf32, #tpu.memory_space<vmem>>) offsets(%dma_start3A_310 : memref<80xi32, #tpu.memory_space<vmem>>) semaphore(%arg17 : memref<!tpu.dma_semaphore, #tpu.memory_space<semaphore_mem>>)
      %run_scoped3A_316 = arith.constant 8 : i32
      "tpu.region"() ({
        %run_scoped3A_594 = tpu.sem_alloc : memref<!tpu.dma_semaphore, #tpu.memory_space<semaphore_mem>>
        %dma_start3A_595 = arith.constant 0 : i32
        %dma_start3A_596 = tpu.memref_slice %arg8[%run_scoped3A_316, %dma_start3A_595] : memref<25x80xi32, #tpu.memory_space<vmem>> -> memref<1x80xi32, #tpu.memory_space<vmem>>
        %dma_start3A_597 = tpu.memref_squeeze %dma_start3A_596 : memref<1x80xi32, #tpu.memory_space<vmem>> -> memref<80xi32, #tpu.memory_space<vmem>>
        %dma_start3A_598 = arith.constant 0 : i32
        %dma_start3A_599 = arith.constant 0 : i32
        %dma_start3A_600 = tpu.memref_slice %arg13[%dma_start3A_598, %dma_start3A_599] : memref<10000x128xf32, #tpu.memory_space<vmem_shared>> -> memref<10000x128xf32, #tpu.memory_space<vmem_shared>>
        tpu.enqueue_indirect_dma source(%arg9 : memref<80x128xf32, #tpu.memory_space<vmem>>) target(%dma_start3A_600 : memref<10000x128xf32, #tpu.memory_space<vmem_shared>>) offsets(%dma_start3A_597 : memref<80xi32, #tpu.memory_space<vmem>>) semaphore(%run_scoped3A_594 : memref<!tpu.dma_semaphore, #tpu.memory_space<semaphore_mem>>) {add = true}
        %dma_wait3A_601 = arith.constant 0 : i32
        %dma_wait3A_602 = tpu.memref_slice %arg8[%run_scoped3A_316, %dma_wait3A_601] : memref<25x80xi32, #tpu.memory_space<vmem>> -> memref<1x80xi32, #tpu.memory_space<vmem>>
        %dma_wait3A_603 = tpu.memref_squeeze %dma_wait3A_602 : memref<1x80xi32, #tpu.memory_space<vmem>> -> memref<80xi32, #tpu.memory_space<vmem>>
        %dma_wait3A_604 = arith.constant 0 : i32
        %dma_wait3A_605 = arith.constant 0 : i32
        %dma_wait3A_606 = tpu.memref_slice %arg13[%dma_wait3A_604, %dma_wait3A_605] : memref<10000x128xf32, #tpu.memory_space<vmem_shared>> -> memref<10000x128xf32, #tpu.memory_space<vmem_shared>>
        tpu.wait_indirect_dma semaphore(%run_scoped3A_594 : memref<!tpu.dma_semaphore, #tpu.memory_space<semaphore_mem>>) src(%arg9 : memref<80x128xf32, #tpu.memory_space<vmem>>) dst(%dma_wait3A_606 : memref<10000x128xf32, #tpu.memory_space<vmem_shared>>)
        tpu.yield
      }) : () -> ()
      %dma_wait3A_317 = arith.constant 0 : i32
      %dma_wait3A_318 = arith.constant 0 : i32
      %dma_wait3A_319 = tpu.memref_slice %arg7[%dma_wait3A_317, %dma_wait3A_318] : memref<25x80xi32, #tpu.memory_space<vmem>> -> memref<1x80xi32, #tpu.memory_space<vmem>>
      %dma_wait3A_320 = tpu.memref_squeeze %dma_wait3A_319 : memref<1x80xi32, #tpu.memory_space<vmem>> -> memref<80xi32, #tpu.memory_space<vmem>>
      %dma_wait3A_321 = arith.constant 0 : i32
      %dma_wait3A_322 = tpu.memref_slice %arg2[%mul3A_53, %dma_wait3A_321] : memref<20000x128xf32, #tpu.memory_space<hbm>> -> memref<10000x128xf32, #tpu.memory_space<hbm>>
      %dma_wait3A_323 = arith.constant 0 : i32
      %dma_wait3A_324 = arith.constant 0 : i32
      %dma_wait3A_325 = tpu.memref_slice %dma_wait3A_322[%dma_wait3A_323, %dma_wait3A_324] : memref<10000x128xf32, #tpu.memory_space<hbm>> -> memref<10000x128xf32, #tpu.memory_space<hbm>>
      tpu.wait_indirect_dma semaphore(%arg15 : memref<!tpu.dma_semaphore, #tpu.memory_space<semaphore_mem>>) src(%dma_wait3A_325 : memref<10000x128xf32, #tpu.memory_space<hbm>>) dst(%arg10 : memref<80x128xf32, #tpu.memory_space<vmem>>)
      %dma_start3A_326 = arith.constant 12 : i32
      %dma_start3A_327 = arith.constant 0 : i32
      %dma_start3A_328 = tpu.memref_slice %arg7[%dma_start3A_326, %dma_start3A_327] : memref<25x80xi32, #tpu.memory_space<vmem>> -> memref<1x80xi32, #tpu.memory_space<vmem>>
      %dma_start3A_329 = tpu.memref_squeeze %dma_start3A_328 : memref<1x80xi32, #tpu.memory_space<vmem>> -> memref<80xi32, #tpu.memory_space<vmem>>
      %dma_start3A_330 = arith.constant 0 : i32
      %dma_start3A_331 = tpu.memref_slice %arg2[%mul3A_53, %dma_start3A_330] : memref<20000x128xf32, #tpu.memory_space<hbm>> -> memref<10000x128xf32, #tpu.memory_space<hbm>>
      %dma_start3A_332 = arith.constant 0 : i32
      %dma_start3A_333 = arith.constant 0 : i32
      %dma_start3A_334 = tpu.memref_slice %dma_start3A_331[%dma_start3A_332, %dma_start3A_333] : memref<10000x128xf32, #tpu.memory_space<hbm>> -> memref<10000x128xf32, #tpu.memory_space<hbm>>
      tpu.enqueue_indirect_dma source(%dma_start3A_334 : memref<10000x128xf32, #tpu.memory_space<hbm>>) target(%arg9 : memref<80x128xf32, #tpu.memory_space<vmem>>) offsets(%dma_start3A_329 : memref<80xi32, #tpu.memory_space<vmem>>) semaphore(%arg14 : memref<!tpu.dma_semaphore, #tpu.memory_space<semaphore_mem>>)
      %run_scoped3A_335 = arith.constant 9 : i32
      "tpu.region"() ({
        %run_scoped3A_594 = tpu.sem_alloc : memref<!tpu.dma_semaphore, #tpu.memory_space<semaphore_mem>>
        %dma_start3A_595 = arith.constant 0 : i32
        %dma_start3A_596 = tpu.memref_slice %arg8[%run_scoped3A_335, %dma_start3A_595] : memref<25x80xi32, #tpu.memory_space<vmem>> -> memref<1x80xi32, #tpu.memory_space<vmem>>
        %dma_start3A_597 = tpu.memref_squeeze %dma_start3A_596 : memref<1x80xi32, #tpu.memory_space<vmem>> -> memref<80xi32, #tpu.memory_space<vmem>>
        %dma_start3A_598 = arith.constant 0 : i32
        %dma_start3A_599 = arith.constant 0 : i32
        %dma_start3A_600 = tpu.memref_slice %arg13[%dma_start3A_598, %dma_start3A_599] : memref<10000x128xf32, #tpu.memory_space<vmem_shared>> -> memref<10000x128xf32, #tpu.memory_space<vmem_shared>>
        tpu.enqueue_indirect_dma source(%arg10 : memref<80x128xf32, #tpu.memory_space<vmem>>) target(%dma_start3A_600 : memref<10000x128xf32, #tpu.memory_space<vmem_shared>>) offsets(%dma_start3A_597 : memref<80xi32, #tpu.memory_space<vmem>>) semaphore(%run_scoped3A_594 : memref<!tpu.dma_semaphore, #tpu.memory_space<semaphore_mem>>) {add = true}
        %dma_wait3A_601 = arith.constant 0 : i32
        %dma_wait3A_602 = tpu.memref_slice %arg8[%run_scoped3A_335, %dma_wait3A_601] : memref<25x80xi32, #tpu.memory_space<vmem>> -> memref<1x80xi32, #tpu.memory_space<vmem>>
        %dma_wait3A_603 = tpu.memref_squeeze %dma_wait3A_602 : memref<1x80xi32, #tpu.memory_space<vmem>> -> memref<80xi32, #tpu.memory_space<vmem>>
        %dma_wait3A_604 = arith.constant 0 : i32
        %dma_wait3A_605 = arith.constant 0 : i32
        %dma_wait3A_606 = tpu.memref_slice %arg13[%dma_wait3A_604, %dma_wait3A_605] : memref<10000x128xf32, #tpu.memory_space<vmem_shared>> -> memref<10000x128xf32, #tpu.memory_space<vmem_shared>>
        tpu.wait_indirect_dma semaphore(%run_scoped3A_594 : memref<!tpu.dma_semaphore, #tpu.memory_space<semaphore_mem>>) src(%arg10 : memref<80x128xf32, #tpu.memory_space<vmem>>) dst(%dma_wait3A_606 : memref<10000x128xf32, #tpu.memory_space<vmem_shared>>)
        tpu.yield
      }) : () -> ()
      %dma_wait3A_336 = arith.constant 0 : i32
      %dma_wait3A_337 = arith.constant 0 : i32
      %dma_wait3A_338 = tpu.memref_slice %arg7[%dma_wait3A_336, %dma_wait3A_337] : memref<25x80xi32, #tpu.memory_space<vmem>> -> memref<1x80xi32, #tpu.memory_space<vmem>>
      %dma_wait3A_339 = tpu.memref_squeeze %dma_wait3A_338 : memref<1x80xi32, #tpu.memory_space<vmem>> -> memref<80xi32, #tpu.memory_space<vmem>>
      %dma_wait3A_340 = arith.constant 0 : i32
      %dma_wait3A_341 = tpu.memref_slice %arg2[%mul3A_53, %dma_wait3A_340] : memref<20000x128xf32, #tpu.memory_space<hbm>> -> memref<10000x128xf32, #tpu.memory_space<hbm>>
      %dma_wait3A_342 = arith.constant 0 : i32
      %dma_wait3A_343 = arith.constant 0 : i32
      %dma_wait3A_344 = tpu.memref_slice %dma_wait3A_341[%dma_wait3A_342, %dma_wait3A_343] : memref<10000x128xf32, #tpu.memory_space<hbm>> -> memref<10000x128xf32, #tpu.memory_space<hbm>>
      tpu.wait_indirect_dma semaphore(%arg16 : memref<!tpu.dma_semaphore, #tpu.memory_space<semaphore_mem>>) src(%dma_wait3A_344 : memref<10000x128xf32, #tpu.memory_space<hbm>>) dst(%arg11 : memref<80x128xf32, #tpu.memory_space<vmem>>)
      %dma_start3A_345 = arith.constant 13 : i32
      %dma_start3A_346 = arith.constant 0 : i32
      %dma_start3A_347 = tpu.memref_slice %arg7[%dma_start3A_345, %dma_start3A_346] : memref<25x80xi32, #tpu.memory_space<vmem>> -> memref<1x80xi32, #tpu.memory_space<vmem>>
      %dma_start3A_348 = tpu.memref_squeeze %dma_start3A_347 : memref<1x80xi32, #tpu.memory_space<vmem>> -> memref<80xi32, #tpu.memory_space<vmem>>
      %dma_start3A_349 = arith.constant 0 : i32
      %dma_start3A_350 = tpu.memref_slice %arg2[%mul3A_53, %dma_start3A_349] : memref<20000x128xf32, #tpu.memory_space<hbm>> -> memref<10000x128xf32, #tpu.memory_space<hbm>>
      %dma_start3A_351 = arith.constant 0 : i32
      %dma_start3A_352 = arith.constant 0 : i32
      %dma_start3A_353 = tpu.memref_slice %dma_start3A_350[%dma_start3A_351, %dma_start3A_352] : memref<10000x128xf32, #tpu.memory_space<hbm>> -> memref<10000x128xf32, #tpu.memory_space<hbm>>
      tpu.enqueue_indirect_dma source(%dma_start3A_353 : memref<10000x128xf32, #tpu.memory_space<hbm>>) target(%arg10 : memref<80x128xf32, #tpu.memory_space<vmem>>) offsets(%dma_start3A_348 : memref<80xi32, #tpu.memory_space<vmem>>) semaphore(%arg15 : memref<!tpu.dma_semaphore, #tpu.memory_space<semaphore_mem>>)
      %run_scoped3A_354 = arith.constant 10 : i32
      "tpu.region"() ({
        %run_scoped3A_594 = tpu.sem_alloc : memref<!tpu.dma_semaphore, #tpu.memory_space<semaphore_mem>>
        %dma_start3A_595 = arith.constant 0 : i32
        %dma_start3A_596 = tpu.memref_slice %arg8[%run_scoped3A_354, %dma_start3A_595] : memref<25x80xi32, #tpu.memory_space<vmem>> -> memref<1x80xi32, #tpu.memory_space<vmem>>
        %dma_start3A_597 = tpu.memref_squeeze %dma_start3A_596 : memref<1x80xi32, #tpu.memory_space<vmem>> -> memref<80xi32, #tpu.memory_space<vmem>>
        %dma_start3A_598 = arith.constant 0 : i32
        %dma_start3A_599 = arith.constant 0 : i32
        %dma_start3A_600 = tpu.memref_slice %arg13[%dma_start3A_598, %dma_start3A_599] : memref<10000x128xf32, #tpu.memory_space<vmem_shared>> -> memref<10000x128xf32, #tpu.memory_space<vmem_shared>>
        tpu.enqueue_indirect_dma source(%arg11 : memref<80x128xf32, #tpu.memory_space<vmem>>) target(%dma_start3A_600 : memref<10000x128xf32, #tpu.memory_space<vmem_shared>>) offsets(%dma_start3A_597 : memref<80xi32, #tpu.memory_space<vmem>>) semaphore(%run_scoped3A_594 : memref<!tpu.dma_semaphore, #tpu.memory_space<semaphore_mem>>) {add = true}
        %dma_wait3A_601 = arith.constant 0 : i32
        %dma_wait3A_602 = tpu.memref_slice %arg8[%run_scoped3A_354, %dma_wait3A_601] : memref<25x80xi32, #tpu.memory_space<vmem>> -> memref<1x80xi32, #tpu.memory_space<vmem>>
        %dma_wait3A_603 = tpu.memref_squeeze %dma_wait3A_602 : memref<1x80xi32, #tpu.memory_space<vmem>> -> memref<80xi32, #tpu.memory_space<vmem>>
        %dma_wait3A_604 = arith.constant 0 : i32
        %dma_wait3A_605 = arith.constant 0 : i32
        %dma_wait3A_606 = tpu.memref_slice %arg13[%dma_wait3A_604, %dma_wait3A_605] : memref<10000x128xf32, #tpu.memory_space<vmem_shared>> -> memref<10000x128xf32, #tpu.memory_space<vmem_shared>>
        tpu.wait_indirect_dma semaphore(%run_scoped3A_594 : memref<!tpu.dma_semaphore, #tpu.memory_space<semaphore_mem>>) src(%arg11 : memref<80x128xf32, #tpu.memory_space<vmem>>) dst(%dma_wait3A_606 : memref<10000x128xf32, #tpu.memory_space<vmem_shared>>)
        tpu.yield
      }) : () -> ()
      %dma_wait3A_355 = arith.constant 0 : i32
      %dma_wait3A_356 = arith.constant 0 : i32
      %dma_wait3A_357 = tpu.memref_slice %arg7[%dma_wait3A_355, %dma_wait3A_356] : memref<25x80xi32, #tpu.memory_space<vmem>> -> memref<1x80xi32, #tpu.memory_space<vmem>>
      %dma_wait3A_358 = tpu.memref_squeeze %dma_wait3A_357 : memref<1x80xi32, #tpu.memory_space<vmem>> -> memref<80xi32, #tpu.memory_space<vmem>>
      %dma_wait3A_359 = arith.constant 0 : i32
      %dma_wait3A_360 = tpu.memref_slice %arg2[%mul3A_53, %dma_wait3A_359] : memref<20000x128xf32, #tpu.memory_space<hbm>> -> memref<10000x128xf32, #tpu.memory_space<hbm>>
      %dma_wait3A_361 = arith.constant 0 : i32
      %dma_wait3A_362 = arith.constant 0 : i32
      %dma_wait3A_363 = tpu.memref_slice %dma_wait3A_360[%dma_wait3A_361, %dma_wait3A_362] : memref<10000x128xf32, #tpu.memory_space<hbm>> -> memref<10000x128xf32, #tpu.memory_space<hbm>>
      tpu.wait_indirect_dma semaphore(%arg17 : memref<!tpu.dma_semaphore, #tpu.memory_space<semaphore_mem>>) src(%dma_wait3A_363 : memref<10000x128xf32, #tpu.memory_space<hbm>>) dst(%arg12 : memref<80x128xf32, #tpu.memory_space<vmem>>)
      %dma_start3A_364 = arith.constant 14 : i32
      %dma_start3A_365 = arith.constant 0 : i32
      %dma_start3A_366 = tpu.memref_slice %arg7[%dma_start3A_364, %dma_start3A_365] : memref<25x80xi32, #tpu.memory_space<vmem>> -> memref<1x80xi32, #tpu.memory_space<vmem>>
      %dma_start3A_367 = tpu.memref_squeeze %dma_start3A_366 : memref<1x80xi32, #tpu.memory_space<vmem>> -> memref<80xi32, #tpu.memory_space<vmem>>
      %dma_start3A_368 = arith.constant 0 : i32
      %dma_start3A_369 = tpu.memref_slice %arg2[%mul3A_53, %dma_start3A_368] : memref<20000x128xf32, #tpu.memory_space<hbm>> -> memref<10000x128xf32, #tpu.memory_space<hbm>>
      %dma_start3A_370 = arith.constant 0 : i32
      %dma_start3A_371 = arith.constant 0 : i32
      %dma_start3A_372 = tpu.memref_slice %dma_start3A_369[%dma_start3A_370, %dma_start3A_371] : memref<10000x128xf32, #tpu.memory_space<hbm>> -> memref<10000x128xf32, #tpu.memory_space<hbm>>
      tpu.enqueue_indirect_dma source(%dma_start3A_372 : memref<10000x128xf32, #tpu.memory_space<hbm>>) target(%arg11 : memref<80x128xf32, #tpu.memory_space<vmem>>) offsets(%dma_start3A_367 : memref<80xi32, #tpu.memory_space<vmem>>) semaphore(%arg16 : memref<!tpu.dma_semaphore, #tpu.memory_space<semaphore_mem>>)
      %run_scoped3A_373 = arith.constant 11 : i32
      "tpu.region"() ({
        %run_scoped3A_594 = tpu.sem_alloc : memref<!tpu.dma_semaphore, #tpu.memory_space<semaphore_mem>>
        %dma_start3A_595 = arith.constant 0 : i32
        %dma_start3A_596 = tpu.memref_slice %arg8[%run_scoped3A_373, %dma_start3A_595] : memref<25x80xi32, #tpu.memory_space<vmem>> -> memref<1x80xi32, #tpu.memory_space<vmem>>
        %dma_start3A_597 = tpu.memref_squeeze %dma_start3A_596 : memref<1x80xi32, #tpu.memory_space<vmem>> -> memref<80xi32, #tpu.memory_space<vmem>>
        %dma_start3A_598 = arith.constant 0 : i32
        %dma_start3A_599 = arith.constant 0 : i32
        %dma_start3A_600 = tpu.memref_slice %arg13[%dma_start3A_598, %dma_start3A_599] : memref<10000x128xf32, #tpu.memory_space<vmem_shared>> -> memref<10000x128xf32, #tpu.memory_space<vmem_shared>>
        tpu.enqueue_indirect_dma source(%arg12 : memref<80x128xf32, #tpu.memory_space<vmem>>) target(%dma_start3A_600 : memref<10000x128xf32, #tpu.memory_space<vmem_shared>>) offsets(%dma_start3A_597 : memref<80xi32, #tpu.memory_space<vmem>>) semaphore(%run_scoped3A_594 : memref<!tpu.dma_semaphore, #tpu.memory_space<semaphore_mem>>) {add = true}
        %dma_wait3A_601 = arith.constant 0 : i32
        %dma_wait3A_602 = tpu.memref_slice %arg8[%run_scoped3A_373, %dma_wait3A_601] : memref<25x80xi32, #tpu.memory_space<vmem>> -> memref<1x80xi32, #tpu.memory_space<vmem>>
        %dma_wait3A_603 = tpu.memref_squeeze %dma_wait3A_602 : memref<1x80xi32, #tpu.memory_space<vmem>> -> memref<80xi32, #tpu.memory_space<vmem>>
        %dma_wait3A_604 = arith.constant 0 : i32
        %dma_wait3A_605 = arith.constant 0 : i32
        %dma_wait3A_606 = tpu.memref_slice %arg13[%dma_wait3A_604, %dma_wait3A_605] : memref<10000x128xf32, #tpu.memory_space<vmem_shared>> -> memref<10000x128xf32, #tpu.memory_space<vmem_shared>>
        tpu.wait_indirect_dma semaphore(%run_scoped3A_594 : memref<!tpu.dma_semaphore, #tpu.memory_space<semaphore_mem>>) src(%arg12 : memref<80x128xf32, #tpu.memory_space<vmem>>) dst(%dma_wait3A_606 : memref<10000x128xf32, #tpu.memory_space<vmem_shared>>)
        tpu.yield
      }) : () -> ()
      %dma_wait3A_374 = arith.constant 0 : i32
      %dma_wait3A_375 = arith.constant 0 : i32
      %dma_wait3A_376 = tpu.memref_slice %arg7[%dma_wait3A_374, %dma_wait3A_375] : memref<25x80xi32, #tpu.memory_space<vmem>> -> memref<1x80xi32, #tpu.memory_space<vmem>>
      %dma_wait3A_377 = tpu.memref_squeeze %dma_wait3A_376 : memref<1x80xi32, #tpu.memory_space<vmem>> -> memref<80xi32, #tpu.memory_space<vmem>>
      %dma_wait3A_378 = arith.constant 0 : i32
      %dma_wait3A_379 = tpu.memref_slice %arg2[%mul3A_53, %dma_wait3A_378] : memref<20000x128xf32, #tpu.memory_space<hbm>> -> memref<10000x128xf32, #tpu.memory_space<hbm>>
      %dma_wait3A_380 = arith.constant 0 : i32
      %dma_wait3A_381 = arith.constant 0 : i32
      %dma_wait3A_382 = tpu.memref_slice %dma_wait3A_379[%dma_wait3A_380, %dma_wait3A_381] : memref<10000x128xf32, #tpu.memory_space<hbm>> -> memref<10000x128xf32, #tpu.memory_space<hbm>>
      tpu.wait_indirect_dma semaphore(%arg14 : memref<!tpu.dma_semaphore, #tpu.memory_space<semaphore_mem>>) src(%dma_wait3A_382 : memref<10000x128xf32, #tpu.memory_space<hbm>>) dst(%arg9 : memref<80x128xf32, #tpu.memory_space<vmem>>)
      %dma_start3A_383 = arith.constant 15 : i32
      %dma_start3A_384 = arith.constant 0 : i32
      %dma_start3A_385 = tpu.memref_slice %arg7[%dma_start3A_383, %dma_start3A_384] : memref<25x80xi32, #tpu.memory_space<vmem>> -> memref<1x80xi32, #tpu.memory_space<vmem>>
      %dma_start3A_386 = tpu.memref_squeeze %dma_start3A_385 : memref<1x80xi32, #tpu.memory_space<vmem>> -> memref<80xi32, #tpu.memory_space<vmem>>
      %dma_start3A_387 = arith.constant 0 : i32
      %dma_start3A_388 = tpu.memref_slice %arg2[%mul3A_53, %dma_start3A_387] : memref<20000x128xf32, #tpu.memory_space<hbm>> -> memref<10000x128xf32, #tpu.memory_space<hbm>>
      %dma_start3A_389 = arith.constant 0 : i32
      %dma_start3A_390 = arith.constant 0 : i32
      %dma_start3A_391 = tpu.memref_slice %dma_start3A_388[%dma_start3A_389, %dma_start3A_390] : memref<10000x128xf32, #tpu.memory_space<hbm>> -> memref<10000x128xf32, #tpu.memory_space<hbm>>
      tpu.enqueue_indirect_dma source(%dma_start3A_391 : memref<10000x128xf32, #tpu.memory_space<hbm>>) target(%arg12 : memref<80x128xf32, #tpu.memory_space<vmem>>) offsets(%dma_start3A_386 : memref<80xi32, #tpu.memory_space<vmem>>) semaphore(%arg17 : memref<!tpu.dma_semaphore, #tpu.memory_space<semaphore_mem>>)
      %run_scoped3A_392 = arith.constant 12 : i32
      "tpu.region"() ({
        %run_scoped3A_594 = tpu.sem_alloc : memref<!tpu.dma_semaphore, #tpu.memory_space<semaphore_mem>>
        %dma_start3A_595 = arith.constant 0 : i32
        %dma_start3A_596 = tpu.memref_slice %arg8[%run_scoped3A_392, %dma_start3A_595] : memref<25x80xi32, #tpu.memory_space<vmem>> -> memref<1x80xi32, #tpu.memory_space<vmem>>
        %dma_start3A_597 = tpu.memref_squeeze %dma_start3A_596 : memref<1x80xi32, #tpu.memory_space<vmem>> -> memref<80xi32, #tpu.memory_space<vmem>>
        %dma_start3A_598 = arith.constant 0 : i32
        %dma_start3A_599 = arith.constant 0 : i32
        %dma_start3A_600 = tpu.memref_slice %arg13[%dma_start3A_598, %dma_start3A_599] : memref<10000x128xf32, #tpu.memory_space<vmem_shared>> -> memref<10000x128xf32, #tpu.memory_space<vmem_shared>>
        tpu.enqueue_indirect_dma source(%arg9 : memref<80x128xf32, #tpu.memory_space<vmem>>) target(%dma_start3A_600 : memref<10000x128xf32, #tpu.memory_space<vmem_shared>>) offsets(%dma_start3A_597 : memref<80xi32, #tpu.memory_space<vmem>>) semaphore(%run_scoped3A_594 : memref<!tpu.dma_semaphore, #tpu.memory_space<semaphore_mem>>) {add = true}
        %dma_wait3A_601 = arith.constant 0 : i32
        %dma_wait3A_602 = tpu.memref_slice %arg8[%run_scoped3A_392, %dma_wait3A_601] : memref<25x80xi32, #tpu.memory_space<vmem>> -> memref<1x80xi32, #tpu.memory_space<vmem>>
        %dma_wait3A_603 = tpu.memref_squeeze %dma_wait3A_602 : memref<1x80xi32, #tpu.memory_space<vmem>> -> memref<80xi32, #tpu.memory_space<vmem>>
        %dma_wait3A_604 = arith.constant 0 : i32
        %dma_wait3A_605 = arith.constant 0 : i32
        %dma_wait3A_606 = tpu.memref_slice %arg13[%dma_wait3A_604, %dma_wait3A_605] : memref<10000x128xf32, #tpu.memory_space<vmem_shared>> -> memref<10000x128xf32, #tpu.memory_space<vmem_shared>>
        tpu.wait_indirect_dma semaphore(%run_scoped3A_594 : memref<!tpu.dma_semaphore, #tpu.memory_space<semaphore_mem>>) src(%arg9 : memref<80x128xf32, #tpu.memory_space<vmem>>) dst(%dma_wait3A_606 : memref<10000x128xf32, #tpu.memory_space<vmem_shared>>)
        tpu.yield
      }) : () -> ()
      %dma_wait3A_393 = arith.constant 0 : i32
      %dma_wait3A_394 = arith.constant 0 : i32
      %dma_wait3A_395 = tpu.memref_slice %arg7[%dma_wait3A_393, %dma_wait3A_394] : memref<25x80xi32, #tpu.memory_space<vmem>> -> memref<1x80xi32, #tpu.memory_space<vmem>>
      %dma_wait3A_396 = tpu.memref_squeeze %dma_wait3A_395 : memref<1x80xi32, #tpu.memory_space<vmem>> -> memref<80xi32, #tpu.memory_space<vmem>>
      %dma_wait3A_397 = arith.constant 0 : i32
      %dma_wait3A_398 = tpu.memref_slice %arg2[%mul3A_53, %dma_wait3A_397] : memref<20000x128xf32, #tpu.memory_space<hbm>> -> memref<10000x128xf32, #tpu.memory_space<hbm>>
      %dma_wait3A_399 = arith.constant 0 : i32
      %dma_wait3A_400 = arith.constant 0 : i32
      %dma_wait3A_401 = tpu.memref_slice %dma_wait3A_398[%dma_wait3A_399, %dma_wait3A_400] : memref<10000x128xf32, #tpu.memory_space<hbm>> -> memref<10000x128xf32, #tpu.memory_space<hbm>>
      tpu.wait_indirect_dma semaphore(%arg15 : memref<!tpu.dma_semaphore, #tpu.memory_space<semaphore_mem>>) src(%dma_wait3A_401 : memref<10000x128xf32, #tpu.memory_space<hbm>>) dst(%arg10 : memref<80x128xf32, #tpu.memory_space<vmem>>)
      %dma_start3A_402 = arith.constant 16 : i32
      %dma_start3A_403 = arith.constant 0 : i32
      %dma_start3A_404 = tpu.memref_slice %arg7[%dma_start3A_402, %dma_start3A_403] : memref<25x80xi32, #tpu.memory_space<vmem>> -> memref<1x80xi32, #tpu.memory_space<vmem>>
      %dma_start3A_405 = tpu.memref_squeeze %dma_start3A_404 : memref<1x80xi32, #tpu.memory_space<vmem>> -> memref<80xi32, #tpu.memory_space<vmem>>
      %dma_start3A_406 = arith.constant 0 : i32
      %dma_start3A_407 = tpu.memref_slice %arg2[%mul3A_53, %dma_start3A_406] : memref<20000x128xf32, #tpu.memory_space<hbm>> -> memref<10000x128xf32, #tpu.memory_space<hbm>>
      %dma_start3A_408 = arith.constant 0 : i32
      %dma_start3A_409 = arith.constant 0 : i32
      %dma_start3A_410 = tpu.memref_slice %dma_start3A_407[%dma_start3A_408, %dma_start3A_409] : memref<10000x128xf32, #tpu.memory_space<hbm>> -> memref<10000x128xf32, #tpu.memory_space<hbm>>
      tpu.enqueue_indirect_dma source(%dma_start3A_410 : memref<10000x128xf32, #tpu.memory_space<hbm>>) target(%arg9 : memref<80x128xf32, #tpu.memory_space<vmem>>) offsets(%dma_start3A_405 : memref<80xi32, #tpu.memory_space<vmem>>) semaphore(%arg14 : memref<!tpu.dma_semaphore, #tpu.memory_space<semaphore_mem>>)
      %run_scoped3A_411 = arith.constant 13 : i32
      "tpu.region"() ({
        %run_scoped3A_594 = tpu.sem_alloc : memref<!tpu.dma_semaphore, #tpu.memory_space<semaphore_mem>>
        %dma_start3A_595 = arith.constant 0 : i32
        %dma_start3A_596 = tpu.memref_slice %arg8[%run_scoped3A_411, %dma_start3A_595] : memref<25x80xi32, #tpu.memory_space<vmem>> -> memref<1x80xi32, #tpu.memory_space<vmem>>
        %dma_start3A_597 = tpu.memref_squeeze %dma_start3A_596 : memref<1x80xi32, #tpu.memory_space<vmem>> -> memref<80xi32, #tpu.memory_space<vmem>>
        %dma_start3A_598 = arith.constant 0 : i32
        %dma_start3A_599 = arith.constant 0 : i32
        %dma_start3A_600 = tpu.memref_slice %arg13[%dma_start3A_598, %dma_start3A_599] : memref<10000x128xf32, #tpu.memory_space<vmem_shared>> -> memref<10000x128xf32, #tpu.memory_space<vmem_shared>>
        tpu.enqueue_indirect_dma source(%arg10 : memref<80x128xf32, #tpu.memory_space<vmem>>) target(%dma_start3A_600 : memref<10000x128xf32, #tpu.memory_space<vmem_shared>>) offsets(%dma_start3A_597 : memref<80xi32, #tpu.memory_space<vmem>>) semaphore(%run_scoped3A_594 : memref<!tpu.dma_semaphore, #tpu.memory_space<semaphore_mem>>) {add = true}
        %dma_wait3A_601 = arith.constant 0 : i32
        %dma_wait3A_602 = tpu.memref_slice %arg8[%run_scoped3A_411, %dma_wait3A_601] : memref<25x80xi32, #tpu.memory_space<vmem>> -> memref<1x80xi32, #tpu.memory_space<vmem>>
        %dma_wait3A_603 = tpu.memref_squeeze %dma_wait3A_602 : memref<1x80xi32, #tpu.memory_space<vmem>> -> memref<80xi32, #tpu.memory_space<vmem>>
        %dma_wait3A_604 = arith.constant 0 : i32
        %dma_wait3A_605 = arith.constant 0 : i32
        %dma_wait3A_606 = tpu.memref_slice %arg13[%dma_wait3A_604, %dma_wait3A_605] : memref<10000x128xf32, #tpu.memory_space<vmem_shared>> -> memref<10000x128xf32, #tpu.memory_space<vmem_shared>>
        tpu.wait_indirect_dma semaphore(%run_scoped3A_594 : memref<!tpu.dma_semaphore, #tpu.memory_space<semaphore_mem>>) src(%arg10 : memref<80x128xf32, #tpu.memory_space<vmem>>) dst(%dma_wait3A_606 : memref<10000x128xf32, #tpu.memory_space<vmem_shared>>)
        tpu.yield
      }) : () -> ()
      %dma_wait3A_412 = arith.constant 0 : i32
      %dma_wait3A_413 = arith.constant 0 : i32
      %dma_wait3A_414 = tpu.memref_slice %arg7[%dma_wait3A_412, %dma_wait3A_413] : memref<25x80xi32, #tpu.memory_space<vmem>> -> memref<1x80xi32, #tpu.memory_space<vmem>>
      %dma_wait3A_415 = tpu.memref_squeeze %dma_wait3A_414 : memref<1x80xi32, #tpu.memory_space<vmem>> -> memref<80xi32, #tpu.memory_space<vmem>>
      %dma_wait3A_416 = arith.constant 0 : i32
      %dma_wait3A_417 = tpu.memref_slice %arg2[%mul3A_53, %dma_wait3A_416] : memref<20000x128xf32, #tpu.memory_space<hbm>> -> memref<10000x128xf32, #tpu.memory_space<hbm>>
      %dma_wait3A_418 = arith.constant 0 : i32
      %dma_wait3A_419 = arith.constant 0 : i32
      %dma_wait3A_420 = tpu.memref_slice %dma_wait3A_417[%dma_wait3A_418, %dma_wait3A_419] : memref<10000x128xf32, #tpu.memory_space<hbm>> -> memref<10000x128xf32, #tpu.memory_space<hbm>>
      tpu.wait_indirect_dma semaphore(%arg16 : memref<!tpu.dma_semaphore, #tpu.memory_space<semaphore_mem>>) src(%dma_wait3A_420 : memref<10000x128xf32, #tpu.memory_space<hbm>>) dst(%arg11 : memref<80x128xf32, #tpu.memory_space<vmem>>)
      %dma_start3A_421 = arith.constant 17 : i32
      %dma_start3A_422 = arith.constant 0 : i32
      %dma_start3A_423 = tpu.memref_slice %arg7[%dma_start3A_421, %dma_start3A_422] : memref<25x80xi32, #tpu.memory_space<vmem>> -> memref<1x80xi32, #tpu.memory_space<vmem>>
      %dma_start3A_424 = tpu.memref_squeeze %dma_start3A_423 : memref<1x80xi32, #tpu.memory_space<vmem>> -> memref<80xi32, #tpu.memory_space<vmem>>
      %dma_start3A_425 = arith.constant 0 : i32
      %dma_start3A_426 = tpu.memref_slice %arg2[%mul3A_53, %dma_start3A_425] : memref<20000x128xf32, #tpu.memory_space<hbm>> -> memref<10000x128xf32, #tpu.memory_space<hbm>>
      %dma_start3A_427 = arith.constant 0 : i32
      %dma_start3A_428 = arith.constant 0 : i32
      %dma_start3A_429 = tpu.memref_slice %dma_start3A_426[%dma_start3A_427, %dma_start3A_428] : memref<10000x128xf32, #tpu.memory_space<hbm>> -> memref<10000x128xf32, #tpu.memory_space<hbm>>
      tpu.enqueue_indirect_dma source(%dma_start3A_429 : memref<10000x128xf32, #tpu.memory_space<hbm>>) target(%arg10 : memref<80x128xf32, #tpu.memory_space<vmem>>) offsets(%dma_start3A_424 : memref<80xi32, #tpu.memory_space<vmem>>) semaphore(%arg15 : memref<!tpu.dma_semaphore, #tpu.memory_space<semaphore_mem>>)
      %run_scoped3A_430 = arith.constant 14 : i32
      "tpu.region"() ({
        %run_scoped3A_594 = tpu.sem_alloc : memref<!tpu.dma_semaphore, #tpu.memory_space<semaphore_mem>>
        %dma_start3A_595 = arith.constant 0 : i32
        %dma_start3A_596 = tpu.memref_slice %arg8[%run_scoped3A_430, %dma_start3A_595] : memref<25x80xi32, #tpu.memory_space<vmem>> -> memref<1x80xi32, #tpu.memory_space<vmem>>
        %dma_start3A_597 = tpu.memref_squeeze %dma_start3A_596 : memref<1x80xi32, #tpu.memory_space<vmem>> -> memref<80xi32, #tpu.memory_space<vmem>>
        %dma_start3A_598 = arith.constant 0 : i32
        %dma_start3A_599 = arith.constant 0 : i32
        %dma_start3A_600 = tpu.memref_slice %arg13[%dma_start3A_598, %dma_start3A_599] : memref<10000x128xf32, #tpu.memory_space<vmem_shared>> -> memref<10000x128xf32, #tpu.memory_space<vmem_shared>>
        tpu.enqueue_indirect_dma source(%arg11 : memref<80x128xf32, #tpu.memory_space<vmem>>) target(%dma_start3A_600 : memref<10000x128xf32, #tpu.memory_space<vmem_shared>>) offsets(%dma_start3A_597 : memref<80xi32, #tpu.memory_space<vmem>>) semaphore(%run_scoped3A_594 : memref<!tpu.dma_semaphore, #tpu.memory_space<semaphore_mem>>) {add = true}
        %dma_wait3A_601 = arith.constant 0 : i32
        %dma_wait3A_602 = tpu.memref_slice %arg8[%run_scoped3A_430, %dma_wait3A_601] : memref<25x80xi32, #tpu.memory_space<vmem>> -> memref<1x80xi32, #tpu.memory_space<vmem>>
        %dma_wait3A_603 = tpu.memref_squeeze %dma_wait3A_602 : memref<1x80xi32, #tpu.memory_space<vmem>> -> memref<80xi32, #tpu.memory_space<vmem>>
        %dma_wait3A_604 = arith.constant 0 : i32
        %dma_wait3A_605 = arith.constant 0 : i32
        %dma_wait3A_606 = tpu.memref_slice %arg13[%dma_wait3A_604, %dma_wait3A_605] : memref<10000x128xf32, #tpu.memory_space<vmem_shared>> -> memref<10000x128xf32, #tpu.memory_space<vmem_shared>>
        tpu.wait_indirect_dma semaphore(%run_scoped3A_594 : memref<!tpu.dma_semaphore, #tpu.memory_space<semaphore_mem>>) src(%arg11 : memref<80x128xf32, #tpu.memory_space<vmem>>) dst(%dma_wait3A_606 : memref<10000x128xf32, #tpu.memory_space<vmem_shared>>)
        tpu.yield
      }) : () -> ()
      %dma_wait3A_431 = arith.constant 0 : i32
      %dma_wait3A_432 = arith.constant 0 : i32
      %dma_wait3A_433 = tpu.memref_slice %arg7[%dma_wait3A_431, %dma_wait3A_432] : memref<25x80xi32, #tpu.memory_space<vmem>> -> memref<1x80xi32, #tpu.memory_space<vmem>>
      %dma_wait3A_434 = tpu.memref_squeeze %dma_wait3A_433 : memref<1x80xi32, #tpu.memory_space<vmem>> -> memref<80xi32, #tpu.memory_space<vmem>>
      %dma_wait3A_435 = arith.constant 0 : i32
      %dma_wait3A_436 = tpu.memref_slice %arg2[%mul3A_53, %dma_wait3A_435] : memref<20000x128xf32, #tpu.memory_space<hbm>> -> memref<10000x128xf32, #tpu.memory_space<hbm>>
      %dma_wait3A_437 = arith.constant 0 : i32
      %dma_wait3A_438 = arith.constant 0 : i32
      %dma_wait3A_439 = tpu.memref_slice %dma_wait3A_436[%dma_wait3A_437, %dma_wait3A_438] : memref<10000x128xf32, #tpu.memory_space<hbm>> -> memref<10000x128xf32, #tpu.memory_space<hbm>>
      tpu.wait_indirect_dma semaphore(%arg17 : memref<!tpu.dma_semaphore, #tpu.memory_space<semaphore_mem>>) src(%dma_wait3A_439 : memref<10000x128xf32, #tpu.memory_space<hbm>>) dst(%arg12 : memref<80x128xf32, #tpu.memory_space<vmem>>)
      %dma_start3A_440 = arith.constant 18 : i32
      %dma_start3A_441 = arith.constant 0 : i32
      %dma_start3A_442 = tpu.memref_slice %arg7[%dma_start3A_440, %dma_start3A_441] : memref<25x80xi32, #tpu.memory_space<vmem>> -> memref<1x80xi32, #tpu.memory_space<vmem>>
      %dma_start3A_443 = tpu.memref_squeeze %dma_start3A_442 : memref<1x80xi32, #tpu.memory_space<vmem>> -> memref<80xi32, #tpu.memory_space<vmem>>
      %dma_start3A_444 = arith.constant 0 : i32
      %dma_start3A_445 = tpu.memref_slice %arg2[%mul3A_53, %dma_start3A_444] : memref<20000x128xf32, #tpu.memory_space<hbm>> -> memref<10000x128xf32, #tpu.memory_space<hbm>>
      %dma_start3A_446 = arith.constant 0 : i32
      %dma_start3A_447 = arith.constant 0 : i32
      %dma_start3A_448 = tpu.memref_slice %dma_start3A_445[%dma_start3A_446, %dma_start3A_447] : memref<10000x128xf32, #tpu.memory_space<hbm>> -> memref<10000x128xf32, #tpu.memory_space<hbm>>
      tpu.enqueue_indirect_dma source(%dma_start3A_448 : memref<10000x128xf32, #tpu.memory_space<hbm>>) target(%arg11 : memref<80x128xf32, #tpu.memory_space<vmem>>) offsets(%dma_start3A_443 : memref<80xi32, #tpu.memory_space<vmem>>) semaphore(%arg16 : memref<!tpu.dma_semaphore, #tpu.memory_space<semaphore_mem>>)
      %run_scoped3A_449 = arith.constant 15 : i32
      "tpu.region"() ({
        %run_scoped3A_594 = tpu.sem_alloc : memref<!tpu.dma_semaphore, #tpu.memory_space<semaphore_mem>>
        %dma_start3A_595 = arith.constant 0 : i32
        %dma_start3A_596 = tpu.memref_slice %arg8[%run_scoped3A_449, %dma_start3A_595] : memref<25x80xi32, #tpu.memory_space<vmem>> -> memref<1x80xi32, #tpu.memory_space<vmem>>
        %dma_start3A_597 = tpu.memref_squeeze %dma_start3A_596 : memref<1x80xi32, #tpu.memory_space<vmem>> -> memref<80xi32, #tpu.memory_space<vmem>>
        %dma_start3A_598 = arith.constant 0 : i32
        %dma_start3A_599 = arith.constant 0 : i32
        %dma_start3A_600 = tpu.memref_slice %arg13[%dma_start3A_598, %dma_start3A_599] : memref<10000x128xf32, #tpu.memory_space<vmem_shared>> -> memref<10000x128xf32, #tpu.memory_space<vmem_shared>>
        tpu.enqueue_indirect_dma source(%arg12 : memref<80x128xf32, #tpu.memory_space<vmem>>) target(%dma_start3A_600 : memref<10000x128xf32, #tpu.memory_space<vmem_shared>>) offsets(%dma_start3A_597 : memref<80xi32, #tpu.memory_space<vmem>>) semaphore(%run_scoped3A_594 : memref<!tpu.dma_semaphore, #tpu.memory_space<semaphore_mem>>) {add = true}
        %dma_wait3A_601 = arith.constant 0 : i32
        %dma_wait3A_602 = tpu.memref_slice %arg8[%run_scoped3A_449, %dma_wait3A_601] : memref<25x80xi32, #tpu.memory_space<vmem>> -> memref<1x80xi32, #tpu.memory_space<vmem>>
        %dma_wait3A_603 = tpu.memref_squeeze %dma_wait3A_602 : memref<1x80xi32, #tpu.memory_space<vmem>> -> memref<80xi32, #tpu.memory_space<vmem>>
        %dma_wait3A_604 = arith.constant 0 : i32
        %dma_wait3A_605 = arith.constant 0 : i32
        %dma_wait3A_606 = tpu.memref_slice %arg13[%dma_wait3A_604, %dma_wait3A_605] : memref<10000x128xf32, #tpu.memory_space<vmem_shared>> -> memref<10000x128xf32, #tpu.memory_space<vmem_shared>>
        tpu.wait_indirect_dma semaphore(%run_scoped3A_594 : memref<!tpu.dma_semaphore, #tpu.memory_space<semaphore_mem>>) src(%arg12 : memref<80x128xf32, #tpu.memory_space<vmem>>) dst(%dma_wait3A_606 : memref<10000x128xf32, #tpu.memory_space<vmem_shared>>)
        tpu.yield
      }) : () -> ()
      %dma_wait3A_450 = arith.constant 0 : i32
      %dma_wait3A_451 = arith.constant 0 : i32
      %dma_wait3A_452 = tpu.memref_slice %arg7[%dma_wait3A_450, %dma_wait3A_451] : memref<25x80xi32, #tpu.memory_space<vmem>> -> memref<1x80xi32, #tpu.memory_space<vmem>>
      %dma_wait3A_453 = tpu.memref_squeeze %dma_wait3A_452 : memref<1x80xi32, #tpu.memory_space<vmem>> -> memref<80xi32, #tpu.memory_space<vmem>>
      %dma_wait3A_454 = arith.constant 0 : i32
      %dma_wait3A_455 = tpu.memref_slice %arg2[%mul3A_53, %dma_wait3A_454] : memref<20000x128xf32, #tpu.memory_space<hbm>> -> memref<10000x128xf32, #tpu.memory_space<hbm>>
      %dma_wait3A_456 = arith.constant 0 : i32
      %dma_wait3A_457 = arith.constant 0 : i32
      %dma_wait3A_458 = tpu.memref_slice %dma_wait3A_455[%dma_wait3A_456, %dma_wait3A_457] : memref<10000x128xf32, #tpu.memory_space<hbm>> -> memref<10000x128xf32, #tpu.memory_space<hbm>>
      tpu.wait_indirect_dma semaphore(%arg14 : memref<!tpu.dma_semaphore, #tpu.memory_space<semaphore_mem>>) src(%dma_wait3A_458 : memref<10000x128xf32, #tpu.memory_space<hbm>>) dst(%arg9 : memref<80x128xf32, #tpu.memory_space<vmem>>)
      %dma_start3A_459 = arith.constant 19 : i32
      %dma_start3A_460 = arith.constant 0 : i32
      %dma_start3A_461 = tpu.memref_slice %arg7[%dma_start3A_459, %dma_start3A_460] : memref<25x80xi32, #tpu.memory_space<vmem>> -> memref<1x80xi32, #tpu.memory_space<vmem>>
      %dma_start3A_462 = tpu.memref_squeeze %dma_start3A_461 : memref<1x80xi32, #tpu.memory_space<vmem>> -> memref<80xi32, #tpu.memory_space<vmem>>
      %dma_start3A_463 = arith.constant 0 : i32
      %dma_start3A_464 = tpu.memref_slice %arg2[%mul3A_53, %dma_start3A_463] : memref<20000x128xf32, #tpu.memory_space<hbm>> -> memref<10000x128xf32, #tpu.memory_space<hbm>>
      %dma_start3A_465 = arith.constant 0 : i32
      %dma_start3A_466 = arith.constant 0 : i32
      %dma_start3A_467 = tpu.memref_slice %dma_start3A_464[%dma_start3A_465, %dma_start3A_466] : memref<10000x128xf32, #tpu.memory_space<hbm>> -> memref<10000x128xf32, #tpu.memory_space<hbm>>
      tpu.enqueue_indirect_dma source(%dma_start3A_467 : memref<10000x128xf32, #tpu.memory_space<hbm>>) target(%arg12 : memref<80x128xf32, #tpu.memory_space<vmem>>) offsets(%dma_start3A_462 : memref<80xi32, #tpu.memory_space<vmem>>) semaphore(%arg17 : memref<!tpu.dma_semaphore, #tpu.memory_space<semaphore_mem>>)
      %run_scoped3A_468 = arith.constant 16 : i32
      "tpu.region"() ({
        %run_scoped3A_594 = tpu.sem_alloc : memref<!tpu.dma_semaphore, #tpu.memory_space<semaphore_mem>>
        %dma_start3A_595 = arith.constant 0 : i32
        %dma_start3A_596 = tpu.memref_slice %arg8[%run_scoped3A_468, %dma_start3A_595] : memref<25x80xi32, #tpu.memory_space<vmem>> -> memref<1x80xi32, #tpu.memory_space<vmem>>
        %dma_start3A_597 = tpu.memref_squeeze %dma_start3A_596 : memref<1x80xi32, #tpu.memory_space<vmem>> -> memref<80xi32, #tpu.memory_space<vmem>>
        %dma_start3A_598 = arith.constant 0 : i32
        %dma_start3A_599 = arith.constant 0 : i32
        %dma_start3A_600 = tpu.memref_slice %arg13[%dma_start3A_598, %dma_start3A_599] : memref<10000x128xf32, #tpu.memory_space<vmem_shared>> -> memref<10000x128xf32, #tpu.memory_space<vmem_shared>>
        tpu.enqueue_indirect_dma source(%arg9 : memref<80x128xf32, #tpu.memory_space<vmem>>) target(%dma_start3A_600 : memref<10000x128xf32, #tpu.memory_space<vmem_shared>>) offsets(%dma_start3A_597 : memref<80xi32, #tpu.memory_space<vmem>>) semaphore(%run_scoped3A_594 : memref<!tpu.dma_semaphore, #tpu.memory_space<semaphore_mem>>) {add = true}
        %dma_wait3A_601 = arith.constant 0 : i32
        %dma_wait3A_602 = tpu.memref_slice %arg8[%run_scoped3A_468, %dma_wait3A_601] : memref<25x80xi32, #tpu.memory_space<vmem>> -> memref<1x80xi32, #tpu.memory_space<vmem>>
        %dma_wait3A_603 = tpu.memref_squeeze %dma_wait3A_602 : memref<1x80xi32, #tpu.memory_space<vmem>> -> memref<80xi32, #tpu.memory_space<vmem>>
        %dma_wait3A_604 = arith.constant 0 : i32
        %dma_wait3A_605 = arith.constant 0 : i32
        %dma_wait3A_606 = tpu.memref_slice %arg13[%dma_wait3A_604, %dma_wait3A_605] : memref<10000x128xf32, #tpu.memory_space<vmem_shared>> -> memref<10000x128xf32, #tpu.memory_space<vmem_shared>>
        tpu.wait_indirect_dma semaphore(%run_scoped3A_594 : memref<!tpu.dma_semaphore, #tpu.memory_space<semaphore_mem>>) src(%arg9 : memref<80x128xf32, #tpu.memory_space<vmem>>) dst(%dma_wait3A_606 : memref<10000x128xf32, #tpu.memory_space<vmem_shared>>)
        tpu.yield
      }) : () -> ()
      %dma_wait3A_469 = arith.constant 0 : i32
      %dma_wait3A_470 = arith.constant 0 : i32
      %dma_wait3A_471 = tpu.memref_slice %arg7[%dma_wait3A_469, %dma_wait3A_470] : memref<25x80xi32, #tpu.memory_space<vmem>> -> memref<1x80xi32, #tpu.memory_space<vmem>>
      %dma_wait3A_472 = tpu.memref_squeeze %dma_wait3A_471 : memref<1x80xi32, #tpu.memory_space<vmem>> -> memref<80xi32, #tpu.memory_space<vmem>>
      %dma_wait3A_473 = arith.constant 0 : i32
      %dma_wait3A_474 = tpu.memref_slice %arg2[%mul3A_53, %dma_wait3A_473] : memref<20000x128xf32, #tpu.memory_space<hbm>> -> memref<10000x128xf32, #tpu.memory_space<hbm>>
      %dma_wait3A_475 = arith.constant 0 : i32
      %dma_wait3A_476 = arith.constant 0 : i32
      %dma_wait3A_477 = tpu.memref_slice %dma_wait3A_474[%dma_wait3A_475, %dma_wait3A_476] : memref<10000x128xf32, #tpu.memory_space<hbm>> -> memref<10000x128xf32, #tpu.memory_space<hbm>>
      tpu.wait_indirect_dma semaphore(%arg15 : memref<!tpu.dma_semaphore, #tpu.memory_space<semaphore_mem>>) src(%dma_wait3A_477 : memref<10000x128xf32, #tpu.memory_space<hbm>>) dst(%arg10 : memref<80x128xf32, #tpu.memory_space<vmem>>)
      %dma_start3A_478 = arith.constant 20 : i32
      %dma_start3A_479 = arith.constant 0 : i32
      %dma_start3A_480 = tpu.memref_slice %arg7[%dma_start3A_478, %dma_start3A_479] : memref<25x80xi32, #tpu.memory_space<vmem>> -> memref<1x80xi32, #tpu.memory_space<vmem>>
      %dma_start3A_481 = tpu.memref_squeeze %dma_start3A_480 : memref<1x80xi32, #tpu.memory_space<vmem>> -> memref<80xi32, #tpu.memory_space<vmem>>
      %dma_start3A_482 = arith.constant 0 : i32
      %dma_start3A_483 = tpu.memref_slice %arg2[%mul3A_53, %dma_start3A_482] : memref<20000x128xf32, #tpu.memory_space<hbm>> -> memref<10000x128xf32, #tpu.memory_space<hbm>>
      %dma_start3A_484 = arith.constant 0 : i32
      %dma_start3A_485 = arith.constant 0 : i32
      %dma_start3A_486 = tpu.memref_slice %dma_start3A_483[%dma_start3A_484, %dma_start3A_485] : memref<10000x128xf32, #tpu.memory_space<hbm>> -> memref<10000x128xf32, #tpu.memory_space<hbm>>
      tpu.enqueue_indirect_dma source(%dma_start3A_486 : memref<10000x128xf32, #tpu.memory_space<hbm>>) target(%arg9 : memref<80x128xf32, #tpu.memory_space<vmem>>) offsets(%dma_start3A_481 : memref<80xi32, #tpu.memory_space<vmem>>) semaphore(%arg14 : memref<!tpu.dma_semaphore, #tpu.memory_space<semaphore_mem>>)
      %run_scoped3A_487 = arith.constant 17 : i32
      "tpu.region"() ({
        %run_scoped3A_594 = tpu.sem_alloc : memref<!tpu.dma_semaphore, #tpu.memory_space<semaphore_mem>>
        %dma_start3A_595 = arith.constant 0 : i32
        %dma_start3A_596 = tpu.memref_slice %arg8[%run_scoped3A_487, %dma_start3A_595] : memref<25x80xi32, #tpu.memory_space<vmem>> -> memref<1x80xi32, #tpu.memory_space<vmem>>
        %dma_start3A_597 = tpu.memref_squeeze %dma_start3A_596 : memref<1x80xi32, #tpu.memory_space<vmem>> -> memref<80xi32, #tpu.memory_space<vmem>>
        %dma_start3A_598 = arith.constant 0 : i32
        %dma_start3A_599 = arith.constant 0 : i32
        %dma_start3A_600 = tpu.memref_slice %arg13[%dma_start3A_598, %dma_start3A_599] : memref<10000x128xf32, #tpu.memory_space<vmem_shared>> -> memref<10000x128xf32, #tpu.memory_space<vmem_shared>>
        tpu.enqueue_indirect_dma source(%arg10 : memref<80x128xf32, #tpu.memory_space<vmem>>) target(%dma_start3A_600 : memref<10000x128xf32, #tpu.memory_space<vmem_shared>>) offsets(%dma_start3A_597 : memref<80xi32, #tpu.memory_space<vmem>>) semaphore(%run_scoped3A_594 : memref<!tpu.dma_semaphore, #tpu.memory_space<semaphore_mem>>) {add = true}
        %dma_wait3A_601 = arith.constant 0 : i32
        %dma_wait3A_602 = tpu.memref_slice %arg8[%run_scoped3A_487, %dma_wait3A_601] : memref<25x80xi32, #tpu.memory_space<vmem>> -> memref<1x80xi32, #tpu.memory_space<vmem>>
        %dma_wait3A_603 = tpu.memref_squeeze %dma_wait3A_602 : memref<1x80xi32, #tpu.memory_space<vmem>> -> memref<80xi32, #tpu.memory_space<vmem>>
        %dma_wait3A_604 = arith.constant 0 : i32
        %dma_wait3A_605 = arith.constant 0 : i32
        %dma_wait3A_606 = tpu.memref_slice %arg13[%dma_wait3A_604, %dma_wait3A_605] : memref<10000x128xf32, #tpu.memory_space<vmem_shared>> -> memref<10000x128xf32, #tpu.memory_space<vmem_shared>>
        tpu.wait_indirect_dma semaphore(%run_scoped3A_594 : memref<!tpu.dma_semaphore, #tpu.memory_space<semaphore_mem>>) src(%arg10 : memref<80x128xf32, #tpu.memory_space<vmem>>) dst(%dma_wait3A_606 : memref<10000x128xf32, #tpu.memory_space<vmem_shared>>)
        tpu.yield
      }) : () -> ()
      %dma_wait3A_488 = arith.constant 0 : i32
      %dma_wait3A_489 = arith.constant 0 : i32
      %dma_wait3A_490 = tpu.memref_slice %arg7[%dma_wait3A_488, %dma_wait3A_489] : memref<25x80xi32, #tpu.memory_space<vmem>> -> memref<1x80xi32, #tpu.memory_space<vmem>>
      %dma_wait3A_491 = tpu.memref_squeeze %dma_wait3A_490 : memref<1x80xi32, #tpu.memory_space<vmem>> -> memref<80xi32, #tpu.memory_space<vmem>>
      %dma_wait3A_492 = arith.constant 0 : i32
      %dma_wait3A_493 = tpu.memref_slice %arg2[%mul3A_53, %dma_wait3A_492] : memref<20000x128xf32, #tpu.memory_space<hbm>> -> memref<10000x128xf32, #tpu.memory_space<hbm>>
      %dma_wait3A_494 = arith.constant 0 : i32
      %dma_wait3A_495 = arith.constant 0 : i32
      %dma_wait3A_496 = tpu.memref_slice %dma_wait3A_493[%dma_wait3A_494, %dma_wait3A_495] : memref<10000x128xf32, #tpu.memory_space<hbm>> -> memref<10000x128xf32, #tpu.memory_space<hbm>>
      tpu.wait_indirect_dma semaphore(%arg16 : memref<!tpu.dma_semaphore, #tpu.memory_space<semaphore_mem>>) src(%dma_wait3A_496 : memref<10000x128xf32, #tpu.memory_space<hbm>>) dst(%arg11 : memref<80x128xf32, #tpu.memory_space<vmem>>)
      %dma_start3A_497 = arith.constant 21 : i32
      %dma_start3A_498 = arith.constant 0 : i32
      %dma_start3A_499 = tpu.memref_slice %arg7[%dma_start3A_497, %dma_start3A_498] : memref<25x80xi32, #tpu.memory_space<vmem>> -> memref<1x80xi32, #tpu.memory_space<vmem>>
      %dma_start3A_500 = tpu.memref_squeeze %dma_start3A_499 : memref<1x80xi32, #tpu.memory_space<vmem>> -> memref<80xi32, #tpu.memory_space<vmem>>
      %dma_start3A_501 = arith.constant 0 : i32
      %dma_start3A_502 = tpu.memref_slice %arg2[%mul3A_53, %dma_start3A_501] : memref<20000x128xf32, #tpu.memory_space<hbm>> -> memref<10000x128xf32, #tpu.memory_space<hbm>>
      %dma_start3A_503 = arith.constant 0 : i32
      %dma_start3A_504 = arith.constant 0 : i32
      %dma_start3A_505 = tpu.memref_slice %dma_start3A_502[%dma_start3A_503, %dma_start3A_504] : memref<10000x128xf32, #tpu.memory_space<hbm>> -> memref<10000x128xf32, #tpu.memory_space<hbm>>
      tpu.enqueue_indirect_dma source(%dma_start3A_505 : memref<10000x128xf32, #tpu.memory_space<hbm>>) target(%arg10 : memref<80x128xf32, #tpu.memory_space<vmem>>) offsets(%dma_start3A_500 : memref<80xi32, #tpu.memory_space<vmem>>) semaphore(%arg15 : memref<!tpu.dma_semaphore, #tpu.memory_space<semaphore_mem>>)
      %run_scoped3A_506 = arith.constant 18 : i32
      "tpu.region"() ({
        %run_scoped3A_594 = tpu.sem_alloc : memref<!tpu.dma_semaphore, #tpu.memory_space<semaphore_mem>>
        %dma_start3A_595 = arith.constant 0 : i32
        %dma_start3A_596 = tpu.memref_slice %arg8[%run_scoped3A_506, %dma_start3A_595] : memref<25x80xi32, #tpu.memory_space<vmem>> -> memref<1x80xi32, #tpu.memory_space<vmem>>
        %dma_start3A_597 = tpu.memref_squeeze %dma_start3A_596 : memref<1x80xi32, #tpu.memory_space<vmem>> -> memref<80xi32, #tpu.memory_space<vmem>>
        %dma_start3A_598 = arith.constant 0 : i32
        %dma_start3A_599 = arith.constant 0 : i32
        %dma_start3A_600 = tpu.memref_slice %arg13[%dma_start3A_598, %dma_start3A_599] : memref<10000x128xf32, #tpu.memory_space<vmem_shared>> -> memref<10000x128xf32, #tpu.memory_space<vmem_shared>>
        tpu.enqueue_indirect_dma source(%arg11 : memref<80x128xf32, #tpu.memory_space<vmem>>) target(%dma_start3A_600 : memref<10000x128xf32, #tpu.memory_space<vmem_shared>>) offsets(%dma_start3A_597 : memref<80xi32, #tpu.memory_space<vmem>>) semaphore(%run_scoped3A_594 : memref<!tpu.dma_semaphore, #tpu.memory_space<semaphore_mem>>) {add = true}
        %dma_wait3A_601 = arith.constant 0 : i32
        %dma_wait3A_602 = tpu.memref_slice %arg8[%run_scoped3A_506, %dma_wait3A_601] : memref<25x80xi32, #tpu.memory_space<vmem>> -> memref<1x80xi32, #tpu.memory_space<vmem>>
        %dma_wait3A_603 = tpu.memref_squeeze %dma_wait3A_602 : memref<1x80xi32, #tpu.memory_space<vmem>> -> memref<80xi32, #tpu.memory_space<vmem>>
        %dma_wait3A_604 = arith.constant 0 : i32
        %dma_wait3A_605 = arith.constant 0 : i32
        %dma_wait3A_606 = tpu.memref_slice %arg13[%dma_wait3A_604, %dma_wait3A_605] : memref<10000x128xf32, #tpu.memory_space<vmem_shared>> -> memref<10000x128xf32, #tpu.memory_space<vmem_shared>>
        tpu.wait_indirect_dma semaphore(%run_scoped3A_594 : memref<!tpu.dma_semaphore, #tpu.memory_space<semaphore_mem>>) src(%arg11 : memref<80x128xf32, #tpu.memory_space<vmem>>) dst(%dma_wait3A_606 : memref<10000x128xf32, #tpu.memory_space<vmem_shared>>)
        tpu.yield
      }) : () -> ()
      %dma_wait3A_507 = arith.constant 0 : i32
      %dma_wait3A_508 = arith.constant 0 : i32
      %dma_wait3A_509 = tpu.memref_slice %arg7[%dma_wait3A_507, %dma_wait3A_508] : memref<25x80xi32, #tpu.memory_space<vmem>> -> memref<1x80xi32, #tpu.memory_space<vmem>>
      %dma_wait3A_510 = tpu.memref_squeeze %dma_wait3A_509 : memref<1x80xi32, #tpu.memory_space<vmem>> -> memref<80xi32, #tpu.memory_space<vmem>>
      %dma_wait3A_511 = arith.constant 0 : i32
      %dma_wait3A_512 = tpu.memref_slice %arg2[%mul3A_53, %dma_wait3A_511] : memref<20000x128xf32, #tpu.memory_space<hbm>> -> memref<10000x128xf32, #tpu.memory_space<hbm>>
      %dma_wait3A_513 = arith.constant 0 : i32
      %dma_wait3A_514 = arith.constant 0 : i32
      %dma_wait3A_515 = tpu.memref_slice %dma_wait3A_512[%dma_wait3A_513, %dma_wait3A_514] : memref<10000x128xf32, #tpu.memory_space<hbm>> -> memref<10000x128xf32, #tpu.memory_space<hbm>>
      tpu.wait_indirect_dma semaphore(%arg17 : memref<!tpu.dma_semaphore, #tpu.memory_space<semaphore_mem>>) src(%dma_wait3A_515 : memref<10000x128xf32, #tpu.memory_space<hbm>>) dst(%arg12 : memref<80x128xf32, #tpu.memory_space<vmem>>)
      %dma_start3A_516 = arith.constant 22 : i32
      %dma_start3A_517 = arith.constant 0 : i32
      %dma_start3A_518 = tpu.memref_slice %arg7[%dma_start3A_516, %dma_start3A_517] : memref<25x80xi32, #tpu.memory_space<vmem>> -> memref<1x80xi32, #tpu.memory_space<vmem>>
      %dma_start3A_519 = tpu.memref_squeeze %dma_start3A_518 : memref<1x80xi32, #tpu.memory_space<vmem>> -> memref<80xi32, #tpu.memory_space<vmem>>
      %dma_start3A_520 = arith.constant 0 : i32
      %dma_start3A_521 = tpu.memref_slice %arg2[%mul3A_53, %dma_start3A_520] : memref<20000x128xf32, #tpu.memory_space<hbm>> -> memref<10000x128xf32, #tpu.memory_space<hbm>>
      %dma_start3A_522 = arith.constant 0 : i32
      %dma_start3A_523 = arith.constant 0 : i32
      %dma_start3A_524 = tpu.memref_slice %dma_start3A_521[%dma_start3A_522, %dma_start3A_523] : memref<10000x128xf32, #tpu.memory_space<hbm>> -> memref<10000x128xf32, #tpu.memory_space<hbm>>
      tpu.enqueue_indirect_dma source(%dma_start3A_524 : memref<10000x128xf32, #tpu.memory_space<hbm>>) target(%arg11 : memref<80x128xf32, #tpu.memory_space<vmem>>) offsets(%dma_start3A_519 : memref<80xi32, #tpu.memory_space<vmem>>) semaphore(%arg16 : memref<!tpu.dma_semaphore, #tpu.memory_space<semaphore_mem>>)
      %run_scoped3A_525 = arith.constant 19 : i32
      "tpu.region"() ({
        %run_scoped3A_594 = tpu.sem_alloc : memref<!tpu.dma_semaphore, #tpu.memory_space<semaphore_mem>>
        %dma_start3A_595 = arith.constant 0 : i32
        %dma_start3A_596 = tpu.memref_slice %arg8[%run_scoped3A_525, %dma_start3A_595] : memref<25x80xi32, #tpu.memory_space<vmem>> -> memref<1x80xi32, #tpu.memory_space<vmem>>
        %dma_start3A_597 = tpu.memref_squeeze %dma_start3A_596 : memref<1x80xi32, #tpu.memory_space<vmem>> -> memref<80xi32, #tpu.memory_space<vmem>>
        %dma_start3A_598 = arith.constant 0 : i32
        %dma_start3A_599 = arith.constant 0 : i32
        %dma_start3A_600 = tpu.memref_slice %arg13[%dma_start3A_598, %dma_start3A_599] : memref<10000x128xf32, #tpu.memory_space<vmem_shared>> -> memref<10000x128xf32, #tpu.memory_space<vmem_shared>>
        tpu.enqueue_indirect_dma source(%arg12 : memref<80x128xf32, #tpu.memory_space<vmem>>) target(%dma_start3A_600 : memref<10000x128xf32, #tpu.memory_space<vmem_shared>>) offsets(%dma_start3A_597 : memref<80xi32, #tpu.memory_space<vmem>>) semaphore(%run_scoped3A_594 : memref<!tpu.dma_semaphore, #tpu.memory_space<semaphore_mem>>) {add = true}
        %dma_wait3A_601 = arith.constant 0 : i32
        %dma_wait3A_602 = tpu.memref_slice %arg8[%run_scoped3A_525, %dma_wait3A_601] : memref<25x80xi32, #tpu.memory_space<vmem>> -> memref<1x80xi32, #tpu.memory_space<vmem>>
        %dma_wait3A_603 = tpu.memref_squeeze %dma_wait3A_602 : memref<1x80xi32, #tpu.memory_space<vmem>> -> memref<80xi32, #tpu.memory_space<vmem>>
        %dma_wait3A_604 = arith.constant 0 : i32
        %dma_wait3A_605 = arith.constant 0 : i32
        %dma_wait3A_606 = tpu.memref_slice %arg13[%dma_wait3A_604, %dma_wait3A_605] : memref<10000x128xf32, #tpu.memory_space<vmem_shared>> -> memref<10000x128xf32, #tpu.memory_space<vmem_shared>>
        tpu.wait_indirect_dma semaphore(%run_scoped3A_594 : memref<!tpu.dma_semaphore, #tpu.memory_space<semaphore_mem>>) src(%arg12 : memref<80x128xf32, #tpu.memory_space<vmem>>) dst(%dma_wait3A_606 : memref<10000x128xf32, #tpu.memory_space<vmem_shared>>)
        tpu.yield
      }) : () -> ()
      %dma_wait3A_526 = arith.constant 0 : i32
      %dma_wait3A_527 = arith.constant 0 : i32
      %dma_wait3A_528 = tpu.memref_slice %arg7[%dma_wait3A_526, %dma_wait3A_527] : memref<25x80xi32, #tpu.memory_space<vmem>> -> memref<1x80xi32, #tpu.memory_space<vmem>>
      %dma_wait3A_529 = tpu.memref_squeeze %dma_wait3A_528 : memref<1x80xi32, #tpu.memory_space<vmem>> -> memref<80xi32, #tpu.memory_space<vmem>>
      %dma_wait3A_530 = arith.constant 0 : i32
      %dma_wait3A_531 = tpu.memref_slice %arg2[%mul3A_53, %dma_wait3A_530] : memref<20000x128xf32, #tpu.memory_space<hbm>> -> memref<10000x128xf32, #tpu.memory_space<hbm>>
      %dma_wait3A_532 = arith.constant 0 : i32
      %dma_wait3A_533 = arith.constant 0 : i32
      %dma_wait3A_534 = tpu.memref_slice %dma_wait3A_531[%dma_wait3A_532, %dma_wait3A_533] : memref<10000x128xf32, #tpu.memory_space<hbm>> -> memref<10000x128xf32, #tpu.memory_space<hbm>>
      tpu.wait_indirect_dma semaphore(%arg14 : memref<!tpu.dma_semaphore, #tpu.memory_space<semaphore_mem>>) src(%dma_wait3A_534 : memref<10000x128xf32, #tpu.memory_space<hbm>>) dst(%arg9 : memref<80x128xf32, #tpu.memory_space<vmem>>)
      %dma_start3A_535 = arith.constant 23 : i32
      %dma_start3A_536 = arith.constant 0 : i32
      %dma_start3A_537 = tpu.memref_slice %arg7[%dma_start3A_535, %dma_start3A_536] : memref<25x80xi32, #tpu.memory_space<vmem>> -> memref<1x80xi32, #tpu.memory_space<vmem>>
      %dma_start3A_538 = tpu.memref_squeeze %dma_start3A_537 : memref<1x80xi32, #tpu.memory_space<vmem>> -> memref<80xi32, #tpu.memory_space<vmem>>
      %dma_start3A_539 = arith.constant 0 : i32
      %dma_start3A_540 = tpu.memref_slice %arg2[%mul3A_53, %dma_start3A_539] : memref<20000x128xf32, #tpu.memory_space<hbm>> -> memref<10000x128xf32, #tpu.memory_space<hbm>>
      %dma_start3A_541 = arith.constant 0 : i32
      %dma_start3A_542 = arith.constant 0 : i32
      %dma_start3A_543 = tpu.memref_slice %dma_start3A_540[%dma_start3A_541, %dma_start3A_542] : memref<10000x128xf32, #tpu.memory_space<hbm>> -> memref<10000x128xf32, #tpu.memory_space<hbm>>
      tpu.enqueue_indirect_dma source(%dma_start3A_543 : memref<10000x128xf32, #tpu.memory_space<hbm>>) target(%arg12 : memref<80x128xf32, #tpu.memory_space<vmem>>) offsets(%dma_start3A_538 : memref<80xi32, #tpu.memory_space<vmem>>) semaphore(%arg17 : memref<!tpu.dma_semaphore, #tpu.memory_space<semaphore_mem>>)
      %run_scoped3A_544 = arith.constant 20 : i32
      "tpu.region"() ({
        %run_scoped3A_594 = tpu.sem_alloc : memref<!tpu.dma_semaphore, #tpu.memory_space<semaphore_mem>>
        %dma_start3A_595 = arith.constant 0 : i32
        %dma_start3A_596 = tpu.memref_slice %arg8[%run_scoped3A_544, %dma_start3A_595] : memref<25x80xi32, #tpu.memory_space<vmem>> -> memref<1x80xi32, #tpu.memory_space<vmem>>
        %dma_start3A_597 = tpu.memref_squeeze %dma_start3A_596 : memref<1x80xi32, #tpu.memory_space<vmem>> -> memref<80xi32, #tpu.memory_space<vmem>>
        %dma_start3A_598 = arith.constant 0 : i32
        %dma_start3A_599 = arith.constant 0 : i32
        %dma_start3A_600 = tpu.memref_slice %arg13[%dma_start3A_598, %dma_start3A_599] : memref<10000x128xf32, #tpu.memory_space<vmem_shared>> -> memref<10000x128xf32, #tpu.memory_space<vmem_shared>>
        tpu.enqueue_indirect_dma source(%arg9 : memref<80x128xf32, #tpu.memory_space<vmem>>) target(%dma_start3A_600 : memref<10000x128xf32, #tpu.memory_space<vmem_shared>>) offsets(%dma_start3A_597 : memref<80xi32, #tpu.memory_space<vmem>>) semaphore(%run_scoped3A_594 : memref<!tpu.dma_semaphore, #tpu.memory_space<semaphore_mem>>) {add = true}
        %dma_wait3A_601 = arith.constant 0 : i32
        %dma_wait3A_602 = tpu.memref_slice %arg8[%run_scoped3A_544, %dma_wait3A_601] : memref<25x80xi32, #tpu.memory_space<vmem>> -> memref<1x80xi32, #tpu.memory_space<vmem>>
        %dma_wait3A_603 = tpu.memref_squeeze %dma_wait3A_602 : memref<1x80xi32, #tpu.memory_space<vmem>> -> memref<80xi32, #tpu.memory_space<vmem>>
        %dma_wait3A_604 = arith.constant 0 : i32
        %dma_wait3A_605 = arith.constant 0 : i32
        %dma_wait3A_606 = tpu.memref_slice %arg13[%dma_wait3A_604, %dma_wait3A_605] : memref<10000x128xf32, #tpu.memory_space<vmem_shared>> -> memref<10000x128xf32, #tpu.memory_space<vmem_shared>>
        tpu.wait_indirect_dma semaphore(%run_scoped3A_594 : memref<!tpu.dma_semaphore, #tpu.memory_space<semaphore_mem>>) src(%arg9 : memref<80x128xf32, #tpu.memory_space<vmem>>) dst(%dma_wait3A_606 : memref<10000x128xf32, #tpu.memory_space<vmem_shared>>)
        tpu.yield
      }) : () -> ()
      %dma_wait3A_545 = arith.constant 0 : i32
      %dma_wait3A_546 = arith.constant 0 : i32
      %dma_wait3A_547 = tpu.memref_slice %arg7[%dma_wait3A_545, %dma_wait3A_546] : memref<25x80xi32, #tpu.memory_space<vmem>> -> memref<1x80xi32, #tpu.memory_space<vmem>>
      %dma_wait3A_548 = tpu.memref_squeeze %dma_wait3A_547 : memref<1x80xi32, #tpu.memory_space<vmem>> -> memref<80xi32, #tpu.memory_space<vmem>>
      %dma_wait3A_549 = arith.constant 0 : i32
      %dma_wait3A_550 = tpu.memref_slice %arg2[%mul3A_53, %dma_wait3A_549] : memref<20000x128xf32, #tpu.memory_space<hbm>> -> memref<10000x128xf32, #tpu.memory_space<hbm>>
      %dma_wait3A_551 = arith.constant 0 : i32
      %dma_wait3A_552 = arith.constant 0 : i32
      %dma_wait3A_553 = tpu.memref_slice %dma_wait3A_550[%dma_wait3A_551, %dma_wait3A_552] : memref<10000x128xf32, #tpu.memory_space<hbm>> -> memref<10000x128xf32, #tpu.memory_space<hbm>>
      tpu.wait_indirect_dma semaphore(%arg15 : memref<!tpu.dma_semaphore, #tpu.memory_space<semaphore_mem>>) src(%dma_wait3A_553 : memref<10000x128xf32, #tpu.memory_space<hbm>>) dst(%arg10 : memref<80x128xf32, #tpu.memory_space<vmem>>)
      %dma_start3A_554 = arith.constant 24 : i32
      %dma_start3A_555 = arith.constant 0 : i32
      %dma_start3A_556 = tpu.memref_slice %arg7[%dma_start3A_554, %dma_start3A_555] : memref<25x80xi32, #tpu.memory_space<vmem>> -> memref<1x80xi32, #tpu.memory_space<vmem>>
      %dma_start3A_557 = tpu.memref_squeeze %dma_start3A_556 : memref<1x80xi32, #tpu.memory_space<vmem>> -> memref<80xi32, #tpu.memory_space<vmem>>
      %dma_start3A_558 = arith.constant 0 : i32
      %dma_start3A_559 = tpu.memref_slice %arg2[%mul3A_53, %dma_start3A_558] : memref<20000x128xf32, #tpu.memory_space<hbm>> -> memref<10000x128xf32, #tpu.memory_space<hbm>>
      %dma_start3A_560 = arith.constant 0 : i32
      %dma_start3A_561 = arith.constant 0 : i32
      %dma_start3A_562 = tpu.memref_slice %dma_start3A_559[%dma_start3A_560, %dma_start3A_561] : memref<10000x128xf32, #tpu.memory_space<hbm>> -> memref<10000x128xf32, #tpu.memory_space<hbm>>
      tpu.enqueue_indirect_dma source(%dma_start3A_562 : memref<10000x128xf32, #tpu.memory_space<hbm>>) target(%arg9 : memref<80x128xf32, #tpu.memory_space<vmem>>) offsets(%dma_start3A_557 : memref<80xi32, #tpu.memory_space<vmem>>) semaphore(%arg14 : memref<!tpu.dma_semaphore, #tpu.memory_space<semaphore_mem>>)
      %run_scoped3A_563 = arith.constant 21 : i32
      "tpu.region"() ({
        %run_scoped3A_594 = tpu.sem_alloc : memref<!tpu.dma_semaphore, #tpu.memory_space<semaphore_mem>>
        %dma_start3A_595 = arith.constant 0 : i32
        %dma_start3A_596 = tpu.memref_slice %arg8[%run_scoped3A_563, %dma_start3A_595] : memref<25x80xi32, #tpu.memory_space<vmem>> -> memref<1x80xi32, #tpu.memory_space<vmem>>
        %dma_start3A_597 = tpu.memref_squeeze %dma_start3A_596 : memref<1x80xi32, #tpu.memory_space<vmem>> -> memref<80xi32, #tpu.memory_space<vmem>>
        %dma_start3A_598 = arith.constant 0 : i32
        %dma_start3A_599 = arith.constant 0 : i32
        %dma_start3A_600 = tpu.memref_slice %arg13[%dma_start3A_598, %dma_start3A_599] : memref<10000x128xf32, #tpu.memory_space<vmem_shared>> -> memref<10000x128xf32, #tpu.memory_space<vmem_shared>>
        tpu.enqueue_indirect_dma source(%arg10 : memref<80x128xf32, #tpu.memory_space<vmem>>) target(%dma_start3A_600 : memref<10000x128xf32, #tpu.memory_space<vmem_shared>>) offsets(%dma_start3A_597 : memref<80xi32, #tpu.memory_space<vmem>>) semaphore(%run_scoped3A_594 : memref<!tpu.dma_semaphore, #tpu.memory_space<semaphore_mem>>) {add = true}
        %dma_wait3A_601 = arith.constant 0 : i32
        %dma_wait3A_602 = tpu.memref_slice %arg8[%run_scoped3A_563, %dma_wait3A_601] : memref<25x80xi32, #tpu.memory_space<vmem>> -> memref<1x80xi32, #tpu.memory_space<vmem>>
        %dma_wait3A_603 = tpu.memref_squeeze %dma_wait3A_602 : memref<1x80xi32, #tpu.memory_space<vmem>> -> memref<80xi32, #tpu.memory_space<vmem>>
        %dma_wait3A_604 = arith.constant 0 : i32
        %dma_wait3A_605 = arith.constant 0 : i32
        %dma_wait3A_606 = tpu.memref_slice %arg13[%dma_wait3A_604, %dma_wait3A_605] : memref<10000x128xf32, #tpu.memory_space<vmem_shared>> -> memref<10000x128xf32, #tpu.memory_space<vmem_shared>>
        tpu.wait_indirect_dma semaphore(%run_scoped3A_594 : memref<!tpu.dma_semaphore, #tpu.memory_space<semaphore_mem>>) src(%arg10 : memref<80x128xf32, #tpu.memory_space<vmem>>) dst(%dma_wait3A_606 : memref<10000x128xf32, #tpu.memory_space<vmem_shared>>)
        tpu.yield
      }) : () -> ()
      %dma_wait3A_564 = arith.constant 0 : i32
      %dma_wait3A_565 = arith.constant 0 : i32
      %dma_wait3A_566 = tpu.memref_slice %arg7[%dma_wait3A_564, %dma_wait3A_565] : memref<25x80xi32, #tpu.memory_space<vmem>> -> memref<1x80xi32, #tpu.memory_space<vmem>>
      %dma_wait3A_567 = tpu.memref_squeeze %dma_wait3A_566 : memref<1x80xi32, #tpu.memory_space<vmem>> -> memref<80xi32, #tpu.memory_space<vmem>>
      %dma_wait3A_568 = arith.constant 0 : i32
      %dma_wait3A_569 = tpu.memref_slice %arg2[%mul3A_53, %dma_wait3A_568] : memref<20000x128xf32, #tpu.memory_space<hbm>> -> memref<10000x128xf32, #tpu.memory_space<hbm>>
      %dma_wait3A_570 = arith.constant 0 : i32
      %dma_wait3A_571 = arith.constant 0 : i32
      %dma_wait3A_572 = tpu.memref_slice %dma_wait3A_569[%dma_wait3A_570, %dma_wait3A_571] : memref<10000x128xf32, #tpu.memory_space<hbm>> -> memref<10000x128xf32, #tpu.memory_space<hbm>>
      tpu.wait_indirect_dma semaphore(%arg16 : memref<!tpu.dma_semaphore, #tpu.memory_space<semaphore_mem>>) src(%dma_wait3A_572 : memref<10000x128xf32, #tpu.memory_space<hbm>>) dst(%arg11 : memref<80x128xf32, #tpu.memory_space<vmem>>)
      %run_scoped3A_573 = arith.constant 22 : i32
      "tpu.region"() ({
        %run_scoped3A_594 = tpu.sem_alloc : memref<!tpu.dma_semaphore, #tpu.memory_space<semaphore_mem>>
        %dma_start3A_595 = arith.constant 0 : i32
        %dma_start3A_596 = tpu.memref_slice %arg8[%run_scoped3A_573, %dma_start3A_595] : memref<25x80xi32, #tpu.memory_space<vmem>> -> memref<1x80xi32, #tpu.memory_space<vmem>>
        %dma_start3A_597 = tpu.memref_squeeze %dma_start3A_596 : memref<1x80xi32, #tpu.memory_space<vmem>> -> memref<80xi32, #tpu.memory_space<vmem>>
        %dma_start3A_598 = arith.constant 0 : i32
        %dma_start3A_599 = arith.constant 0 : i32
        %dma_start3A_600 = tpu.memref_slice %arg13[%dma_start3A_598, %dma_start3A_599] : memref<10000x128xf32, #tpu.memory_space<vmem_shared>> -> memref<10000x128xf32, #tpu.memory_space<vmem_shared>>
        tpu.enqueue_indirect_dma source(%arg11 : memref<80x128xf32, #tpu.memory_space<vmem>>) target(%dma_start3A_600 : memref<10000x128xf32, #tpu.memory_space<vmem_shared>>) offsets(%dma_start3A_597 : memref<80xi32, #tpu.memory_space<vmem>>) semaphore(%run_scoped3A_594 : memref<!tpu.dma_semaphore, #tpu.memory_space<semaphore_mem>>) {add = true}
        %dma_wait3A_601 = arith.constant 0 : i32
        %dma_wait3A_602 = tpu.memref_slice %arg8[%run_scoped3A_573, %dma_wait3A_601] : memref<25x80xi32, #tpu.memory_space<vmem>> -> memref<1x80xi32, #tpu.memory_space<vmem>>
        %dma_wait3A_603 = tpu.memref_squeeze %dma_wait3A_602 : memref<1x80xi32, #tpu.memory_space<vmem>> -> memref<80xi32, #tpu.memory_space<vmem>>
        %dma_wait3A_604 = arith.constant 0 : i32
        %dma_wait3A_605 = arith.constant 0 : i32
        %dma_wait3A_606 = tpu.memref_slice %arg13[%dma_wait3A_604, %dma_wait3A_605] : memref<10000x128xf32, #tpu.memory_space<vmem_shared>> -> memref<10000x128xf32, #tpu.memory_space<vmem_shared>>
        tpu.wait_indirect_dma semaphore(%run_scoped3A_594 : memref<!tpu.dma_semaphore, #tpu.memory_space<semaphore_mem>>) src(%arg11 : memref<80x128xf32, #tpu.memory_space<vmem>>) dst(%dma_wait3A_606 : memref<10000x128xf32, #tpu.memory_space<vmem_shared>>)
        tpu.yield
      }) : () -> ()
      %dma_wait3A_574 = arith.constant 0 : i32
      %dma_wait3A_575 = arith.constant 0 : i32
      %dma_wait3A_576 = tpu.memref_slice %arg7[%dma_wait3A_574, %dma_wait3A_575] : memref<25x80xi32, #tpu.memory_space<vmem>> -> memref<1x80xi32, #tpu.memory_space<vmem>>
      %dma_wait3A_577 = tpu.memref_squeeze %dma_wait3A_576 : memref<1x80xi32, #tpu.memory_space<vmem>> -> memref<80xi32, #tpu.memory_space<vmem>>
      %dma_wait3A_578 = arith.constant 0 : i32
      %dma_wait3A_579 = tpu.memref_slice %arg2[%mul3A_53, %dma_wait3A_578] : memref<20000x128xf32, #tpu.memory_space<hbm>> -> memref<10000x128xf32, #tpu.memory_space<hbm>>
      %dma_wait3A_580 = arith.constant 0 : i32
      %dma_wait3A_581 = arith.constant 0 : i32
      %dma_wait3A_582 = tpu.memref_slice %dma_wait3A_579[%dma_wait3A_580, %dma_wait3A_581] : memref<10000x128xf32, #tpu.memory_space<hbm>> -> memref<10000x128xf32, #tpu.memory_space<hbm>>
      tpu.wait_indirect_dma semaphore(%arg17 : memref<!tpu.dma_semaphore, #tpu.memory_space<semaphore_mem>>) src(%dma_wait3A_582 : memref<10000x128xf32, #tpu.memory_space<hbm>>) dst(%arg12 : memref<80x128xf32, #tpu.memory_space<vmem>>)
      %run_scoped3A_583 = arith.constant 23 : i32
      "tpu.region"() ({
        %run_scoped3A_594 = tpu.sem_alloc : memref<!tpu.dma_semaphore, #tpu.memory_space<semaphore_mem>>
        %dma_start3A_595 = arith.constant 0 : i32
        %dma_start3A_596 = tpu.memref_slice %arg8[%run_scoped3A_583, %dma_start3A_595] : memref<25x80xi32, #tpu.memory_space<vmem>> -> memref<1x80xi32, #tpu.memory_space<vmem>>
        %dma_start3A_597 = tpu.memref_squeeze %dma_start3A_596 : memref<1x80xi32, #tpu.memory_space<vmem>> -> memref<80xi32, #tpu.memory_space<vmem>>
        %dma_start3A_598 = arith.constant 0 : i32
        %dma_start3A_599 = arith.constant 0 : i32
        %dma_start3A_600 = tpu.memref_slice %arg13[%dma_start3A_598, %dma_start3A_599] : memref<10000x128xf32, #tpu.memory_space<vmem_shared>> -> memref<10000x128xf32, #tpu.memory_space<vmem_shared>>
        tpu.enqueue_indirect_dma source(%arg12 : memref<80x128xf32, #tpu.memory_space<vmem>>) target(%dma_start3A_600 : memref<10000x128xf32, #tpu.memory_space<vmem_shared>>) offsets(%dma_start3A_597 : memref<80xi32, #tpu.memory_space<vmem>>) semaphore(%run_scoped3A_594 : memref<!tpu.dma_semaphore, #tpu.memory_space<semaphore_mem>>) {add = true}
        %dma_wait3A_601 = arith.constant 0 : i32
        %dma_wait3A_602 = tpu.memref_slice %arg8[%run_scoped3A_583, %dma_wait3A_601] : memref<25x80xi32, #tpu.memory_space<vmem>> -> memref<1x80xi32, #tpu.memory_space<vmem>>
        %dma_wait3A_603 = tpu.memref_squeeze %dma_wait3A_602 : memref<1x80xi32, #tpu.memory_space<vmem>> -> memref<80xi32, #tpu.memory_space<vmem>>
        %dma_wait3A_604 = arith.constant 0 : i32
        %dma_wait3A_605 = arith.constant 0 : i32
        %dma_wait3A_606 = tpu.memref_slice %arg13[%dma_wait3A_604, %dma_wait3A_605] : memref<10000x128xf32, #tpu.memory_space<vmem_shared>> -> memref<10000x128xf32, #tpu.memory_space<vmem_shared>>
        tpu.wait_indirect_dma semaphore(%run_scoped3A_594 : memref<!tpu.dma_semaphore, #tpu.memory_space<semaphore_mem>>) src(%arg12 : memref<80x128xf32, #tpu.memory_space<vmem>>) dst(%dma_wait3A_606 : memref<10000x128xf32, #tpu.memory_space<vmem_shared>>)
        tpu.yield
      }) : () -> ()
      %dma_wait3A_584 = arith.constant 0 : i32
      %dma_wait3A_585 = arith.constant 0 : i32
      %dma_wait3A_586 = tpu.memref_slice %arg7[%dma_wait3A_584, %dma_wait3A_585] : memref<25x80xi32, #tpu.memory_space<vmem>> -> memref<1x80xi32, #tpu.memory_space<vmem>>
      %dma_wait3A_587 = tpu.memref_squeeze %dma_wait3A_586 : memref<1x80xi32, #tpu.memory_space<vmem>> -> memref<80xi32, #tpu.memory_space<vmem>>
      %dma_wait3A_588 = arith.constant 0 : i32
      %dma_wait3A_589 = tpu.memref_slice %arg2[%mul3A_53, %dma_wait3A_588] : memref<20000x128xf32, #tpu.memory_space<hbm>> -> memref<10000x128xf32, #tpu.memory_space<hbm>>
      %dma_wait3A_590 = arith.constant 0 : i32
      %dma_wait3A_591 = arith.constant 0 : i32
      %dma_wait3A_592 = tpu.memref_slice %dma_wait3A_589[%dma_wait3A_590, %dma_wait3A_591] : memref<10000x128xf32, #tpu.memory_space<hbm>> -> memref<10000x128xf32, #tpu.memory_space<hbm>>
      tpu.wait_indirect_dma semaphore(%arg14 : memref<!tpu.dma_semaphore, #tpu.memory_space<semaphore_mem>>) src(%dma_wait3A_592 : memref<10000x128xf32, #tpu.memory_space<hbm>>) dst(%arg9 : memref<80x128xf32, #tpu.memory_space<vmem>>)
      %run_scoped3A_593 = arith.constant 24 : i32
      "tpu.region"() ({
        %run_scoped3A_594 = tpu.sem_alloc : memref<!tpu.dma_semaphore, #tpu.memory_space<semaphore_mem>>
        %dma_start3A_595 = arith.constant 0 : i32
        %dma_start3A_596 = tpu.memref_slice %arg8[%run_scoped3A_593, %dma_start3A_595] : memref<25x80xi32, #tpu.memory_space<vmem>> -> memref<1x80xi32, #tpu.memory_space<vmem>>
        %dma_start3A_597 = tpu.memref_squeeze %dma_start3A_596 : memref<1x80xi32, #tpu.memory_space<vmem>> -> memref<80xi32, #tpu.memory_space<vmem>>
        %dma_start3A_598 = arith.constant 0 : i32
        %dma_start3A_599 = arith.constant 0 : i32
        %dma_start3A_600 = tpu.memref_slice %arg13[%dma_start3A_598, %dma_start3A_599] : memref<10000x128xf32, #tpu.memory_space<vmem_shared>> -> memref<10000x128xf32, #tpu.memory_space<vmem_shared>>
        tpu.enqueue_indirect_dma source(%arg9 : memref<80x128xf32, #tpu.memory_space<vmem>>) target(%dma_start3A_600 : memref<10000x128xf32, #tpu.memory_space<vmem_shared>>) offsets(%dma_start3A_597 : memref<80xi32, #tpu.memory_space<vmem>>) semaphore(%run_scoped3A_594 : memref<!tpu.dma_semaphore, #tpu.memory_space<semaphore_mem>>) {add = true}
        %dma_wait3A_601 = arith.constant 0 : i32
        %dma_wait3A_602 = tpu.memref_slice %arg8[%run_scoped3A_593, %dma_wait3A_601] : memref<25x80xi32, #tpu.memory_space<vmem>> -> memref<1x80xi32, #tpu.memory_space<vmem>>
        %dma_wait3A_603 = tpu.memref_squeeze %dma_wait3A_602 : memref<1x80xi32, #tpu.memory_space<vmem>> -> memref<80xi32, #tpu.memory_space<vmem>>
        %dma_wait3A_604 = arith.constant 0 : i32
        %dma_wait3A_605 = arith.constant 0 : i32
        %dma_wait3A_606 = tpu.memref_slice %arg13[%dma_wait3A_604, %dma_wait3A_605] : memref<10000x128xf32, #tpu.memory_space<vmem_shared>> -> memref<10000x128xf32, #tpu.memory_space<vmem_shared>>
        tpu.wait_indirect_dma semaphore(%run_scoped3A_594 : memref<!tpu.dma_semaphore, #tpu.memory_space<semaphore_mem>>) src(%arg9 : memref<80x128xf32, #tpu.memory_space<vmem>>) dst(%dma_wait3A_606 : memref<10000x128xf32, #tpu.memory_space<vmem_shared>>)
        tpu.yield
      }) : () -> ()
    }
    %scan3A_58 = arith.constant 5 : i32
    %barrier3A_59 = arith.constant 0 : index
    tpu.barrier barrier_id(%barrier3A_59)
    %add3A_60 = arith.constant 0 : i32
    %add3A_61 = arith.addi %arg1, %add3A_60 : i32
    %lt3A_62 = arith.constant 125 : i32
    %lt3A_63 = arith.cmpi slt, %add3A_61, %lt3A_62 : i32
    %convert_element_type3A_64 = arith.extui %lt3A_63 : i1 to i32
    %cond3A_65 = arith.constant 0 : i32
    %cond3A_66 = arith.cmpi ne, %convert_element_type3A_64, %cond3A_65 : i32
    scf.if %cond3A_66 {
      %mul3A_116 = arith.constant 80 : i32
      %mul3A_117 = arith.muli %add3A_61, %mul3A_116 : i32
      "tpu.region"() ({
        %run_scoped3A_121 = tpu.sem_alloc : memref<!tpu.dma_semaphore, #tpu.memory_space<semaphore_mem>>
        %dma_start3A = arith.constant 0 : i32
        %dma_start3A_122 = tpu.memref_slice %arg13[%mul3A_117, %dma_start3A] : memref<10000x128xf32, #tpu.memory_space<vmem_shared>> -> memref<80x128xf32, #tpu.memory_space<vmem_shared>>
        %dma_start3A_123 = arith.constant 0 : i32
        %dma_start3A_124 = tpu.memref_slice %arg13[%mul3A_117, %dma_start3A_123] : memref<10000x128xf32, #tpu.memory_space<vmem_shared>> -> memref<80x128xf32, #tpu.memory_space<vmem_shared>>
        tpu.enqueue_dma source(%dma_start3A_124 : memref<80x128xf32, #tpu.memory_space<vmem_shared>>) target(%arg9 : memref<80x128xf32, #tpu.memory_space<vmem>>) target_semaphore(%run_scoped3A_121 : memref<!tpu.dma_semaphore, #tpu.memory_space<semaphore_mem>>)
        %dma_wait3A = arith.constant 0 : i32
        %dma_wait3A_125 = tpu.memref_slice %arg13[%mul3A_117, %dma_wait3A] : memref<10000x128xf32, #tpu.memory_space<vmem_shared>> -> memref<80x128xf32, #tpu.memory_space<vmem_shared>>
        %dma_wait3A_126 = arith.constant 0 : i32
        %dma_wait3A_127 = tpu.memref_slice %arg13[%mul3A_117, %dma_wait3A_126] : memref<10000x128xf32, #tpu.memory_space<vmem_shared>> -> memref<80x128xf32, #tpu.memory_space<vmem_shared>>
        tpu.wait_dma2 semaphore(%run_scoped3A_121 : memref<!tpu.dma_semaphore, #tpu.memory_space<semaphore_mem>>) src(%dma_wait3A_127 : memref<80x128xf32, #tpu.memory_space<vmem_shared>>) dst(%arg9 : memref<80x128xf32, #tpu.memory_space<vmem>>)
        tpu.yield
      }) : () -> ()
      %mul3A_118 = arith.constant 10000 : i32
      %mul3A_119 = arith.muli %arg0, %mul3A_118 : i32
      %add3A_120 = arith.addi %mul3A_119, %mul3A_117 : i32
      "tpu.region"() ({
        %run_scoped3A_121 = tpu.sem_alloc : memref<!tpu.dma_semaphore, #tpu.memory_space<semaphore_mem>>
        %dma_start3A = arith.constant 0 : i32
        %dma_start3A_122 = tpu.memref_slice %arg6[%add3A_120, %dma_start3A] : memref<20000x128xf32, #tpu.memory_space<hbm>> -> memref<80x128xf32, #tpu.memory_space<hbm>>
        %dma_start3A_123 = arith.constant 0 : i32
        %dma_start3A_124 = tpu.memref_slice %arg6[%add3A_120, %dma_start3A_123] : memref<20000x128xf32, #tpu.memory_space<hbm>> -> memref<80x128xf32, #tpu.memory_space<hbm>>
        tpu.enqueue_dma source(%arg9 : memref<80x128xf32, #tpu.memory_space<vmem>>) target(%dma_start3A_124 : memref<80x128xf32, #tpu.memory_space<hbm>>) target_semaphore(%run_scoped3A_121 : memref<!tpu.dma_semaphore, #tpu.memory_space<semaphore_mem>>)
        %dma_wait3A = arith.constant 0 : i32
        %dma_wait3A_125 = tpu.memref_slice %arg6[%add3A_120, %dma_wait3A] : memref<20000x128xf32, #tpu.memory_space<hbm>> -> memref<80x128xf32, #tpu.memory_space<hbm>>
        %dma_wait3A_126 = arith.constant 0 : i32
        %dma_wait3A_127 = tpu.memref_slice %arg6[%add3A_120, %dma_wait3A_126] : memref<20000x128xf32, #tpu.memory_space<hbm>> -> memref<80x128xf32, #tpu.memory_space<hbm>>
        tpu.wait_dma2 semaphore(%run_scoped3A_121 : memref<!tpu.dma_semaphore, #tpu.memory_space<semaphore_mem>>) src(%arg9 : memref<80x128xf32, #tpu.memory_space<vmem>>) dst(%dma_wait3A_127 : memref<80x128xf32, #tpu.memory_space<hbm>>)
        tpu.yield
      }) : () -> ()
    } else {
    }
    %add3A_67 = arith.constant 16 : i32
    %add3A_68 = arith.addi %arg1, %add3A_67 : i32
    %lt3A_69 = arith.constant 125 : i32
    %lt3A_70 = arith.cmpi slt, %add3A_68, %lt3A_69 : i32
    %convert_element_type3A_71 = arith.extui %lt3A_70 : i1 to i32
    %cond3A_72 = arith.constant 0 : i32
    %cond3A_73 = arith.cmpi ne, %convert_element_type3A_71, %cond3A_72 : i32
    scf.if %cond3A_73 {
      %mul3A_116 = arith.constant 80 : i32
      %mul3A_117 = arith.muli %add3A_68, %mul3A_116 : i32
      "tpu.region"() ({
        %run_scoped3A_121 = tpu.sem_alloc : memref<!tpu.dma_semaphore, #tpu.memory_space<semaphore_mem>>
        %dma_start3A = arith.constant 0 : i32
        %dma_start3A_122 = tpu.memref_slice %arg13[%mul3A_117, %dma_start3A] : memref<10000x128xf32, #tpu.memory_space<vmem_shared>> -> memref<80x128xf32, #tpu.memory_space<vmem_shared>>
        %dma_start3A_123 = arith.constant 0 : i32
        %dma_start3A_124 = tpu.memref_slice %arg13[%mul3A_117, %dma_start3A_123] : memref<10000x128xf32, #tpu.memory_space<vmem_shared>> -> memref<80x128xf32, #tpu.memory_space<vmem_shared>>
        tpu.enqueue_dma source(%dma_start3A_124 : memref<80x128xf32, #tpu.memory_space<vmem_shared>>) target(%arg9 : memref<80x128xf32, #tpu.memory_space<vmem>>) target_semaphore(%run_scoped3A_121 : memref<!tpu.dma_semaphore, #tpu.memory_space<semaphore_mem>>)
        %dma_wait3A = arith.constant 0 : i32
        %dma_wait3A_125 = tpu.memref_slice %arg13[%mul3A_117, %dma_wait3A] : memref<10000x128xf32, #tpu.memory_space<vmem_shared>> -> memref<80x128xf32, #tpu.memory_space<vmem_shared>>
        %dma_wait3A_126 = arith.constant 0 : i32
        %dma_wait3A_127 = tpu.memref_slice %arg13[%mul3A_117, %dma_wait3A_126] : memref<10000x128xf32, #tpu.memory_space<vmem_shared>> -> memref<80x128xf32, #tpu.memory_space<vmem_shared>>
        tpu.wait_dma2 semaphore(%run_scoped3A_121 : memref<!tpu.dma_semaphore, #tpu.memory_space<semaphore_mem>>) src(%dma_wait3A_127 : memref<80x128xf32, #tpu.memory_space<vmem_shared>>) dst(%arg9 : memref<80x128xf32, #tpu.memory_space<vmem>>)
        tpu.yield
      }) : () -> ()
      %mul3A_118 = arith.constant 10000 : i32
      %mul3A_119 = arith.muli %arg0, %mul3A_118 : i32
      %add3A_120 = arith.addi %mul3A_119, %mul3A_117 : i32
      "tpu.region"() ({
        %run_scoped3A_121 = tpu.sem_alloc : memref<!tpu.dma_semaphore, #tpu.memory_space<semaphore_mem>>
        %dma_start3A = arith.constant 0 : i32
        %dma_start3A_122 = tpu.memref_slice %arg6[%add3A_120, %dma_start3A] : memref<20000x128xf32, #tpu.memory_space<hbm>> -> memref<80x128xf32, #tpu.memory_space<hbm>>
        %dma_start3A_123 = arith.constant 0 : i32
        %dma_start3A_124 = tpu.memref_slice %arg6[%add3A_120, %dma_start3A_123] : memref<20000x128xf32, #tpu.memory_space<hbm>> -> memref<80x128xf32, #tpu.memory_space<hbm>>
        tpu.enqueue_dma source(%arg9 : memref<80x128xf32, #tpu.memory_space<vmem>>) target(%dma_start3A_124 : memref<80x128xf32, #tpu.memory_space<hbm>>) target_semaphore(%run_scoped3A_121 : memref<!tpu.dma_semaphore, #tpu.memory_space<semaphore_mem>>)
        %dma_wait3A = arith.constant 0 : i32
        %dma_wait3A_125 = tpu.memref_slice %arg6[%add3A_120, %dma_wait3A] : memref<20000x128xf32, #tpu.memory_space<hbm>> -> memref<80x128xf32, #tpu.memory_space<hbm>>
        %dma_wait3A_126 = arith.constant 0 : i32
        %dma_wait3A_127 = tpu.memref_slice %arg6[%add3A_120, %dma_wait3A_126] : memref<20000x128xf32, #tpu.memory_space<hbm>> -> memref<80x128xf32, #tpu.memory_space<hbm>>
        tpu.wait_dma2 semaphore(%run_scoped3A_121 : memref<!tpu.dma_semaphore, #tpu.memory_space<semaphore_mem>>) src(%arg9 : memref<80x128xf32, #tpu.memory_space<vmem>>) dst(%dma_wait3A_127 : memref<80x128xf32, #tpu.memory_space<hbm>>)
        tpu.yield
      }) : () -> ()
    } else {
    }
    %add3A_74 = arith.constant 32 : i32
    %add3A_75 = arith.addi %arg1, %add3A_74 : i32
    %lt3A_76 = arith.constant 125 : i32
    %lt3A_77 = arith.cmpi slt, %add3A_75, %lt3A_76 : i32
    %convert_element_type3A_78 = arith.extui %lt3A_77 : i1 to i32
    %cond3A_79 = arith.constant 0 : i32
    %cond3A_80 = arith.cmpi ne, %convert_element_type3A_78, %cond3A_79 : i32
    scf.if %cond3A_80 {
      %mul3A_116 = arith.constant 80 : i32
      %mul3A_117 = arith.muli %add3A_75, %mul3A_116 : i32
      "tpu.region"() ({
        %run_scoped3A_121 = tpu.sem_alloc : memref<!tpu.dma_semaphore, #tpu.memory_space<semaphore_mem>>
        %dma_start3A = arith.constant 0 : i32
        %dma_start3A_122 = tpu.memref_slice %arg13[%mul3A_117, %dma_start3A] : memref<10000x128xf32, #tpu.memory_space<vmem_shared>> -> memref<80x128xf32, #tpu.memory_space<vmem_shared>>
        %dma_start3A_123 = arith.constant 0 : i32
        %dma_start3A_124 = tpu.memref_slice %arg13[%mul3A_117, %dma_start3A_123] : memref<10000x128xf32, #tpu.memory_space<vmem_shared>> -> memref<80x128xf32, #tpu.memory_space<vmem_shared>>
        tpu.enqueue_dma source(%dma_start3A_124 : memref<80x128xf32, #tpu.memory_space<vmem_shared>>) target(%arg9 : memref<80x128xf32, #tpu.memory_space<vmem>>) target_semaphore(%run_scoped3A_121 : memref<!tpu.dma_semaphore, #tpu.memory_space<semaphore_mem>>)
        %dma_wait3A = arith.constant 0 : i32
        %dma_wait3A_125 = tpu.memref_slice %arg13[%mul3A_117, %dma_wait3A] : memref<10000x128xf32, #tpu.memory_space<vmem_shared>> -> memref<80x128xf32, #tpu.memory_space<vmem_shared>>
        %dma_wait3A_126 = arith.constant 0 : i32
        %dma_wait3A_127 = tpu.memref_slice %arg13[%mul3A_117, %dma_wait3A_126] : memref<10000x128xf32, #tpu.memory_space<vmem_shared>> -> memref<80x128xf32, #tpu.memory_space<vmem_shared>>
        tpu.wait_dma2 semaphore(%run_scoped3A_121 : memref<!tpu.dma_semaphore, #tpu.memory_space<semaphore_mem>>) src(%dma_wait3A_127 : memref<80x128xf32, #tpu.memory_space<vmem_shared>>) dst(%arg9 : memref<80x128xf32, #tpu.memory_space<vmem>>)
        tpu.yield
      }) : () -> ()
      %mul3A_118 = arith.constant 10000 : i32
      %mul3A_119 = arith.muli %arg0, %mul3A_118 : i32
      %add3A_120 = arith.addi %mul3A_119, %mul3A_117 : i32
      "tpu.region"() ({
        %run_scoped3A_121 = tpu.sem_alloc : memref<!tpu.dma_semaphore, #tpu.memory_space<semaphore_mem>>
        %dma_start3A = arith.constant 0 : i32
        %dma_start3A_122 = tpu.memref_slice %arg6[%add3A_120, %dma_start3A] : memref<20000x128xf32, #tpu.memory_space<hbm>> -> memref<80x128xf32, #tpu.memory_space<hbm>>
        %dma_start3A_123 = arith.constant 0 : i32
        %dma_start3A_124 = tpu.memref_slice %arg6[%add3A_120, %dma_start3A_123] : memref<20000x128xf32, #tpu.memory_space<hbm>> -> memref<80x128xf32, #tpu.memory_space<hbm>>
        tpu.enqueue_dma source(%arg9 : memref<80x128xf32, #tpu.memory_space<vmem>>) target(%dma_start3A_124 : memref<80x128xf32, #tpu.memory_space<hbm>>) target_semaphore(%run_scoped3A_121 : memref<!tpu.dma_semaphore, #tpu.memory_space<semaphore_mem>>)
        %dma_wait3A = arith.constant 0 : i32
        %dma_wait3A_125 = tpu.memref_slice %arg6[%add3A_120, %dma_wait3A] : memref<20000x128xf32, #tpu.memory_space<hbm>> -> memref<80x128xf32, #tpu.memory_space<hbm>>
        %dma_wait3A_126 = arith.constant 0 : i32
        %dma_wait3A_127 = tpu.memref_slice %arg6[%add3A_120, %dma_wait3A_126] : memref<20000x128xf32, #tpu.memory_space<hbm>> -> memref<80x128xf32, #tpu.memory_space<hbm>>
        tpu.wait_dma2 semaphore(%run_scoped3A_121 : memref<!tpu.dma_semaphore, #tpu.memory_space<semaphore_mem>>) src(%arg9 : memref<80x128xf32, #tpu.memory_space<vmem>>) dst(%dma_wait3A_127 : memref<80x128xf32, #tpu.memory_space<hbm>>)
        tpu.yield
      }) : () -> ()
    } else {
    }
    %add3A_81 = arith.constant 48 : i32
    %add3A_82 = arith.addi %arg1, %add3A_81 : i32
    %lt3A_83 = arith.constant 125 : i32
    %lt3A_84 = arith.cmpi slt, %add3A_82, %lt3A_83 : i32
    %convert_element_type3A_85 = arith.extui %lt3A_84 : i1 to i32
    %cond3A_86 = arith.constant 0 : i32
    %cond3A_87 = arith.cmpi ne, %convert_element_type3A_85, %cond3A_86 : i32
    scf.if %cond3A_87 {
      %mul3A_116 = arith.constant 80 : i32
      %mul3A_117 = arith.muli %add3A_82, %mul3A_116 : i32
      "tpu.region"() ({
        %run_scoped3A_121 = tpu.sem_alloc : memref<!tpu.dma_semaphore, #tpu.memory_space<semaphore_mem>>
        %dma_start3A = arith.constant 0 : i32
        %dma_start3A_122 = tpu.memref_slice %arg13[%mul3A_117, %dma_start3A] : memref<10000x128xf32, #tpu.memory_space<vmem_shared>> -> memref<80x128xf32, #tpu.memory_space<vmem_shared>>
        %dma_start3A_123 = arith.constant 0 : i32
        %dma_start3A_124 = tpu.memref_slice %arg13[%mul3A_117, %dma_start3A_123] : memref<10000x128xf32, #tpu.memory_space<vmem_shared>> -> memref<80x128xf32, #tpu.memory_space<vmem_shared>>
        tpu.enqueue_dma source(%dma_start3A_124 : memref<80x128xf32, #tpu.memory_space<vmem_shared>>) target(%arg9 : memref<80x128xf32, #tpu.memory_space<vmem>>) target_semaphore(%run_scoped3A_121 : memref<!tpu.dma_semaphore, #tpu.memory_space<semaphore_mem>>)
        %dma_wait3A = arith.constant 0 : i32
        %dma_wait3A_125 = tpu.memref_slice %arg13[%mul3A_117, %dma_wait3A] : memref<10000x128xf32, #tpu.memory_space<vmem_shared>> -> memref<80x128xf32, #tpu.memory_space<vmem_shared>>
        %dma_wait3A_126 = arith.constant 0 : i32
        %dma_wait3A_127 = tpu.memref_slice %arg13[%mul3A_117, %dma_wait3A_126] : memref<10000x128xf32, #tpu.memory_space<vmem_shared>> -> memref<80x128xf32, #tpu.memory_space<vmem_shared>>
        tpu.wait_dma2 semaphore(%run_scoped3A_121 : memref<!tpu.dma_semaphore, #tpu.memory_space<semaphore_mem>>) src(%dma_wait3A_127 : memref<80x128xf32, #tpu.memory_space<vmem_shared>>) dst(%arg9 : memref<80x128xf32, #tpu.memory_space<vmem>>)
        tpu.yield
      }) : () -> ()
      %mul3A_118 = arith.constant 10000 : i32
      %mul3A_119 = arith.muli %arg0, %mul3A_118 : i32
      %add3A_120 = arith.addi %mul3A_119, %mul3A_117 : i32
      "tpu.region"() ({
        %run_scoped3A_121 = tpu.sem_alloc : memref<!tpu.dma_semaphore, #tpu.memory_space<semaphore_mem>>
        %dma_start3A = arith.constant 0 : i32
        %dma_start3A_122 = tpu.memref_slice %arg6[%add3A_120, %dma_start3A] : memref<20000x128xf32, #tpu.memory_space<hbm>> -> memref<80x128xf32, #tpu.memory_space<hbm>>
        %dma_start3A_123 = arith.constant 0 : i32
        %dma_start3A_124 = tpu.memref_slice %arg6[%add3A_120, %dma_start3A_123] : memref<20000x128xf32, #tpu.memory_space<hbm>> -> memref<80x128xf32, #tpu.memory_space<hbm>>
        tpu.enqueue_dma source(%arg9 : memref<80x128xf32, #tpu.memory_space<vmem>>) target(%dma_start3A_124 : memref<80x128xf32, #tpu.memory_space<hbm>>) target_semaphore(%run_scoped3A_121 : memref<!tpu.dma_semaphore, #tpu.memory_space<semaphore_mem>>)
        %dma_wait3A = arith.constant 0 : i32
        %dma_wait3A_125 = tpu.memref_slice %arg6[%add3A_120, %dma_wait3A] : memref<20000x128xf32, #tpu.memory_space<hbm>> -> memref<80x128xf32, #tpu.memory_space<hbm>>
        %dma_wait3A_126 = arith.constant 0 : i32
        %dma_wait3A_127 = tpu.memref_slice %arg6[%add3A_120, %dma_wait3A_126] : memref<20000x128xf32, #tpu.memory_space<hbm>> -> memref<80x128xf32, #tpu.memory_space<hbm>>
        tpu.wait_dma2 semaphore(%run_scoped3A_121 : memref<!tpu.dma_semaphore, #tpu.memory_space<semaphore_mem>>) src(%arg9 : memref<80x128xf32, #tpu.memory_space<vmem>>) dst(%dma_wait3A_127 : memref<80x128xf32, #tpu.memory_space<hbm>>)
        tpu.yield
      }) : () -> ()
    } else {
    }
    %add3A_88 = arith.constant 64 : i32
    %add3A_89 = arith.addi %arg1, %add3A_88 : i32
    %lt3A_90 = arith.constant 125 : i32
    %lt3A_91 = arith.cmpi slt, %add3A_89, %lt3A_90 : i32
    %convert_element_type3A_92 = arith.extui %lt3A_91 : i1 to i32
    %cond3A_93 = arith.constant 0 : i32
    %cond3A_94 = arith.cmpi ne, %convert_element_type3A_92, %cond3A_93 : i32
    scf.if %cond3A_94 {
      %mul3A_116 = arith.constant 80 : i32
      %mul3A_117 = arith.muli %add3A_89, %mul3A_116 : i32
      "tpu.region"() ({
        %run_scoped3A_121 = tpu.sem_alloc : memref<!tpu.dma_semaphore, #tpu.memory_space<semaphore_mem>>
        %dma_start3A = arith.constant 0 : i32
        %dma_start3A_122 = tpu.memref_slice %arg13[%mul3A_117, %dma_start3A] : memref<10000x128xf32, #tpu.memory_space<vmem_shared>> -> memref<80x128xf32, #tpu.memory_space<vmem_shared>>
        %dma_start3A_123 = arith.constant 0 : i32
        %dma_start3A_124 = tpu.memref_slice %arg13[%mul3A_117, %dma_start3A_123] : memref<10000x128xf32, #tpu.memory_space<vmem_shared>> -> memref<80x128xf32, #tpu.memory_space<vmem_shared>>
        tpu.enqueue_dma source(%dma_start3A_124 : memref<80x128xf32, #tpu.memory_space<vmem_shared>>) target(%arg9 : memref<80x128xf32, #tpu.memory_space<vmem>>) target_semaphore(%run_scoped3A_121 : memref<!tpu.dma_semaphore, #tpu.memory_space<semaphore_mem>>)
        %dma_wait3A = arith.constant 0 : i32
        %dma_wait3A_125 = tpu.memref_slice %arg13[%mul3A_117, %dma_wait3A] : memref<10000x128xf32, #tpu.memory_space<vmem_shared>> -> memref<80x128xf32, #tpu.memory_space<vmem_shared>>
        %dma_wait3A_126 = arith.constant 0 : i32
        %dma_wait3A_127 = tpu.memref_slice %arg13[%mul3A_117, %dma_wait3A_126] : memref<10000x128xf32, #tpu.memory_space<vmem_shared>> -> memref<80x128xf32, #tpu.memory_space<vmem_shared>>
        tpu.wait_dma2 semaphore(%run_scoped3A_121 : memref<!tpu.dma_semaphore, #tpu.memory_space<semaphore_mem>>) src(%dma_wait3A_127 : memref<80x128xf32, #tpu.memory_space<vmem_shared>>) dst(%arg9 : memref<80x128xf32, #tpu.memory_space<vmem>>)
        tpu.yield
      }) : () -> ()
      %mul3A_118 = arith.constant 10000 : i32
      %mul3A_119 = arith.muli %arg0, %mul3A_118 : i32
      %add3A_120 = arith.addi %mul3A_119, %mul3A_117 : i32
      "tpu.region"() ({
        %run_scoped3A_121 = tpu.sem_alloc : memref<!tpu.dma_semaphore, #tpu.memory_space<semaphore_mem>>
        %dma_start3A = arith.constant 0 : i32
        %dma_start3A_122 = tpu.memref_slice %arg6[%add3A_120, %dma_start3A] : memref<20000x128xf32, #tpu.memory_space<hbm>> -> memref<80x128xf32, #tpu.memory_space<hbm>>
        %dma_start3A_123 = arith.constant 0 : i32
        %dma_start3A_124 = tpu.memref_slice %arg6[%add3A_120, %dma_start3A_123] : memref<20000x128xf32, #tpu.memory_space<hbm>> -> memref<80x128xf32, #tpu.memory_space<hbm>>
        tpu.enqueue_dma source(%arg9 : memref<80x128xf32, #tpu.memory_space<vmem>>) target(%dma_start3A_124 : memref<80x128xf32, #tpu.memory_space<hbm>>) target_semaphore(%run_scoped3A_121 : memref<!tpu.dma_semaphore, #tpu.memory_space<semaphore_mem>>)
        %dma_wait3A = arith.constant 0 : i32
        %dma_wait3A_125 = tpu.memref_slice %arg6[%add3A_120, %dma_wait3A] : memref<20000x128xf32, #tpu.memory_space<hbm>> -> memref<80x128xf32, #tpu.memory_space<hbm>>
        %dma_wait3A_126 = arith.constant 0 : i32
        %dma_wait3A_127 = tpu.memref_slice %arg6[%add3A_120, %dma_wait3A_126] : memref<20000x128xf32, #tpu.memory_space<hbm>> -> memref<80x128xf32, #tpu.memory_space<hbm>>
        tpu.wait_dma2 semaphore(%run_scoped3A_121 : memref<!tpu.dma_semaphore, #tpu.memory_space<semaphore_mem>>) src(%arg9 : memref<80x128xf32, #tpu.memory_space<vmem>>) dst(%dma_wait3A_127 : memref<80x128xf32, #tpu.memory_space<hbm>>)
        tpu.yield
      }) : () -> ()
    } else {
    }
    %add3A_95 = arith.constant 80 : i32
    %add3A_96 = arith.addi %arg1, %add3A_95 : i32
    %lt3A_97 = arith.constant 125 : i32
    %lt3A_98 = arith.cmpi slt, %add3A_96, %lt3A_97 : i32
    %convert_element_type3A_99 = arith.extui %lt3A_98 : i1 to i32
    %cond3A_100 = arith.constant 0 : i32
    %cond3A_101 = arith.cmpi ne, %convert_element_type3A_99, %cond3A_100 : i32
    scf.if %cond3A_101 {
      %mul3A_116 = arith.constant 80 : i32
      %mul3A_117 = arith.muli %add3A_96, %mul3A_116 : i32
      "tpu.region"() ({
        %run_scoped3A_121 = tpu.sem_alloc : memref<!tpu.dma_semaphore, #tpu.memory_space<semaphore_mem>>
        %dma_start3A = arith.constant 0 : i32
        %dma_start3A_122 = tpu.memref_slice %arg13[%mul3A_117, %dma_start3A] : memref<10000x128xf32, #tpu.memory_space<vmem_shared>> -> memref<80x128xf32, #tpu.memory_space<vmem_shared>>
        %dma_start3A_123 = arith.constant 0 : i32
        %dma_start3A_124 = tpu.memref_slice %arg13[%mul3A_117, %dma_start3A_123] : memref<10000x128xf32, #tpu.memory_space<vmem_shared>> -> memref<80x128xf32, #tpu.memory_space<vmem_shared>>
        tpu.enqueue_dma source(%dma_start3A_124 : memref<80x128xf32, #tpu.memory_space<vmem_shared>>) target(%arg9 : memref<80x128xf32, #tpu.memory_space<vmem>>) target_semaphore(%run_scoped3A_121 : memref<!tpu.dma_semaphore, #tpu.memory_space<semaphore_mem>>)
        %dma_wait3A = arith.constant 0 : i32
        %dma_wait3A_125 = tpu.memref_slice %arg13[%mul3A_117, %dma_wait3A] : memref<10000x128xf32, #tpu.memory_space<vmem_shared>> -> memref<80x128xf32, #tpu.memory_space<vmem_shared>>
        %dma_wait3A_126 = arith.constant 0 : i32
        %dma_wait3A_127 = tpu.memref_slice %arg13[%mul3A_117, %dma_wait3A_126] : memref<10000x128xf32, #tpu.memory_space<vmem_shared>> -> memref<80x128xf32, #tpu.memory_space<vmem_shared>>
        tpu.wait_dma2 semaphore(%run_scoped3A_121 : memref<!tpu.dma_semaphore, #tpu.memory_space<semaphore_mem>>) src(%dma_wait3A_127 : memref<80x128xf32, #tpu.memory_space<vmem_shared>>) dst(%arg9 : memref<80x128xf32, #tpu.memory_space<vmem>>)
        tpu.yield
      }) : () -> ()
      %mul3A_118 = arith.constant 10000 : i32
      %mul3A_119 = arith.muli %arg0, %mul3A_118 : i32
      %add3A_120 = arith.addi %mul3A_119, %mul3A_117 : i32
      "tpu.region"() ({
        %run_scoped3A_121 = tpu.sem_alloc : memref<!tpu.dma_semaphore, #tpu.memory_space<semaphore_mem>>
        %dma_start3A = arith.constant 0 : i32
        %dma_start3A_122 = tpu.memref_slice %arg6[%add3A_120, %dma_start3A] : memref<20000x128xf32, #tpu.memory_space<hbm>> -> memref<80x128xf32, #tpu.memory_space<hbm>>
        %dma_start3A_123 = arith.constant 0 : i32
        %dma_start3A_124 = tpu.memref_slice %arg6[%add3A_120, %dma_start3A_123] : memref<20000x128xf32, #tpu.memory_space<hbm>> -> memref<80x128xf32, #tpu.memory_space<hbm>>
        tpu.enqueue_dma source(%arg9 : memref<80x128xf32, #tpu.memory_space<vmem>>) target(%dma_start3A_124 : memref<80x128xf32, #tpu.memory_space<hbm>>) target_semaphore(%run_scoped3A_121 : memref<!tpu.dma_semaphore, #tpu.memory_space<semaphore_mem>>)
        %dma_wait3A = arith.constant 0 : i32
        %dma_wait3A_125 = tpu.memref_slice %arg6[%add3A_120, %dma_wait3A] : memref<20000x128xf32, #tpu.memory_space<hbm>> -> memref<80x128xf32, #tpu.memory_space<hbm>>
        %dma_wait3A_126 = arith.constant 0 : i32
        %dma_wait3A_127 = tpu.memref_slice %arg6[%add3A_120, %dma_wait3A_126] : memref<20000x128xf32, #tpu.memory_space<hbm>> -> memref<80x128xf32, #tpu.memory_space<hbm>>
        tpu.wait_dma2 semaphore(%run_scoped3A_121 : memref<!tpu.dma_semaphore, #tpu.memory_space<semaphore_mem>>) src(%arg9 : memref<80x128xf32, #tpu.memory_space<vmem>>) dst(%dma_wait3A_127 : memref<80x128xf32, #tpu.memory_space<hbm>>)
        tpu.yield
      }) : () -> ()
    } else {
    }
    %add3A_102 = arith.constant 96 : i32
    %add3A_103 = arith.addi %arg1, %add3A_102 : i32
    %lt3A_104 = arith.constant 125 : i32
    %lt3A_105 = arith.cmpi slt, %add3A_103, %lt3A_104 : i32
    %convert_element_type3A_106 = arith.extui %lt3A_105 : i1 to i32
    %cond3A_107 = arith.constant 0 : i32
    %cond3A_108 = arith.cmpi ne, %convert_element_type3A_106, %cond3A_107 : i32
    scf.if %cond3A_108 {
      %mul3A_116 = arith.constant 80 : i32
      %mul3A_117 = arith.muli %add3A_103, %mul3A_116 : i32
      "tpu.region"() ({
        %run_scoped3A_121 = tpu.sem_alloc : memref<!tpu.dma_semaphore, #tpu.memory_space<semaphore_mem>>
        %dma_start3A = arith.constant 0 : i32
        %dma_start3A_122 = tpu.memref_slice %arg13[%mul3A_117, %dma_start3A] : memref<10000x128xf32, #tpu.memory_space<vmem_shared>> -> memref<80x128xf32, #tpu.memory_space<vmem_shared>>
        %dma_start3A_123 = arith.constant 0 : i32
        %dma_start3A_124 = tpu.memref_slice %arg13[%mul3A_117, %dma_start3A_123] : memref<10000x128xf32, #tpu.memory_space<vmem_shared>> -> memref<80x128xf32, #tpu.memory_space<vmem_shared>>
        tpu.enqueue_dma source(%dma_start3A_124 : memref<80x128xf32, #tpu.memory_space<vmem_shared>>) target(%arg9 : memref<80x128xf32, #tpu.memory_space<vmem>>) target_semaphore(%run_scoped3A_121 : memref<!tpu.dma_semaphore, #tpu.memory_space<semaphore_mem>>)
        %dma_wait3A = arith.constant 0 : i32
        %dma_wait3A_125 = tpu.memref_slice %arg13[%mul3A_117, %dma_wait3A] : memref<10000x128xf32, #tpu.memory_space<vmem_shared>> -> memref<80x128xf32, #tpu.memory_space<vmem_shared>>
        %dma_wait3A_126 = arith.constant 0 : i32
        %dma_wait3A_127 = tpu.memref_slice %arg13[%mul3A_117, %dma_wait3A_126] : memref<10000x128xf32, #tpu.memory_space<vmem_shared>> -> memref<80x128xf32, #tpu.memory_space<vmem_shared>>
        tpu.wait_dma2 semaphore(%run_scoped3A_121 : memref<!tpu.dma_semaphore, #tpu.memory_space<semaphore_mem>>) src(%dma_wait3A_127 : memref<80x128xf32, #tpu.memory_space<vmem_shared>>) dst(%arg9 : memref<80x128xf32, #tpu.memory_space<vmem>>)
        tpu.yield
      }) : () -> ()
      %mul3A_118 = arith.constant 10000 : i32
      %mul3A_119 = arith.muli %arg0, %mul3A_118 : i32
      %add3A_120 = arith.addi %mul3A_119, %mul3A_117 : i32
      "tpu.region"() ({
        %run_scoped3A_121 = tpu.sem_alloc : memref<!tpu.dma_semaphore, #tpu.memory_space<semaphore_mem>>
        %dma_start3A = arith.constant 0 : i32
        %dma_start3A_122 = tpu.memref_slice %arg6[%add3A_120, %dma_start3A] : memref<20000x128xf32, #tpu.memory_space<hbm>> -> memref<80x128xf32, #tpu.memory_space<hbm>>
        %dma_start3A_123 = arith.constant 0 : i32
        %dma_start3A_124 = tpu.memref_slice %arg6[%add3A_120, %dma_start3A_123] : memref<20000x128xf32, #tpu.memory_space<hbm>> -> memref<80x128xf32, #tpu.memory_space<hbm>>
        tpu.enqueue_dma source(%arg9 : memref<80x128xf32, #tpu.memory_space<vmem>>) target(%dma_start3A_124 : memref<80x128xf32, #tpu.memory_space<hbm>>) target_semaphore(%run_scoped3A_121 : memref<!tpu.dma_semaphore, #tpu.memory_space<semaphore_mem>>)
        %dma_wait3A = arith.constant 0 : i32
        %dma_wait3A_125 = tpu.memref_slice %arg6[%add3A_120, %dma_wait3A] : memref<20000x128xf32, #tpu.memory_space<hbm>> -> memref<80x128xf32, #tpu.memory_space<hbm>>
        %dma_wait3A_126 = arith.constant 0 : i32
        %dma_wait3A_127 = tpu.memref_slice %arg6[%add3A_120, %dma_wait3A_126] : memref<20000x128xf32, #tpu.memory_space<hbm>> -> memref<80x128xf32, #tpu.memory_space<hbm>>
        tpu.wait_dma2 semaphore(%run_scoped3A_121 : memref<!tpu.dma_semaphore, #tpu.memory_space<semaphore_mem>>) src(%arg9 : memref<80x128xf32, #tpu.memory_space<vmem>>) dst(%dma_wait3A_127 : memref<80x128xf32, #tpu.memory_space<hbm>>)
        tpu.yield
      }) : () -> ()
    } else {
    }
    %add3A_109 = arith.constant 112 : i32
    %add3A_110 = arith.addi %arg1, %add3A_109 : i32
    %lt3A_111 = arith.constant 125 : i32
    %lt3A_112 = arith.cmpi slt, %add3A_110, %lt3A_111 : i32
    %convert_element_type3A_113 = arith.extui %lt3A_112 : i1 to i32
    %cond3A_114 = arith.constant 0 : i32
    %cond3A_115 = arith.cmpi ne, %convert_element_type3A_113, %cond3A_114 : i32
    scf.if %cond3A_115 {
      %mul3A_116 = arith.constant 80 : i32
      %mul3A_117 = arith.muli %add3A_110, %mul3A_116 : i32
      "tpu.region"() ({
        %run_scoped3A_121 = tpu.sem_alloc : memref<!tpu.dma_semaphore, #tpu.memory_space<semaphore_mem>>
        %dma_start3A = arith.constant 0 : i32
        %dma_start3A_122 = tpu.memref_slice %arg13[%mul3A_117, %dma_start3A] : memref<10000x128xf32, #tpu.memory_space<vmem_shared>> -> memref<80x128xf32, #tpu.memory_space<vmem_shared>>
        %dma_start3A_123 = arith.constant 0 : i32
        %dma_start3A_124 = tpu.memref_slice %arg13[%mul3A_117, %dma_start3A_123] : memref<10000x128xf32, #tpu.memory_space<vmem_shared>> -> memref<80x128xf32, #tpu.memory_space<vmem_shared>>
        tpu.enqueue_dma source(%dma_start3A_124 : memref<80x128xf32, #tpu.memory_space<vmem_shared>>) target(%arg9 : memref<80x128xf32, #tpu.memory_space<vmem>>) target_semaphore(%run_scoped3A_121 : memref<!tpu.dma_semaphore, #tpu.memory_space<semaphore_mem>>)
        %dma_wait3A = arith.constant 0 : i32
        %dma_wait3A_125 = tpu.memref_slice %arg13[%mul3A_117, %dma_wait3A] : memref<10000x128xf32, #tpu.memory_space<vmem_shared>> -> memref<80x128xf32, #tpu.memory_space<vmem_shared>>
        %dma_wait3A_126 = arith.constant 0 : i32
        %dma_wait3A_127 = tpu.memref_slice %arg13[%mul3A_117, %dma_wait3A_126] : memref<10000x128xf32, #tpu.memory_space<vmem_shared>> -> memref<80x128xf32, #tpu.memory_space<vmem_shared>>
        tpu.wait_dma2 semaphore(%run_scoped3A_121 : memref<!tpu.dma_semaphore, #tpu.memory_space<semaphore_mem>>) src(%dma_wait3A_127 : memref<80x128xf32, #tpu.memory_space<vmem_shared>>) dst(%arg9 : memref<80x128xf32, #tpu.memory_space<vmem>>)
        tpu.yield
      }) : () -> ()
      %mul3A_118 = arith.constant 10000 : i32
      %mul3A_119 = arith.muli %arg0, %mul3A_118 : i32
      %add3A_120 = arith.addi %mul3A_119, %mul3A_117 : i32
      "tpu.region"() ({
        %run_scoped3A_121 = tpu.sem_alloc : memref<!tpu.dma_semaphore, #tpu.memory_space<semaphore_mem>>
        %dma_start3A = arith.constant 0 : i32
        %dma_start3A_122 = tpu.memref_slice %arg6[%add3A_120, %dma_start3A] : memref<20000x128xf32, #tpu.memory_space<hbm>> -> memref<80x128xf32, #tpu.memory_space<hbm>>
        %dma_start3A_123 = arith.constant 0 : i32
        %dma_start3A_124 = tpu.memref_slice %arg6[%add3A_120, %dma_start3A_123] : memref<20000x128xf32, #tpu.memory_space<hbm>> -> memref<80x128xf32, #tpu.memory_space<hbm>>
        tpu.enqueue_dma source(%arg9 : memref<80x128xf32, #tpu.memory_space<vmem>>) target(%dma_start3A_124 : memref<80x128xf32, #tpu.memory_space<hbm>>) target_semaphore(%run_scoped3A_121 : memref<!tpu.dma_semaphore, #tpu.memory_space<semaphore_mem>>)
        %dma_wait3A = arith.constant 0 : i32
        %dma_wait3A_125 = tpu.memref_slice %arg6[%add3A_120, %dma_wait3A] : memref<20000x128xf32, #tpu.memory_space<hbm>> -> memref<80x128xf32, #tpu.memory_space<hbm>>
        %dma_wait3A_126 = arith.constant 0 : i32
        %dma_wait3A_127 = tpu.memref_slice %arg6[%add3A_120, %dma_wait3A_126] : memref<20000x128xf32, #tpu.memory_space<hbm>> -> memref<80x128xf32, #tpu.memory_space<hbm>>
        tpu.wait_dma2 semaphore(%run_scoped3A_121 : memref<!tpu.dma_semaphore, #tpu.memory_space<semaphore_mem>>) src(%arg9 : memref<80x128xf32, #tpu.memory_space<vmem>>) dst(%dma_wait3A_127 : memref<80x128xf32, #tpu.memory_space<hbm>>)
        tpu.yield
      }) : () -> ()
    } else {
    }
    return
  }
}

#map = affine_map<(d0, d1) -> (0, 0)>
#map1 = affine_map<(d0, d1) -> (0, 0, 0, 0)>
module attributes {stable_mosaic.version = 14 : i64} {
  func.func @spmm2(%arg0: i32, %arg1: i32, %arg2: memref<10000x64xf32, #tpu.memory_space<hbm>>, %arg3: memref<32x2x25x100xi32, #tpu.memory_space<hbm>>, %arg4: memref<32x2x25x100xi32, #tpu.memory_space<hbm>>, %arg5: memref<80x64xf32, #tpu.memory_space<hbm>>, %arg6: memref<20000x64xf32, #tpu.memory_space<hbm>>, %arg7: memref<25x100xi32, #tpu.memory_space<vmem>>, %arg8: memref<25x100xi32, #tpu.memory_space<vmem>>, %arg9: memref<100x64xf32, #tpu.memory_space<vmem>>, %arg10: memref<100x64xf32, #tpu.memory_space<vmem>>, %arg11: memref<100x64xf32, #tpu.memory_space<vmem>>, %arg12: memref<100x64xf32, #tpu.memory_space<vmem>>, %arg13: memref<10000x64xf32, #tpu.memory_space<vmem_shared>>, %arg14: memref<!tpu.dma_semaphore, #tpu.memory_space<semaphore_mem>>, %arg15: memref<!tpu.dma_semaphore, #tpu.memory_space<semaphore_mem>>, %arg16: memref<!tpu.dma_semaphore, #tpu.memory_space<semaphore_mem>>, %arg17: memref<!tpu.dma_semaphore, #tpu.memory_space<semaphore_mem>>) attributes {dimension_semantics = [#tpu.dimension_semantics<core_parallel>, #tpu.dimension_semantics<subcore_parallel>], iteration_bounds = array<i64: 2, 16>, scalar_prefetch = 0 : i64, scratch_operands = 11 : i64, tpu.core_type = #tpu.core_type<sc_vector_subcore>, window_params = [{transform_indices = #map}, {transform_indices = #map1}, {transform_indices = #map1}, {transform_indices = #map}, {transform_indices = #map}]} {
    %mul3A = arith.constant 16 : i32
    %mul3A_0 = arith.muli %arg0, %mul3A : i32
    %add3A = arith.addi %mul3A_0, %arg1 : i32
    %run_scoped3A = arith.constant 0 : i32
    "tpu.region"() ({
      %run_scoped3A_117 = tpu.sem_alloc : memref<!tpu.dma_semaphore, #tpu.memory_space<semaphore_mem>>
      %dma_start3A = arith.constant 0 : i32
      %dma_start3A_118 = arith.constant 0 : i32
      %dma_start3A_119 = tpu.memref_slice %arg3[%add3A, %run_scoped3A, %dma_start3A, %dma_start3A_118] : memref<32x2x25x100xi32, #tpu.memory_space<hbm>> -> memref<1x1x25x100xi32, #tpu.memory_space<hbm>>
      %dma_start3A_120 = tpu.memref_squeeze %dma_start3A_119 : memref<1x1x25x100xi32, #tpu.memory_space<hbm>> -> memref<25x100xi32, #tpu.memory_space<hbm>>
      %dma_start3A_121 = arith.constant 0 : i32
      %dma_start3A_122 = arith.constant 0 : i32
      %dma_start3A_123 = tpu.memref_slice %arg3[%add3A, %run_scoped3A, %dma_start3A_121, %dma_start3A_122] : memref<32x2x25x100xi32, #tpu.memory_space<hbm>> -> memref<1x1x25x100xi32, #tpu.memory_space<hbm>>
      %dma_start3A_124 = tpu.memref_squeeze %dma_start3A_123 : memref<1x1x25x100xi32, #tpu.memory_space<hbm>> -> memref<25x100xi32, #tpu.memory_space<hbm>>
      tpu.enqueue_dma source(%dma_start3A_124 : memref<25x100xi32, #tpu.memory_space<hbm>>) target(%arg7 : memref<25x100xi32, #tpu.memory_space<vmem>>) target_semaphore(%run_scoped3A_117 : memref<!tpu.dma_semaphore, #tpu.memory_space<semaphore_mem>>)
      %dma_wait3A = arith.constant 0 : i32
      %dma_wait3A_125 = arith.constant 0 : i32
      %dma_wait3A_126 = tpu.memref_slice %arg3[%add3A, %run_scoped3A, %dma_wait3A, %dma_wait3A_125] : memref<32x2x25x100xi32, #tpu.memory_space<hbm>> -> memref<1x1x25x100xi32, #tpu.memory_space<hbm>>
      %dma_wait3A_127 = tpu.memref_squeeze %dma_wait3A_126 : memref<1x1x25x100xi32, #tpu.memory_space<hbm>> -> memref<25x100xi32, #tpu.memory_space<hbm>>
      %dma_wait3A_128 = arith.constant 0 : i32
      %dma_wait3A_129 = arith.constant 0 : i32
      %dma_wait3A_130 = tpu.memref_slice %arg3[%add3A, %run_scoped3A, %dma_wait3A_128, %dma_wait3A_129] : memref<32x2x25x100xi32, #tpu.memory_space<hbm>> -> memref<1x1x25x100xi32, #tpu.memory_space<hbm>>
      %dma_wait3A_131 = tpu.memref_squeeze %dma_wait3A_130 : memref<1x1x25x100xi32, #tpu.memory_space<hbm>> -> memref<25x100xi32, #tpu.memory_space<hbm>>
      tpu.wait_dma2 semaphore(%run_scoped3A_117 : memref<!tpu.dma_semaphore, #tpu.memory_space<semaphore_mem>>) src(%dma_wait3A_131 : memref<25x100xi32, #tpu.memory_space<hbm>>) dst(%arg7 : memref<25x100xi32, #tpu.memory_space<vmem>>)
      tpu.yield
    }) : () -> ()
    %run_scoped3A_1 = arith.constant 0 : i32
    "tpu.region"() ({
      %run_scoped3A_117 = tpu.sem_alloc : memref<!tpu.dma_semaphore, #tpu.memory_space<semaphore_mem>>
      %dma_start3A = arith.constant 0 : i32
      %dma_start3A_118 = arith.constant 0 : i32
      %dma_start3A_119 = tpu.memref_slice %arg4[%add3A, %run_scoped3A_1, %dma_start3A, %dma_start3A_118] : memref<32x2x25x100xi32, #tpu.memory_space<hbm>> -> memref<1x1x25x100xi32, #tpu.memory_space<hbm>>
      %dma_start3A_120 = tpu.memref_squeeze %dma_start3A_119 : memref<1x1x25x100xi32, #tpu.memory_space<hbm>> -> memref<25x100xi32, #tpu.memory_space<hbm>>
      %dma_start3A_121 = arith.constant 0 : i32
      %dma_start3A_122 = arith.constant 0 : i32
      %dma_start3A_123 = tpu.memref_slice %arg4[%add3A, %run_scoped3A_1, %dma_start3A_121, %dma_start3A_122] : memref<32x2x25x100xi32, #tpu.memory_space<hbm>> -> memref<1x1x25x100xi32, #tpu.memory_space<hbm>>
      %dma_start3A_124 = tpu.memref_squeeze %dma_start3A_123 : memref<1x1x25x100xi32, #tpu.memory_space<hbm>> -> memref<25x100xi32, #tpu.memory_space<hbm>>
      tpu.enqueue_dma source(%dma_start3A_124 : memref<25x100xi32, #tpu.memory_space<hbm>>) target(%arg8 : memref<25x100xi32, #tpu.memory_space<vmem>>) target_semaphore(%run_scoped3A_117 : memref<!tpu.dma_semaphore, #tpu.memory_space<semaphore_mem>>)
      %dma_wait3A = arith.constant 0 : i32
      %dma_wait3A_125 = arith.constant 0 : i32
      %dma_wait3A_126 = tpu.memref_slice %arg4[%add3A, %run_scoped3A_1, %dma_wait3A, %dma_wait3A_125] : memref<32x2x25x100xi32, #tpu.memory_space<hbm>> -> memref<1x1x25x100xi32, #tpu.memory_space<hbm>>
      %dma_wait3A_127 = tpu.memref_squeeze %dma_wait3A_126 : memref<1x1x25x100xi32, #tpu.memory_space<hbm>> -> memref<25x100xi32, #tpu.memory_space<hbm>>
      %dma_wait3A_128 = arith.constant 0 : i32
      %dma_wait3A_129 = arith.constant 0 : i32
      %dma_wait3A_130 = tpu.memref_slice %arg4[%add3A, %run_scoped3A_1, %dma_wait3A_128, %dma_wait3A_129] : memref<32x2x25x100xi32, #tpu.memory_space<hbm>> -> memref<1x1x25x100xi32, #tpu.memory_space<hbm>>
      %dma_wait3A_131 = tpu.memref_squeeze %dma_wait3A_130 : memref<1x1x25x100xi32, #tpu.memory_space<hbm>> -> memref<25x100xi32, #tpu.memory_space<hbm>>
      tpu.wait_dma2 semaphore(%run_scoped3A_117 : memref<!tpu.dma_semaphore, #tpu.memory_space<semaphore_mem>>) src(%dma_wait3A_131 : memref<25x100xi32, #tpu.memory_space<hbm>>) dst(%arg8 : memref<25x100xi32, #tpu.memory_space<vmem>>)
      tpu.yield
    }) : () -> ()
    "tpu.region"() ({
      %run_scoped3A_117 = tpu.sem_alloc : memref<!tpu.dma_semaphore, #tpu.memory_space<semaphore_mem>>
      %dma_start3A = arith.constant 0 : i32
      %dma_start3A_118 = arith.constant 0 : i32
      %dma_start3A_119 = tpu.memref_slice %arg9[%dma_start3A, %dma_start3A_118] : memref<100x64xf32, #tpu.memory_space<vmem>> -> memref<80x64xf32, #tpu.memory_space<vmem>>
      %dma_start3A_120 = arith.constant 0 : i32
      %dma_start3A_121 = arith.constant 0 : i32
      %dma_start3A_122 = tpu.memref_slice %arg9[%dma_start3A_120, %dma_start3A_121] : memref<100x64xf32, #tpu.memory_space<vmem>> -> memref<80x64xf32, #tpu.memory_space<vmem>>
      tpu.enqueue_dma source(%arg5 : memref<80x64xf32, #tpu.memory_space<hbm>>) target(%dma_start3A_122 : memref<80x64xf32, #tpu.memory_space<vmem>>) target_semaphore(%run_scoped3A_117 : memref<!tpu.dma_semaphore, #tpu.memory_space<semaphore_mem>>)
      %dma_wait3A = arith.constant 0 : i32
      %dma_wait3A_123 = arith.constant 0 : i32
      %dma_wait3A_124 = tpu.memref_slice %arg9[%dma_wait3A, %dma_wait3A_123] : memref<100x64xf32, #tpu.memory_space<vmem>> -> memref<80x64xf32, #tpu.memory_space<vmem>>
      %dma_wait3A_125 = arith.constant 0 : i32
      %dma_wait3A_126 = arith.constant 0 : i32
      %dma_wait3A_127 = tpu.memref_slice %arg9[%dma_wait3A_125, %dma_wait3A_126] : memref<100x64xf32, #tpu.memory_space<vmem>> -> memref<80x64xf32, #tpu.memory_space<vmem>>
      tpu.wait_dma2 semaphore(%run_scoped3A_117 : memref<!tpu.dma_semaphore, #tpu.memory_space<semaphore_mem>>) src(%arg5 : memref<80x64xf32, #tpu.memory_space<hbm>>) dst(%dma_wait3A_127 : memref<80x64xf32, #tpu.memory_space<vmem>>)
      tpu.yield
    }) : () -> ()
    %add3A_2 = arith.constant 0 : i32
    %add3A_3 = arith.addi %arg1, %add3A_2 : i32
    %lt3A = arith.constant 125 : i32
    %lt3A_4 = arith.cmpi slt, %add3A_3, %lt3A : i32
    %convert_element_type3A = arith.extui %lt3A_4 : i1 to i32
    %cond3A = arith.constant 0 : i32
    %cond3A_5 = arith.cmpi ne, %convert_element_type3A, %cond3A : i32
    scf.if %cond3A_5 {
      %mul3A_117 = arith.constant 80 : i32
      %mul3A_118 = arith.muli %add3A_3, %mul3A_117 : i32
      "tpu.region"() ({
        %run_scoped3A_119 = tpu.sem_alloc : memref<!tpu.dma_semaphore, #tpu.memory_space<semaphore_mem>>
        %dma_start3A = arith.constant 0 : i32
        %dma_start3A_120 = arith.constant 0 : i32
        %dma_start3A_121 = tpu.memref_slice %arg9[%dma_start3A, %dma_start3A_120] : memref<100x64xf32, #tpu.memory_space<vmem>> -> memref<80x64xf32, #tpu.memory_space<vmem>>
        %dma_start3A_122 = arith.constant 0 : i32
        %dma_start3A_123 = tpu.memref_slice %arg13[%mul3A_118, %dma_start3A_122] : memref<10000x64xf32, #tpu.memory_space<vmem_shared>> -> memref<80x64xf32, #tpu.memory_space<vmem_shared>>
        %dma_start3A_124 = arith.constant 0 : i32
        %dma_start3A_125 = tpu.memref_slice %arg13[%mul3A_118, %dma_start3A_124] : memref<10000x64xf32, #tpu.memory_space<vmem_shared>> -> memref<80x64xf32, #tpu.memory_space<vmem_shared>>
        %dma_start3A_126 = arith.constant 0 : i32
        %dma_start3A_127 = arith.constant 0 : i32
        %dma_start3A_128 = tpu.memref_slice %arg9[%dma_start3A_126, %dma_start3A_127] : memref<100x64xf32, #tpu.memory_space<vmem>> -> memref<80x64xf32, #tpu.memory_space<vmem>>
        tpu.enqueue_dma source(%dma_start3A_128 : memref<80x64xf32, #tpu.memory_space<vmem>>) target(%dma_start3A_125 : memref<80x64xf32, #tpu.memory_space<vmem_shared>>) target_semaphore(%run_scoped3A_119 : memref<!tpu.dma_semaphore, #tpu.memory_space<semaphore_mem>>)
        %dma_wait3A = arith.constant 0 : i32
        %dma_wait3A_129 = arith.constant 0 : i32
        %dma_wait3A_130 = tpu.memref_slice %arg9[%dma_wait3A, %dma_wait3A_129] : memref<100x64xf32, #tpu.memory_space<vmem>> -> memref<80x64xf32, #tpu.memory_space<vmem>>
        %dma_wait3A_131 = arith.constant 0 : i32
        %dma_wait3A_132 = tpu.memref_slice %arg13[%mul3A_118, %dma_wait3A_131] : memref<10000x64xf32, #tpu.memory_space<vmem_shared>> -> memref<80x64xf32, #tpu.memory_space<vmem_shared>>
        %dma_wait3A_133 = arith.constant 0 : i32
        %dma_wait3A_134 = tpu.memref_slice %arg13[%mul3A_118, %dma_wait3A_133] : memref<10000x64xf32, #tpu.memory_space<vmem_shared>> -> memref<80x64xf32, #tpu.memory_space<vmem_shared>>
        %dma_wait3A_135 = arith.constant 0 : i32
        %dma_wait3A_136 = arith.constant 0 : i32
        %dma_wait3A_137 = tpu.memref_slice %arg9[%dma_wait3A_135, %dma_wait3A_136] : memref<100x64xf32, #tpu.memory_space<vmem>> -> memref<80x64xf32, #tpu.memory_space<vmem>>
        tpu.wait_dma2 semaphore(%run_scoped3A_119 : memref<!tpu.dma_semaphore, #tpu.memory_space<semaphore_mem>>) src(%dma_wait3A_137 : memref<80x64xf32, #tpu.memory_space<vmem>>) dst(%dma_wait3A_134 : memref<80x64xf32, #tpu.memory_space<vmem_shared>>)
        tpu.yield
      }) : () -> ()
    } else {
    }
    %add3A_6 = arith.constant 16 : i32
    %add3A_7 = arith.addi %arg1, %add3A_6 : i32
    %lt3A_8 = arith.constant 125 : i32
    %lt3A_9 = arith.cmpi slt, %add3A_7, %lt3A_8 : i32
    %convert_element_type3A_10 = arith.extui %lt3A_9 : i1 to i32
    %cond3A_11 = arith.constant 0 : i32
    %cond3A_12 = arith.cmpi ne, %convert_element_type3A_10, %cond3A_11 : i32
    scf.if %cond3A_12 {
      %mul3A_117 = arith.constant 80 : i32
      %mul3A_118 = arith.muli %add3A_7, %mul3A_117 : i32
      "tpu.region"() ({
        %run_scoped3A_119 = tpu.sem_alloc : memref<!tpu.dma_semaphore, #tpu.memory_space<semaphore_mem>>
        %dma_start3A = arith.constant 0 : i32
        %dma_start3A_120 = arith.constant 0 : i32
        %dma_start3A_121 = tpu.memref_slice %arg9[%dma_start3A, %dma_start3A_120] : memref<100x64xf32, #tpu.memory_space<vmem>> -> memref<80x64xf32, #tpu.memory_space<vmem>>
        %dma_start3A_122 = arith.constant 0 : i32
        %dma_start3A_123 = tpu.memref_slice %arg13[%mul3A_118, %dma_start3A_122] : memref<10000x64xf32, #tpu.memory_space<vmem_shared>> -> memref<80x64xf32, #tpu.memory_space<vmem_shared>>
        %dma_start3A_124 = arith.constant 0 : i32
        %dma_start3A_125 = tpu.memref_slice %arg13[%mul3A_118, %dma_start3A_124] : memref<10000x64xf32, #tpu.memory_space<vmem_shared>> -> memref<80x64xf32, #tpu.memory_space<vmem_shared>>
        %dma_start3A_126 = arith.constant 0 : i32
        %dma_start3A_127 = arith.constant 0 : i32
        %dma_start3A_128 = tpu.memref_slice %arg9[%dma_start3A_126, %dma_start3A_127] : memref<100x64xf32, #tpu.memory_space<vmem>> -> memref<80x64xf32, #tpu.memory_space<vmem>>
        tpu.enqueue_dma source(%dma_start3A_128 : memref<80x64xf32, #tpu.memory_space<vmem>>) target(%dma_start3A_125 : memref<80x64xf32, #tpu.memory_space<vmem_shared>>) target_semaphore(%run_scoped3A_119 : memref<!tpu.dma_semaphore, #tpu.memory_space<semaphore_mem>>)
        %dma_wait3A = arith.constant 0 : i32
        %dma_wait3A_129 = arith.constant 0 : i32
        %dma_wait3A_130 = tpu.memref_slice %arg9[%dma_wait3A, %dma_wait3A_129] : memref<100x64xf32, #tpu.memory_space<vmem>> -> memref<80x64xf32, #tpu.memory_space<vmem>>
        %dma_wait3A_131 = arith.constant 0 : i32
        %dma_wait3A_132 = tpu.memref_slice %arg13[%mul3A_118, %dma_wait3A_131] : memref<10000x64xf32, #tpu.memory_space<vmem_shared>> -> memref<80x64xf32, #tpu.memory_space<vmem_shared>>
        %dma_wait3A_133 = arith.constant 0 : i32
        %dma_wait3A_134 = tpu.memref_slice %arg13[%mul3A_118, %dma_wait3A_133] : memref<10000x64xf32, #tpu.memory_space<vmem_shared>> -> memref<80x64xf32, #tpu.memory_space<vmem_shared>>
        %dma_wait3A_135 = arith.constant 0 : i32
        %dma_wait3A_136 = arith.constant 0 : i32
        %dma_wait3A_137 = tpu.memref_slice %arg9[%dma_wait3A_135, %dma_wait3A_136] : memref<100x64xf32, #tpu.memory_space<vmem>> -> memref<80x64xf32, #tpu.memory_space<vmem>>
        tpu.wait_dma2 semaphore(%run_scoped3A_119 : memref<!tpu.dma_semaphore, #tpu.memory_space<semaphore_mem>>) src(%dma_wait3A_137 : memref<80x64xf32, #tpu.memory_space<vmem>>) dst(%dma_wait3A_134 : memref<80x64xf32, #tpu.memory_space<vmem_shared>>)
        tpu.yield
      }) : () -> ()
    } else {
    }
    %add3A_13 = arith.constant 32 : i32
    %add3A_14 = arith.addi %arg1, %add3A_13 : i32
    %lt3A_15 = arith.constant 125 : i32
    %lt3A_16 = arith.cmpi slt, %add3A_14, %lt3A_15 : i32
    %convert_element_type3A_17 = arith.extui %lt3A_16 : i1 to i32
    %cond3A_18 = arith.constant 0 : i32
    %cond3A_19 = arith.cmpi ne, %convert_element_type3A_17, %cond3A_18 : i32
    scf.if %cond3A_19 {
      %mul3A_117 = arith.constant 80 : i32
      %mul3A_118 = arith.muli %add3A_14, %mul3A_117 : i32
      "tpu.region"() ({
        %run_scoped3A_119 = tpu.sem_alloc : memref<!tpu.dma_semaphore, #tpu.memory_space<semaphore_mem>>
        %dma_start3A = arith.constant 0 : i32
        %dma_start3A_120 = arith.constant 0 : i32
        %dma_start3A_121 = tpu.memref_slice %arg9[%dma_start3A, %dma_start3A_120] : memref<100x64xf32, #tpu.memory_space<vmem>> -> memref<80x64xf32, #tpu.memory_space<vmem>>
        %dma_start3A_122 = arith.constant 0 : i32
        %dma_start3A_123 = tpu.memref_slice %arg13[%mul3A_118, %dma_start3A_122] : memref<10000x64xf32, #tpu.memory_space<vmem_shared>> -> memref<80x64xf32, #tpu.memory_space<vmem_shared>>
        %dma_start3A_124 = arith.constant 0 : i32
        %dma_start3A_125 = tpu.memref_slice %arg13[%mul3A_118, %dma_start3A_124] : memref<10000x64xf32, #tpu.memory_space<vmem_shared>> -> memref<80x64xf32, #tpu.memory_space<vmem_shared>>
        %dma_start3A_126 = arith.constant 0 : i32
        %dma_start3A_127 = arith.constant 0 : i32
        %dma_start3A_128 = tpu.memref_slice %arg9[%dma_start3A_126, %dma_start3A_127] : memref<100x64xf32, #tpu.memory_space<vmem>> -> memref<80x64xf32, #tpu.memory_space<vmem>>
        tpu.enqueue_dma source(%dma_start3A_128 : memref<80x64xf32, #tpu.memory_space<vmem>>) target(%dma_start3A_125 : memref<80x64xf32, #tpu.memory_space<vmem_shared>>) target_semaphore(%run_scoped3A_119 : memref<!tpu.dma_semaphore, #tpu.memory_space<semaphore_mem>>)
        %dma_wait3A = arith.constant 0 : i32
        %dma_wait3A_129 = arith.constant 0 : i32
        %dma_wait3A_130 = tpu.memref_slice %arg9[%dma_wait3A, %dma_wait3A_129] : memref<100x64xf32, #tpu.memory_space<vmem>> -> memref<80x64xf32, #tpu.memory_space<vmem>>
        %dma_wait3A_131 = arith.constant 0 : i32
        %dma_wait3A_132 = tpu.memref_slice %arg13[%mul3A_118, %dma_wait3A_131] : memref<10000x64xf32, #tpu.memory_space<vmem_shared>> -> memref<80x64xf32, #tpu.memory_space<vmem_shared>>
        %dma_wait3A_133 = arith.constant 0 : i32
        %dma_wait3A_134 = tpu.memref_slice %arg13[%mul3A_118, %dma_wait3A_133] : memref<10000x64xf32, #tpu.memory_space<vmem_shared>> -> memref<80x64xf32, #tpu.memory_space<vmem_shared>>
        %dma_wait3A_135 = arith.constant 0 : i32
        %dma_wait3A_136 = arith.constant 0 : i32
        %dma_wait3A_137 = tpu.memref_slice %arg9[%dma_wait3A_135, %dma_wait3A_136] : memref<100x64xf32, #tpu.memory_space<vmem>> -> memref<80x64xf32, #tpu.memory_space<vmem>>
        tpu.wait_dma2 semaphore(%run_scoped3A_119 : memref<!tpu.dma_semaphore, #tpu.memory_space<semaphore_mem>>) src(%dma_wait3A_137 : memref<80x64xf32, #tpu.memory_space<vmem>>) dst(%dma_wait3A_134 : memref<80x64xf32, #tpu.memory_space<vmem_shared>>)
        tpu.yield
      }) : () -> ()
    } else {
    }
    %add3A_20 = arith.constant 48 : i32
    %add3A_21 = arith.addi %arg1, %add3A_20 : i32
    %lt3A_22 = arith.constant 125 : i32
    %lt3A_23 = arith.cmpi slt, %add3A_21, %lt3A_22 : i32
    %convert_element_type3A_24 = arith.extui %lt3A_23 : i1 to i32
    %cond3A_25 = arith.constant 0 : i32
    %cond3A_26 = arith.cmpi ne, %convert_element_type3A_24, %cond3A_25 : i32
    scf.if %cond3A_26 {
      %mul3A_117 = arith.constant 80 : i32
      %mul3A_118 = arith.muli %add3A_21, %mul3A_117 : i32
      "tpu.region"() ({
        %run_scoped3A_119 = tpu.sem_alloc : memref<!tpu.dma_semaphore, #tpu.memory_space<semaphore_mem>>
        %dma_start3A = arith.constant 0 : i32
        %dma_start3A_120 = arith.constant 0 : i32
        %dma_start3A_121 = tpu.memref_slice %arg9[%dma_start3A, %dma_start3A_120] : memref<100x64xf32, #tpu.memory_space<vmem>> -> memref<80x64xf32, #tpu.memory_space<vmem>>
        %dma_start3A_122 = arith.constant 0 : i32
        %dma_start3A_123 = tpu.memref_slice %arg13[%mul3A_118, %dma_start3A_122] : memref<10000x64xf32, #tpu.memory_space<vmem_shared>> -> memref<80x64xf32, #tpu.memory_space<vmem_shared>>
        %dma_start3A_124 = arith.constant 0 : i32
        %dma_start3A_125 = tpu.memref_slice %arg13[%mul3A_118, %dma_start3A_124] : memref<10000x64xf32, #tpu.memory_space<vmem_shared>> -> memref<80x64xf32, #tpu.memory_space<vmem_shared>>
        %dma_start3A_126 = arith.constant 0 : i32
        %dma_start3A_127 = arith.constant 0 : i32
        %dma_start3A_128 = tpu.memref_slice %arg9[%dma_start3A_126, %dma_start3A_127] : memref<100x64xf32, #tpu.memory_space<vmem>> -> memref<80x64xf32, #tpu.memory_space<vmem>>
        tpu.enqueue_dma source(%dma_start3A_128 : memref<80x64xf32, #tpu.memory_space<vmem>>) target(%dma_start3A_125 : memref<80x64xf32, #tpu.memory_space<vmem_shared>>) target_semaphore(%run_scoped3A_119 : memref<!tpu.dma_semaphore, #tpu.memory_space<semaphore_mem>>)
        %dma_wait3A = arith.constant 0 : i32
        %dma_wait3A_129 = arith.constant 0 : i32
        %dma_wait3A_130 = tpu.memref_slice %arg9[%dma_wait3A, %dma_wait3A_129] : memref<100x64xf32, #tpu.memory_space<vmem>> -> memref<80x64xf32, #tpu.memory_space<vmem>>
        %dma_wait3A_131 = arith.constant 0 : i32
        %dma_wait3A_132 = tpu.memref_slice %arg13[%mul3A_118, %dma_wait3A_131] : memref<10000x64xf32, #tpu.memory_space<vmem_shared>> -> memref<80x64xf32, #tpu.memory_space<vmem_shared>>
        %dma_wait3A_133 = arith.constant 0 : i32
        %dma_wait3A_134 = tpu.memref_slice %arg13[%mul3A_118, %dma_wait3A_133] : memref<10000x64xf32, #tpu.memory_space<vmem_shared>> -> memref<80x64xf32, #tpu.memory_space<vmem_shared>>
        %dma_wait3A_135 = arith.constant 0 : i32
        %dma_wait3A_136 = arith.constant 0 : i32
        %dma_wait3A_137 = tpu.memref_slice %arg9[%dma_wait3A_135, %dma_wait3A_136] : memref<100x64xf32, #tpu.memory_space<vmem>> -> memref<80x64xf32, #tpu.memory_space<vmem>>
        tpu.wait_dma2 semaphore(%run_scoped3A_119 : memref<!tpu.dma_semaphore, #tpu.memory_space<semaphore_mem>>) src(%dma_wait3A_137 : memref<80x64xf32, #tpu.memory_space<vmem>>) dst(%dma_wait3A_134 : memref<80x64xf32, #tpu.memory_space<vmem_shared>>)
        tpu.yield
      }) : () -> ()
    } else {
    }
    %add3A_27 = arith.constant 64 : i32
    %add3A_28 = arith.addi %arg1, %add3A_27 : i32
    %lt3A_29 = arith.constant 125 : i32
    %lt3A_30 = arith.cmpi slt, %add3A_28, %lt3A_29 : i32
    %convert_element_type3A_31 = arith.extui %lt3A_30 : i1 to i32
    %cond3A_32 = arith.constant 0 : i32
    %cond3A_33 = arith.cmpi ne, %convert_element_type3A_31, %cond3A_32 : i32
    scf.if %cond3A_33 {
      %mul3A_117 = arith.constant 80 : i32
      %mul3A_118 = arith.muli %add3A_28, %mul3A_117 : i32
      "tpu.region"() ({
        %run_scoped3A_119 = tpu.sem_alloc : memref<!tpu.dma_semaphore, #tpu.memory_space<semaphore_mem>>
        %dma_start3A = arith.constant 0 : i32
        %dma_start3A_120 = arith.constant 0 : i32
        %dma_start3A_121 = tpu.memref_slice %arg9[%dma_start3A, %dma_start3A_120] : memref<100x64xf32, #tpu.memory_space<vmem>> -> memref<80x64xf32, #tpu.memory_space<vmem>>
        %dma_start3A_122 = arith.constant 0 : i32
        %dma_start3A_123 = tpu.memref_slice %arg13[%mul3A_118, %dma_start3A_122] : memref<10000x64xf32, #tpu.memory_space<vmem_shared>> -> memref<80x64xf32, #tpu.memory_space<vmem_shared>>
        %dma_start3A_124 = arith.constant 0 : i32
        %dma_start3A_125 = tpu.memref_slice %arg13[%mul3A_118, %dma_start3A_124] : memref<10000x64xf32, #tpu.memory_space<vmem_shared>> -> memref<80x64xf32, #tpu.memory_space<vmem_shared>>
        %dma_start3A_126 = arith.constant 0 : i32
        %dma_start3A_127 = arith.constant 0 : i32
        %dma_start3A_128 = tpu.memref_slice %arg9[%dma_start3A_126, %dma_start3A_127] : memref<100x64xf32, #tpu.memory_space<vmem>> -> memref<80x64xf32, #tpu.memory_space<vmem>>
        tpu.enqueue_dma source(%dma_start3A_128 : memref<80x64xf32, #tpu.memory_space<vmem>>) target(%dma_start3A_125 : memref<80x64xf32, #tpu.memory_space<vmem_shared>>) target_semaphore(%run_scoped3A_119 : memref<!tpu.dma_semaphore, #tpu.memory_space<semaphore_mem>>)
        %dma_wait3A = arith.constant 0 : i32
        %dma_wait3A_129 = arith.constant 0 : i32
        %dma_wait3A_130 = tpu.memref_slice %arg9[%dma_wait3A, %dma_wait3A_129] : memref<100x64xf32, #tpu.memory_space<vmem>> -> memref<80x64xf32, #tpu.memory_space<vmem>>
        %dma_wait3A_131 = arith.constant 0 : i32
        %dma_wait3A_132 = tpu.memref_slice %arg13[%mul3A_118, %dma_wait3A_131] : memref<10000x64xf32, #tpu.memory_space<vmem_shared>> -> memref<80x64xf32, #tpu.memory_space<vmem_shared>>
        %dma_wait3A_133 = arith.constant 0 : i32
        %dma_wait3A_134 = tpu.memref_slice %arg13[%mul3A_118, %dma_wait3A_133] : memref<10000x64xf32, #tpu.memory_space<vmem_shared>> -> memref<80x64xf32, #tpu.memory_space<vmem_shared>>
        %dma_wait3A_135 = arith.constant 0 : i32
        %dma_wait3A_136 = arith.constant 0 : i32
        %dma_wait3A_137 = tpu.memref_slice %arg9[%dma_wait3A_135, %dma_wait3A_136] : memref<100x64xf32, #tpu.memory_space<vmem>> -> memref<80x64xf32, #tpu.memory_space<vmem>>
        tpu.wait_dma2 semaphore(%run_scoped3A_119 : memref<!tpu.dma_semaphore, #tpu.memory_space<semaphore_mem>>) src(%dma_wait3A_137 : memref<80x64xf32, #tpu.memory_space<vmem>>) dst(%dma_wait3A_134 : memref<80x64xf32, #tpu.memory_space<vmem_shared>>)
        tpu.yield
      }) : () -> ()
    } else {
    }
    %add3A_34 = arith.constant 80 : i32
    %add3A_35 = arith.addi %arg1, %add3A_34 : i32
    %lt3A_36 = arith.constant 125 : i32
    %lt3A_37 = arith.cmpi slt, %add3A_35, %lt3A_36 : i32
    %convert_element_type3A_38 = arith.extui %lt3A_37 : i1 to i32
    %cond3A_39 = arith.constant 0 : i32
    %cond3A_40 = arith.cmpi ne, %convert_element_type3A_38, %cond3A_39 : i32
    scf.if %cond3A_40 {
      %mul3A_117 = arith.constant 80 : i32
      %mul3A_118 = arith.muli %add3A_35, %mul3A_117 : i32
      "tpu.region"() ({
        %run_scoped3A_119 = tpu.sem_alloc : memref<!tpu.dma_semaphore, #tpu.memory_space<semaphore_mem>>
        %dma_start3A = arith.constant 0 : i32
        %dma_start3A_120 = arith.constant 0 : i32
        %dma_start3A_121 = tpu.memref_slice %arg9[%dma_start3A, %dma_start3A_120] : memref<100x64xf32, #tpu.memory_space<vmem>> -> memref<80x64xf32, #tpu.memory_space<vmem>>
        %dma_start3A_122 = arith.constant 0 : i32
        %dma_start3A_123 = tpu.memref_slice %arg13[%mul3A_118, %dma_start3A_122] : memref<10000x64xf32, #tpu.memory_space<vmem_shared>> -> memref<80x64xf32, #tpu.memory_space<vmem_shared>>
        %dma_start3A_124 = arith.constant 0 : i32
        %dma_start3A_125 = tpu.memref_slice %arg13[%mul3A_118, %dma_start3A_124] : memref<10000x64xf32, #tpu.memory_space<vmem_shared>> -> memref<80x64xf32, #tpu.memory_space<vmem_shared>>
        %dma_start3A_126 = arith.constant 0 : i32
        %dma_start3A_127 = arith.constant 0 : i32
        %dma_start3A_128 = tpu.memref_slice %arg9[%dma_start3A_126, %dma_start3A_127] : memref<100x64xf32, #tpu.memory_space<vmem>> -> memref<80x64xf32, #tpu.memory_space<vmem>>
        tpu.enqueue_dma source(%dma_start3A_128 : memref<80x64xf32, #tpu.memory_space<vmem>>) target(%dma_start3A_125 : memref<80x64xf32, #tpu.memory_space<vmem_shared>>) target_semaphore(%run_scoped3A_119 : memref<!tpu.dma_semaphore, #tpu.memory_space<semaphore_mem>>)
        %dma_wait3A = arith.constant 0 : i32
        %dma_wait3A_129 = arith.constant 0 : i32
        %dma_wait3A_130 = tpu.memref_slice %arg9[%dma_wait3A, %dma_wait3A_129] : memref<100x64xf32, #tpu.memory_space<vmem>> -> memref<80x64xf32, #tpu.memory_space<vmem>>
        %dma_wait3A_131 = arith.constant 0 : i32
        %dma_wait3A_132 = tpu.memref_slice %arg13[%mul3A_118, %dma_wait3A_131] : memref<10000x64xf32, #tpu.memory_space<vmem_shared>> -> memref<80x64xf32, #tpu.memory_space<vmem_shared>>
        %dma_wait3A_133 = arith.constant 0 : i32
        %dma_wait3A_134 = tpu.memref_slice %arg13[%mul3A_118, %dma_wait3A_133] : memref<10000x64xf32, #tpu.memory_space<vmem_shared>> -> memref<80x64xf32, #tpu.memory_space<vmem_shared>>
        %dma_wait3A_135 = arith.constant 0 : i32
        %dma_wait3A_136 = arith.constant 0 : i32
        %dma_wait3A_137 = tpu.memref_slice %arg9[%dma_wait3A_135, %dma_wait3A_136] : memref<100x64xf32, #tpu.memory_space<vmem>> -> memref<80x64xf32, #tpu.memory_space<vmem>>
        tpu.wait_dma2 semaphore(%run_scoped3A_119 : memref<!tpu.dma_semaphore, #tpu.memory_space<semaphore_mem>>) src(%dma_wait3A_137 : memref<80x64xf32, #tpu.memory_space<vmem>>) dst(%dma_wait3A_134 : memref<80x64xf32, #tpu.memory_space<vmem_shared>>)
        tpu.yield
      }) : () -> ()
    } else {
    }
    %add3A_41 = arith.constant 96 : i32
    %add3A_42 = arith.addi %arg1, %add3A_41 : i32
    %lt3A_43 = arith.constant 125 : i32
    %lt3A_44 = arith.cmpi slt, %add3A_42, %lt3A_43 : i32
    %convert_element_type3A_45 = arith.extui %lt3A_44 : i1 to i32
    %cond3A_46 = arith.constant 0 : i32
    %cond3A_47 = arith.cmpi ne, %convert_element_type3A_45, %cond3A_46 : i32
    scf.if %cond3A_47 {
      %mul3A_117 = arith.constant 80 : i32
      %mul3A_118 = arith.muli %add3A_42, %mul3A_117 : i32
      "tpu.region"() ({
        %run_scoped3A_119 = tpu.sem_alloc : memref<!tpu.dma_semaphore, #tpu.memory_space<semaphore_mem>>
        %dma_start3A = arith.constant 0 : i32
        %dma_start3A_120 = arith.constant 0 : i32
        %dma_start3A_121 = tpu.memref_slice %arg9[%dma_start3A, %dma_start3A_120] : memref<100x64xf32, #tpu.memory_space<vmem>> -> memref<80x64xf32, #tpu.memory_space<vmem>>
        %dma_start3A_122 = arith.constant 0 : i32
        %dma_start3A_123 = tpu.memref_slice %arg13[%mul3A_118, %dma_start3A_122] : memref<10000x64xf32, #tpu.memory_space<vmem_shared>> -> memref<80x64xf32, #tpu.memory_space<vmem_shared>>
        %dma_start3A_124 = arith.constant 0 : i32
        %dma_start3A_125 = tpu.memref_slice %arg13[%mul3A_118, %dma_start3A_124] : memref<10000x64xf32, #tpu.memory_space<vmem_shared>> -> memref<80x64xf32, #tpu.memory_space<vmem_shared>>
        %dma_start3A_126 = arith.constant 0 : i32
        %dma_start3A_127 = arith.constant 0 : i32
        %dma_start3A_128 = tpu.memref_slice %arg9[%dma_start3A_126, %dma_start3A_127] : memref<100x64xf32, #tpu.memory_space<vmem>> -> memref<80x64xf32, #tpu.memory_space<vmem>>
        tpu.enqueue_dma source(%dma_start3A_128 : memref<80x64xf32, #tpu.memory_space<vmem>>) target(%dma_start3A_125 : memref<80x64xf32, #tpu.memory_space<vmem_shared>>) target_semaphore(%run_scoped3A_119 : memref<!tpu.dma_semaphore, #tpu.memory_space<semaphore_mem>>)
        %dma_wait3A = arith.constant 0 : i32
        %dma_wait3A_129 = arith.constant 0 : i32
        %dma_wait3A_130 = tpu.memref_slice %arg9[%dma_wait3A, %dma_wait3A_129] : memref<100x64xf32, #tpu.memory_space<vmem>> -> memref<80x64xf32, #tpu.memory_space<vmem>>
        %dma_wait3A_131 = arith.constant 0 : i32
        %dma_wait3A_132 = tpu.memref_slice %arg13[%mul3A_118, %dma_wait3A_131] : memref<10000x64xf32, #tpu.memory_space<vmem_shared>> -> memref<80x64xf32, #tpu.memory_space<vmem_shared>>
        %dma_wait3A_133 = arith.constant 0 : i32
        %dma_wait3A_134 = tpu.memref_slice %arg13[%mul3A_118, %dma_wait3A_133] : memref<10000x64xf32, #tpu.memory_space<vmem_shared>> -> memref<80x64xf32, #tpu.memory_space<vmem_shared>>
        %dma_wait3A_135 = arith.constant 0 : i32
        %dma_wait3A_136 = arith.constant 0 : i32
        %dma_wait3A_137 = tpu.memref_slice %arg9[%dma_wait3A_135, %dma_wait3A_136] : memref<100x64xf32, #tpu.memory_space<vmem>> -> memref<80x64xf32, #tpu.memory_space<vmem>>
        tpu.wait_dma2 semaphore(%run_scoped3A_119 : memref<!tpu.dma_semaphore, #tpu.memory_space<semaphore_mem>>) src(%dma_wait3A_137 : memref<80x64xf32, #tpu.memory_space<vmem>>) dst(%dma_wait3A_134 : memref<80x64xf32, #tpu.memory_space<vmem_shared>>)
        tpu.yield
      }) : () -> ()
    } else {
    }
    %add3A_48 = arith.constant 112 : i32
    %add3A_49 = arith.addi %arg1, %add3A_48 : i32
    %lt3A_50 = arith.constant 125 : i32
    %lt3A_51 = arith.cmpi slt, %add3A_49, %lt3A_50 : i32
    %convert_element_type3A_52 = arith.extui %lt3A_51 : i1 to i32
    %cond3A_53 = arith.constant 0 : i32
    %cond3A_54 = arith.cmpi ne, %convert_element_type3A_52, %cond3A_53 : i32
    scf.if %cond3A_54 {
      %mul3A_117 = arith.constant 80 : i32
      %mul3A_118 = arith.muli %add3A_49, %mul3A_117 : i32
      "tpu.region"() ({
        %run_scoped3A_119 = tpu.sem_alloc : memref<!tpu.dma_semaphore, #tpu.memory_space<semaphore_mem>>
        %dma_start3A = arith.constant 0 : i32
        %dma_start3A_120 = arith.constant 0 : i32
        %dma_start3A_121 = tpu.memref_slice %arg9[%dma_start3A, %dma_start3A_120] : memref<100x64xf32, #tpu.memory_space<vmem>> -> memref<80x64xf32, #tpu.memory_space<vmem>>
        %dma_start3A_122 = arith.constant 0 : i32
        %dma_start3A_123 = tpu.memref_slice %arg13[%mul3A_118, %dma_start3A_122] : memref<10000x64xf32, #tpu.memory_space<vmem_shared>> -> memref<80x64xf32, #tpu.memory_space<vmem_shared>>
        %dma_start3A_124 = arith.constant 0 : i32
        %dma_start3A_125 = tpu.memref_slice %arg13[%mul3A_118, %dma_start3A_124] : memref<10000x64xf32, #tpu.memory_space<vmem_shared>> -> memref<80x64xf32, #tpu.memory_space<vmem_shared>>
        %dma_start3A_126 = arith.constant 0 : i32
        %dma_start3A_127 = arith.constant 0 : i32
        %dma_start3A_128 = tpu.memref_slice %arg9[%dma_start3A_126, %dma_start3A_127] : memref<100x64xf32, #tpu.memory_space<vmem>> -> memref<80x64xf32, #tpu.memory_space<vmem>>
        tpu.enqueue_dma source(%dma_start3A_128 : memref<80x64xf32, #tpu.memory_space<vmem>>) target(%dma_start3A_125 : memref<80x64xf32, #tpu.memory_space<vmem_shared>>) target_semaphore(%run_scoped3A_119 : memref<!tpu.dma_semaphore, #tpu.memory_space<semaphore_mem>>)
        %dma_wait3A = arith.constant 0 : i32
        %dma_wait3A_129 = arith.constant 0 : i32
        %dma_wait3A_130 = tpu.memref_slice %arg9[%dma_wait3A, %dma_wait3A_129] : memref<100x64xf32, #tpu.memory_space<vmem>> -> memref<80x64xf32, #tpu.memory_space<vmem>>
        %dma_wait3A_131 = arith.constant 0 : i32
        %dma_wait3A_132 = tpu.memref_slice %arg13[%mul3A_118, %dma_wait3A_131] : memref<10000x64xf32, #tpu.memory_space<vmem_shared>> -> memref<80x64xf32, #tpu.memory_space<vmem_shared>>
        %dma_wait3A_133 = arith.constant 0 : i32
        %dma_wait3A_134 = tpu.memref_slice %arg13[%mul3A_118, %dma_wait3A_133] : memref<10000x64xf32, #tpu.memory_space<vmem_shared>> -> memref<80x64xf32, #tpu.memory_space<vmem_shared>>
        %dma_wait3A_135 = arith.constant 0 : i32
        %dma_wait3A_136 = arith.constant 0 : i32
        %dma_wait3A_137 = tpu.memref_slice %arg9[%dma_wait3A_135, %dma_wait3A_136] : memref<100x64xf32, #tpu.memory_space<vmem>> -> memref<80x64xf32, #tpu.memory_space<vmem>>
        tpu.wait_dma2 semaphore(%run_scoped3A_119 : memref<!tpu.dma_semaphore, #tpu.memory_space<semaphore_mem>>) src(%dma_wait3A_137 : memref<80x64xf32, #tpu.memory_space<vmem>>) dst(%dma_wait3A_134 : memref<80x64xf32, #tpu.memory_space<vmem_shared>>)
        tpu.yield
      }) : () -> ()
    } else {
    }
    %barrier3A = arith.constant 0 : index
    tpu.barrier barrier_id(%barrier3A)
    %scan3A = arith.constant 0 : i32
    %scan3A_55 = arith.constant 0 : i32
    %scan3A_56 = arith.constant 2 : i32
    %scan3A_57 = arith.addi %scan3A_55, %scan3A_56 : i32
    %scan3A_58 = arith.constant 1 : i32
    scf.for %scan3A_117 = %scan3A_55 to %scan3A_57 step %scan3A_58  : i32 {
      %gt3A = arith.constant 0 : i32
      %gt3A_118 = arith.cmpi sgt, %scan3A_117, %gt3A : i32
      %convert_element_type3A_119 = arith.extui %gt3A_118 : i1 to i32
      %cond3A_120 = arith.constant 0 : i32
      %cond3A_121 = arith.cmpi ne, %convert_element_type3A_119, %cond3A_120 : i32
      scf.if %cond3A_121 {
        "tpu.region"() ({
          %run_scoped3A_495 = tpu.sem_alloc : memref<!tpu.dma_semaphore, #tpu.memory_space<semaphore_mem>>
          %dma_start3A_496 = arith.constant 0 : i32
          %dma_start3A_497 = arith.constant 0 : i32
          %dma_start3A_498 = tpu.memref_slice %arg3[%add3A, %scan3A_117, %dma_start3A_496, %dma_start3A_497] : memref<32x2x25x100xi32, #tpu.memory_space<hbm>> -> memref<1x1x25x100xi32, #tpu.memory_space<hbm>>
          %dma_start3A_499 = tpu.memref_squeeze %dma_start3A_498 : memref<1x1x25x100xi32, #tpu.memory_space<hbm>> -> memref<25x100xi32, #tpu.memory_space<hbm>>
          %dma_start3A_500 = arith.constant 0 : i32
          %dma_start3A_501 = arith.constant 0 : i32
          %dma_start3A_502 = tpu.memref_slice %arg3[%add3A, %scan3A_117, %dma_start3A_500, %dma_start3A_501] : memref<32x2x25x100xi32, #tpu.memory_space<hbm>> -> memref<1x1x25x100xi32, #tpu.memory_space<hbm>>
          %dma_start3A_503 = tpu.memref_squeeze %dma_start3A_502 : memref<1x1x25x100xi32, #tpu.memory_space<hbm>> -> memref<25x100xi32, #tpu.memory_space<hbm>>
          tpu.enqueue_dma source(%dma_start3A_503 : memref<25x100xi32, #tpu.memory_space<hbm>>) target(%arg7 : memref<25x100xi32, #tpu.memory_space<vmem>>) target_semaphore(%run_scoped3A_495 : memref<!tpu.dma_semaphore, #tpu.memory_space<semaphore_mem>>)
          %dma_wait3A_504 = arith.constant 0 : i32
          %dma_wait3A_505 = arith.constant 0 : i32
          %dma_wait3A_506 = tpu.memref_slice %arg3[%add3A, %scan3A_117, %dma_wait3A_504, %dma_wait3A_505] : memref<32x2x25x100xi32, #tpu.memory_space<hbm>> -> memref<1x1x25x100xi32, #tpu.memory_space<hbm>>
          %dma_wait3A_507 = tpu.memref_squeeze %dma_wait3A_506 : memref<1x1x25x100xi32, #tpu.memory_space<hbm>> -> memref<25x100xi32, #tpu.memory_space<hbm>>
          %dma_wait3A_508 = arith.constant 0 : i32
          %dma_wait3A_509 = arith.constant 0 : i32
          %dma_wait3A_510 = tpu.memref_slice %arg3[%add3A, %scan3A_117, %dma_wait3A_508, %dma_wait3A_509] : memref<32x2x25x100xi32, #tpu.memory_space<hbm>> -> memref<1x1x25x100xi32, #tpu.memory_space<hbm>>
          %dma_wait3A_511 = tpu.memref_squeeze %dma_wait3A_510 : memref<1x1x25x100xi32, #tpu.memory_space<hbm>> -> memref<25x100xi32, #tpu.memory_space<hbm>>
          tpu.wait_dma2 semaphore(%run_scoped3A_495 : memref<!tpu.dma_semaphore, #tpu.memory_space<semaphore_mem>>) src(%dma_wait3A_511 : memref<25x100xi32, #tpu.memory_space<hbm>>) dst(%arg7 : memref<25x100xi32, #tpu.memory_space<vmem>>)
          tpu.yield
        }) : () -> ()
        "tpu.region"() ({
          %run_scoped3A_495 = tpu.sem_alloc : memref<!tpu.dma_semaphore, #tpu.memory_space<semaphore_mem>>
          %dma_start3A_496 = arith.constant 0 : i32
          %dma_start3A_497 = arith.constant 0 : i32
          %dma_start3A_498 = tpu.memref_slice %arg4[%add3A, %scan3A_117, %dma_start3A_496, %dma_start3A_497] : memref<32x2x25x100xi32, #tpu.memory_space<hbm>> -> memref<1x1x25x100xi32, #tpu.memory_space<hbm>>
          %dma_start3A_499 = tpu.memref_squeeze %dma_start3A_498 : memref<1x1x25x100xi32, #tpu.memory_space<hbm>> -> memref<25x100xi32, #tpu.memory_space<hbm>>
          %dma_start3A_500 = arith.constant 0 : i32
          %dma_start3A_501 = arith.constant 0 : i32
          %dma_start3A_502 = tpu.memref_slice %arg4[%add3A, %scan3A_117, %dma_start3A_500, %dma_start3A_501] : memref<32x2x25x100xi32, #tpu.memory_space<hbm>> -> memref<1x1x25x100xi32, #tpu.memory_space<hbm>>
          %dma_start3A_503 = tpu.memref_squeeze %dma_start3A_502 : memref<1x1x25x100xi32, #tpu.memory_space<hbm>> -> memref<25x100xi32, #tpu.memory_space<hbm>>
          tpu.enqueue_dma source(%dma_start3A_503 : memref<25x100xi32, #tpu.memory_space<hbm>>) target(%arg8 : memref<25x100xi32, #tpu.memory_space<vmem>>) target_semaphore(%run_scoped3A_495 : memref<!tpu.dma_semaphore, #tpu.memory_space<semaphore_mem>>)
          %dma_wait3A_504 = arith.constant 0 : i32
          %dma_wait3A_505 = arith.constant 0 : i32
          %dma_wait3A_506 = tpu.memref_slice %arg4[%add3A, %scan3A_117, %dma_wait3A_504, %dma_wait3A_505] : memref<32x2x25x100xi32, #tpu.memory_space<hbm>> -> memref<1x1x25x100xi32, #tpu.memory_space<hbm>>
          %dma_wait3A_507 = tpu.memref_squeeze %dma_wait3A_506 : memref<1x1x25x100xi32, #tpu.memory_space<hbm>> -> memref<25x100xi32, #tpu.memory_space<hbm>>
          %dma_wait3A_508 = arith.constant 0 : i32
          %dma_wait3A_509 = arith.constant 0 : i32
          %dma_wait3A_510 = tpu.memref_slice %arg4[%add3A, %scan3A_117, %dma_wait3A_508, %dma_wait3A_509] : memref<32x2x25x100xi32, #tpu.memory_space<hbm>> -> memref<1x1x25x100xi32, #tpu.memory_space<hbm>>
          %dma_wait3A_511 = tpu.memref_squeeze %dma_wait3A_510 : memref<1x1x25x100xi32, #tpu.memory_space<hbm>> -> memref<25x100xi32, #tpu.memory_space<hbm>>
          tpu.wait_dma2 semaphore(%run_scoped3A_495 : memref<!tpu.dma_semaphore, #tpu.memory_space<semaphore_mem>>) src(%dma_wait3A_511 : memref<25x100xi32, #tpu.memory_space<hbm>>) dst(%arg8 : memref<25x100xi32, #tpu.memory_space<vmem>>)
          tpu.yield
        }) : () -> ()
      } else {
      }
      %dma_start3A = arith.constant 0 : i32
      %dma_start3A_122 = arith.constant 0 : i32
      %dma_start3A_123 = tpu.memref_slice %arg7[%dma_start3A, %dma_start3A_122] : memref<25x100xi32, #tpu.memory_space<vmem>> -> memref<1x100xi32, #tpu.memory_space<vmem>>
      %dma_start3A_124 = tpu.memref_squeeze %dma_start3A_123 : memref<1x100xi32, #tpu.memory_space<vmem>> -> memref<100xi32, #tpu.memory_space<vmem>>
      %dma_start3A_125 = arith.constant 0 : i32
      %dma_start3A_126 = arith.constant 0 : i32
      %dma_start3A_127 = tpu.memref_slice %arg2[%dma_start3A_125, %dma_start3A_126] : memref<10000x64xf32, #tpu.memory_space<hbm>> -> memref<10000x64xf32, #tpu.memory_space<hbm>>
      tpu.enqueue_indirect_dma source(%dma_start3A_127 : memref<10000x64xf32, #tpu.memory_space<hbm>>) target(%arg9 : memref<100x64xf32, #tpu.memory_space<vmem>>) offsets(%dma_start3A_124 : memref<100xi32, #tpu.memory_space<vmem>>) semaphore(%arg14 : memref<!tpu.dma_semaphore, #tpu.memory_space<semaphore_mem>>)
      %dma_start3A_128 = arith.constant 1 : i32
      %dma_start3A_129 = arith.constant 0 : i32
      %dma_start3A_130 = tpu.memref_slice %arg7[%dma_start3A_128, %dma_start3A_129] : memref<25x100xi32, #tpu.memory_space<vmem>> -> memref<1x100xi32, #tpu.memory_space<vmem>>
      %dma_start3A_131 = tpu.memref_squeeze %dma_start3A_130 : memref<1x100xi32, #tpu.memory_space<vmem>> -> memref<100xi32, #tpu.memory_space<vmem>>
      %dma_start3A_132 = arith.constant 0 : i32
      %dma_start3A_133 = arith.constant 0 : i32
      %dma_start3A_134 = tpu.memref_slice %arg2[%dma_start3A_132, %dma_start3A_133] : memref<10000x64xf32, #tpu.memory_space<hbm>> -> memref<10000x64xf32, #tpu.memory_space<hbm>>
      tpu.enqueue_indirect_dma source(%dma_start3A_134 : memref<10000x64xf32, #tpu.memory_space<hbm>>) target(%arg10 : memref<100x64xf32, #tpu.memory_space<vmem>>) offsets(%dma_start3A_131 : memref<100xi32, #tpu.memory_space<vmem>>) semaphore(%arg15 : memref<!tpu.dma_semaphore, #tpu.memory_space<semaphore_mem>>)
      %dma_start3A_135 = arith.constant 2 : i32
      %dma_start3A_136 = arith.constant 0 : i32
      %dma_start3A_137 = tpu.memref_slice %arg7[%dma_start3A_135, %dma_start3A_136] : memref<25x100xi32, #tpu.memory_space<vmem>> -> memref<1x100xi32, #tpu.memory_space<vmem>>
      %dma_start3A_138 = tpu.memref_squeeze %dma_start3A_137 : memref<1x100xi32, #tpu.memory_space<vmem>> -> memref<100xi32, #tpu.memory_space<vmem>>
      %dma_start3A_139 = arith.constant 0 : i32
      %dma_start3A_140 = arith.constant 0 : i32
      %dma_start3A_141 = tpu.memref_slice %arg2[%dma_start3A_139, %dma_start3A_140] : memref<10000x64xf32, #tpu.memory_space<hbm>> -> memref<10000x64xf32, #tpu.memory_space<hbm>>
      tpu.enqueue_indirect_dma source(%dma_start3A_141 : memref<10000x64xf32, #tpu.memory_space<hbm>>) target(%arg11 : memref<100x64xf32, #tpu.memory_space<vmem>>) offsets(%dma_start3A_138 : memref<100xi32, #tpu.memory_space<vmem>>) semaphore(%arg16 : memref<!tpu.dma_semaphore, #tpu.memory_space<semaphore_mem>>)
      %dma_wait3A = arith.constant 0 : i32
      %dma_wait3A_142 = arith.constant 0 : i32
      %dma_wait3A_143 = tpu.memref_slice %arg7[%dma_wait3A, %dma_wait3A_142] : memref<25x100xi32, #tpu.memory_space<vmem>> -> memref<1x100xi32, #tpu.memory_space<vmem>>
      %dma_wait3A_144 = tpu.memref_squeeze %dma_wait3A_143 : memref<1x100xi32, #tpu.memory_space<vmem>> -> memref<100xi32, #tpu.memory_space<vmem>>
      %dma_wait3A_145 = arith.constant 0 : i32
      %dma_wait3A_146 = arith.constant 0 : i32
      %dma_wait3A_147 = tpu.memref_slice %arg2[%dma_wait3A_145, %dma_wait3A_146] : memref<10000x64xf32, #tpu.memory_space<hbm>> -> memref<10000x64xf32, #tpu.memory_space<hbm>>
      tpu.wait_indirect_dma semaphore(%arg14 : memref<!tpu.dma_semaphore, #tpu.memory_space<semaphore_mem>>) src(%dma_wait3A_147 : memref<10000x64xf32, #tpu.memory_space<hbm>>) dst(%arg9 : memref<100x64xf32, #tpu.memory_space<vmem>>)
      %dma_start3A_148 = arith.constant 3 : i32
      %dma_start3A_149 = arith.constant 0 : i32
      %dma_start3A_150 = tpu.memref_slice %arg7[%dma_start3A_148, %dma_start3A_149] : memref<25x100xi32, #tpu.memory_space<vmem>> -> memref<1x100xi32, #tpu.memory_space<vmem>>
      %dma_start3A_151 = tpu.memref_squeeze %dma_start3A_150 : memref<1x100xi32, #tpu.memory_space<vmem>> -> memref<100xi32, #tpu.memory_space<vmem>>
      %dma_start3A_152 = arith.constant 0 : i32
      %dma_start3A_153 = arith.constant 0 : i32
      %dma_start3A_154 = tpu.memref_slice %arg2[%dma_start3A_152, %dma_start3A_153] : memref<10000x64xf32, #tpu.memory_space<hbm>> -> memref<10000x64xf32, #tpu.memory_space<hbm>>
      tpu.enqueue_indirect_dma source(%dma_start3A_154 : memref<10000x64xf32, #tpu.memory_space<hbm>>) target(%arg12 : memref<100x64xf32, #tpu.memory_space<vmem>>) offsets(%dma_start3A_151 : memref<100xi32, #tpu.memory_space<vmem>>) semaphore(%arg17 : memref<!tpu.dma_semaphore, #tpu.memory_space<semaphore_mem>>)
      %run_scoped3A_155 = arith.constant 0 : i32
      "tpu.region"() ({
        %run_scoped3A_495 = tpu.sem_alloc : memref<!tpu.dma_semaphore, #tpu.memory_space<semaphore_mem>>
        %dma_start3A_496 = arith.constant 0 : i32
        %dma_start3A_497 = tpu.memref_slice %arg8[%run_scoped3A_155, %dma_start3A_496] : memref<25x100xi32, #tpu.memory_space<vmem>> -> memref<1x100xi32, #tpu.memory_space<vmem>>
        %dma_start3A_498 = tpu.memref_squeeze %dma_start3A_497 : memref<1x100xi32, #tpu.memory_space<vmem>> -> memref<100xi32, #tpu.memory_space<vmem>>
        %dma_start3A_499 = arith.constant 0 : i32
        %dma_start3A_500 = arith.constant 0 : i32
        %dma_start3A_501 = tpu.memref_slice %arg13[%dma_start3A_499, %dma_start3A_500] : memref<10000x64xf32, #tpu.memory_space<vmem_shared>> -> memref<10000x64xf32, #tpu.memory_space<vmem_shared>>
        tpu.enqueue_indirect_dma source(%arg9 : memref<100x64xf32, #tpu.memory_space<vmem>>) target(%dma_start3A_501 : memref<10000x64xf32, #tpu.memory_space<vmem_shared>>) offsets(%dma_start3A_498 : memref<100xi32, #tpu.memory_space<vmem>>) semaphore(%run_scoped3A_495 : memref<!tpu.dma_semaphore, #tpu.memory_space<semaphore_mem>>) {add = true}
        %dma_wait3A_502 = arith.constant 0 : i32
        %dma_wait3A_503 = tpu.memref_slice %arg8[%run_scoped3A_155, %dma_wait3A_502] : memref<25x100xi32, #tpu.memory_space<vmem>> -> memref<1x100xi32, #tpu.memory_space<vmem>>
        %dma_wait3A_504 = tpu.memref_squeeze %dma_wait3A_503 : memref<1x100xi32, #tpu.memory_space<vmem>> -> memref<100xi32, #tpu.memory_space<vmem>>
        %dma_wait3A_505 = arith.constant 0 : i32
        %dma_wait3A_506 = arith.constant 0 : i32
        %dma_wait3A_507 = tpu.memref_slice %arg13[%dma_wait3A_505, %dma_wait3A_506] : memref<10000x64xf32, #tpu.memory_space<vmem_shared>> -> memref<10000x64xf32, #tpu.memory_space<vmem_shared>>
        tpu.wait_indirect_dma semaphore(%run_scoped3A_495 : memref<!tpu.dma_semaphore, #tpu.memory_space<semaphore_mem>>) src(%arg9 : memref<100x64xf32, #tpu.memory_space<vmem>>) dst(%dma_wait3A_507 : memref<10000x64xf32, #tpu.memory_space<vmem_shared>>)
        tpu.yield
      }) : () -> ()
      %dma_wait3A_156 = arith.constant 0 : i32
      %dma_wait3A_157 = arith.constant 0 : i32
      %dma_wait3A_158 = tpu.memref_slice %arg7[%dma_wait3A_156, %dma_wait3A_157] : memref<25x100xi32, #tpu.memory_space<vmem>> -> memref<1x100xi32, #tpu.memory_space<vmem>>
      %dma_wait3A_159 = tpu.memref_squeeze %dma_wait3A_158 : memref<1x100xi32, #tpu.memory_space<vmem>> -> memref<100xi32, #tpu.memory_space<vmem>>
      %dma_wait3A_160 = arith.constant 0 : i32
      %dma_wait3A_161 = arith.constant 0 : i32
      %dma_wait3A_162 = tpu.memref_slice %arg2[%dma_wait3A_160, %dma_wait3A_161] : memref<10000x64xf32, #tpu.memory_space<hbm>> -> memref<10000x64xf32, #tpu.memory_space<hbm>>
      tpu.wait_indirect_dma semaphore(%arg15 : memref<!tpu.dma_semaphore, #tpu.memory_space<semaphore_mem>>) src(%dma_wait3A_162 : memref<10000x64xf32, #tpu.memory_space<hbm>>) dst(%arg10 : memref<100x64xf32, #tpu.memory_space<vmem>>)
      %dma_start3A_163 = arith.constant 4 : i32
      %dma_start3A_164 = arith.constant 0 : i32
      %dma_start3A_165 = tpu.memref_slice %arg7[%dma_start3A_163, %dma_start3A_164] : memref<25x100xi32, #tpu.memory_space<vmem>> -> memref<1x100xi32, #tpu.memory_space<vmem>>
      %dma_start3A_166 = tpu.memref_squeeze %dma_start3A_165 : memref<1x100xi32, #tpu.memory_space<vmem>> -> memref<100xi32, #tpu.memory_space<vmem>>
      %dma_start3A_167 = arith.constant 0 : i32
      %dma_start3A_168 = arith.constant 0 : i32
      %dma_start3A_169 = tpu.memref_slice %arg2[%dma_start3A_167, %dma_start3A_168] : memref<10000x64xf32, #tpu.memory_space<hbm>> -> memref<10000x64xf32, #tpu.memory_space<hbm>>
      tpu.enqueue_indirect_dma source(%dma_start3A_169 : memref<10000x64xf32, #tpu.memory_space<hbm>>) target(%arg9 : memref<100x64xf32, #tpu.memory_space<vmem>>) offsets(%dma_start3A_166 : memref<100xi32, #tpu.memory_space<vmem>>) semaphore(%arg14 : memref<!tpu.dma_semaphore, #tpu.memory_space<semaphore_mem>>)
      %run_scoped3A_170 = arith.constant 1 : i32
      "tpu.region"() ({
        %run_scoped3A_495 = tpu.sem_alloc : memref<!tpu.dma_semaphore, #tpu.memory_space<semaphore_mem>>
        %dma_start3A_496 = arith.constant 0 : i32
        %dma_start3A_497 = tpu.memref_slice %arg8[%run_scoped3A_170, %dma_start3A_496] : memref<25x100xi32, #tpu.memory_space<vmem>> -> memref<1x100xi32, #tpu.memory_space<vmem>>
        %dma_start3A_498 = tpu.memref_squeeze %dma_start3A_497 : memref<1x100xi32, #tpu.memory_space<vmem>> -> memref<100xi32, #tpu.memory_space<vmem>>
        %dma_start3A_499 = arith.constant 0 : i32
        %dma_start3A_500 = arith.constant 0 : i32
        %dma_start3A_501 = tpu.memref_slice %arg13[%dma_start3A_499, %dma_start3A_500] : memref<10000x64xf32, #tpu.memory_space<vmem_shared>> -> memref<10000x64xf32, #tpu.memory_space<vmem_shared>>
        tpu.enqueue_indirect_dma source(%arg10 : memref<100x64xf32, #tpu.memory_space<vmem>>) target(%dma_start3A_501 : memref<10000x64xf32, #tpu.memory_space<vmem_shared>>) offsets(%dma_start3A_498 : memref<100xi32, #tpu.memory_space<vmem>>) semaphore(%run_scoped3A_495 : memref<!tpu.dma_semaphore, #tpu.memory_space<semaphore_mem>>) {add = true}
        %dma_wait3A_502 = arith.constant 0 : i32
        %dma_wait3A_503 = tpu.memref_slice %arg8[%run_scoped3A_170, %dma_wait3A_502] : memref<25x100xi32, #tpu.memory_space<vmem>> -> memref<1x100xi32, #tpu.memory_space<vmem>>
        %dma_wait3A_504 = tpu.memref_squeeze %dma_wait3A_503 : memref<1x100xi32, #tpu.memory_space<vmem>> -> memref<100xi32, #tpu.memory_space<vmem>>
        %dma_wait3A_505 = arith.constant 0 : i32
        %dma_wait3A_506 = arith.constant 0 : i32
        %dma_wait3A_507 = tpu.memref_slice %arg13[%dma_wait3A_505, %dma_wait3A_506] : memref<10000x64xf32, #tpu.memory_space<vmem_shared>> -> memref<10000x64xf32, #tpu.memory_space<vmem_shared>>
        tpu.wait_indirect_dma semaphore(%run_scoped3A_495 : memref<!tpu.dma_semaphore, #tpu.memory_space<semaphore_mem>>) src(%arg10 : memref<100x64xf32, #tpu.memory_space<vmem>>) dst(%dma_wait3A_507 : memref<10000x64xf32, #tpu.memory_space<vmem_shared>>)
        tpu.yield
      }) : () -> ()
      %dma_wait3A_171 = arith.constant 0 : i32
      %dma_wait3A_172 = arith.constant 0 : i32
      %dma_wait3A_173 = tpu.memref_slice %arg7[%dma_wait3A_171, %dma_wait3A_172] : memref<25x100xi32, #tpu.memory_space<vmem>> -> memref<1x100xi32, #tpu.memory_space<vmem>>
      %dma_wait3A_174 = tpu.memref_squeeze %dma_wait3A_173 : memref<1x100xi32, #tpu.memory_space<vmem>> -> memref<100xi32, #tpu.memory_space<vmem>>
      %dma_wait3A_175 = arith.constant 0 : i32
      %dma_wait3A_176 = arith.constant 0 : i32
      %dma_wait3A_177 = tpu.memref_slice %arg2[%dma_wait3A_175, %dma_wait3A_176] : memref<10000x64xf32, #tpu.memory_space<hbm>> -> memref<10000x64xf32, #tpu.memory_space<hbm>>
      tpu.wait_indirect_dma semaphore(%arg16 : memref<!tpu.dma_semaphore, #tpu.memory_space<semaphore_mem>>) src(%dma_wait3A_177 : memref<10000x64xf32, #tpu.memory_space<hbm>>) dst(%arg11 : memref<100x64xf32, #tpu.memory_space<vmem>>)
      %dma_start3A_178 = arith.constant 5 : i32
      %dma_start3A_179 = arith.constant 0 : i32
      %dma_start3A_180 = tpu.memref_slice %arg7[%dma_start3A_178, %dma_start3A_179] : memref<25x100xi32, #tpu.memory_space<vmem>> -> memref<1x100xi32, #tpu.memory_space<vmem>>
      %dma_start3A_181 = tpu.memref_squeeze %dma_start3A_180 : memref<1x100xi32, #tpu.memory_space<vmem>> -> memref<100xi32, #tpu.memory_space<vmem>>
      %dma_start3A_182 = arith.constant 0 : i32
      %dma_start3A_183 = arith.constant 0 : i32
      %dma_start3A_184 = tpu.memref_slice %arg2[%dma_start3A_182, %dma_start3A_183] : memref<10000x64xf32, #tpu.memory_space<hbm>> -> memref<10000x64xf32, #tpu.memory_space<hbm>>
      tpu.enqueue_indirect_dma source(%dma_start3A_184 : memref<10000x64xf32, #tpu.memory_space<hbm>>) target(%arg10 : memref<100x64xf32, #tpu.memory_space<vmem>>) offsets(%dma_start3A_181 : memref<100xi32, #tpu.memory_space<vmem>>) semaphore(%arg15 : memref<!tpu.dma_semaphore, #tpu.memory_space<semaphore_mem>>)
      %run_scoped3A_185 = arith.constant 2 : i32
      "tpu.region"() ({
        %run_scoped3A_495 = tpu.sem_alloc : memref<!tpu.dma_semaphore, #tpu.memory_space<semaphore_mem>>
        %dma_start3A_496 = arith.constant 0 : i32
        %dma_start3A_497 = tpu.memref_slice %arg8[%run_scoped3A_185, %dma_start3A_496] : memref<25x100xi32, #tpu.memory_space<vmem>> -> memref<1x100xi32, #tpu.memory_space<vmem>>
        %dma_start3A_498 = tpu.memref_squeeze %dma_start3A_497 : memref<1x100xi32, #tpu.memory_space<vmem>> -> memref<100xi32, #tpu.memory_space<vmem>>
        %dma_start3A_499 = arith.constant 0 : i32
        %dma_start3A_500 = arith.constant 0 : i32
        %dma_start3A_501 = tpu.memref_slice %arg13[%dma_start3A_499, %dma_start3A_500] : memref<10000x64xf32, #tpu.memory_space<vmem_shared>> -> memref<10000x64xf32, #tpu.memory_space<vmem_shared>>
        tpu.enqueue_indirect_dma source(%arg11 : memref<100x64xf32, #tpu.memory_space<vmem>>) target(%dma_start3A_501 : memref<10000x64xf32, #tpu.memory_space<vmem_shared>>) offsets(%dma_start3A_498 : memref<100xi32, #tpu.memory_space<vmem>>) semaphore(%run_scoped3A_495 : memref<!tpu.dma_semaphore, #tpu.memory_space<semaphore_mem>>) {add = true}
        %dma_wait3A_502 = arith.constant 0 : i32
        %dma_wait3A_503 = tpu.memref_slice %arg8[%run_scoped3A_185, %dma_wait3A_502] : memref<25x100xi32, #tpu.memory_space<vmem>> -> memref<1x100xi32, #tpu.memory_space<vmem>>
        %dma_wait3A_504 = tpu.memref_squeeze %dma_wait3A_503 : memref<1x100xi32, #tpu.memory_space<vmem>> -> memref<100xi32, #tpu.memory_space<vmem>>
        %dma_wait3A_505 = arith.constant 0 : i32
        %dma_wait3A_506 = arith.constant 0 : i32
        %dma_wait3A_507 = tpu.memref_slice %arg13[%dma_wait3A_505, %dma_wait3A_506] : memref<10000x64xf32, #tpu.memory_space<vmem_shared>> -> memref<10000x64xf32, #tpu.memory_space<vmem_shared>>
        tpu.wait_indirect_dma semaphore(%run_scoped3A_495 : memref<!tpu.dma_semaphore, #tpu.memory_space<semaphore_mem>>) src(%arg11 : memref<100x64xf32, #tpu.memory_space<vmem>>) dst(%dma_wait3A_507 : memref<10000x64xf32, #tpu.memory_space<vmem_shared>>)
        tpu.yield
      }) : () -> ()
      %dma_wait3A_186 = arith.constant 0 : i32
      %dma_wait3A_187 = arith.constant 0 : i32
      %dma_wait3A_188 = tpu.memref_slice %arg7[%dma_wait3A_186, %dma_wait3A_187] : memref<25x100xi32, #tpu.memory_space<vmem>> -> memref<1x100xi32, #tpu.memory_space<vmem>>
      %dma_wait3A_189 = tpu.memref_squeeze %dma_wait3A_188 : memref<1x100xi32, #tpu.memory_space<vmem>> -> memref<100xi32, #tpu.memory_space<vmem>>
      %dma_wait3A_190 = arith.constant 0 : i32
      %dma_wait3A_191 = arith.constant 0 : i32
      %dma_wait3A_192 = tpu.memref_slice %arg2[%dma_wait3A_190, %dma_wait3A_191] : memref<10000x64xf32, #tpu.memory_space<hbm>> -> memref<10000x64xf32, #tpu.memory_space<hbm>>
      tpu.wait_indirect_dma semaphore(%arg17 : memref<!tpu.dma_semaphore, #tpu.memory_space<semaphore_mem>>) src(%dma_wait3A_192 : memref<10000x64xf32, #tpu.memory_space<hbm>>) dst(%arg12 : memref<100x64xf32, #tpu.memory_space<vmem>>)
      %dma_start3A_193 = arith.constant 6 : i32
      %dma_start3A_194 = arith.constant 0 : i32
      %dma_start3A_195 = tpu.memref_slice %arg7[%dma_start3A_193, %dma_start3A_194] : memref<25x100xi32, #tpu.memory_space<vmem>> -> memref<1x100xi32, #tpu.memory_space<vmem>>
      %dma_start3A_196 = tpu.memref_squeeze %dma_start3A_195 : memref<1x100xi32, #tpu.memory_space<vmem>> -> memref<100xi32, #tpu.memory_space<vmem>>
      %dma_start3A_197 = arith.constant 0 : i32
      %dma_start3A_198 = arith.constant 0 : i32
      %dma_start3A_199 = tpu.memref_slice %arg2[%dma_start3A_197, %dma_start3A_198] : memref<10000x64xf32, #tpu.memory_space<hbm>> -> memref<10000x64xf32, #tpu.memory_space<hbm>>
      tpu.enqueue_indirect_dma source(%dma_start3A_199 : memref<10000x64xf32, #tpu.memory_space<hbm>>) target(%arg11 : memref<100x64xf32, #tpu.memory_space<vmem>>) offsets(%dma_start3A_196 : memref<100xi32, #tpu.memory_space<vmem>>) semaphore(%arg16 : memref<!tpu.dma_semaphore, #tpu.memory_space<semaphore_mem>>)
      %run_scoped3A_200 = arith.constant 3 : i32
      "tpu.region"() ({
        %run_scoped3A_495 = tpu.sem_alloc : memref<!tpu.dma_semaphore, #tpu.memory_space<semaphore_mem>>
        %dma_start3A_496 = arith.constant 0 : i32
        %dma_start3A_497 = tpu.memref_slice %arg8[%run_scoped3A_200, %dma_start3A_496] : memref<25x100xi32, #tpu.memory_space<vmem>> -> memref<1x100xi32, #tpu.memory_space<vmem>>
        %dma_start3A_498 = tpu.memref_squeeze %dma_start3A_497 : memref<1x100xi32, #tpu.memory_space<vmem>> -> memref<100xi32, #tpu.memory_space<vmem>>
        %dma_start3A_499 = arith.constant 0 : i32
        %dma_start3A_500 = arith.constant 0 : i32
        %dma_start3A_501 = tpu.memref_slice %arg13[%dma_start3A_499, %dma_start3A_500] : memref<10000x64xf32, #tpu.memory_space<vmem_shared>> -> memref<10000x64xf32, #tpu.memory_space<vmem_shared>>
        tpu.enqueue_indirect_dma source(%arg12 : memref<100x64xf32, #tpu.memory_space<vmem>>) target(%dma_start3A_501 : memref<10000x64xf32, #tpu.memory_space<vmem_shared>>) offsets(%dma_start3A_498 : memref<100xi32, #tpu.memory_space<vmem>>) semaphore(%run_scoped3A_495 : memref<!tpu.dma_semaphore, #tpu.memory_space<semaphore_mem>>) {add = true}
        %dma_wait3A_502 = arith.constant 0 : i32
        %dma_wait3A_503 = tpu.memref_slice %arg8[%run_scoped3A_200, %dma_wait3A_502] : memref<25x100xi32, #tpu.memory_space<vmem>> -> memref<1x100xi32, #tpu.memory_space<vmem>>
        %dma_wait3A_504 = tpu.memref_squeeze %dma_wait3A_503 : memref<1x100xi32, #tpu.memory_space<vmem>> -> memref<100xi32, #tpu.memory_space<vmem>>
        %dma_wait3A_505 = arith.constant 0 : i32
        %dma_wait3A_506 = arith.constant 0 : i32
        %dma_wait3A_507 = tpu.memref_slice %arg13[%dma_wait3A_505, %dma_wait3A_506] : memref<10000x64xf32, #tpu.memory_space<vmem_shared>> -> memref<10000x64xf32, #tpu.memory_space<vmem_shared>>
        tpu.wait_indirect_dma semaphore(%run_scoped3A_495 : memref<!tpu.dma_semaphore, #tpu.memory_space<semaphore_mem>>) src(%arg12 : memref<100x64xf32, #tpu.memory_space<vmem>>) dst(%dma_wait3A_507 : memref<10000x64xf32, #tpu.memory_space<vmem_shared>>)
        tpu.yield
      }) : () -> ()
      %dma_wait3A_201 = arith.constant 0 : i32
      %dma_wait3A_202 = arith.constant 0 : i32
      %dma_wait3A_203 = tpu.memref_slice %arg7[%dma_wait3A_201, %dma_wait3A_202] : memref<25x100xi32, #tpu.memory_space<vmem>> -> memref<1x100xi32, #tpu.memory_space<vmem>>
      %dma_wait3A_204 = tpu.memref_squeeze %dma_wait3A_203 : memref<1x100xi32, #tpu.memory_space<vmem>> -> memref<100xi32, #tpu.memory_space<vmem>>
      %dma_wait3A_205 = arith.constant 0 : i32
      %dma_wait3A_206 = arith.constant 0 : i32
      %dma_wait3A_207 = tpu.memref_slice %arg2[%dma_wait3A_205, %dma_wait3A_206] : memref<10000x64xf32, #tpu.memory_space<hbm>> -> memref<10000x64xf32, #tpu.memory_space<hbm>>
      tpu.wait_indirect_dma semaphore(%arg14 : memref<!tpu.dma_semaphore, #tpu.memory_space<semaphore_mem>>) src(%dma_wait3A_207 : memref<10000x64xf32, #tpu.memory_space<hbm>>) dst(%arg9 : memref<100x64xf32, #tpu.memory_space<vmem>>)
      %dma_start3A_208 = arith.constant 7 : i32
      %dma_start3A_209 = arith.constant 0 : i32
      %dma_start3A_210 = tpu.memref_slice %arg7[%dma_start3A_208, %dma_start3A_209] : memref<25x100xi32, #tpu.memory_space<vmem>> -> memref<1x100xi32, #tpu.memory_space<vmem>>
      %dma_start3A_211 = tpu.memref_squeeze %dma_start3A_210 : memref<1x100xi32, #tpu.memory_space<vmem>> -> memref<100xi32, #tpu.memory_space<vmem>>
      %dma_start3A_212 = arith.constant 0 : i32
      %dma_start3A_213 = arith.constant 0 : i32
      %dma_start3A_214 = tpu.memref_slice %arg2[%dma_start3A_212, %dma_start3A_213] : memref<10000x64xf32, #tpu.memory_space<hbm>> -> memref<10000x64xf32, #tpu.memory_space<hbm>>
      tpu.enqueue_indirect_dma source(%dma_start3A_214 : memref<10000x64xf32, #tpu.memory_space<hbm>>) target(%arg12 : memref<100x64xf32, #tpu.memory_space<vmem>>) offsets(%dma_start3A_211 : memref<100xi32, #tpu.memory_space<vmem>>) semaphore(%arg17 : memref<!tpu.dma_semaphore, #tpu.memory_space<semaphore_mem>>)
      %run_scoped3A_215 = arith.constant 4 : i32
      "tpu.region"() ({
        %run_scoped3A_495 = tpu.sem_alloc : memref<!tpu.dma_semaphore, #tpu.memory_space<semaphore_mem>>
        %dma_start3A_496 = arith.constant 0 : i32
        %dma_start3A_497 = tpu.memref_slice %arg8[%run_scoped3A_215, %dma_start3A_496] : memref<25x100xi32, #tpu.memory_space<vmem>> -> memref<1x100xi32, #tpu.memory_space<vmem>>
        %dma_start3A_498 = tpu.memref_squeeze %dma_start3A_497 : memref<1x100xi32, #tpu.memory_space<vmem>> -> memref<100xi32, #tpu.memory_space<vmem>>
        %dma_start3A_499 = arith.constant 0 : i32
        %dma_start3A_500 = arith.constant 0 : i32
        %dma_start3A_501 = tpu.memref_slice %arg13[%dma_start3A_499, %dma_start3A_500] : memref<10000x64xf32, #tpu.memory_space<vmem_shared>> -> memref<10000x64xf32, #tpu.memory_space<vmem_shared>>
        tpu.enqueue_indirect_dma source(%arg9 : memref<100x64xf32, #tpu.memory_space<vmem>>) target(%dma_start3A_501 : memref<10000x64xf32, #tpu.memory_space<vmem_shared>>) offsets(%dma_start3A_498 : memref<100xi32, #tpu.memory_space<vmem>>) semaphore(%run_scoped3A_495 : memref<!tpu.dma_semaphore, #tpu.memory_space<semaphore_mem>>) {add = true}
        %dma_wait3A_502 = arith.constant 0 : i32
        %dma_wait3A_503 = tpu.memref_slice %arg8[%run_scoped3A_215, %dma_wait3A_502] : memref<25x100xi32, #tpu.memory_space<vmem>> -> memref<1x100xi32, #tpu.memory_space<vmem>>
        %dma_wait3A_504 = tpu.memref_squeeze %dma_wait3A_503 : memref<1x100xi32, #tpu.memory_space<vmem>> -> memref<100xi32, #tpu.memory_space<vmem>>
        %dma_wait3A_505 = arith.constant 0 : i32
        %dma_wait3A_506 = arith.constant 0 : i32
        %dma_wait3A_507 = tpu.memref_slice %arg13[%dma_wait3A_505, %dma_wait3A_506] : memref<10000x64xf32, #tpu.memory_space<vmem_shared>> -> memref<10000x64xf32, #tpu.memory_space<vmem_shared>>
        tpu.wait_indirect_dma semaphore(%run_scoped3A_495 : memref<!tpu.dma_semaphore, #tpu.memory_space<semaphore_mem>>) src(%arg9 : memref<100x64xf32, #tpu.memory_space<vmem>>) dst(%dma_wait3A_507 : memref<10000x64xf32, #tpu.memory_space<vmem_shared>>)
        tpu.yield
      }) : () -> ()
      %dma_wait3A_216 = arith.constant 0 : i32
      %dma_wait3A_217 = arith.constant 0 : i32
      %dma_wait3A_218 = tpu.memref_slice %arg7[%dma_wait3A_216, %dma_wait3A_217] : memref<25x100xi32, #tpu.memory_space<vmem>> -> memref<1x100xi32, #tpu.memory_space<vmem>>
      %dma_wait3A_219 = tpu.memref_squeeze %dma_wait3A_218 : memref<1x100xi32, #tpu.memory_space<vmem>> -> memref<100xi32, #tpu.memory_space<vmem>>
      %dma_wait3A_220 = arith.constant 0 : i32
      %dma_wait3A_221 = arith.constant 0 : i32
      %dma_wait3A_222 = tpu.memref_slice %arg2[%dma_wait3A_220, %dma_wait3A_221] : memref<10000x64xf32, #tpu.memory_space<hbm>> -> memref<10000x64xf32, #tpu.memory_space<hbm>>
      tpu.wait_indirect_dma semaphore(%arg15 : memref<!tpu.dma_semaphore, #tpu.memory_space<semaphore_mem>>) src(%dma_wait3A_222 : memref<10000x64xf32, #tpu.memory_space<hbm>>) dst(%arg10 : memref<100x64xf32, #tpu.memory_space<vmem>>)
      %dma_start3A_223 = arith.constant 8 : i32
      %dma_start3A_224 = arith.constant 0 : i32
      %dma_start3A_225 = tpu.memref_slice %arg7[%dma_start3A_223, %dma_start3A_224] : memref<25x100xi32, #tpu.memory_space<vmem>> -> memref<1x100xi32, #tpu.memory_space<vmem>>
      %dma_start3A_226 = tpu.memref_squeeze %dma_start3A_225 : memref<1x100xi32, #tpu.memory_space<vmem>> -> memref<100xi32, #tpu.memory_space<vmem>>
      %dma_start3A_227 = arith.constant 0 : i32
      %dma_start3A_228 = arith.constant 0 : i32
      %dma_start3A_229 = tpu.memref_slice %arg2[%dma_start3A_227, %dma_start3A_228] : memref<10000x64xf32, #tpu.memory_space<hbm>> -> memref<10000x64xf32, #tpu.memory_space<hbm>>
      tpu.enqueue_indirect_dma source(%dma_start3A_229 : memref<10000x64xf32, #tpu.memory_space<hbm>>) target(%arg9 : memref<100x64xf32, #tpu.memory_space<vmem>>) offsets(%dma_start3A_226 : memref<100xi32, #tpu.memory_space<vmem>>) semaphore(%arg14 : memref<!tpu.dma_semaphore, #tpu.memory_space<semaphore_mem>>)
      %run_scoped3A_230 = arith.constant 5 : i32
      "tpu.region"() ({
        %run_scoped3A_495 = tpu.sem_alloc : memref<!tpu.dma_semaphore, #tpu.memory_space<semaphore_mem>>
        %dma_start3A_496 = arith.constant 0 : i32
        %dma_start3A_497 = tpu.memref_slice %arg8[%run_scoped3A_230, %dma_start3A_496] : memref<25x100xi32, #tpu.memory_space<vmem>> -> memref<1x100xi32, #tpu.memory_space<vmem>>
        %dma_start3A_498 = tpu.memref_squeeze %dma_start3A_497 : memref<1x100xi32, #tpu.memory_space<vmem>> -> memref<100xi32, #tpu.memory_space<vmem>>
        %dma_start3A_499 = arith.constant 0 : i32
        %dma_start3A_500 = arith.constant 0 : i32
        %dma_start3A_501 = tpu.memref_slice %arg13[%dma_start3A_499, %dma_start3A_500] : memref<10000x64xf32, #tpu.memory_space<vmem_shared>> -> memref<10000x64xf32, #tpu.memory_space<vmem_shared>>
        tpu.enqueue_indirect_dma source(%arg10 : memref<100x64xf32, #tpu.memory_space<vmem>>) target(%dma_start3A_501 : memref<10000x64xf32, #tpu.memory_space<vmem_shared>>) offsets(%dma_start3A_498 : memref<100xi32, #tpu.memory_space<vmem>>) semaphore(%run_scoped3A_495 : memref<!tpu.dma_semaphore, #tpu.memory_space<semaphore_mem>>) {add = true}
        %dma_wait3A_502 = arith.constant 0 : i32
        %dma_wait3A_503 = tpu.memref_slice %arg8[%run_scoped3A_230, %dma_wait3A_502] : memref<25x100xi32, #tpu.memory_space<vmem>> -> memref<1x100xi32, #tpu.memory_space<vmem>>
        %dma_wait3A_504 = tpu.memref_squeeze %dma_wait3A_503 : memref<1x100xi32, #tpu.memory_space<vmem>> -> memref<100xi32, #tpu.memory_space<vmem>>
        %dma_wait3A_505 = arith.constant 0 : i32
        %dma_wait3A_506 = arith.constant 0 : i32
        %dma_wait3A_507 = tpu.memref_slice %arg13[%dma_wait3A_505, %dma_wait3A_506] : memref<10000x64xf32, #tpu.memory_space<vmem_shared>> -> memref<10000x64xf32, #tpu.memory_space<vmem_shared>>
        tpu.wait_indirect_dma semaphore(%run_scoped3A_495 : memref<!tpu.dma_semaphore, #tpu.memory_space<semaphore_mem>>) src(%arg10 : memref<100x64xf32, #tpu.memory_space<vmem>>) dst(%dma_wait3A_507 : memref<10000x64xf32, #tpu.memory_space<vmem_shared>>)
        tpu.yield
      }) : () -> ()
      %dma_wait3A_231 = arith.constant 0 : i32
      %dma_wait3A_232 = arith.constant 0 : i32
      %dma_wait3A_233 = tpu.memref_slice %arg7[%dma_wait3A_231, %dma_wait3A_232] : memref<25x100xi32, #tpu.memory_space<vmem>> -> memref<1x100xi32, #tpu.memory_space<vmem>>
      %dma_wait3A_234 = tpu.memref_squeeze %dma_wait3A_233 : memref<1x100xi32, #tpu.memory_space<vmem>> -> memref<100xi32, #tpu.memory_space<vmem>>
      %dma_wait3A_235 = arith.constant 0 : i32
      %dma_wait3A_236 = arith.constant 0 : i32
      %dma_wait3A_237 = tpu.memref_slice %arg2[%dma_wait3A_235, %dma_wait3A_236] : memref<10000x64xf32, #tpu.memory_space<hbm>> -> memref<10000x64xf32, #tpu.memory_space<hbm>>
      tpu.wait_indirect_dma semaphore(%arg16 : memref<!tpu.dma_semaphore, #tpu.memory_space<semaphore_mem>>) src(%dma_wait3A_237 : memref<10000x64xf32, #tpu.memory_space<hbm>>) dst(%arg11 : memref<100x64xf32, #tpu.memory_space<vmem>>)
      %dma_start3A_238 = arith.constant 9 : i32
      %dma_start3A_239 = arith.constant 0 : i32
      %dma_start3A_240 = tpu.memref_slice %arg7[%dma_start3A_238, %dma_start3A_239] : memref<25x100xi32, #tpu.memory_space<vmem>> -> memref<1x100xi32, #tpu.memory_space<vmem>>
      %dma_start3A_241 = tpu.memref_squeeze %dma_start3A_240 : memref<1x100xi32, #tpu.memory_space<vmem>> -> memref<100xi32, #tpu.memory_space<vmem>>
      %dma_start3A_242 = arith.constant 0 : i32
      %dma_start3A_243 = arith.constant 0 : i32
      %dma_start3A_244 = tpu.memref_slice %arg2[%dma_start3A_242, %dma_start3A_243] : memref<10000x64xf32, #tpu.memory_space<hbm>> -> memref<10000x64xf32, #tpu.memory_space<hbm>>
      tpu.enqueue_indirect_dma source(%dma_start3A_244 : memref<10000x64xf32, #tpu.memory_space<hbm>>) target(%arg10 : memref<100x64xf32, #tpu.memory_space<vmem>>) offsets(%dma_start3A_241 : memref<100xi32, #tpu.memory_space<vmem>>) semaphore(%arg15 : memref<!tpu.dma_semaphore, #tpu.memory_space<semaphore_mem>>)
      %run_scoped3A_245 = arith.constant 6 : i32
      "tpu.region"() ({
        %run_scoped3A_495 = tpu.sem_alloc : memref<!tpu.dma_semaphore, #tpu.memory_space<semaphore_mem>>
        %dma_start3A_496 = arith.constant 0 : i32
        %dma_start3A_497 = tpu.memref_slice %arg8[%run_scoped3A_245, %dma_start3A_496] : memref<25x100xi32, #tpu.memory_space<vmem>> -> memref<1x100xi32, #tpu.memory_space<vmem>>
        %dma_start3A_498 = tpu.memref_squeeze %dma_start3A_497 : memref<1x100xi32, #tpu.memory_space<vmem>> -> memref<100xi32, #tpu.memory_space<vmem>>
        %dma_start3A_499 = arith.constant 0 : i32
        %dma_start3A_500 = arith.constant 0 : i32
        %dma_start3A_501 = tpu.memref_slice %arg13[%dma_start3A_499, %dma_start3A_500] : memref<10000x64xf32, #tpu.memory_space<vmem_shared>> -> memref<10000x64xf32, #tpu.memory_space<vmem_shared>>
        tpu.enqueue_indirect_dma source(%arg11 : memref<100x64xf32, #tpu.memory_space<vmem>>) target(%dma_start3A_501 : memref<10000x64xf32, #tpu.memory_space<vmem_shared>>) offsets(%dma_start3A_498 : memref<100xi32, #tpu.memory_space<vmem>>) semaphore(%run_scoped3A_495 : memref<!tpu.dma_semaphore, #tpu.memory_space<semaphore_mem>>) {add = true}
        %dma_wait3A_502 = arith.constant 0 : i32
        %dma_wait3A_503 = tpu.memref_slice %arg8[%run_scoped3A_245, %dma_wait3A_502] : memref<25x100xi32, #tpu.memory_space<vmem>> -> memref<1x100xi32, #tpu.memory_space<vmem>>
        %dma_wait3A_504 = tpu.memref_squeeze %dma_wait3A_503 : memref<1x100xi32, #tpu.memory_space<vmem>> -> memref<100xi32, #tpu.memory_space<vmem>>
        %dma_wait3A_505 = arith.constant 0 : i32
        %dma_wait3A_506 = arith.constant 0 : i32
        %dma_wait3A_507 = tpu.memref_slice %arg13[%dma_wait3A_505, %dma_wait3A_506] : memref<10000x64xf32, #tpu.memory_space<vmem_shared>> -> memref<10000x64xf32, #tpu.memory_space<vmem_shared>>
        tpu.wait_indirect_dma semaphore(%run_scoped3A_495 : memref<!tpu.dma_semaphore, #tpu.memory_space<semaphore_mem>>) src(%arg11 : memref<100x64xf32, #tpu.memory_space<vmem>>) dst(%dma_wait3A_507 : memref<10000x64xf32, #tpu.memory_space<vmem_shared>>)
        tpu.yield
      }) : () -> ()
      %dma_wait3A_246 = arith.constant 0 : i32
      %dma_wait3A_247 = arith.constant 0 : i32
      %dma_wait3A_248 = tpu.memref_slice %arg7[%dma_wait3A_246, %dma_wait3A_247] : memref<25x100xi32, #tpu.memory_space<vmem>> -> memref<1x100xi32, #tpu.memory_space<vmem>>
      %dma_wait3A_249 = tpu.memref_squeeze %dma_wait3A_248 : memref<1x100xi32, #tpu.memory_space<vmem>> -> memref<100xi32, #tpu.memory_space<vmem>>
      %dma_wait3A_250 = arith.constant 0 : i32
      %dma_wait3A_251 = arith.constant 0 : i32
      %dma_wait3A_252 = tpu.memref_slice %arg2[%dma_wait3A_250, %dma_wait3A_251] : memref<10000x64xf32, #tpu.memory_space<hbm>> -> memref<10000x64xf32, #tpu.memory_space<hbm>>
      tpu.wait_indirect_dma semaphore(%arg17 : memref<!tpu.dma_semaphore, #tpu.memory_space<semaphore_mem>>) src(%dma_wait3A_252 : memref<10000x64xf32, #tpu.memory_space<hbm>>) dst(%arg12 : memref<100x64xf32, #tpu.memory_space<vmem>>)
      %dma_start3A_253 = arith.constant 10 : i32
      %dma_start3A_254 = arith.constant 0 : i32
      %dma_start3A_255 = tpu.memref_slice %arg7[%dma_start3A_253, %dma_start3A_254] : memref<25x100xi32, #tpu.memory_space<vmem>> -> memref<1x100xi32, #tpu.memory_space<vmem>>
      %dma_start3A_256 = tpu.memref_squeeze %dma_start3A_255 : memref<1x100xi32, #tpu.memory_space<vmem>> -> memref<100xi32, #tpu.memory_space<vmem>>
      %dma_start3A_257 = arith.constant 0 : i32
      %dma_start3A_258 = arith.constant 0 : i32
      %dma_start3A_259 = tpu.memref_slice %arg2[%dma_start3A_257, %dma_start3A_258] : memref<10000x64xf32, #tpu.memory_space<hbm>> -> memref<10000x64xf32, #tpu.memory_space<hbm>>
      tpu.enqueue_indirect_dma source(%dma_start3A_259 : memref<10000x64xf32, #tpu.memory_space<hbm>>) target(%arg11 : memref<100x64xf32, #tpu.memory_space<vmem>>) offsets(%dma_start3A_256 : memref<100xi32, #tpu.memory_space<vmem>>) semaphore(%arg16 : memref<!tpu.dma_semaphore, #tpu.memory_space<semaphore_mem>>)
      %run_scoped3A_260 = arith.constant 7 : i32
      "tpu.region"() ({
        %run_scoped3A_495 = tpu.sem_alloc : memref<!tpu.dma_semaphore, #tpu.memory_space<semaphore_mem>>
        %dma_start3A_496 = arith.constant 0 : i32
        %dma_start3A_497 = tpu.memref_slice %arg8[%run_scoped3A_260, %dma_start3A_496] : memref<25x100xi32, #tpu.memory_space<vmem>> -> memref<1x100xi32, #tpu.memory_space<vmem>>
        %dma_start3A_498 = tpu.memref_squeeze %dma_start3A_497 : memref<1x100xi32, #tpu.memory_space<vmem>> -> memref<100xi32, #tpu.memory_space<vmem>>
        %dma_start3A_499 = arith.constant 0 : i32
        %dma_start3A_500 = arith.constant 0 : i32
        %dma_start3A_501 = tpu.memref_slice %arg13[%dma_start3A_499, %dma_start3A_500] : memref<10000x64xf32, #tpu.memory_space<vmem_shared>> -> memref<10000x64xf32, #tpu.memory_space<vmem_shared>>
        tpu.enqueue_indirect_dma source(%arg12 : memref<100x64xf32, #tpu.memory_space<vmem>>) target(%dma_start3A_501 : memref<10000x64xf32, #tpu.memory_space<vmem_shared>>) offsets(%dma_start3A_498 : memref<100xi32, #tpu.memory_space<vmem>>) semaphore(%run_scoped3A_495 : memref<!tpu.dma_semaphore, #tpu.memory_space<semaphore_mem>>) {add = true}
        %dma_wait3A_502 = arith.constant 0 : i32
        %dma_wait3A_503 = tpu.memref_slice %arg8[%run_scoped3A_260, %dma_wait3A_502] : memref<25x100xi32, #tpu.memory_space<vmem>> -> memref<1x100xi32, #tpu.memory_space<vmem>>
        %dma_wait3A_504 = tpu.memref_squeeze %dma_wait3A_503 : memref<1x100xi32, #tpu.memory_space<vmem>> -> memref<100xi32, #tpu.memory_space<vmem>>
        %dma_wait3A_505 = arith.constant 0 : i32
        %dma_wait3A_506 = arith.constant 0 : i32
        %dma_wait3A_507 = tpu.memref_slice %arg13[%dma_wait3A_505, %dma_wait3A_506] : memref<10000x64xf32, #tpu.memory_space<vmem_shared>> -> memref<10000x64xf32, #tpu.memory_space<vmem_shared>>
        tpu.wait_indirect_dma semaphore(%run_scoped3A_495 : memref<!tpu.dma_semaphore, #tpu.memory_space<semaphore_mem>>) src(%arg12 : memref<100x64xf32, #tpu.memory_space<vmem>>) dst(%dma_wait3A_507 : memref<10000x64xf32, #tpu.memory_space<vmem_shared>>)
        tpu.yield
      }) : () -> ()
      %dma_wait3A_261 = arith.constant 0 : i32
      %dma_wait3A_262 = arith.constant 0 : i32
      %dma_wait3A_263 = tpu.memref_slice %arg7[%dma_wait3A_261, %dma_wait3A_262] : memref<25x100xi32, #tpu.memory_space<vmem>> -> memref<1x100xi32, #tpu.memory_space<vmem>>
      %dma_wait3A_264 = tpu.memref_squeeze %dma_wait3A_263 : memref<1x100xi32, #tpu.memory_space<vmem>> -> memref<100xi32, #tpu.memory_space<vmem>>
      %dma_wait3A_265 = arith.constant 0 : i32
      %dma_wait3A_266 = arith.constant 0 : i32
      %dma_wait3A_267 = tpu.memref_slice %arg2[%dma_wait3A_265, %dma_wait3A_266] : memref<10000x64xf32, #tpu.memory_space<hbm>> -> memref<10000x64xf32, #tpu.memory_space<hbm>>
      tpu.wait_indirect_dma semaphore(%arg14 : memref<!tpu.dma_semaphore, #tpu.memory_space<semaphore_mem>>) src(%dma_wait3A_267 : memref<10000x64xf32, #tpu.memory_space<hbm>>) dst(%arg9 : memref<100x64xf32, #tpu.memory_space<vmem>>)
      %dma_start3A_268 = arith.constant 11 : i32
      %dma_start3A_269 = arith.constant 0 : i32
      %dma_start3A_270 = tpu.memref_slice %arg7[%dma_start3A_268, %dma_start3A_269] : memref<25x100xi32, #tpu.memory_space<vmem>> -> memref<1x100xi32, #tpu.memory_space<vmem>>
      %dma_start3A_271 = tpu.memref_squeeze %dma_start3A_270 : memref<1x100xi32, #tpu.memory_space<vmem>> -> memref<100xi32, #tpu.memory_space<vmem>>
      %dma_start3A_272 = arith.constant 0 : i32
      %dma_start3A_273 = arith.constant 0 : i32
      %dma_start3A_274 = tpu.memref_slice %arg2[%dma_start3A_272, %dma_start3A_273] : memref<10000x64xf32, #tpu.memory_space<hbm>> -> memref<10000x64xf32, #tpu.memory_space<hbm>>
      tpu.enqueue_indirect_dma source(%dma_start3A_274 : memref<10000x64xf32, #tpu.memory_space<hbm>>) target(%arg12 : memref<100x64xf32, #tpu.memory_space<vmem>>) offsets(%dma_start3A_271 : memref<100xi32, #tpu.memory_space<vmem>>) semaphore(%arg17 : memref<!tpu.dma_semaphore, #tpu.memory_space<semaphore_mem>>)
      %run_scoped3A_275 = arith.constant 8 : i32
      "tpu.region"() ({
        %run_scoped3A_495 = tpu.sem_alloc : memref<!tpu.dma_semaphore, #tpu.memory_space<semaphore_mem>>
        %dma_start3A_496 = arith.constant 0 : i32
        %dma_start3A_497 = tpu.memref_slice %arg8[%run_scoped3A_275, %dma_start3A_496] : memref<25x100xi32, #tpu.memory_space<vmem>> -> memref<1x100xi32, #tpu.memory_space<vmem>>
        %dma_start3A_498 = tpu.memref_squeeze %dma_start3A_497 : memref<1x100xi32, #tpu.memory_space<vmem>> -> memref<100xi32, #tpu.memory_space<vmem>>
        %dma_start3A_499 = arith.constant 0 : i32
        %dma_start3A_500 = arith.constant 0 : i32
        %dma_start3A_501 = tpu.memref_slice %arg13[%dma_start3A_499, %dma_start3A_500] : memref<10000x64xf32, #tpu.memory_space<vmem_shared>> -> memref<10000x64xf32, #tpu.memory_space<vmem_shared>>
        tpu.enqueue_indirect_dma source(%arg9 : memref<100x64xf32, #tpu.memory_space<vmem>>) target(%dma_start3A_501 : memref<10000x64xf32, #tpu.memory_space<vmem_shared>>) offsets(%dma_start3A_498 : memref<100xi32, #tpu.memory_space<vmem>>) semaphore(%run_scoped3A_495 : memref<!tpu.dma_semaphore, #tpu.memory_space<semaphore_mem>>) {add = true}
        %dma_wait3A_502 = arith.constant 0 : i32
        %dma_wait3A_503 = tpu.memref_slice %arg8[%run_scoped3A_275, %dma_wait3A_502] : memref<25x100xi32, #tpu.memory_space<vmem>> -> memref<1x100xi32, #tpu.memory_space<vmem>>
        %dma_wait3A_504 = tpu.memref_squeeze %dma_wait3A_503 : memref<1x100xi32, #tpu.memory_space<vmem>> -> memref<100xi32, #tpu.memory_space<vmem>>
        %dma_wait3A_505 = arith.constant 0 : i32
        %dma_wait3A_506 = arith.constant 0 : i32
        %dma_wait3A_507 = tpu.memref_slice %arg13[%dma_wait3A_505, %dma_wait3A_506] : memref<10000x64xf32, #tpu.memory_space<vmem_shared>> -> memref<10000x64xf32, #tpu.memory_space<vmem_shared>>
        tpu.wait_indirect_dma semaphore(%run_scoped3A_495 : memref<!tpu.dma_semaphore, #tpu.memory_space<semaphore_mem>>) src(%arg9 : memref<100x64xf32, #tpu.memory_space<vmem>>) dst(%dma_wait3A_507 : memref<10000x64xf32, #tpu.memory_space<vmem_shared>>)
        tpu.yield
      }) : () -> ()
      %dma_wait3A_276 = arith.constant 0 : i32
      %dma_wait3A_277 = arith.constant 0 : i32
      %dma_wait3A_278 = tpu.memref_slice %arg7[%dma_wait3A_276, %dma_wait3A_277] : memref<25x100xi32, #tpu.memory_space<vmem>> -> memref<1x100xi32, #tpu.memory_space<vmem>>
      %dma_wait3A_279 = tpu.memref_squeeze %dma_wait3A_278 : memref<1x100xi32, #tpu.memory_space<vmem>> -> memref<100xi32, #tpu.memory_space<vmem>>
      %dma_wait3A_280 = arith.constant 0 : i32
      %dma_wait3A_281 = arith.constant 0 : i32
      %dma_wait3A_282 = tpu.memref_slice %arg2[%dma_wait3A_280, %dma_wait3A_281] : memref<10000x64xf32, #tpu.memory_space<hbm>> -> memref<10000x64xf32, #tpu.memory_space<hbm>>
      tpu.wait_indirect_dma semaphore(%arg15 : memref<!tpu.dma_semaphore, #tpu.memory_space<semaphore_mem>>) src(%dma_wait3A_282 : memref<10000x64xf32, #tpu.memory_space<hbm>>) dst(%arg10 : memref<100x64xf32, #tpu.memory_space<vmem>>)
      %dma_start3A_283 = arith.constant 12 : i32
      %dma_start3A_284 = arith.constant 0 : i32
      %dma_start3A_285 = tpu.memref_slice %arg7[%dma_start3A_283, %dma_start3A_284] : memref<25x100xi32, #tpu.memory_space<vmem>> -> memref<1x100xi32, #tpu.memory_space<vmem>>
      %dma_start3A_286 = tpu.memref_squeeze %dma_start3A_285 : memref<1x100xi32, #tpu.memory_space<vmem>> -> memref<100xi32, #tpu.memory_space<vmem>>
      %dma_start3A_287 = arith.constant 0 : i32
      %dma_start3A_288 = arith.constant 0 : i32
      %dma_start3A_289 = tpu.memref_slice %arg2[%dma_start3A_287, %dma_start3A_288] : memref<10000x64xf32, #tpu.memory_space<hbm>> -> memref<10000x64xf32, #tpu.memory_space<hbm>>
      tpu.enqueue_indirect_dma source(%dma_start3A_289 : memref<10000x64xf32, #tpu.memory_space<hbm>>) target(%arg9 : memref<100x64xf32, #tpu.memory_space<vmem>>) offsets(%dma_start3A_286 : memref<100xi32, #tpu.memory_space<vmem>>) semaphore(%arg14 : memref<!tpu.dma_semaphore, #tpu.memory_space<semaphore_mem>>)
      %run_scoped3A_290 = arith.constant 9 : i32
      "tpu.region"() ({
        %run_scoped3A_495 = tpu.sem_alloc : memref<!tpu.dma_semaphore, #tpu.memory_space<semaphore_mem>>
        %dma_start3A_496 = arith.constant 0 : i32
        %dma_start3A_497 = tpu.memref_slice %arg8[%run_scoped3A_290, %dma_start3A_496] : memref<25x100xi32, #tpu.memory_space<vmem>> -> memref<1x100xi32, #tpu.memory_space<vmem>>
        %dma_start3A_498 = tpu.memref_squeeze %dma_start3A_497 : memref<1x100xi32, #tpu.memory_space<vmem>> -> memref<100xi32, #tpu.memory_space<vmem>>
        %dma_start3A_499 = arith.constant 0 : i32
        %dma_start3A_500 = arith.constant 0 : i32
        %dma_start3A_501 = tpu.memref_slice %arg13[%dma_start3A_499, %dma_start3A_500] : memref<10000x64xf32, #tpu.memory_space<vmem_shared>> -> memref<10000x64xf32, #tpu.memory_space<vmem_shared>>
        tpu.enqueue_indirect_dma source(%arg10 : memref<100x64xf32, #tpu.memory_space<vmem>>) target(%dma_start3A_501 : memref<10000x64xf32, #tpu.memory_space<vmem_shared>>) offsets(%dma_start3A_498 : memref<100xi32, #tpu.memory_space<vmem>>) semaphore(%run_scoped3A_495 : memref<!tpu.dma_semaphore, #tpu.memory_space<semaphore_mem>>) {add = true}
        %dma_wait3A_502 = arith.constant 0 : i32
        %dma_wait3A_503 = tpu.memref_slice %arg8[%run_scoped3A_290, %dma_wait3A_502] : memref<25x100xi32, #tpu.memory_space<vmem>> -> memref<1x100xi32, #tpu.memory_space<vmem>>
        %dma_wait3A_504 = tpu.memref_squeeze %dma_wait3A_503 : memref<1x100xi32, #tpu.memory_space<vmem>> -> memref<100xi32, #tpu.memory_space<vmem>>
        %dma_wait3A_505 = arith.constant 0 : i32
        %dma_wait3A_506 = arith.constant 0 : i32
        %dma_wait3A_507 = tpu.memref_slice %arg13[%dma_wait3A_505, %dma_wait3A_506] : memref<10000x64xf32, #tpu.memory_space<vmem_shared>> -> memref<10000x64xf32, #tpu.memory_space<vmem_shared>>
        tpu.wait_indirect_dma semaphore(%run_scoped3A_495 : memref<!tpu.dma_semaphore, #tpu.memory_space<semaphore_mem>>) src(%arg10 : memref<100x64xf32, #tpu.memory_space<vmem>>) dst(%dma_wait3A_507 : memref<10000x64xf32, #tpu.memory_space<vmem_shared>>)
        tpu.yield
      }) : () -> ()
      %dma_wait3A_291 = arith.constant 0 : i32
      %dma_wait3A_292 = arith.constant 0 : i32
      %dma_wait3A_293 = tpu.memref_slice %arg7[%dma_wait3A_291, %dma_wait3A_292] : memref<25x100xi32, #tpu.memory_space<vmem>> -> memref<1x100xi32, #tpu.memory_space<vmem>>
      %dma_wait3A_294 = tpu.memref_squeeze %dma_wait3A_293 : memref<1x100xi32, #tpu.memory_space<vmem>> -> memref<100xi32, #tpu.memory_space<vmem>>
      %dma_wait3A_295 = arith.constant 0 : i32
      %dma_wait3A_296 = arith.constant 0 : i32
      %dma_wait3A_297 = tpu.memref_slice %arg2[%dma_wait3A_295, %dma_wait3A_296] : memref<10000x64xf32, #tpu.memory_space<hbm>> -> memref<10000x64xf32, #tpu.memory_space<hbm>>
      tpu.wait_indirect_dma semaphore(%arg16 : memref<!tpu.dma_semaphore, #tpu.memory_space<semaphore_mem>>) src(%dma_wait3A_297 : memref<10000x64xf32, #tpu.memory_space<hbm>>) dst(%arg11 : memref<100x64xf32, #tpu.memory_space<vmem>>)
      %dma_start3A_298 = arith.constant 13 : i32
      %dma_start3A_299 = arith.constant 0 : i32
      %dma_start3A_300 = tpu.memref_slice %arg7[%dma_start3A_298, %dma_start3A_299] : memref<25x100xi32, #tpu.memory_space<vmem>> -> memref<1x100xi32, #tpu.memory_space<vmem>>
      %dma_start3A_301 = tpu.memref_squeeze %dma_start3A_300 : memref<1x100xi32, #tpu.memory_space<vmem>> -> memref<100xi32, #tpu.memory_space<vmem>>
      %dma_start3A_302 = arith.constant 0 : i32
      %dma_start3A_303 = arith.constant 0 : i32
      %dma_start3A_304 = tpu.memref_slice %arg2[%dma_start3A_302, %dma_start3A_303] : memref<10000x64xf32, #tpu.memory_space<hbm>> -> memref<10000x64xf32, #tpu.memory_space<hbm>>
      tpu.enqueue_indirect_dma source(%dma_start3A_304 : memref<10000x64xf32, #tpu.memory_space<hbm>>) target(%arg10 : memref<100x64xf32, #tpu.memory_space<vmem>>) offsets(%dma_start3A_301 : memref<100xi32, #tpu.memory_space<vmem>>) semaphore(%arg15 : memref<!tpu.dma_semaphore, #tpu.memory_space<semaphore_mem>>)
      %run_scoped3A_305 = arith.constant 10 : i32
      "tpu.region"() ({
        %run_scoped3A_495 = tpu.sem_alloc : memref<!tpu.dma_semaphore, #tpu.memory_space<semaphore_mem>>
        %dma_start3A_496 = arith.constant 0 : i32
        %dma_start3A_497 = tpu.memref_slice %arg8[%run_scoped3A_305, %dma_start3A_496] : memref<25x100xi32, #tpu.memory_space<vmem>> -> memref<1x100xi32, #tpu.memory_space<vmem>>
        %dma_start3A_498 = tpu.memref_squeeze %dma_start3A_497 : memref<1x100xi32, #tpu.memory_space<vmem>> -> memref<100xi32, #tpu.memory_space<vmem>>
        %dma_start3A_499 = arith.constant 0 : i32
        %dma_start3A_500 = arith.constant 0 : i32
        %dma_start3A_501 = tpu.memref_slice %arg13[%dma_start3A_499, %dma_start3A_500] : memref<10000x64xf32, #tpu.memory_space<vmem_shared>> -> memref<10000x64xf32, #tpu.memory_space<vmem_shared>>
        tpu.enqueue_indirect_dma source(%arg11 : memref<100x64xf32, #tpu.memory_space<vmem>>) target(%dma_start3A_501 : memref<10000x64xf32, #tpu.memory_space<vmem_shared>>) offsets(%dma_start3A_498 : memref<100xi32, #tpu.memory_space<vmem>>) semaphore(%run_scoped3A_495 : memref<!tpu.dma_semaphore, #tpu.memory_space<semaphore_mem>>) {add = true}
        %dma_wait3A_502 = arith.constant 0 : i32
        %dma_wait3A_503 = tpu.memref_slice %arg8[%run_scoped3A_305, %dma_wait3A_502] : memref<25x100xi32, #tpu.memory_space<vmem>> -> memref<1x100xi32, #tpu.memory_space<vmem>>
        %dma_wait3A_504 = tpu.memref_squeeze %dma_wait3A_503 : memref<1x100xi32, #tpu.memory_space<vmem>> -> memref<100xi32, #tpu.memory_space<vmem>>
        %dma_wait3A_505 = arith.constant 0 : i32
        %dma_wait3A_506 = arith.constant 0 : i32
        %dma_wait3A_507 = tpu.memref_slice %arg13[%dma_wait3A_505, %dma_wait3A_506] : memref<10000x64xf32, #tpu.memory_space<vmem_shared>> -> memref<10000x64xf32, #tpu.memory_space<vmem_shared>>
        tpu.wait_indirect_dma semaphore(%run_scoped3A_495 : memref<!tpu.dma_semaphore, #tpu.memory_space<semaphore_mem>>) src(%arg11 : memref<100x64xf32, #tpu.memory_space<vmem>>) dst(%dma_wait3A_507 : memref<10000x64xf32, #tpu.memory_space<vmem_shared>>)
        tpu.yield
      }) : () -> ()
      %dma_wait3A_306 = arith.constant 0 : i32
      %dma_wait3A_307 = arith.constant 0 : i32
      %dma_wait3A_308 = tpu.memref_slice %arg7[%dma_wait3A_306, %dma_wait3A_307] : memref<25x100xi32, #tpu.memory_space<vmem>> -> memref<1x100xi32, #tpu.memory_space<vmem>>
      %dma_wait3A_309 = tpu.memref_squeeze %dma_wait3A_308 : memref<1x100xi32, #tpu.memory_space<vmem>> -> memref<100xi32, #tpu.memory_space<vmem>>
      %dma_wait3A_310 = arith.constant 0 : i32
      %dma_wait3A_311 = arith.constant 0 : i32
      %dma_wait3A_312 = tpu.memref_slice %arg2[%dma_wait3A_310, %dma_wait3A_311] : memref<10000x64xf32, #tpu.memory_space<hbm>> -> memref<10000x64xf32, #tpu.memory_space<hbm>>
      tpu.wait_indirect_dma semaphore(%arg17 : memref<!tpu.dma_semaphore, #tpu.memory_space<semaphore_mem>>) src(%dma_wait3A_312 : memref<10000x64xf32, #tpu.memory_space<hbm>>) dst(%arg12 : memref<100x64xf32, #tpu.memory_space<vmem>>)
      %dma_start3A_313 = arith.constant 14 : i32
      %dma_start3A_314 = arith.constant 0 : i32
      %dma_start3A_315 = tpu.memref_slice %arg7[%dma_start3A_313, %dma_start3A_314] : memref<25x100xi32, #tpu.memory_space<vmem>> -> memref<1x100xi32, #tpu.memory_space<vmem>>
      %dma_start3A_316 = tpu.memref_squeeze %dma_start3A_315 : memref<1x100xi32, #tpu.memory_space<vmem>> -> memref<100xi32, #tpu.memory_space<vmem>>
      %dma_start3A_317 = arith.constant 0 : i32
      %dma_start3A_318 = arith.constant 0 : i32
      %dma_start3A_319 = tpu.memref_slice %arg2[%dma_start3A_317, %dma_start3A_318] : memref<10000x64xf32, #tpu.memory_space<hbm>> -> memref<10000x64xf32, #tpu.memory_space<hbm>>
      tpu.enqueue_indirect_dma source(%dma_start3A_319 : memref<10000x64xf32, #tpu.memory_space<hbm>>) target(%arg11 : memref<100x64xf32, #tpu.memory_space<vmem>>) offsets(%dma_start3A_316 : memref<100xi32, #tpu.memory_space<vmem>>) semaphore(%arg16 : memref<!tpu.dma_semaphore, #tpu.memory_space<semaphore_mem>>)
      %run_scoped3A_320 = arith.constant 11 : i32
      "tpu.region"() ({
        %run_scoped3A_495 = tpu.sem_alloc : memref<!tpu.dma_semaphore, #tpu.memory_space<semaphore_mem>>
        %dma_start3A_496 = arith.constant 0 : i32
        %dma_start3A_497 = tpu.memref_slice %arg8[%run_scoped3A_320, %dma_start3A_496] : memref<25x100xi32, #tpu.memory_space<vmem>> -> memref<1x100xi32, #tpu.memory_space<vmem>>
        %dma_start3A_498 = tpu.memref_squeeze %dma_start3A_497 : memref<1x100xi32, #tpu.memory_space<vmem>> -> memref<100xi32, #tpu.memory_space<vmem>>
        %dma_start3A_499 = arith.constant 0 : i32
        %dma_start3A_500 = arith.constant 0 : i32
        %dma_start3A_501 = tpu.memref_slice %arg13[%dma_start3A_499, %dma_start3A_500] : memref<10000x64xf32, #tpu.memory_space<vmem_shared>> -> memref<10000x64xf32, #tpu.memory_space<vmem_shared>>
        tpu.enqueue_indirect_dma source(%arg12 : memref<100x64xf32, #tpu.memory_space<vmem>>) target(%dma_start3A_501 : memref<10000x64xf32, #tpu.memory_space<vmem_shared>>) offsets(%dma_start3A_498 : memref<100xi32, #tpu.memory_space<vmem>>) semaphore(%run_scoped3A_495 : memref<!tpu.dma_semaphore, #tpu.memory_space<semaphore_mem>>) {add = true}
        %dma_wait3A_502 = arith.constant 0 : i32
        %dma_wait3A_503 = tpu.memref_slice %arg8[%run_scoped3A_320, %dma_wait3A_502] : memref<25x100xi32, #tpu.memory_space<vmem>> -> memref<1x100xi32, #tpu.memory_space<vmem>>
        %dma_wait3A_504 = tpu.memref_squeeze %dma_wait3A_503 : memref<1x100xi32, #tpu.memory_space<vmem>> -> memref<100xi32, #tpu.memory_space<vmem>>
        %dma_wait3A_505 = arith.constant 0 : i32
        %dma_wait3A_506 = arith.constant 0 : i32
        %dma_wait3A_507 = tpu.memref_slice %arg13[%dma_wait3A_505, %dma_wait3A_506] : memref<10000x64xf32, #tpu.memory_space<vmem_shared>> -> memref<10000x64xf32, #tpu.memory_space<vmem_shared>>
        tpu.wait_indirect_dma semaphore(%run_scoped3A_495 : memref<!tpu.dma_semaphore, #tpu.memory_space<semaphore_mem>>) src(%arg12 : memref<100x64xf32, #tpu.memory_space<vmem>>) dst(%dma_wait3A_507 : memref<10000x64xf32, #tpu.memory_space<vmem_shared>>)
        tpu.yield
      }) : () -> ()
      %dma_wait3A_321 = arith.constant 0 : i32
      %dma_wait3A_322 = arith.constant 0 : i32
      %dma_wait3A_323 = tpu.memref_slice %arg7[%dma_wait3A_321, %dma_wait3A_322] : memref<25x100xi32, #tpu.memory_space<vmem>> -> memref<1x100xi32, #tpu.memory_space<vmem>>
      %dma_wait3A_324 = tpu.memref_squeeze %dma_wait3A_323 : memref<1x100xi32, #tpu.memory_space<vmem>> -> memref<100xi32, #tpu.memory_space<vmem>>
      %dma_wait3A_325 = arith.constant 0 : i32
      %dma_wait3A_326 = arith.constant 0 : i32
      %dma_wait3A_327 = tpu.memref_slice %arg2[%dma_wait3A_325, %dma_wait3A_326] : memref<10000x64xf32, #tpu.memory_space<hbm>> -> memref<10000x64xf32, #tpu.memory_space<hbm>>
      tpu.wait_indirect_dma semaphore(%arg14 : memref<!tpu.dma_semaphore, #tpu.memory_space<semaphore_mem>>) src(%dma_wait3A_327 : memref<10000x64xf32, #tpu.memory_space<hbm>>) dst(%arg9 : memref<100x64xf32, #tpu.memory_space<vmem>>)
      %dma_start3A_328 = arith.constant 15 : i32
      %dma_start3A_329 = arith.constant 0 : i32
      %dma_start3A_330 = tpu.memref_slice %arg7[%dma_start3A_328, %dma_start3A_329] : memref<25x100xi32, #tpu.memory_space<vmem>> -> memref<1x100xi32, #tpu.memory_space<vmem>>
      %dma_start3A_331 = tpu.memref_squeeze %dma_start3A_330 : memref<1x100xi32, #tpu.memory_space<vmem>> -> memref<100xi32, #tpu.memory_space<vmem>>
      %dma_start3A_332 = arith.constant 0 : i32
      %dma_start3A_333 = arith.constant 0 : i32
      %dma_start3A_334 = tpu.memref_slice %arg2[%dma_start3A_332, %dma_start3A_333] : memref<10000x64xf32, #tpu.memory_space<hbm>> -> memref<10000x64xf32, #tpu.memory_space<hbm>>
      tpu.enqueue_indirect_dma source(%dma_start3A_334 : memref<10000x64xf32, #tpu.memory_space<hbm>>) target(%arg12 : memref<100x64xf32, #tpu.memory_space<vmem>>) offsets(%dma_start3A_331 : memref<100xi32, #tpu.memory_space<vmem>>) semaphore(%arg17 : memref<!tpu.dma_semaphore, #tpu.memory_space<semaphore_mem>>)
      %run_scoped3A_335 = arith.constant 12 : i32
      "tpu.region"() ({
        %run_scoped3A_495 = tpu.sem_alloc : memref<!tpu.dma_semaphore, #tpu.memory_space<semaphore_mem>>
        %dma_start3A_496 = arith.constant 0 : i32
        %dma_start3A_497 = tpu.memref_slice %arg8[%run_scoped3A_335, %dma_start3A_496] : memref<25x100xi32, #tpu.memory_space<vmem>> -> memref<1x100xi32, #tpu.memory_space<vmem>>
        %dma_start3A_498 = tpu.memref_squeeze %dma_start3A_497 : memref<1x100xi32, #tpu.memory_space<vmem>> -> memref<100xi32, #tpu.memory_space<vmem>>
        %dma_start3A_499 = arith.constant 0 : i32
        %dma_start3A_500 = arith.constant 0 : i32
        %dma_start3A_501 = tpu.memref_slice %arg13[%dma_start3A_499, %dma_start3A_500] : memref<10000x64xf32, #tpu.memory_space<vmem_shared>> -> memref<10000x64xf32, #tpu.memory_space<vmem_shared>>
        tpu.enqueue_indirect_dma source(%arg9 : memref<100x64xf32, #tpu.memory_space<vmem>>) target(%dma_start3A_501 : memref<10000x64xf32, #tpu.memory_space<vmem_shared>>) offsets(%dma_start3A_498 : memref<100xi32, #tpu.memory_space<vmem>>) semaphore(%run_scoped3A_495 : memref<!tpu.dma_semaphore, #tpu.memory_space<semaphore_mem>>) {add = true}
        %dma_wait3A_502 = arith.constant 0 : i32
        %dma_wait3A_503 = tpu.memref_slice %arg8[%run_scoped3A_335, %dma_wait3A_502] : memref<25x100xi32, #tpu.memory_space<vmem>> -> memref<1x100xi32, #tpu.memory_space<vmem>>
        %dma_wait3A_504 = tpu.memref_squeeze %dma_wait3A_503 : memref<1x100xi32, #tpu.memory_space<vmem>> -> memref<100xi32, #tpu.memory_space<vmem>>
        %dma_wait3A_505 = arith.constant 0 : i32
        %dma_wait3A_506 = arith.constant 0 : i32
        %dma_wait3A_507 = tpu.memref_slice %arg13[%dma_wait3A_505, %dma_wait3A_506] : memref<10000x64xf32, #tpu.memory_space<vmem_shared>> -> memref<10000x64xf32, #tpu.memory_space<vmem_shared>>
        tpu.wait_indirect_dma semaphore(%run_scoped3A_495 : memref<!tpu.dma_semaphore, #tpu.memory_space<semaphore_mem>>) src(%arg9 : memref<100x64xf32, #tpu.memory_space<vmem>>) dst(%dma_wait3A_507 : memref<10000x64xf32, #tpu.memory_space<vmem_shared>>)
        tpu.yield
      }) : () -> ()
      %dma_wait3A_336 = arith.constant 0 : i32
      %dma_wait3A_337 = arith.constant 0 : i32
      %dma_wait3A_338 = tpu.memref_slice %arg7[%dma_wait3A_336, %dma_wait3A_337] : memref<25x100xi32, #tpu.memory_space<vmem>> -> memref<1x100xi32, #tpu.memory_space<vmem>>
      %dma_wait3A_339 = tpu.memref_squeeze %dma_wait3A_338 : memref<1x100xi32, #tpu.memory_space<vmem>> -> memref<100xi32, #tpu.memory_space<vmem>>
      %dma_wait3A_340 = arith.constant 0 : i32
      %dma_wait3A_341 = arith.constant 0 : i32
      %dma_wait3A_342 = tpu.memref_slice %arg2[%dma_wait3A_340, %dma_wait3A_341] : memref<10000x64xf32, #tpu.memory_space<hbm>> -> memref<10000x64xf32, #tpu.memory_space<hbm>>
      tpu.wait_indirect_dma semaphore(%arg15 : memref<!tpu.dma_semaphore, #tpu.memory_space<semaphore_mem>>) src(%dma_wait3A_342 : memref<10000x64xf32, #tpu.memory_space<hbm>>) dst(%arg10 : memref<100x64xf32, #tpu.memory_space<vmem>>)
      %dma_start3A_343 = arith.constant 16 : i32
      %dma_start3A_344 = arith.constant 0 : i32
      %dma_start3A_345 = tpu.memref_slice %arg7[%dma_start3A_343, %dma_start3A_344] : memref<25x100xi32, #tpu.memory_space<vmem>> -> memref<1x100xi32, #tpu.memory_space<vmem>>
      %dma_start3A_346 = tpu.memref_squeeze %dma_start3A_345 : memref<1x100xi32, #tpu.memory_space<vmem>> -> memref<100xi32, #tpu.memory_space<vmem>>
      %dma_start3A_347 = arith.constant 0 : i32
      %dma_start3A_348 = arith.constant 0 : i32
      %dma_start3A_349 = tpu.memref_slice %arg2[%dma_start3A_347, %dma_start3A_348] : memref<10000x64xf32, #tpu.memory_space<hbm>> -> memref<10000x64xf32, #tpu.memory_space<hbm>>
      tpu.enqueue_indirect_dma source(%dma_start3A_349 : memref<10000x64xf32, #tpu.memory_space<hbm>>) target(%arg9 : memref<100x64xf32, #tpu.memory_space<vmem>>) offsets(%dma_start3A_346 : memref<100xi32, #tpu.memory_space<vmem>>) semaphore(%arg14 : memref<!tpu.dma_semaphore, #tpu.memory_space<semaphore_mem>>)
      %run_scoped3A_350 = arith.constant 13 : i32
      "tpu.region"() ({
        %run_scoped3A_495 = tpu.sem_alloc : memref<!tpu.dma_semaphore, #tpu.memory_space<semaphore_mem>>
        %dma_start3A_496 = arith.constant 0 : i32
        %dma_start3A_497 = tpu.memref_slice %arg8[%run_scoped3A_350, %dma_start3A_496] : memref<25x100xi32, #tpu.memory_space<vmem>> -> memref<1x100xi32, #tpu.memory_space<vmem>>
        %dma_start3A_498 = tpu.memref_squeeze %dma_start3A_497 : memref<1x100xi32, #tpu.memory_space<vmem>> -> memref<100xi32, #tpu.memory_space<vmem>>
        %dma_start3A_499 = arith.constant 0 : i32
        %dma_start3A_500 = arith.constant 0 : i32
        %dma_start3A_501 = tpu.memref_slice %arg13[%dma_start3A_499, %dma_start3A_500] : memref<10000x64xf32, #tpu.memory_space<vmem_shared>> -> memref<10000x64xf32, #tpu.memory_space<vmem_shared>>
        tpu.enqueue_indirect_dma source(%arg10 : memref<100x64xf32, #tpu.memory_space<vmem>>) target(%dma_start3A_501 : memref<10000x64xf32, #tpu.memory_space<vmem_shared>>) offsets(%dma_start3A_498 : memref<100xi32, #tpu.memory_space<vmem>>) semaphore(%run_scoped3A_495 : memref<!tpu.dma_semaphore, #tpu.memory_space<semaphore_mem>>) {add = true}
        %dma_wait3A_502 = arith.constant 0 : i32
        %dma_wait3A_503 = tpu.memref_slice %arg8[%run_scoped3A_350, %dma_wait3A_502] : memref<25x100xi32, #tpu.memory_space<vmem>> -> memref<1x100xi32, #tpu.memory_space<vmem>>
        %dma_wait3A_504 = tpu.memref_squeeze %dma_wait3A_503 : memref<1x100xi32, #tpu.memory_space<vmem>> -> memref<100xi32, #tpu.memory_space<vmem>>
        %dma_wait3A_505 = arith.constant 0 : i32
        %dma_wait3A_506 = arith.constant 0 : i32
        %dma_wait3A_507 = tpu.memref_slice %arg13[%dma_wait3A_505, %dma_wait3A_506] : memref<10000x64xf32, #tpu.memory_space<vmem_shared>> -> memref<10000x64xf32, #tpu.memory_space<vmem_shared>>
        tpu.wait_indirect_dma semaphore(%run_scoped3A_495 : memref<!tpu.dma_semaphore, #tpu.memory_space<semaphore_mem>>) src(%arg10 : memref<100x64xf32, #tpu.memory_space<vmem>>) dst(%dma_wait3A_507 : memref<10000x64xf32, #tpu.memory_space<vmem_shared>>)
        tpu.yield
      }) : () -> ()
      %dma_wait3A_351 = arith.constant 0 : i32
      %dma_wait3A_352 = arith.constant 0 : i32
      %dma_wait3A_353 = tpu.memref_slice %arg7[%dma_wait3A_351, %dma_wait3A_352] : memref<25x100xi32, #tpu.memory_space<vmem>> -> memref<1x100xi32, #tpu.memory_space<vmem>>
      %dma_wait3A_354 = tpu.memref_squeeze %dma_wait3A_353 : memref<1x100xi32, #tpu.memory_space<vmem>> -> memref<100xi32, #tpu.memory_space<vmem>>
      %dma_wait3A_355 = arith.constant 0 : i32
      %dma_wait3A_356 = arith.constant 0 : i32
      %dma_wait3A_357 = tpu.memref_slice %arg2[%dma_wait3A_355, %dma_wait3A_356] : memref<10000x64xf32, #tpu.memory_space<hbm>> -> memref<10000x64xf32, #tpu.memory_space<hbm>>
      tpu.wait_indirect_dma semaphore(%arg16 : memref<!tpu.dma_semaphore, #tpu.memory_space<semaphore_mem>>) src(%dma_wait3A_357 : memref<10000x64xf32, #tpu.memory_space<hbm>>) dst(%arg11 : memref<100x64xf32, #tpu.memory_space<vmem>>)
      %dma_start3A_358 = arith.constant 17 : i32
      %dma_start3A_359 = arith.constant 0 : i32
      %dma_start3A_360 = tpu.memref_slice %arg7[%dma_start3A_358, %dma_start3A_359] : memref<25x100xi32, #tpu.memory_space<vmem>> -> memref<1x100xi32, #tpu.memory_space<vmem>>
      %dma_start3A_361 = tpu.memref_squeeze %dma_start3A_360 : memref<1x100xi32, #tpu.memory_space<vmem>> -> memref<100xi32, #tpu.memory_space<vmem>>
      %dma_start3A_362 = arith.constant 0 : i32
      %dma_start3A_363 = arith.constant 0 : i32
      %dma_start3A_364 = tpu.memref_slice %arg2[%dma_start3A_362, %dma_start3A_363] : memref<10000x64xf32, #tpu.memory_space<hbm>> -> memref<10000x64xf32, #tpu.memory_space<hbm>>
      tpu.enqueue_indirect_dma source(%dma_start3A_364 : memref<10000x64xf32, #tpu.memory_space<hbm>>) target(%arg10 : memref<100x64xf32, #tpu.memory_space<vmem>>) offsets(%dma_start3A_361 : memref<100xi32, #tpu.memory_space<vmem>>) semaphore(%arg15 : memref<!tpu.dma_semaphore, #tpu.memory_space<semaphore_mem>>)
      %run_scoped3A_365 = arith.constant 14 : i32
      "tpu.region"() ({
        %run_scoped3A_495 = tpu.sem_alloc : memref<!tpu.dma_semaphore, #tpu.memory_space<semaphore_mem>>
        %dma_start3A_496 = arith.constant 0 : i32
        %dma_start3A_497 = tpu.memref_slice %arg8[%run_scoped3A_365, %dma_start3A_496] : memref<25x100xi32, #tpu.memory_space<vmem>> -> memref<1x100xi32, #tpu.memory_space<vmem>>
        %dma_start3A_498 = tpu.memref_squeeze %dma_start3A_497 : memref<1x100xi32, #tpu.memory_space<vmem>> -> memref<100xi32, #tpu.memory_space<vmem>>
        %dma_start3A_499 = arith.constant 0 : i32
        %dma_start3A_500 = arith.constant 0 : i32
        %dma_start3A_501 = tpu.memref_slice %arg13[%dma_start3A_499, %dma_start3A_500] : memref<10000x64xf32, #tpu.memory_space<vmem_shared>> -> memref<10000x64xf32, #tpu.memory_space<vmem_shared>>
        tpu.enqueue_indirect_dma source(%arg11 : memref<100x64xf32, #tpu.memory_space<vmem>>) target(%dma_start3A_501 : memref<10000x64xf32, #tpu.memory_space<vmem_shared>>) offsets(%dma_start3A_498 : memref<100xi32, #tpu.memory_space<vmem>>) semaphore(%run_scoped3A_495 : memref<!tpu.dma_semaphore, #tpu.memory_space<semaphore_mem>>) {add = true}
        %dma_wait3A_502 = arith.constant 0 : i32
        %dma_wait3A_503 = tpu.memref_slice %arg8[%run_scoped3A_365, %dma_wait3A_502] : memref<25x100xi32, #tpu.memory_space<vmem>> -> memref<1x100xi32, #tpu.memory_space<vmem>>
        %dma_wait3A_504 = tpu.memref_squeeze %dma_wait3A_503 : memref<1x100xi32, #tpu.memory_space<vmem>> -> memref<100xi32, #tpu.memory_space<vmem>>
        %dma_wait3A_505 = arith.constant 0 : i32
        %dma_wait3A_506 = arith.constant 0 : i32
        %dma_wait3A_507 = tpu.memref_slice %arg13[%dma_wait3A_505, %dma_wait3A_506] : memref<10000x64xf32, #tpu.memory_space<vmem_shared>> -> memref<10000x64xf32, #tpu.memory_space<vmem_shared>>
        tpu.wait_indirect_dma semaphore(%run_scoped3A_495 : memref<!tpu.dma_semaphore, #tpu.memory_space<semaphore_mem>>) src(%arg11 : memref<100x64xf32, #tpu.memory_space<vmem>>) dst(%dma_wait3A_507 : memref<10000x64xf32, #tpu.memory_space<vmem_shared>>)
        tpu.yield
      }) : () -> ()
      %dma_wait3A_366 = arith.constant 0 : i32
      %dma_wait3A_367 = arith.constant 0 : i32
      %dma_wait3A_368 = tpu.memref_slice %arg7[%dma_wait3A_366, %dma_wait3A_367] : memref<25x100xi32, #tpu.memory_space<vmem>> -> memref<1x100xi32, #tpu.memory_space<vmem>>
      %dma_wait3A_369 = tpu.memref_squeeze %dma_wait3A_368 : memref<1x100xi32, #tpu.memory_space<vmem>> -> memref<100xi32, #tpu.memory_space<vmem>>
      %dma_wait3A_370 = arith.constant 0 : i32
      %dma_wait3A_371 = arith.constant 0 : i32
      %dma_wait3A_372 = tpu.memref_slice %arg2[%dma_wait3A_370, %dma_wait3A_371] : memref<10000x64xf32, #tpu.memory_space<hbm>> -> memref<10000x64xf32, #tpu.memory_space<hbm>>
      tpu.wait_indirect_dma semaphore(%arg17 : memref<!tpu.dma_semaphore, #tpu.memory_space<semaphore_mem>>) src(%dma_wait3A_372 : memref<10000x64xf32, #tpu.memory_space<hbm>>) dst(%arg12 : memref<100x64xf32, #tpu.memory_space<vmem>>)
      %dma_start3A_373 = arith.constant 18 : i32
      %dma_start3A_374 = arith.constant 0 : i32
      %dma_start3A_375 = tpu.memref_slice %arg7[%dma_start3A_373, %dma_start3A_374] : memref<25x100xi32, #tpu.memory_space<vmem>> -> memref<1x100xi32, #tpu.memory_space<vmem>>
      %dma_start3A_376 = tpu.memref_squeeze %dma_start3A_375 : memref<1x100xi32, #tpu.memory_space<vmem>> -> memref<100xi32, #tpu.memory_space<vmem>>
      %dma_start3A_377 = arith.constant 0 : i32
      %dma_start3A_378 = arith.constant 0 : i32
      %dma_start3A_379 = tpu.memref_slice %arg2[%dma_start3A_377, %dma_start3A_378] : memref<10000x64xf32, #tpu.memory_space<hbm>> -> memref<10000x64xf32, #tpu.memory_space<hbm>>
      tpu.enqueue_indirect_dma source(%dma_start3A_379 : memref<10000x64xf32, #tpu.memory_space<hbm>>) target(%arg11 : memref<100x64xf32, #tpu.memory_space<vmem>>) offsets(%dma_start3A_376 : memref<100xi32, #tpu.memory_space<vmem>>) semaphore(%arg16 : memref<!tpu.dma_semaphore, #tpu.memory_space<semaphore_mem>>)
      %run_scoped3A_380 = arith.constant 15 : i32
      "tpu.region"() ({
        %run_scoped3A_495 = tpu.sem_alloc : memref<!tpu.dma_semaphore, #tpu.memory_space<semaphore_mem>>
        %dma_start3A_496 = arith.constant 0 : i32
        %dma_start3A_497 = tpu.memref_slice %arg8[%run_scoped3A_380, %dma_start3A_496] : memref<25x100xi32, #tpu.memory_space<vmem>> -> memref<1x100xi32, #tpu.memory_space<vmem>>
        %dma_start3A_498 = tpu.memref_squeeze %dma_start3A_497 : memref<1x100xi32, #tpu.memory_space<vmem>> -> memref<100xi32, #tpu.memory_space<vmem>>
        %dma_start3A_499 = arith.constant 0 : i32
        %dma_start3A_500 = arith.constant 0 : i32
        %dma_start3A_501 = tpu.memref_slice %arg13[%dma_start3A_499, %dma_start3A_500] : memref<10000x64xf32, #tpu.memory_space<vmem_shared>> -> memref<10000x64xf32, #tpu.memory_space<vmem_shared>>
        tpu.enqueue_indirect_dma source(%arg12 : memref<100x64xf32, #tpu.memory_space<vmem>>) target(%dma_start3A_501 : memref<10000x64xf32, #tpu.memory_space<vmem_shared>>) offsets(%dma_start3A_498 : memref<100xi32, #tpu.memory_space<vmem>>) semaphore(%run_scoped3A_495 : memref<!tpu.dma_semaphore, #tpu.memory_space<semaphore_mem>>) {add = true}
        %dma_wait3A_502 = arith.constant 0 : i32
        %dma_wait3A_503 = tpu.memref_slice %arg8[%run_scoped3A_380, %dma_wait3A_502] : memref<25x100xi32, #tpu.memory_space<vmem>> -> memref<1x100xi32, #tpu.memory_space<vmem>>
        %dma_wait3A_504 = tpu.memref_squeeze %dma_wait3A_503 : memref<1x100xi32, #tpu.memory_space<vmem>> -> memref<100xi32, #tpu.memory_space<vmem>>
        %dma_wait3A_505 = arith.constant 0 : i32
        %dma_wait3A_506 = arith.constant 0 : i32
        %dma_wait3A_507 = tpu.memref_slice %arg13[%dma_wait3A_505, %dma_wait3A_506] : memref<10000x64xf32, #tpu.memory_space<vmem_shared>> -> memref<10000x64xf32, #tpu.memory_space<vmem_shared>>
        tpu.wait_indirect_dma semaphore(%run_scoped3A_495 : memref<!tpu.dma_semaphore, #tpu.memory_space<semaphore_mem>>) src(%arg12 : memref<100x64xf32, #tpu.memory_space<vmem>>) dst(%dma_wait3A_507 : memref<10000x64xf32, #tpu.memory_space<vmem_shared>>)
        tpu.yield
      }) : () -> ()
      %dma_wait3A_381 = arith.constant 0 : i32
      %dma_wait3A_382 = arith.constant 0 : i32
      %dma_wait3A_383 = tpu.memref_slice %arg7[%dma_wait3A_381, %dma_wait3A_382] : memref<25x100xi32, #tpu.memory_space<vmem>> -> memref<1x100xi32, #tpu.memory_space<vmem>>
      %dma_wait3A_384 = tpu.memref_squeeze %dma_wait3A_383 : memref<1x100xi32, #tpu.memory_space<vmem>> -> memref<100xi32, #tpu.memory_space<vmem>>
      %dma_wait3A_385 = arith.constant 0 : i32
      %dma_wait3A_386 = arith.constant 0 : i32
      %dma_wait3A_387 = tpu.memref_slice %arg2[%dma_wait3A_385, %dma_wait3A_386] : memref<10000x64xf32, #tpu.memory_space<hbm>> -> memref<10000x64xf32, #tpu.memory_space<hbm>>
      tpu.wait_indirect_dma semaphore(%arg14 : memref<!tpu.dma_semaphore, #tpu.memory_space<semaphore_mem>>) src(%dma_wait3A_387 : memref<10000x64xf32, #tpu.memory_space<hbm>>) dst(%arg9 : memref<100x64xf32, #tpu.memory_space<vmem>>)
      %dma_start3A_388 = arith.constant 19 : i32
      %dma_start3A_389 = arith.constant 0 : i32
      %dma_start3A_390 = tpu.memref_slice %arg7[%dma_start3A_388, %dma_start3A_389] : memref<25x100xi32, #tpu.memory_space<vmem>> -> memref<1x100xi32, #tpu.memory_space<vmem>>
      %dma_start3A_391 = tpu.memref_squeeze %dma_start3A_390 : memref<1x100xi32, #tpu.memory_space<vmem>> -> memref<100xi32, #tpu.memory_space<vmem>>
      %dma_start3A_392 = arith.constant 0 : i32
      %dma_start3A_393 = arith.constant 0 : i32
      %dma_start3A_394 = tpu.memref_slice %arg2[%dma_start3A_392, %dma_start3A_393] : memref<10000x64xf32, #tpu.memory_space<hbm>> -> memref<10000x64xf32, #tpu.memory_space<hbm>>
      tpu.enqueue_indirect_dma source(%dma_start3A_394 : memref<10000x64xf32, #tpu.memory_space<hbm>>) target(%arg12 : memref<100x64xf32, #tpu.memory_space<vmem>>) offsets(%dma_start3A_391 : memref<100xi32, #tpu.memory_space<vmem>>) semaphore(%arg17 : memref<!tpu.dma_semaphore, #tpu.memory_space<semaphore_mem>>)
      %run_scoped3A_395 = arith.constant 16 : i32
      "tpu.region"() ({
        %run_scoped3A_495 = tpu.sem_alloc : memref<!tpu.dma_semaphore, #tpu.memory_space<semaphore_mem>>
        %dma_start3A_496 = arith.constant 0 : i32
        %dma_start3A_497 = tpu.memref_slice %arg8[%run_scoped3A_395, %dma_start3A_496] : memref<25x100xi32, #tpu.memory_space<vmem>> -> memref<1x100xi32, #tpu.memory_space<vmem>>
        %dma_start3A_498 = tpu.memref_squeeze %dma_start3A_497 : memref<1x100xi32, #tpu.memory_space<vmem>> -> memref<100xi32, #tpu.memory_space<vmem>>
        %dma_start3A_499 = arith.constant 0 : i32
        %dma_start3A_500 = arith.constant 0 : i32
        %dma_start3A_501 = tpu.memref_slice %arg13[%dma_start3A_499, %dma_start3A_500] : memref<10000x64xf32, #tpu.memory_space<vmem_shared>> -> memref<10000x64xf32, #tpu.memory_space<vmem_shared>>
        tpu.enqueue_indirect_dma source(%arg9 : memref<100x64xf32, #tpu.memory_space<vmem>>) target(%dma_start3A_501 : memref<10000x64xf32, #tpu.memory_space<vmem_shared>>) offsets(%dma_start3A_498 : memref<100xi32, #tpu.memory_space<vmem>>) semaphore(%run_scoped3A_495 : memref<!tpu.dma_semaphore, #tpu.memory_space<semaphore_mem>>) {add = true}
        %dma_wait3A_502 = arith.constant 0 : i32
        %dma_wait3A_503 = tpu.memref_slice %arg8[%run_scoped3A_395, %dma_wait3A_502] : memref<25x100xi32, #tpu.memory_space<vmem>> -> memref<1x100xi32, #tpu.memory_space<vmem>>
        %dma_wait3A_504 = tpu.memref_squeeze %dma_wait3A_503 : memref<1x100xi32, #tpu.memory_space<vmem>> -> memref<100xi32, #tpu.memory_space<vmem>>
        %dma_wait3A_505 = arith.constant 0 : i32
        %dma_wait3A_506 = arith.constant 0 : i32
        %dma_wait3A_507 = tpu.memref_slice %arg13[%dma_wait3A_505, %dma_wait3A_506] : memref<10000x64xf32, #tpu.memory_space<vmem_shared>> -> memref<10000x64xf32, #tpu.memory_space<vmem_shared>>
        tpu.wait_indirect_dma semaphore(%run_scoped3A_495 : memref<!tpu.dma_semaphore, #tpu.memory_space<semaphore_mem>>) src(%arg9 : memref<100x64xf32, #tpu.memory_space<vmem>>) dst(%dma_wait3A_507 : memref<10000x64xf32, #tpu.memory_space<vmem_shared>>)
        tpu.yield
      }) : () -> ()
      %dma_wait3A_396 = arith.constant 0 : i32
      %dma_wait3A_397 = arith.constant 0 : i32
      %dma_wait3A_398 = tpu.memref_slice %arg7[%dma_wait3A_396, %dma_wait3A_397] : memref<25x100xi32, #tpu.memory_space<vmem>> -> memref<1x100xi32, #tpu.memory_space<vmem>>
      %dma_wait3A_399 = tpu.memref_squeeze %dma_wait3A_398 : memref<1x100xi32, #tpu.memory_space<vmem>> -> memref<100xi32, #tpu.memory_space<vmem>>
      %dma_wait3A_400 = arith.constant 0 : i32
      %dma_wait3A_401 = arith.constant 0 : i32
      %dma_wait3A_402 = tpu.memref_slice %arg2[%dma_wait3A_400, %dma_wait3A_401] : memref<10000x64xf32, #tpu.memory_space<hbm>> -> memref<10000x64xf32, #tpu.memory_space<hbm>>
      tpu.wait_indirect_dma semaphore(%arg15 : memref<!tpu.dma_semaphore, #tpu.memory_space<semaphore_mem>>) src(%dma_wait3A_402 : memref<10000x64xf32, #tpu.memory_space<hbm>>) dst(%arg10 : memref<100x64xf32, #tpu.memory_space<vmem>>)
      %dma_start3A_403 = arith.constant 20 : i32
      %dma_start3A_404 = arith.constant 0 : i32
      %dma_start3A_405 = tpu.memref_slice %arg7[%dma_start3A_403, %dma_start3A_404] : memref<25x100xi32, #tpu.memory_space<vmem>> -> memref<1x100xi32, #tpu.memory_space<vmem>>
      %dma_start3A_406 = tpu.memref_squeeze %dma_start3A_405 : memref<1x100xi32, #tpu.memory_space<vmem>> -> memref<100xi32, #tpu.memory_space<vmem>>
      %dma_start3A_407 = arith.constant 0 : i32
      %dma_start3A_408 = arith.constant 0 : i32
      %dma_start3A_409 = tpu.memref_slice %arg2[%dma_start3A_407, %dma_start3A_408] : memref<10000x64xf32, #tpu.memory_space<hbm>> -> memref<10000x64xf32, #tpu.memory_space<hbm>>
      tpu.enqueue_indirect_dma source(%dma_start3A_409 : memref<10000x64xf32, #tpu.memory_space<hbm>>) target(%arg9 : memref<100x64xf32, #tpu.memory_space<vmem>>) offsets(%dma_start3A_406 : memref<100xi32, #tpu.memory_space<vmem>>) semaphore(%arg14 : memref<!tpu.dma_semaphore, #tpu.memory_space<semaphore_mem>>)
      %run_scoped3A_410 = arith.constant 17 : i32
      "tpu.region"() ({
        %run_scoped3A_495 = tpu.sem_alloc : memref<!tpu.dma_semaphore, #tpu.memory_space<semaphore_mem>>
        %dma_start3A_496 = arith.constant 0 : i32
        %dma_start3A_497 = tpu.memref_slice %arg8[%run_scoped3A_410, %dma_start3A_496] : memref<25x100xi32, #tpu.memory_space<vmem>> -> memref<1x100xi32, #tpu.memory_space<vmem>>
        %dma_start3A_498 = tpu.memref_squeeze %dma_start3A_497 : memref<1x100xi32, #tpu.memory_space<vmem>> -> memref<100xi32, #tpu.memory_space<vmem>>
        %dma_start3A_499 = arith.constant 0 : i32
        %dma_start3A_500 = arith.constant 0 : i32
        %dma_start3A_501 = tpu.memref_slice %arg13[%dma_start3A_499, %dma_start3A_500] : memref<10000x64xf32, #tpu.memory_space<vmem_shared>> -> memref<10000x64xf32, #tpu.memory_space<vmem_shared>>
        tpu.enqueue_indirect_dma source(%arg10 : memref<100x64xf32, #tpu.memory_space<vmem>>) target(%dma_start3A_501 : memref<10000x64xf32, #tpu.memory_space<vmem_shared>>) offsets(%dma_start3A_498 : memref<100xi32, #tpu.memory_space<vmem>>) semaphore(%run_scoped3A_495 : memref<!tpu.dma_semaphore, #tpu.memory_space<semaphore_mem>>) {add = true}
        %dma_wait3A_502 = arith.constant 0 : i32
        %dma_wait3A_503 = tpu.memref_slice %arg8[%run_scoped3A_410, %dma_wait3A_502] : memref<25x100xi32, #tpu.memory_space<vmem>> -> memref<1x100xi32, #tpu.memory_space<vmem>>
        %dma_wait3A_504 = tpu.memref_squeeze %dma_wait3A_503 : memref<1x100xi32, #tpu.memory_space<vmem>> -> memref<100xi32, #tpu.memory_space<vmem>>
        %dma_wait3A_505 = arith.constant 0 : i32
        %dma_wait3A_506 = arith.constant 0 : i32
        %dma_wait3A_507 = tpu.memref_slice %arg13[%dma_wait3A_505, %dma_wait3A_506] : memref<10000x64xf32, #tpu.memory_space<vmem_shared>> -> memref<10000x64xf32, #tpu.memory_space<vmem_shared>>
        tpu.wait_indirect_dma semaphore(%run_scoped3A_495 : memref<!tpu.dma_semaphore, #tpu.memory_space<semaphore_mem>>) src(%arg10 : memref<100x64xf32, #tpu.memory_space<vmem>>) dst(%dma_wait3A_507 : memref<10000x64xf32, #tpu.memory_space<vmem_shared>>)
        tpu.yield
      }) : () -> ()
      %dma_wait3A_411 = arith.constant 0 : i32
      %dma_wait3A_412 = arith.constant 0 : i32
      %dma_wait3A_413 = tpu.memref_slice %arg7[%dma_wait3A_411, %dma_wait3A_412] : memref<25x100xi32, #tpu.memory_space<vmem>> -> memref<1x100xi32, #tpu.memory_space<vmem>>
      %dma_wait3A_414 = tpu.memref_squeeze %dma_wait3A_413 : memref<1x100xi32, #tpu.memory_space<vmem>> -> memref<100xi32, #tpu.memory_space<vmem>>
      %dma_wait3A_415 = arith.constant 0 : i32
      %dma_wait3A_416 = arith.constant 0 : i32
      %dma_wait3A_417 = tpu.memref_slice %arg2[%dma_wait3A_415, %dma_wait3A_416] : memref<10000x64xf32, #tpu.memory_space<hbm>> -> memref<10000x64xf32, #tpu.memory_space<hbm>>
      tpu.wait_indirect_dma semaphore(%arg16 : memref<!tpu.dma_semaphore, #tpu.memory_space<semaphore_mem>>) src(%dma_wait3A_417 : memref<10000x64xf32, #tpu.memory_space<hbm>>) dst(%arg11 : memref<100x64xf32, #tpu.memory_space<vmem>>)
      %dma_start3A_418 = arith.constant 21 : i32
      %dma_start3A_419 = arith.constant 0 : i32
      %dma_start3A_420 = tpu.memref_slice %arg7[%dma_start3A_418, %dma_start3A_419] : memref<25x100xi32, #tpu.memory_space<vmem>> -> memref<1x100xi32, #tpu.memory_space<vmem>>
      %dma_start3A_421 = tpu.memref_squeeze %dma_start3A_420 : memref<1x100xi32, #tpu.memory_space<vmem>> -> memref<100xi32, #tpu.memory_space<vmem>>
      %dma_start3A_422 = arith.constant 0 : i32
      %dma_start3A_423 = arith.constant 0 : i32
      %dma_start3A_424 = tpu.memref_slice %arg2[%dma_start3A_422, %dma_start3A_423] : memref<10000x64xf32, #tpu.memory_space<hbm>> -> memref<10000x64xf32, #tpu.memory_space<hbm>>
      tpu.enqueue_indirect_dma source(%dma_start3A_424 : memref<10000x64xf32, #tpu.memory_space<hbm>>) target(%arg10 : memref<100x64xf32, #tpu.memory_space<vmem>>) offsets(%dma_start3A_421 : memref<100xi32, #tpu.memory_space<vmem>>) semaphore(%arg15 : memref<!tpu.dma_semaphore, #tpu.memory_space<semaphore_mem>>)
      %run_scoped3A_425 = arith.constant 18 : i32
      "tpu.region"() ({
        %run_scoped3A_495 = tpu.sem_alloc : memref<!tpu.dma_semaphore, #tpu.memory_space<semaphore_mem>>
        %dma_start3A_496 = arith.constant 0 : i32
        %dma_start3A_497 = tpu.memref_slice %arg8[%run_scoped3A_425, %dma_start3A_496] : memref<25x100xi32, #tpu.memory_space<vmem>> -> memref<1x100xi32, #tpu.memory_space<vmem>>
        %dma_start3A_498 = tpu.memref_squeeze %dma_start3A_497 : memref<1x100xi32, #tpu.memory_space<vmem>> -> memref<100xi32, #tpu.memory_space<vmem>>
        %dma_start3A_499 = arith.constant 0 : i32
        %dma_start3A_500 = arith.constant 0 : i32
        %dma_start3A_501 = tpu.memref_slice %arg13[%dma_start3A_499, %dma_start3A_500] : memref<10000x64xf32, #tpu.memory_space<vmem_shared>> -> memref<10000x64xf32, #tpu.memory_space<vmem_shared>>
        tpu.enqueue_indirect_dma source(%arg11 : memref<100x64xf32, #tpu.memory_space<vmem>>) target(%dma_start3A_501 : memref<10000x64xf32, #tpu.memory_space<vmem_shared>>) offsets(%dma_start3A_498 : memref<100xi32, #tpu.memory_space<vmem>>) semaphore(%run_scoped3A_495 : memref<!tpu.dma_semaphore, #tpu.memory_space<semaphore_mem>>) {add = true}
        %dma_wait3A_502 = arith.constant 0 : i32
        %dma_wait3A_503 = tpu.memref_slice %arg8[%run_scoped3A_425, %dma_wait3A_502] : memref<25x100xi32, #tpu.memory_space<vmem>> -> memref<1x100xi32, #tpu.memory_space<vmem>>
        %dma_wait3A_504 = tpu.memref_squeeze %dma_wait3A_503 : memref<1x100xi32, #tpu.memory_space<vmem>> -> memref<100xi32, #tpu.memory_space<vmem>>
        %dma_wait3A_505 = arith.constant 0 : i32
        %dma_wait3A_506 = arith.constant 0 : i32
        %dma_wait3A_507 = tpu.memref_slice %arg13[%dma_wait3A_505, %dma_wait3A_506] : memref<10000x64xf32, #tpu.memory_space<vmem_shared>> -> memref<10000x64xf32, #tpu.memory_space<vmem_shared>>
        tpu.wait_indirect_dma semaphore(%run_scoped3A_495 : memref<!tpu.dma_semaphore, #tpu.memory_space<semaphore_mem>>) src(%arg11 : memref<100x64xf32, #tpu.memory_space<vmem>>) dst(%dma_wait3A_507 : memref<10000x64xf32, #tpu.memory_space<vmem_shared>>)
        tpu.yield
      }) : () -> ()
      %dma_wait3A_426 = arith.constant 0 : i32
      %dma_wait3A_427 = arith.constant 0 : i32
      %dma_wait3A_428 = tpu.memref_slice %arg7[%dma_wait3A_426, %dma_wait3A_427] : memref<25x100xi32, #tpu.memory_space<vmem>> -> memref<1x100xi32, #tpu.memory_space<vmem>>
      %dma_wait3A_429 = tpu.memref_squeeze %dma_wait3A_428 : memref<1x100xi32, #tpu.memory_space<vmem>> -> memref<100xi32, #tpu.memory_space<vmem>>
      %dma_wait3A_430 = arith.constant 0 : i32
      %dma_wait3A_431 = arith.constant 0 : i32
      %dma_wait3A_432 = tpu.memref_slice %arg2[%dma_wait3A_430, %dma_wait3A_431] : memref<10000x64xf32, #tpu.memory_space<hbm>> -> memref<10000x64xf32, #tpu.memory_space<hbm>>
      tpu.wait_indirect_dma semaphore(%arg17 : memref<!tpu.dma_semaphore, #tpu.memory_space<semaphore_mem>>) src(%dma_wait3A_432 : memref<10000x64xf32, #tpu.memory_space<hbm>>) dst(%arg12 : memref<100x64xf32, #tpu.memory_space<vmem>>)
      %dma_start3A_433 = arith.constant 22 : i32
      %dma_start3A_434 = arith.constant 0 : i32
      %dma_start3A_435 = tpu.memref_slice %arg7[%dma_start3A_433, %dma_start3A_434] : memref<25x100xi32, #tpu.memory_space<vmem>> -> memref<1x100xi32, #tpu.memory_space<vmem>>
      %dma_start3A_436 = tpu.memref_squeeze %dma_start3A_435 : memref<1x100xi32, #tpu.memory_space<vmem>> -> memref<100xi32, #tpu.memory_space<vmem>>
      %dma_start3A_437 = arith.constant 0 : i32
      %dma_start3A_438 = arith.constant 0 : i32
      %dma_start3A_439 = tpu.memref_slice %arg2[%dma_start3A_437, %dma_start3A_438] : memref<10000x64xf32, #tpu.memory_space<hbm>> -> memref<10000x64xf32, #tpu.memory_space<hbm>>
      tpu.enqueue_indirect_dma source(%dma_start3A_439 : memref<10000x64xf32, #tpu.memory_space<hbm>>) target(%arg11 : memref<100x64xf32, #tpu.memory_space<vmem>>) offsets(%dma_start3A_436 : memref<100xi32, #tpu.memory_space<vmem>>) semaphore(%arg16 : memref<!tpu.dma_semaphore, #tpu.memory_space<semaphore_mem>>)
      %run_scoped3A_440 = arith.constant 19 : i32
      "tpu.region"() ({
        %run_scoped3A_495 = tpu.sem_alloc : memref<!tpu.dma_semaphore, #tpu.memory_space<semaphore_mem>>
        %dma_start3A_496 = arith.constant 0 : i32
        %dma_start3A_497 = tpu.memref_slice %arg8[%run_scoped3A_440, %dma_start3A_496] : memref<25x100xi32, #tpu.memory_space<vmem>> -> memref<1x100xi32, #tpu.memory_space<vmem>>
        %dma_start3A_498 = tpu.memref_squeeze %dma_start3A_497 : memref<1x100xi32, #tpu.memory_space<vmem>> -> memref<100xi32, #tpu.memory_space<vmem>>
        %dma_start3A_499 = arith.constant 0 : i32
        %dma_start3A_500 = arith.constant 0 : i32
        %dma_start3A_501 = tpu.memref_slice %arg13[%dma_start3A_499, %dma_start3A_500] : memref<10000x64xf32, #tpu.memory_space<vmem_shared>> -> memref<10000x64xf32, #tpu.memory_space<vmem_shared>>
        tpu.enqueue_indirect_dma source(%arg12 : memref<100x64xf32, #tpu.memory_space<vmem>>) target(%dma_start3A_501 : memref<10000x64xf32, #tpu.memory_space<vmem_shared>>) offsets(%dma_start3A_498 : memref<100xi32, #tpu.memory_space<vmem>>) semaphore(%run_scoped3A_495 : memref<!tpu.dma_semaphore, #tpu.memory_space<semaphore_mem>>) {add = true}
        %dma_wait3A_502 = arith.constant 0 : i32
        %dma_wait3A_503 = tpu.memref_slice %arg8[%run_scoped3A_440, %dma_wait3A_502] : memref<25x100xi32, #tpu.memory_space<vmem>> -> memref<1x100xi32, #tpu.memory_space<vmem>>
        %dma_wait3A_504 = tpu.memref_squeeze %dma_wait3A_503 : memref<1x100xi32, #tpu.memory_space<vmem>> -> memref<100xi32, #tpu.memory_space<vmem>>
        %dma_wait3A_505 = arith.constant 0 : i32
        %dma_wait3A_506 = arith.constant 0 : i32
        %dma_wait3A_507 = tpu.memref_slice %arg13[%dma_wait3A_505, %dma_wait3A_506] : memref<10000x64xf32, #tpu.memory_space<vmem_shared>> -> memref<10000x64xf32, #tpu.memory_space<vmem_shared>>
        tpu.wait_indirect_dma semaphore(%run_scoped3A_495 : memref<!tpu.dma_semaphore, #tpu.memory_space<semaphore_mem>>) src(%arg12 : memref<100x64xf32, #tpu.memory_space<vmem>>) dst(%dma_wait3A_507 : memref<10000x64xf32, #tpu.memory_space<vmem_shared>>)
        tpu.yield
      }) : () -> ()
      %dma_wait3A_441 = arith.constant 0 : i32
      %dma_wait3A_442 = arith.constant 0 : i32
      %dma_wait3A_443 = tpu.memref_slice %arg7[%dma_wait3A_441, %dma_wait3A_442] : memref<25x100xi32, #tpu.memory_space<vmem>> -> memref<1x100xi32, #tpu.memory_space<vmem>>
      %dma_wait3A_444 = tpu.memref_squeeze %dma_wait3A_443 : memref<1x100xi32, #tpu.memory_space<vmem>> -> memref<100xi32, #tpu.memory_space<vmem>>
      %dma_wait3A_445 = arith.constant 0 : i32
      %dma_wait3A_446 = arith.constant 0 : i32
      %dma_wait3A_447 = tpu.memref_slice %arg2[%dma_wait3A_445, %dma_wait3A_446] : memref<10000x64xf32, #tpu.memory_space<hbm>> -> memref<10000x64xf32, #tpu.memory_space<hbm>>
      tpu.wait_indirect_dma semaphore(%arg14 : memref<!tpu.dma_semaphore, #tpu.memory_space<semaphore_mem>>) src(%dma_wait3A_447 : memref<10000x64xf32, #tpu.memory_space<hbm>>) dst(%arg9 : memref<100x64xf32, #tpu.memory_space<vmem>>)
      %dma_start3A_448 = arith.constant 23 : i32
      %dma_start3A_449 = arith.constant 0 : i32
      %dma_start3A_450 = tpu.memref_slice %arg7[%dma_start3A_448, %dma_start3A_449] : memref<25x100xi32, #tpu.memory_space<vmem>> -> memref<1x100xi32, #tpu.memory_space<vmem>>
      %dma_start3A_451 = tpu.memref_squeeze %dma_start3A_450 : memref<1x100xi32, #tpu.memory_space<vmem>> -> memref<100xi32, #tpu.memory_space<vmem>>
      %dma_start3A_452 = arith.constant 0 : i32
      %dma_start3A_453 = arith.constant 0 : i32
      %dma_start3A_454 = tpu.memref_slice %arg2[%dma_start3A_452, %dma_start3A_453] : memref<10000x64xf32, #tpu.memory_space<hbm>> -> memref<10000x64xf32, #tpu.memory_space<hbm>>
      tpu.enqueue_indirect_dma source(%dma_start3A_454 : memref<10000x64xf32, #tpu.memory_space<hbm>>) target(%arg12 : memref<100x64xf32, #tpu.memory_space<vmem>>) offsets(%dma_start3A_451 : memref<100xi32, #tpu.memory_space<vmem>>) semaphore(%arg17 : memref<!tpu.dma_semaphore, #tpu.memory_space<semaphore_mem>>)
      %run_scoped3A_455 = arith.constant 20 : i32
      "tpu.region"() ({
        %run_scoped3A_495 = tpu.sem_alloc : memref<!tpu.dma_semaphore, #tpu.memory_space<semaphore_mem>>
        %dma_start3A_496 = arith.constant 0 : i32
        %dma_start3A_497 = tpu.memref_slice %arg8[%run_scoped3A_455, %dma_start3A_496] : memref<25x100xi32, #tpu.memory_space<vmem>> -> memref<1x100xi32, #tpu.memory_space<vmem>>
        %dma_start3A_498 = tpu.memref_squeeze %dma_start3A_497 : memref<1x100xi32, #tpu.memory_space<vmem>> -> memref<100xi32, #tpu.memory_space<vmem>>
        %dma_start3A_499 = arith.constant 0 : i32
        %dma_start3A_500 = arith.constant 0 : i32
        %dma_start3A_501 = tpu.memref_slice %arg13[%dma_start3A_499, %dma_start3A_500] : memref<10000x64xf32, #tpu.memory_space<vmem_shared>> -> memref<10000x64xf32, #tpu.memory_space<vmem_shared>>
        tpu.enqueue_indirect_dma source(%arg9 : memref<100x64xf32, #tpu.memory_space<vmem>>) target(%dma_start3A_501 : memref<10000x64xf32, #tpu.memory_space<vmem_shared>>) offsets(%dma_start3A_498 : memref<100xi32, #tpu.memory_space<vmem>>) semaphore(%run_scoped3A_495 : memref<!tpu.dma_semaphore, #tpu.memory_space<semaphore_mem>>) {add = true}
        %dma_wait3A_502 = arith.constant 0 : i32
        %dma_wait3A_503 = tpu.memref_slice %arg8[%run_scoped3A_455, %dma_wait3A_502] : memref<25x100xi32, #tpu.memory_space<vmem>> -> memref<1x100xi32, #tpu.memory_space<vmem>>
        %dma_wait3A_504 = tpu.memref_squeeze %dma_wait3A_503 : memref<1x100xi32, #tpu.memory_space<vmem>> -> memref<100xi32, #tpu.memory_space<vmem>>
        %dma_wait3A_505 = arith.constant 0 : i32
        %dma_wait3A_506 = arith.constant 0 : i32
        %dma_wait3A_507 = tpu.memref_slice %arg13[%dma_wait3A_505, %dma_wait3A_506] : memref<10000x64xf32, #tpu.memory_space<vmem_shared>> -> memref<10000x64xf32, #tpu.memory_space<vmem_shared>>
        tpu.wait_indirect_dma semaphore(%run_scoped3A_495 : memref<!tpu.dma_semaphore, #tpu.memory_space<semaphore_mem>>) src(%arg9 : memref<100x64xf32, #tpu.memory_space<vmem>>) dst(%dma_wait3A_507 : memref<10000x64xf32, #tpu.memory_space<vmem_shared>>)
        tpu.yield
      }) : () -> ()
      %dma_wait3A_456 = arith.constant 0 : i32
      %dma_wait3A_457 = arith.constant 0 : i32
      %dma_wait3A_458 = tpu.memref_slice %arg7[%dma_wait3A_456, %dma_wait3A_457] : memref<25x100xi32, #tpu.memory_space<vmem>> -> memref<1x100xi32, #tpu.memory_space<vmem>>
      %dma_wait3A_459 = tpu.memref_squeeze %dma_wait3A_458 : memref<1x100xi32, #tpu.memory_space<vmem>> -> memref<100xi32, #tpu.memory_space<vmem>>
      %dma_wait3A_460 = arith.constant 0 : i32
      %dma_wait3A_461 = arith.constant 0 : i32
      %dma_wait3A_462 = tpu.memref_slice %arg2[%dma_wait3A_460, %dma_wait3A_461] : memref<10000x64xf32, #tpu.memory_space<hbm>> -> memref<10000x64xf32, #tpu.memory_space<hbm>>
      tpu.wait_indirect_dma semaphore(%arg15 : memref<!tpu.dma_semaphore, #tpu.memory_space<semaphore_mem>>) src(%dma_wait3A_462 : memref<10000x64xf32, #tpu.memory_space<hbm>>) dst(%arg10 : memref<100x64xf32, #tpu.memory_space<vmem>>)
      %dma_start3A_463 = arith.constant 24 : i32
      %dma_start3A_464 = arith.constant 0 : i32
      %dma_start3A_465 = tpu.memref_slice %arg7[%dma_start3A_463, %dma_start3A_464] : memref<25x100xi32, #tpu.memory_space<vmem>> -> memref<1x100xi32, #tpu.memory_space<vmem>>
      %dma_start3A_466 = tpu.memref_squeeze %dma_start3A_465 : memref<1x100xi32, #tpu.memory_space<vmem>> -> memref<100xi32, #tpu.memory_space<vmem>>
      %dma_start3A_467 = arith.constant 0 : i32
      %dma_start3A_468 = arith.constant 0 : i32
      %dma_start3A_469 = tpu.memref_slice %arg2[%dma_start3A_467, %dma_start3A_468] : memref<10000x64xf32, #tpu.memory_space<hbm>> -> memref<10000x64xf32, #tpu.memory_space<hbm>>
      tpu.enqueue_indirect_dma source(%dma_start3A_469 : memref<10000x64xf32, #tpu.memory_space<hbm>>) target(%arg9 : memref<100x64xf32, #tpu.memory_space<vmem>>) offsets(%dma_start3A_466 : memref<100xi32, #tpu.memory_space<vmem>>) semaphore(%arg14 : memref<!tpu.dma_semaphore, #tpu.memory_space<semaphore_mem>>)
      %run_scoped3A_470 = arith.constant 21 : i32
      "tpu.region"() ({
        %run_scoped3A_495 = tpu.sem_alloc : memref<!tpu.dma_semaphore, #tpu.memory_space<semaphore_mem>>
        %dma_start3A_496 = arith.constant 0 : i32
        %dma_start3A_497 = tpu.memref_slice %arg8[%run_scoped3A_470, %dma_start3A_496] : memref<25x100xi32, #tpu.memory_space<vmem>> -> memref<1x100xi32, #tpu.memory_space<vmem>>
        %dma_start3A_498 = tpu.memref_squeeze %dma_start3A_497 : memref<1x100xi32, #tpu.memory_space<vmem>> -> memref<100xi32, #tpu.memory_space<vmem>>
        %dma_start3A_499 = arith.constant 0 : i32
        %dma_start3A_500 = arith.constant 0 : i32
        %dma_start3A_501 = tpu.memref_slice %arg13[%dma_start3A_499, %dma_start3A_500] : memref<10000x64xf32, #tpu.memory_space<vmem_shared>> -> memref<10000x64xf32, #tpu.memory_space<vmem_shared>>
        tpu.enqueue_indirect_dma source(%arg10 : memref<100x64xf32, #tpu.memory_space<vmem>>) target(%dma_start3A_501 : memref<10000x64xf32, #tpu.memory_space<vmem_shared>>) offsets(%dma_start3A_498 : memref<100xi32, #tpu.memory_space<vmem>>) semaphore(%run_scoped3A_495 : memref<!tpu.dma_semaphore, #tpu.memory_space<semaphore_mem>>) {add = true}
        %dma_wait3A_502 = arith.constant 0 : i32
        %dma_wait3A_503 = tpu.memref_slice %arg8[%run_scoped3A_470, %dma_wait3A_502] : memref<25x100xi32, #tpu.memory_space<vmem>> -> memref<1x100xi32, #tpu.memory_space<vmem>>
        %dma_wait3A_504 = tpu.memref_squeeze %dma_wait3A_503 : memref<1x100xi32, #tpu.memory_space<vmem>> -> memref<100xi32, #tpu.memory_space<vmem>>
        %dma_wait3A_505 = arith.constant 0 : i32
        %dma_wait3A_506 = arith.constant 0 : i32
        %dma_wait3A_507 = tpu.memref_slice %arg13[%dma_wait3A_505, %dma_wait3A_506] : memref<10000x64xf32, #tpu.memory_space<vmem_shared>> -> memref<10000x64xf32, #tpu.memory_space<vmem_shared>>
        tpu.wait_indirect_dma semaphore(%run_scoped3A_495 : memref<!tpu.dma_semaphore, #tpu.memory_space<semaphore_mem>>) src(%arg10 : memref<100x64xf32, #tpu.memory_space<vmem>>) dst(%dma_wait3A_507 : memref<10000x64xf32, #tpu.memory_space<vmem_shared>>)
        tpu.yield
      }) : () -> ()
      %dma_wait3A_471 = arith.constant 0 : i32
      %dma_wait3A_472 = arith.constant 0 : i32
      %dma_wait3A_473 = tpu.memref_slice %arg7[%dma_wait3A_471, %dma_wait3A_472] : memref<25x100xi32, #tpu.memory_space<vmem>> -> memref<1x100xi32, #tpu.memory_space<vmem>>
      %dma_wait3A_474 = tpu.memref_squeeze %dma_wait3A_473 : memref<1x100xi32, #tpu.memory_space<vmem>> -> memref<100xi32, #tpu.memory_space<vmem>>
      %dma_wait3A_475 = arith.constant 0 : i32
      %dma_wait3A_476 = arith.constant 0 : i32
      %dma_wait3A_477 = tpu.memref_slice %arg2[%dma_wait3A_475, %dma_wait3A_476] : memref<10000x64xf32, #tpu.memory_space<hbm>> -> memref<10000x64xf32, #tpu.memory_space<hbm>>
      tpu.wait_indirect_dma semaphore(%arg16 : memref<!tpu.dma_semaphore, #tpu.memory_space<semaphore_mem>>) src(%dma_wait3A_477 : memref<10000x64xf32, #tpu.memory_space<hbm>>) dst(%arg11 : memref<100x64xf32, #tpu.memory_space<vmem>>)
      %run_scoped3A_478 = arith.constant 22 : i32
      "tpu.region"() ({
        %run_scoped3A_495 = tpu.sem_alloc : memref<!tpu.dma_semaphore, #tpu.memory_space<semaphore_mem>>
        %dma_start3A_496 = arith.constant 0 : i32
        %dma_start3A_497 = tpu.memref_slice %arg8[%run_scoped3A_478, %dma_start3A_496] : memref<25x100xi32, #tpu.memory_space<vmem>> -> memref<1x100xi32, #tpu.memory_space<vmem>>
        %dma_start3A_498 = tpu.memref_squeeze %dma_start3A_497 : memref<1x100xi32, #tpu.memory_space<vmem>> -> memref<100xi32, #tpu.memory_space<vmem>>
        %dma_start3A_499 = arith.constant 0 : i32
        %dma_start3A_500 = arith.constant 0 : i32
        %dma_start3A_501 = tpu.memref_slice %arg13[%dma_start3A_499, %dma_start3A_500] : memref<10000x64xf32, #tpu.memory_space<vmem_shared>> -> memref<10000x64xf32, #tpu.memory_space<vmem_shared>>
        tpu.enqueue_indirect_dma source(%arg11 : memref<100x64xf32, #tpu.memory_space<vmem>>) target(%dma_start3A_501 : memref<10000x64xf32, #tpu.memory_space<vmem_shared>>) offsets(%dma_start3A_498 : memref<100xi32, #tpu.memory_space<vmem>>) semaphore(%run_scoped3A_495 : memref<!tpu.dma_semaphore, #tpu.memory_space<semaphore_mem>>) {add = true}
        %dma_wait3A_502 = arith.constant 0 : i32
        %dma_wait3A_503 = tpu.memref_slice %arg8[%run_scoped3A_478, %dma_wait3A_502] : memref<25x100xi32, #tpu.memory_space<vmem>> -> memref<1x100xi32, #tpu.memory_space<vmem>>
        %dma_wait3A_504 = tpu.memref_squeeze %dma_wait3A_503 : memref<1x100xi32, #tpu.memory_space<vmem>> -> memref<100xi32, #tpu.memory_space<vmem>>
        %dma_wait3A_505 = arith.constant 0 : i32
        %dma_wait3A_506 = arith.constant 0 : i32
        %dma_wait3A_507 = tpu.memref_slice %arg13[%dma_wait3A_505, %dma_wait3A_506] : memref<10000x64xf32, #tpu.memory_space<vmem_shared>> -> memref<10000x64xf32, #tpu.memory_space<vmem_shared>>
        tpu.wait_indirect_dma semaphore(%run_scoped3A_495 : memref<!tpu.dma_semaphore, #tpu.memory_space<semaphore_mem>>) src(%arg11 : memref<100x64xf32, #tpu.memory_space<vmem>>) dst(%dma_wait3A_507 : memref<10000x64xf32, #tpu.memory_space<vmem_shared>>)
        tpu.yield
      }) : () -> ()
      %dma_wait3A_479 = arith.constant 0 : i32
      %dma_wait3A_480 = arith.constant 0 : i32
      %dma_wait3A_481 = tpu.memref_slice %arg7[%dma_wait3A_479, %dma_wait3A_480] : memref<25x100xi32, #tpu.memory_space<vmem>> -> memref<1x100xi32, #tpu.memory_space<vmem>>
      %dma_wait3A_482 = tpu.memref_squeeze %dma_wait3A_481 : memref<1x100xi32, #tpu.memory_space<vmem>> -> memref<100xi32, #tpu.memory_space<vmem>>
      %dma_wait3A_483 = arith.constant 0 : i32
      %dma_wait3A_484 = arith.constant 0 : i32
      %dma_wait3A_485 = tpu.memref_slice %arg2[%dma_wait3A_483, %dma_wait3A_484] : memref<10000x64xf32, #tpu.memory_space<hbm>> -> memref<10000x64xf32, #tpu.memory_space<hbm>>
      tpu.wait_indirect_dma semaphore(%arg17 : memref<!tpu.dma_semaphore, #tpu.memory_space<semaphore_mem>>) src(%dma_wait3A_485 : memref<10000x64xf32, #tpu.memory_space<hbm>>) dst(%arg12 : memref<100x64xf32, #tpu.memory_space<vmem>>)
      %run_scoped3A_486 = arith.constant 23 : i32
      "tpu.region"() ({
        %run_scoped3A_495 = tpu.sem_alloc : memref<!tpu.dma_semaphore, #tpu.memory_space<semaphore_mem>>
        %dma_start3A_496 = arith.constant 0 : i32
        %dma_start3A_497 = tpu.memref_slice %arg8[%run_scoped3A_486, %dma_start3A_496] : memref<25x100xi32, #tpu.memory_space<vmem>> -> memref<1x100xi32, #tpu.memory_space<vmem>>
        %dma_start3A_498 = tpu.memref_squeeze %dma_start3A_497 : memref<1x100xi32, #tpu.memory_space<vmem>> -> memref<100xi32, #tpu.memory_space<vmem>>
        %dma_start3A_499 = arith.constant 0 : i32
        %dma_start3A_500 = arith.constant 0 : i32
        %dma_start3A_501 = tpu.memref_slice %arg13[%dma_start3A_499, %dma_start3A_500] : memref<10000x64xf32, #tpu.memory_space<vmem_shared>> -> memref<10000x64xf32, #tpu.memory_space<vmem_shared>>
        tpu.enqueue_indirect_dma source(%arg12 : memref<100x64xf32, #tpu.memory_space<vmem>>) target(%dma_start3A_501 : memref<10000x64xf32, #tpu.memory_space<vmem_shared>>) offsets(%dma_start3A_498 : memref<100xi32, #tpu.memory_space<vmem>>) semaphore(%run_scoped3A_495 : memref<!tpu.dma_semaphore, #tpu.memory_space<semaphore_mem>>) {add = true}
        %dma_wait3A_502 = arith.constant 0 : i32
        %dma_wait3A_503 = tpu.memref_slice %arg8[%run_scoped3A_486, %dma_wait3A_502] : memref<25x100xi32, #tpu.memory_space<vmem>> -> memref<1x100xi32, #tpu.memory_space<vmem>>
        %dma_wait3A_504 = tpu.memref_squeeze %dma_wait3A_503 : memref<1x100xi32, #tpu.memory_space<vmem>> -> memref<100xi32, #tpu.memory_space<vmem>>
        %dma_wait3A_505 = arith.constant 0 : i32
        %dma_wait3A_506 = arith.constant 0 : i32
        %dma_wait3A_507 = tpu.memref_slice %arg13[%dma_wait3A_505, %dma_wait3A_506] : memref<10000x64xf32, #tpu.memory_space<vmem_shared>> -> memref<10000x64xf32, #tpu.memory_space<vmem_shared>>
        tpu.wait_indirect_dma semaphore(%run_scoped3A_495 : memref<!tpu.dma_semaphore, #tpu.memory_space<semaphore_mem>>) src(%arg12 : memref<100x64xf32, #tpu.memory_space<vmem>>) dst(%dma_wait3A_507 : memref<10000x64xf32, #tpu.memory_space<vmem_shared>>)
        tpu.yield
      }) : () -> ()
      %dma_wait3A_487 = arith.constant 0 : i32
      %dma_wait3A_488 = arith.constant 0 : i32
      %dma_wait3A_489 = tpu.memref_slice %arg7[%dma_wait3A_487, %dma_wait3A_488] : memref<25x100xi32, #tpu.memory_space<vmem>> -> memref<1x100xi32, #tpu.memory_space<vmem>>
      %dma_wait3A_490 = tpu.memref_squeeze %dma_wait3A_489 : memref<1x100xi32, #tpu.memory_space<vmem>> -> memref<100xi32, #tpu.memory_space<vmem>>
      %dma_wait3A_491 = arith.constant 0 : i32
      %dma_wait3A_492 = arith.constant 0 : i32
      %dma_wait3A_493 = tpu.memref_slice %arg2[%dma_wait3A_491, %dma_wait3A_492] : memref<10000x64xf32, #tpu.memory_space<hbm>> -> memref<10000x64xf32, #tpu.memory_space<hbm>>
      tpu.wait_indirect_dma semaphore(%arg14 : memref<!tpu.dma_semaphore, #tpu.memory_space<semaphore_mem>>) src(%dma_wait3A_493 : memref<10000x64xf32, #tpu.memory_space<hbm>>) dst(%arg9 : memref<100x64xf32, #tpu.memory_space<vmem>>)
      %run_scoped3A_494 = arith.constant 24 : i32
      "tpu.region"() ({
        %run_scoped3A_495 = tpu.sem_alloc : memref<!tpu.dma_semaphore, #tpu.memory_space<semaphore_mem>>
        %dma_start3A_496 = arith.constant 0 : i32
        %dma_start3A_497 = tpu.memref_slice %arg8[%run_scoped3A_494, %dma_start3A_496] : memref<25x100xi32, #tpu.memory_space<vmem>> -> memref<1x100xi32, #tpu.memory_space<vmem>>
        %dma_start3A_498 = tpu.memref_squeeze %dma_start3A_497 : memref<1x100xi32, #tpu.memory_space<vmem>> -> memref<100xi32, #tpu.memory_space<vmem>>
        %dma_start3A_499 = arith.constant 0 : i32
        %dma_start3A_500 = arith.constant 0 : i32
        %dma_start3A_501 = tpu.memref_slice %arg13[%dma_start3A_499, %dma_start3A_500] : memref<10000x64xf32, #tpu.memory_space<vmem_shared>> -> memref<10000x64xf32, #tpu.memory_space<vmem_shared>>
        tpu.enqueue_indirect_dma source(%arg9 : memref<100x64xf32, #tpu.memory_space<vmem>>) target(%dma_start3A_501 : memref<10000x64xf32, #tpu.memory_space<vmem_shared>>) offsets(%dma_start3A_498 : memref<100xi32, #tpu.memory_space<vmem>>) semaphore(%run_scoped3A_495 : memref<!tpu.dma_semaphore, #tpu.memory_space<semaphore_mem>>) {add = true}
        %dma_wait3A_502 = arith.constant 0 : i32
        %dma_wait3A_503 = tpu.memref_slice %arg8[%run_scoped3A_494, %dma_wait3A_502] : memref<25x100xi32, #tpu.memory_space<vmem>> -> memref<1x100xi32, #tpu.memory_space<vmem>>
        %dma_wait3A_504 = tpu.memref_squeeze %dma_wait3A_503 : memref<1x100xi32, #tpu.memory_space<vmem>> -> memref<100xi32, #tpu.memory_space<vmem>>
        %dma_wait3A_505 = arith.constant 0 : i32
        %dma_wait3A_506 = arith.constant 0 : i32
        %dma_wait3A_507 = tpu.memref_slice %arg13[%dma_wait3A_505, %dma_wait3A_506] : memref<10000x64xf32, #tpu.memory_space<vmem_shared>> -> memref<10000x64xf32, #tpu.memory_space<vmem_shared>>
        tpu.wait_indirect_dma semaphore(%run_scoped3A_495 : memref<!tpu.dma_semaphore, #tpu.memory_space<semaphore_mem>>) src(%arg9 : memref<100x64xf32, #tpu.memory_space<vmem>>) dst(%dma_wait3A_507 : memref<10000x64xf32, #tpu.memory_space<vmem_shared>>)
        tpu.yield
      }) : () -> ()
    }
    %scan3A_59 = arith.constant 2 : i32
    %barrier3A_60 = arith.constant 0 : index
    tpu.barrier barrier_id(%barrier3A_60)
    %add3A_61 = arith.constant 0 : i32
    %add3A_62 = arith.addi %arg1, %add3A_61 : i32
    %lt3A_63 = arith.constant 125 : i32
    %lt3A_64 = arith.cmpi slt, %add3A_62, %lt3A_63 : i32
    %convert_element_type3A_65 = arith.extui %lt3A_64 : i1 to i32
    %cond3A_66 = arith.constant 0 : i32
    %cond3A_67 = arith.cmpi ne, %convert_element_type3A_65, %cond3A_66 : i32
    scf.if %cond3A_67 {
      %mul3A_117 = arith.constant 80 : i32
      %mul3A_118 = arith.muli %add3A_62, %mul3A_117 : i32
      "tpu.region"() ({
        %run_scoped3A_122 = tpu.sem_alloc : memref<!tpu.dma_semaphore, #tpu.memory_space<semaphore_mem>>
        %dma_start3A = arith.constant 0 : i32
        %dma_start3A_123 = arith.constant 0 : i32
        %dma_start3A_124 = tpu.memref_slice %arg9[%dma_start3A, %dma_start3A_123] : memref<100x64xf32, #tpu.memory_space<vmem>> -> memref<80x64xf32, #tpu.memory_space<vmem>>
        %dma_start3A_125 = arith.constant 0 : i32
        %dma_start3A_126 = tpu.memref_slice %arg13[%mul3A_118, %dma_start3A_125] : memref<10000x64xf32, #tpu.memory_space<vmem_shared>> -> memref<80x64xf32, #tpu.memory_space<vmem_shared>>
        %dma_start3A_127 = arith.constant 0 : i32
        %dma_start3A_128 = arith.constant 0 : i32
        %dma_start3A_129 = tpu.memref_slice %arg9[%dma_start3A_127, %dma_start3A_128] : memref<100x64xf32, #tpu.memory_space<vmem>> -> memref<80x64xf32, #tpu.memory_space<vmem>>
        %dma_start3A_130 = arith.constant 0 : i32
        %dma_start3A_131 = tpu.memref_slice %arg13[%mul3A_118, %dma_start3A_130] : memref<10000x64xf32, #tpu.memory_space<vmem_shared>> -> memref<80x64xf32, #tpu.memory_space<vmem_shared>>
        tpu.enqueue_dma source(%dma_start3A_131 : memref<80x64xf32, #tpu.memory_space<vmem_shared>>) target(%dma_start3A_129 : memref<80x64xf32, #tpu.memory_space<vmem>>) target_semaphore(%run_scoped3A_122 : memref<!tpu.dma_semaphore, #tpu.memory_space<semaphore_mem>>)
        %dma_wait3A = arith.constant 0 : i32
        %dma_wait3A_132 = arith.constant 0 : i32
        %dma_wait3A_133 = tpu.memref_slice %arg9[%dma_wait3A, %dma_wait3A_132] : memref<100x64xf32, #tpu.memory_space<vmem>> -> memref<80x64xf32, #tpu.memory_space<vmem>>
        %dma_wait3A_134 = arith.constant 0 : i32
        %dma_wait3A_135 = tpu.memref_slice %arg13[%mul3A_118, %dma_wait3A_134] : memref<10000x64xf32, #tpu.memory_space<vmem_shared>> -> memref<80x64xf32, #tpu.memory_space<vmem_shared>>
        %dma_wait3A_136 = arith.constant 0 : i32
        %dma_wait3A_137 = arith.constant 0 : i32
        %dma_wait3A_138 = tpu.memref_slice %arg9[%dma_wait3A_136, %dma_wait3A_137] : memref<100x64xf32, #tpu.memory_space<vmem>> -> memref<80x64xf32, #tpu.memory_space<vmem>>
        %dma_wait3A_139 = arith.constant 0 : i32
        %dma_wait3A_140 = tpu.memref_slice %arg13[%mul3A_118, %dma_wait3A_139] : memref<10000x64xf32, #tpu.memory_space<vmem_shared>> -> memref<80x64xf32, #tpu.memory_space<vmem_shared>>
        tpu.wait_dma2 semaphore(%run_scoped3A_122 : memref<!tpu.dma_semaphore, #tpu.memory_space<semaphore_mem>>) src(%dma_wait3A_140 : memref<80x64xf32, #tpu.memory_space<vmem_shared>>) dst(%dma_wait3A_138 : memref<80x64xf32, #tpu.memory_space<vmem>>)
        tpu.yield
      }) : () -> ()
      %mul3A_119 = arith.constant 10000 : i32
      %mul3A_120 = arith.muli %arg0, %mul3A_119 : i32
      %add3A_121 = arith.addi %mul3A_120, %mul3A_118 : i32
      "tpu.region"() ({
        %run_scoped3A_122 = tpu.sem_alloc : memref<!tpu.dma_semaphore, #tpu.memory_space<semaphore_mem>>
        %dma_start3A = arith.constant 0 : i32
        %dma_start3A_123 = arith.constant 0 : i32
        %dma_start3A_124 = tpu.memref_slice %arg9[%dma_start3A, %dma_start3A_123] : memref<100x64xf32, #tpu.memory_space<vmem>> -> memref<80x64xf32, #tpu.memory_space<vmem>>
        %dma_start3A_125 = arith.constant 0 : i32
        %dma_start3A_126 = tpu.memref_slice %arg6[%add3A_121, %dma_start3A_125] : memref<20000x64xf32, #tpu.memory_space<hbm>> -> memref<80x64xf32, #tpu.memory_space<hbm>>
        %dma_start3A_127 = arith.constant 0 : i32
        %dma_start3A_128 = tpu.memref_slice %arg6[%add3A_121, %dma_start3A_127] : memref<20000x64xf32, #tpu.memory_space<hbm>> -> memref<80x64xf32, #tpu.memory_space<hbm>>
        %dma_start3A_129 = arith.constant 0 : i32
        %dma_start3A_130 = arith.constant 0 : i32
        %dma_start3A_131 = tpu.memref_slice %arg9[%dma_start3A_129, %dma_start3A_130] : memref<100x64xf32, #tpu.memory_space<vmem>> -> memref<80x64xf32, #tpu.memory_space<vmem>>
        tpu.enqueue_dma source(%dma_start3A_131 : memref<80x64xf32, #tpu.memory_space<vmem>>) target(%dma_start3A_128 : memref<80x64xf32, #tpu.memory_space<hbm>>) target_semaphore(%run_scoped3A_122 : memref<!tpu.dma_semaphore, #tpu.memory_space<semaphore_mem>>)
        %dma_wait3A = arith.constant 0 : i32
        %dma_wait3A_132 = arith.constant 0 : i32
        %dma_wait3A_133 = tpu.memref_slice %arg9[%dma_wait3A, %dma_wait3A_132] : memref<100x64xf32, #tpu.memory_space<vmem>> -> memref<80x64xf32, #tpu.memory_space<vmem>>
        %dma_wait3A_134 = arith.constant 0 : i32
        %dma_wait3A_135 = tpu.memref_slice %arg6[%add3A_121, %dma_wait3A_134] : memref<20000x64xf32, #tpu.memory_space<hbm>> -> memref<80x64xf32, #tpu.memory_space<hbm>>
        %dma_wait3A_136 = arith.constant 0 : i32
        %dma_wait3A_137 = tpu.memref_slice %arg6[%add3A_121, %dma_wait3A_136] : memref<20000x64xf32, #tpu.memory_space<hbm>> -> memref<80x64xf32, #tpu.memory_space<hbm>>
        %dma_wait3A_138 = arith.constant 0 : i32
        %dma_wait3A_139 = arith.constant 0 : i32
        %dma_wait3A_140 = tpu.memref_slice %arg9[%dma_wait3A_138, %dma_wait3A_139] : memref<100x64xf32, #tpu.memory_space<vmem>> -> memref<80x64xf32, #tpu.memory_space<vmem>>
        tpu.wait_dma2 semaphore(%run_scoped3A_122 : memref<!tpu.dma_semaphore, #tpu.memory_space<semaphore_mem>>) src(%dma_wait3A_140 : memref<80x64xf32, #tpu.memory_space<vmem>>) dst(%dma_wait3A_137 : memref<80x64xf32, #tpu.memory_space<hbm>>)
        tpu.yield
      }) : () -> ()
    } else {
    }
    %add3A_68 = arith.constant 16 : i32
    %add3A_69 = arith.addi %arg1, %add3A_68 : i32
    %lt3A_70 = arith.constant 125 : i32
    %lt3A_71 = arith.cmpi slt, %add3A_69, %lt3A_70 : i32
    %convert_element_type3A_72 = arith.extui %lt3A_71 : i1 to i32
    %cond3A_73 = arith.constant 0 : i32
    %cond3A_74 = arith.cmpi ne, %convert_element_type3A_72, %cond3A_73 : i32
    scf.if %cond3A_74 {
      %mul3A_117 = arith.constant 80 : i32
      %mul3A_118 = arith.muli %add3A_69, %mul3A_117 : i32
      "tpu.region"() ({
        %run_scoped3A_122 = tpu.sem_alloc : memref<!tpu.dma_semaphore, #tpu.memory_space<semaphore_mem>>
        %dma_start3A = arith.constant 0 : i32
        %dma_start3A_123 = arith.constant 0 : i32
        %dma_start3A_124 = tpu.memref_slice %arg9[%dma_start3A, %dma_start3A_123] : memref<100x64xf32, #tpu.memory_space<vmem>> -> memref<80x64xf32, #tpu.memory_space<vmem>>
        %dma_start3A_125 = arith.constant 0 : i32
        %dma_start3A_126 = tpu.memref_slice %arg13[%mul3A_118, %dma_start3A_125] : memref<10000x64xf32, #tpu.memory_space<vmem_shared>> -> memref<80x64xf32, #tpu.memory_space<vmem_shared>>
        %dma_start3A_127 = arith.constant 0 : i32
        %dma_start3A_128 = arith.constant 0 : i32
        %dma_start3A_129 = tpu.memref_slice %arg9[%dma_start3A_127, %dma_start3A_128] : memref<100x64xf32, #tpu.memory_space<vmem>> -> memref<80x64xf32, #tpu.memory_space<vmem>>
        %dma_start3A_130 = arith.constant 0 : i32
        %dma_start3A_131 = tpu.memref_slice %arg13[%mul3A_118, %dma_start3A_130] : memref<10000x64xf32, #tpu.memory_space<vmem_shared>> -> memref<80x64xf32, #tpu.memory_space<vmem_shared>>
        tpu.enqueue_dma source(%dma_start3A_131 : memref<80x64xf32, #tpu.memory_space<vmem_shared>>) target(%dma_start3A_129 : memref<80x64xf32, #tpu.memory_space<vmem>>) target_semaphore(%run_scoped3A_122 : memref<!tpu.dma_semaphore, #tpu.memory_space<semaphore_mem>>)
        %dma_wait3A = arith.constant 0 : i32
        %dma_wait3A_132 = arith.constant 0 : i32
        %dma_wait3A_133 = tpu.memref_slice %arg9[%dma_wait3A, %dma_wait3A_132] : memref<100x64xf32, #tpu.memory_space<vmem>> -> memref<80x64xf32, #tpu.memory_space<vmem>>
        %dma_wait3A_134 = arith.constant 0 : i32
        %dma_wait3A_135 = tpu.memref_slice %arg13[%mul3A_118, %dma_wait3A_134] : memref<10000x64xf32, #tpu.memory_space<vmem_shared>> -> memref<80x64xf32, #tpu.memory_space<vmem_shared>>
        %dma_wait3A_136 = arith.constant 0 : i32
        %dma_wait3A_137 = arith.constant 0 : i32
        %dma_wait3A_138 = tpu.memref_slice %arg9[%dma_wait3A_136, %dma_wait3A_137] : memref<100x64xf32, #tpu.memory_space<vmem>> -> memref<80x64xf32, #tpu.memory_space<vmem>>
        %dma_wait3A_139 = arith.constant 0 : i32
        %dma_wait3A_140 = tpu.memref_slice %arg13[%mul3A_118, %dma_wait3A_139] : memref<10000x64xf32, #tpu.memory_space<vmem_shared>> -> memref<80x64xf32, #tpu.memory_space<vmem_shared>>
        tpu.wait_dma2 semaphore(%run_scoped3A_122 : memref<!tpu.dma_semaphore, #tpu.memory_space<semaphore_mem>>) src(%dma_wait3A_140 : memref<80x64xf32, #tpu.memory_space<vmem_shared>>) dst(%dma_wait3A_138 : memref<80x64xf32, #tpu.memory_space<vmem>>)
        tpu.yield
      }) : () -> ()
      %mul3A_119 = arith.constant 10000 : i32
      %mul3A_120 = arith.muli %arg0, %mul3A_119 : i32
      %add3A_121 = arith.addi %mul3A_120, %mul3A_118 : i32
      "tpu.region"() ({
        %run_scoped3A_122 = tpu.sem_alloc : memref<!tpu.dma_semaphore, #tpu.memory_space<semaphore_mem>>
        %dma_start3A = arith.constant 0 : i32
        %dma_start3A_123 = arith.constant 0 : i32
        %dma_start3A_124 = tpu.memref_slice %arg9[%dma_start3A, %dma_start3A_123] : memref<100x64xf32, #tpu.memory_space<vmem>> -> memref<80x64xf32, #tpu.memory_space<vmem>>
        %dma_start3A_125 = arith.constant 0 : i32
        %dma_start3A_126 = tpu.memref_slice %arg6[%add3A_121, %dma_start3A_125] : memref<20000x64xf32, #tpu.memory_space<hbm>> -> memref<80x64xf32, #tpu.memory_space<hbm>>
        %dma_start3A_127 = arith.constant 0 : i32
        %dma_start3A_128 = tpu.memref_slice %arg6[%add3A_121, %dma_start3A_127] : memref<20000x64xf32, #tpu.memory_space<hbm>> -> memref<80x64xf32, #tpu.memory_space<hbm>>
        %dma_start3A_129 = arith.constant 0 : i32
        %dma_start3A_130 = arith.constant 0 : i32
        %dma_start3A_131 = tpu.memref_slice %arg9[%dma_start3A_129, %dma_start3A_130] : memref<100x64xf32, #tpu.memory_space<vmem>> -> memref<80x64xf32, #tpu.memory_space<vmem>>
        tpu.enqueue_dma source(%dma_start3A_131 : memref<80x64xf32, #tpu.memory_space<vmem>>) target(%dma_start3A_128 : memref<80x64xf32, #tpu.memory_space<hbm>>) target_semaphore(%run_scoped3A_122 : memref<!tpu.dma_semaphore, #tpu.memory_space<semaphore_mem>>)
        %dma_wait3A = arith.constant 0 : i32
        %dma_wait3A_132 = arith.constant 0 : i32
        %dma_wait3A_133 = tpu.memref_slice %arg9[%dma_wait3A, %dma_wait3A_132] : memref<100x64xf32, #tpu.memory_space<vmem>> -> memref<80x64xf32, #tpu.memory_space<vmem>>
        %dma_wait3A_134 = arith.constant 0 : i32
        %dma_wait3A_135 = tpu.memref_slice %arg6[%add3A_121, %dma_wait3A_134] : memref<20000x64xf32, #tpu.memory_space<hbm>> -> memref<80x64xf32, #tpu.memory_space<hbm>>
        %dma_wait3A_136 = arith.constant 0 : i32
        %dma_wait3A_137 = tpu.memref_slice %arg6[%add3A_121, %dma_wait3A_136] : memref<20000x64xf32, #tpu.memory_space<hbm>> -> memref<80x64xf32, #tpu.memory_space<hbm>>
        %dma_wait3A_138 = arith.constant 0 : i32
        %dma_wait3A_139 = arith.constant 0 : i32
        %dma_wait3A_140 = tpu.memref_slice %arg9[%dma_wait3A_138, %dma_wait3A_139] : memref<100x64xf32, #tpu.memory_space<vmem>> -> memref<80x64xf32, #tpu.memory_space<vmem>>
        tpu.wait_dma2 semaphore(%run_scoped3A_122 : memref<!tpu.dma_semaphore, #tpu.memory_space<semaphore_mem>>) src(%dma_wait3A_140 : memref<80x64xf32, #tpu.memory_space<vmem>>) dst(%dma_wait3A_137 : memref<80x64xf32, #tpu.memory_space<hbm>>)
        tpu.yield
      }) : () -> ()
    } else {
    }
    %add3A_75 = arith.constant 32 : i32
    %add3A_76 = arith.addi %arg1, %add3A_75 : i32
    %lt3A_77 = arith.constant 125 : i32
    %lt3A_78 = arith.cmpi slt, %add3A_76, %lt3A_77 : i32
    %convert_element_type3A_79 = arith.extui %lt3A_78 : i1 to i32
    %cond3A_80 = arith.constant 0 : i32
    %cond3A_81 = arith.cmpi ne, %convert_element_type3A_79, %cond3A_80 : i32
    scf.if %cond3A_81 {
      %mul3A_117 = arith.constant 80 : i32
      %mul3A_118 = arith.muli %add3A_76, %mul3A_117 : i32
      "tpu.region"() ({
        %run_scoped3A_122 = tpu.sem_alloc : memref<!tpu.dma_semaphore, #tpu.memory_space<semaphore_mem>>
        %dma_start3A = arith.constant 0 : i32
        %dma_start3A_123 = arith.constant 0 : i32
        %dma_start3A_124 = tpu.memref_slice %arg9[%dma_start3A, %dma_start3A_123] : memref<100x64xf32, #tpu.memory_space<vmem>> -> memref<80x64xf32, #tpu.memory_space<vmem>>
        %dma_start3A_125 = arith.constant 0 : i32
        %dma_start3A_126 = tpu.memref_slice %arg13[%mul3A_118, %dma_start3A_125] : memref<10000x64xf32, #tpu.memory_space<vmem_shared>> -> memref<80x64xf32, #tpu.memory_space<vmem_shared>>
        %dma_start3A_127 = arith.constant 0 : i32
        %dma_start3A_128 = arith.constant 0 : i32
        %dma_start3A_129 = tpu.memref_slice %arg9[%dma_start3A_127, %dma_start3A_128] : memref<100x64xf32, #tpu.memory_space<vmem>> -> memref<80x64xf32, #tpu.memory_space<vmem>>
        %dma_start3A_130 = arith.constant 0 : i32
        %dma_start3A_131 = tpu.memref_slice %arg13[%mul3A_118, %dma_start3A_130] : memref<10000x64xf32, #tpu.memory_space<vmem_shared>> -> memref<80x64xf32, #tpu.memory_space<vmem_shared>>
        tpu.enqueue_dma source(%dma_start3A_131 : memref<80x64xf32, #tpu.memory_space<vmem_shared>>) target(%dma_start3A_129 : memref<80x64xf32, #tpu.memory_space<vmem>>) target_semaphore(%run_scoped3A_122 : memref<!tpu.dma_semaphore, #tpu.memory_space<semaphore_mem>>)
        %dma_wait3A = arith.constant 0 : i32
        %dma_wait3A_132 = arith.constant 0 : i32
        %dma_wait3A_133 = tpu.memref_slice %arg9[%dma_wait3A, %dma_wait3A_132] : memref<100x64xf32, #tpu.memory_space<vmem>> -> memref<80x64xf32, #tpu.memory_space<vmem>>
        %dma_wait3A_134 = arith.constant 0 : i32
        %dma_wait3A_135 = tpu.memref_slice %arg13[%mul3A_118, %dma_wait3A_134] : memref<10000x64xf32, #tpu.memory_space<vmem_shared>> -> memref<80x64xf32, #tpu.memory_space<vmem_shared>>
        %dma_wait3A_136 = arith.constant 0 : i32
        %dma_wait3A_137 = arith.constant 0 : i32
        %dma_wait3A_138 = tpu.memref_slice %arg9[%dma_wait3A_136, %dma_wait3A_137] : memref<100x64xf32, #tpu.memory_space<vmem>> -> memref<80x64xf32, #tpu.memory_space<vmem>>
        %dma_wait3A_139 = arith.constant 0 : i32
        %dma_wait3A_140 = tpu.memref_slice %arg13[%mul3A_118, %dma_wait3A_139] : memref<10000x64xf32, #tpu.memory_space<vmem_shared>> -> memref<80x64xf32, #tpu.memory_space<vmem_shared>>
        tpu.wait_dma2 semaphore(%run_scoped3A_122 : memref<!tpu.dma_semaphore, #tpu.memory_space<semaphore_mem>>) src(%dma_wait3A_140 : memref<80x64xf32, #tpu.memory_space<vmem_shared>>) dst(%dma_wait3A_138 : memref<80x64xf32, #tpu.memory_space<vmem>>)
        tpu.yield
      }) : () -> ()
      %mul3A_119 = arith.constant 10000 : i32
      %mul3A_120 = arith.muli %arg0, %mul3A_119 : i32
      %add3A_121 = arith.addi %mul3A_120, %mul3A_118 : i32
      "tpu.region"() ({
        %run_scoped3A_122 = tpu.sem_alloc : memref<!tpu.dma_semaphore, #tpu.memory_space<semaphore_mem>>
        %dma_start3A = arith.constant 0 : i32
        %dma_start3A_123 = arith.constant 0 : i32
        %dma_start3A_124 = tpu.memref_slice %arg9[%dma_start3A, %dma_start3A_123] : memref<100x64xf32, #tpu.memory_space<vmem>> -> memref<80x64xf32, #tpu.memory_space<vmem>>
        %dma_start3A_125 = arith.constant 0 : i32
        %dma_start3A_126 = tpu.memref_slice %arg6[%add3A_121, %dma_start3A_125] : memref<20000x64xf32, #tpu.memory_space<hbm>> -> memref<80x64xf32, #tpu.memory_space<hbm>>
        %dma_start3A_127 = arith.constant 0 : i32
        %dma_start3A_128 = tpu.memref_slice %arg6[%add3A_121, %dma_start3A_127] : memref<20000x64xf32, #tpu.memory_space<hbm>> -> memref<80x64xf32, #tpu.memory_space<hbm>>
        %dma_start3A_129 = arith.constant 0 : i32
        %dma_start3A_130 = arith.constant 0 : i32
        %dma_start3A_131 = tpu.memref_slice %arg9[%dma_start3A_129, %dma_start3A_130] : memref<100x64xf32, #tpu.memory_space<vmem>> -> memref<80x64xf32, #tpu.memory_space<vmem>>
        tpu.enqueue_dma source(%dma_start3A_131 : memref<80x64xf32, #tpu.memory_space<vmem>>) target(%dma_start3A_128 : memref<80x64xf32, #tpu.memory_space<hbm>>) target_semaphore(%run_scoped3A_122 : memref<!tpu.dma_semaphore, #tpu.memory_space<semaphore_mem>>)
        %dma_wait3A = arith.constant 0 : i32
        %dma_wait3A_132 = arith.constant 0 : i32
        %dma_wait3A_133 = tpu.memref_slice %arg9[%dma_wait3A, %dma_wait3A_132] : memref<100x64xf32, #tpu.memory_space<vmem>> -> memref<80x64xf32, #tpu.memory_space<vmem>>
        %dma_wait3A_134 = arith.constant 0 : i32
        %dma_wait3A_135 = tpu.memref_slice %arg6[%add3A_121, %dma_wait3A_134] : memref<20000x64xf32, #tpu.memory_space<hbm>> -> memref<80x64xf32, #tpu.memory_space<hbm>>
        %dma_wait3A_136 = arith.constant 0 : i32
        %dma_wait3A_137 = tpu.memref_slice %arg6[%add3A_121, %dma_wait3A_136] : memref<20000x64xf32, #tpu.memory_space<hbm>> -> memref<80x64xf32, #tpu.memory_space<hbm>>
        %dma_wait3A_138 = arith.constant 0 : i32
        %dma_wait3A_139 = arith.constant 0 : i32
        %dma_wait3A_140 = tpu.memref_slice %arg9[%dma_wait3A_138, %dma_wait3A_139] : memref<100x64xf32, #tpu.memory_space<vmem>> -> memref<80x64xf32, #tpu.memory_space<vmem>>
        tpu.wait_dma2 semaphore(%run_scoped3A_122 : memref<!tpu.dma_semaphore, #tpu.memory_space<semaphore_mem>>) src(%dma_wait3A_140 : memref<80x64xf32, #tpu.memory_space<vmem>>) dst(%dma_wait3A_137 : memref<80x64xf32, #tpu.memory_space<hbm>>)
        tpu.yield
      }) : () -> ()
    } else {
    }
    %add3A_82 = arith.constant 48 : i32
    %add3A_83 = arith.addi %arg1, %add3A_82 : i32
    %lt3A_84 = arith.constant 125 : i32
    %lt3A_85 = arith.cmpi slt, %add3A_83, %lt3A_84 : i32
    %convert_element_type3A_86 = arith.extui %lt3A_85 : i1 to i32
    %cond3A_87 = arith.constant 0 : i32
    %cond3A_88 = arith.cmpi ne, %convert_element_type3A_86, %cond3A_87 : i32
    scf.if %cond3A_88 {
      %mul3A_117 = arith.constant 80 : i32
      %mul3A_118 = arith.muli %add3A_83, %mul3A_117 : i32
      "tpu.region"() ({
        %run_scoped3A_122 = tpu.sem_alloc : memref<!tpu.dma_semaphore, #tpu.memory_space<semaphore_mem>>
        %dma_start3A = arith.constant 0 : i32
        %dma_start3A_123 = arith.constant 0 : i32
        %dma_start3A_124 = tpu.memref_slice %arg9[%dma_start3A, %dma_start3A_123] : memref<100x64xf32, #tpu.memory_space<vmem>> -> memref<80x64xf32, #tpu.memory_space<vmem>>
        %dma_start3A_125 = arith.constant 0 : i32
        %dma_start3A_126 = tpu.memref_slice %arg13[%mul3A_118, %dma_start3A_125] : memref<10000x64xf32, #tpu.memory_space<vmem_shared>> -> memref<80x64xf32, #tpu.memory_space<vmem_shared>>
        %dma_start3A_127 = arith.constant 0 : i32
        %dma_start3A_128 = arith.constant 0 : i32
        %dma_start3A_129 = tpu.memref_slice %arg9[%dma_start3A_127, %dma_start3A_128] : memref<100x64xf32, #tpu.memory_space<vmem>> -> memref<80x64xf32, #tpu.memory_space<vmem>>
        %dma_start3A_130 = arith.constant 0 : i32
        %dma_start3A_131 = tpu.memref_slice %arg13[%mul3A_118, %dma_start3A_130] : memref<10000x64xf32, #tpu.memory_space<vmem_shared>> -> memref<80x64xf32, #tpu.memory_space<vmem_shared>>
        tpu.enqueue_dma source(%dma_start3A_131 : memref<80x64xf32, #tpu.memory_space<vmem_shared>>) target(%dma_start3A_129 : memref<80x64xf32, #tpu.memory_space<vmem>>) target_semaphore(%run_scoped3A_122 : memref<!tpu.dma_semaphore, #tpu.memory_space<semaphore_mem>>)
        %dma_wait3A = arith.constant 0 : i32
        %dma_wait3A_132 = arith.constant 0 : i32
        %dma_wait3A_133 = tpu.memref_slice %arg9[%dma_wait3A, %dma_wait3A_132] : memref<100x64xf32, #tpu.memory_space<vmem>> -> memref<80x64xf32, #tpu.memory_space<vmem>>
        %dma_wait3A_134 = arith.constant 0 : i32
        %dma_wait3A_135 = tpu.memref_slice %arg13[%mul3A_118, %dma_wait3A_134] : memref<10000x64xf32, #tpu.memory_space<vmem_shared>> -> memref<80x64xf32, #tpu.memory_space<vmem_shared>>
        %dma_wait3A_136 = arith.constant 0 : i32
        %dma_wait3A_137 = arith.constant 0 : i32
        %dma_wait3A_138 = tpu.memref_slice %arg9[%dma_wait3A_136, %dma_wait3A_137] : memref<100x64xf32, #tpu.memory_space<vmem>> -> memref<80x64xf32, #tpu.memory_space<vmem>>
        %dma_wait3A_139 = arith.constant 0 : i32
        %dma_wait3A_140 = tpu.memref_slice %arg13[%mul3A_118, %dma_wait3A_139] : memref<10000x64xf32, #tpu.memory_space<vmem_shared>> -> memref<80x64xf32, #tpu.memory_space<vmem_shared>>
        tpu.wait_dma2 semaphore(%run_scoped3A_122 : memref<!tpu.dma_semaphore, #tpu.memory_space<semaphore_mem>>) src(%dma_wait3A_140 : memref<80x64xf32, #tpu.memory_space<vmem_shared>>) dst(%dma_wait3A_138 : memref<80x64xf32, #tpu.memory_space<vmem>>)
        tpu.yield
      }) : () -> ()
      %mul3A_119 = arith.constant 10000 : i32
      %mul3A_120 = arith.muli %arg0, %mul3A_119 : i32
      %add3A_121 = arith.addi %mul3A_120, %mul3A_118 : i32
      "tpu.region"() ({
        %run_scoped3A_122 = tpu.sem_alloc : memref<!tpu.dma_semaphore, #tpu.memory_space<semaphore_mem>>
        %dma_start3A = arith.constant 0 : i32
        %dma_start3A_123 = arith.constant 0 : i32
        %dma_start3A_124 = tpu.memref_slice %arg9[%dma_start3A, %dma_start3A_123] : memref<100x64xf32, #tpu.memory_space<vmem>> -> memref<80x64xf32, #tpu.memory_space<vmem>>
        %dma_start3A_125 = arith.constant 0 : i32
        %dma_start3A_126 = tpu.memref_slice %arg6[%add3A_121, %dma_start3A_125] : memref<20000x64xf32, #tpu.memory_space<hbm>> -> memref<80x64xf32, #tpu.memory_space<hbm>>
        %dma_start3A_127 = arith.constant 0 : i32
        %dma_start3A_128 = tpu.memref_slice %arg6[%add3A_121, %dma_start3A_127] : memref<20000x64xf32, #tpu.memory_space<hbm>> -> memref<80x64xf32, #tpu.memory_space<hbm>>
        %dma_start3A_129 = arith.constant 0 : i32
        %dma_start3A_130 = arith.constant 0 : i32
        %dma_start3A_131 = tpu.memref_slice %arg9[%dma_start3A_129, %dma_start3A_130] : memref<100x64xf32, #tpu.memory_space<vmem>> -> memref<80x64xf32, #tpu.memory_space<vmem>>
        tpu.enqueue_dma source(%dma_start3A_131 : memref<80x64xf32, #tpu.memory_space<vmem>>) target(%dma_start3A_128 : memref<80x64xf32, #tpu.memory_space<hbm>>) target_semaphore(%run_scoped3A_122 : memref<!tpu.dma_semaphore, #tpu.memory_space<semaphore_mem>>)
        %dma_wait3A = arith.constant 0 : i32
        %dma_wait3A_132 = arith.constant 0 : i32
        %dma_wait3A_133 = tpu.memref_slice %arg9[%dma_wait3A, %dma_wait3A_132] : memref<100x64xf32, #tpu.memory_space<vmem>> -> memref<80x64xf32, #tpu.memory_space<vmem>>
        %dma_wait3A_134 = arith.constant 0 : i32
        %dma_wait3A_135 = tpu.memref_slice %arg6[%add3A_121, %dma_wait3A_134] : memref<20000x64xf32, #tpu.memory_space<hbm>> -> memref<80x64xf32, #tpu.memory_space<hbm>>
        %dma_wait3A_136 = arith.constant 0 : i32
        %dma_wait3A_137 = tpu.memref_slice %arg6[%add3A_121, %dma_wait3A_136] : memref<20000x64xf32, #tpu.memory_space<hbm>> -> memref<80x64xf32, #tpu.memory_space<hbm>>
        %dma_wait3A_138 = arith.constant 0 : i32
        %dma_wait3A_139 = arith.constant 0 : i32
        %dma_wait3A_140 = tpu.memref_slice %arg9[%dma_wait3A_138, %dma_wait3A_139] : memref<100x64xf32, #tpu.memory_space<vmem>> -> memref<80x64xf32, #tpu.memory_space<vmem>>
        tpu.wait_dma2 semaphore(%run_scoped3A_122 : memref<!tpu.dma_semaphore, #tpu.memory_space<semaphore_mem>>) src(%dma_wait3A_140 : memref<80x64xf32, #tpu.memory_space<vmem>>) dst(%dma_wait3A_137 : memref<80x64xf32, #tpu.memory_space<hbm>>)
        tpu.yield
      }) : () -> ()
    } else {
    }
    %add3A_89 = arith.constant 64 : i32
    %add3A_90 = arith.addi %arg1, %add3A_89 : i32
    %lt3A_91 = arith.constant 125 : i32
    %lt3A_92 = arith.cmpi slt, %add3A_90, %lt3A_91 : i32
    %convert_element_type3A_93 = arith.extui %lt3A_92 : i1 to i32
    %cond3A_94 = arith.constant 0 : i32
    %cond3A_95 = arith.cmpi ne, %convert_element_type3A_93, %cond3A_94 : i32
    scf.if %cond3A_95 {
      %mul3A_117 = arith.constant 80 : i32
      %mul3A_118 = arith.muli %add3A_90, %mul3A_117 : i32
      "tpu.region"() ({
        %run_scoped3A_122 = tpu.sem_alloc : memref<!tpu.dma_semaphore, #tpu.memory_space<semaphore_mem>>
        %dma_start3A = arith.constant 0 : i32
        %dma_start3A_123 = arith.constant 0 : i32
        %dma_start3A_124 = tpu.memref_slice %arg9[%dma_start3A, %dma_start3A_123] : memref<100x64xf32, #tpu.memory_space<vmem>> -> memref<80x64xf32, #tpu.memory_space<vmem>>
        %dma_start3A_125 = arith.constant 0 : i32
        %dma_start3A_126 = tpu.memref_slice %arg13[%mul3A_118, %dma_start3A_125] : memref<10000x64xf32, #tpu.memory_space<vmem_shared>> -> memref<80x64xf32, #tpu.memory_space<vmem_shared>>
        %dma_start3A_127 = arith.constant 0 : i32
        %dma_start3A_128 = arith.constant 0 : i32
        %dma_start3A_129 = tpu.memref_slice %arg9[%dma_start3A_127, %dma_start3A_128] : memref<100x64xf32, #tpu.memory_space<vmem>> -> memref<80x64xf32, #tpu.memory_space<vmem>>
        %dma_start3A_130 = arith.constant 0 : i32
        %dma_start3A_131 = tpu.memref_slice %arg13[%mul3A_118, %dma_start3A_130] : memref<10000x64xf32, #tpu.memory_space<vmem_shared>> -> memref<80x64xf32, #tpu.memory_space<vmem_shared>>
        tpu.enqueue_dma source(%dma_start3A_131 : memref<80x64xf32, #tpu.memory_space<vmem_shared>>) target(%dma_start3A_129 : memref<80x64xf32, #tpu.memory_space<vmem>>) target_semaphore(%run_scoped3A_122 : memref<!tpu.dma_semaphore, #tpu.memory_space<semaphore_mem>>)
        %dma_wait3A = arith.constant 0 : i32
        %dma_wait3A_132 = arith.constant 0 : i32
        %dma_wait3A_133 = tpu.memref_slice %arg9[%dma_wait3A, %dma_wait3A_132] : memref<100x64xf32, #tpu.memory_space<vmem>> -> memref<80x64xf32, #tpu.memory_space<vmem>>
        %dma_wait3A_134 = arith.constant 0 : i32
        %dma_wait3A_135 = tpu.memref_slice %arg13[%mul3A_118, %dma_wait3A_134] : memref<10000x64xf32, #tpu.memory_space<vmem_shared>> -> memref<80x64xf32, #tpu.memory_space<vmem_shared>>
        %dma_wait3A_136 = arith.constant 0 : i32
        %dma_wait3A_137 = arith.constant 0 : i32
        %dma_wait3A_138 = tpu.memref_slice %arg9[%dma_wait3A_136, %dma_wait3A_137] : memref<100x64xf32, #tpu.memory_space<vmem>> -> memref<80x64xf32, #tpu.memory_space<vmem>>
        %dma_wait3A_139 = arith.constant 0 : i32
        %dma_wait3A_140 = tpu.memref_slice %arg13[%mul3A_118, %dma_wait3A_139] : memref<10000x64xf32, #tpu.memory_space<vmem_shared>> -> memref<80x64xf32, #tpu.memory_space<vmem_shared>>
        tpu.wait_dma2 semaphore(%run_scoped3A_122 : memref<!tpu.dma_semaphore, #tpu.memory_space<semaphore_mem>>) src(%dma_wait3A_140 : memref<80x64xf32, #tpu.memory_space<vmem_shared>>) dst(%dma_wait3A_138 : memref<80x64xf32, #tpu.memory_space<vmem>>)
        tpu.yield
      }) : () -> ()
      %mul3A_119 = arith.constant 10000 : i32
      %mul3A_120 = arith.muli %arg0, %mul3A_119 : i32
      %add3A_121 = arith.addi %mul3A_120, %mul3A_118 : i32
      "tpu.region"() ({
        %run_scoped3A_122 = tpu.sem_alloc : memref<!tpu.dma_semaphore, #tpu.memory_space<semaphore_mem>>
        %dma_start3A = arith.constant 0 : i32
        %dma_start3A_123 = arith.constant 0 : i32
        %dma_start3A_124 = tpu.memref_slice %arg9[%dma_start3A, %dma_start3A_123] : memref<100x64xf32, #tpu.memory_space<vmem>> -> memref<80x64xf32, #tpu.memory_space<vmem>>
        %dma_start3A_125 = arith.constant 0 : i32
        %dma_start3A_126 = tpu.memref_slice %arg6[%add3A_121, %dma_start3A_125] : memref<20000x64xf32, #tpu.memory_space<hbm>> -> memref<80x64xf32, #tpu.memory_space<hbm>>
        %dma_start3A_127 = arith.constant 0 : i32
        %dma_start3A_128 = tpu.memref_slice %arg6[%add3A_121, %dma_start3A_127] : memref<20000x64xf32, #tpu.memory_space<hbm>> -> memref<80x64xf32, #tpu.memory_space<hbm>>
        %dma_start3A_129 = arith.constant 0 : i32
        %dma_start3A_130 = arith.constant 0 : i32
        %dma_start3A_131 = tpu.memref_slice %arg9[%dma_start3A_129, %dma_start3A_130] : memref<100x64xf32, #tpu.memory_space<vmem>> -> memref<80x64xf32, #tpu.memory_space<vmem>>
        tpu.enqueue_dma source(%dma_start3A_131 : memref<80x64xf32, #tpu.memory_space<vmem>>) target(%dma_start3A_128 : memref<80x64xf32, #tpu.memory_space<hbm>>) target_semaphore(%run_scoped3A_122 : memref<!tpu.dma_semaphore, #tpu.memory_space<semaphore_mem>>)
        %dma_wait3A = arith.constant 0 : i32
        %dma_wait3A_132 = arith.constant 0 : i32
        %dma_wait3A_133 = tpu.memref_slice %arg9[%dma_wait3A, %dma_wait3A_132] : memref<100x64xf32, #tpu.memory_space<vmem>> -> memref<80x64xf32, #tpu.memory_space<vmem>>
        %dma_wait3A_134 = arith.constant 0 : i32
        %dma_wait3A_135 = tpu.memref_slice %arg6[%add3A_121, %dma_wait3A_134] : memref<20000x64xf32, #tpu.memory_space<hbm>> -> memref<80x64xf32, #tpu.memory_space<hbm>>
        %dma_wait3A_136 = arith.constant 0 : i32
        %dma_wait3A_137 = tpu.memref_slice %arg6[%add3A_121, %dma_wait3A_136] : memref<20000x64xf32, #tpu.memory_space<hbm>> -> memref<80x64xf32, #tpu.memory_space<hbm>>
        %dma_wait3A_138 = arith.constant 0 : i32
        %dma_wait3A_139 = arith.constant 0 : i32
        %dma_wait3A_140 = tpu.memref_slice %arg9[%dma_wait3A_138, %dma_wait3A_139] : memref<100x64xf32, #tpu.memory_space<vmem>> -> memref<80x64xf32, #tpu.memory_space<vmem>>
        tpu.wait_dma2 semaphore(%run_scoped3A_122 : memref<!tpu.dma_semaphore, #tpu.memory_space<semaphore_mem>>) src(%dma_wait3A_140 : memref<80x64xf32, #tpu.memory_space<vmem>>) dst(%dma_wait3A_137 : memref<80x64xf32, #tpu.memory_space<hbm>>)
        tpu.yield
      }) : () -> ()
    } else {
    }
    %add3A_96 = arith.constant 80 : i32
    %add3A_97 = arith.addi %arg1, %add3A_96 : i32
    %lt3A_98 = arith.constant 125 : i32
    %lt3A_99 = arith.cmpi slt, %add3A_97, %lt3A_98 : i32
    %convert_element_type3A_100 = arith.extui %lt3A_99 : i1 to i32
    %cond3A_101 = arith.constant 0 : i32
    %cond3A_102 = arith.cmpi ne, %convert_element_type3A_100, %cond3A_101 : i32
    scf.if %cond3A_102 {
      %mul3A_117 = arith.constant 80 : i32
      %mul3A_118 = arith.muli %add3A_97, %mul3A_117 : i32
      "tpu.region"() ({
        %run_scoped3A_122 = tpu.sem_alloc : memref<!tpu.dma_semaphore, #tpu.memory_space<semaphore_mem>>
        %dma_start3A = arith.constant 0 : i32
        %dma_start3A_123 = arith.constant 0 : i32
        %dma_start3A_124 = tpu.memref_slice %arg9[%dma_start3A, %dma_start3A_123] : memref<100x64xf32, #tpu.memory_space<vmem>> -> memref<80x64xf32, #tpu.memory_space<vmem>>
        %dma_start3A_125 = arith.constant 0 : i32
        %dma_start3A_126 = tpu.memref_slice %arg13[%mul3A_118, %dma_start3A_125] : memref<10000x64xf32, #tpu.memory_space<vmem_shared>> -> memref<80x64xf32, #tpu.memory_space<vmem_shared>>
        %dma_start3A_127 = arith.constant 0 : i32
        %dma_start3A_128 = arith.constant 0 : i32
        %dma_start3A_129 = tpu.memref_slice %arg9[%dma_start3A_127, %dma_start3A_128] : memref<100x64xf32, #tpu.memory_space<vmem>> -> memref<80x64xf32, #tpu.memory_space<vmem>>
        %dma_start3A_130 = arith.constant 0 : i32
        %dma_start3A_131 = tpu.memref_slice %arg13[%mul3A_118, %dma_start3A_130] : memref<10000x64xf32, #tpu.memory_space<vmem_shared>> -> memref<80x64xf32, #tpu.memory_space<vmem_shared>>
        tpu.enqueue_dma source(%dma_start3A_131 : memref<80x64xf32, #tpu.memory_space<vmem_shared>>) target(%dma_start3A_129 : memref<80x64xf32, #tpu.memory_space<vmem>>) target_semaphore(%run_scoped3A_122 : memref<!tpu.dma_semaphore, #tpu.memory_space<semaphore_mem>>)
        %dma_wait3A = arith.constant 0 : i32
        %dma_wait3A_132 = arith.constant 0 : i32
        %dma_wait3A_133 = tpu.memref_slice %arg9[%dma_wait3A, %dma_wait3A_132] : memref<100x64xf32, #tpu.memory_space<vmem>> -> memref<80x64xf32, #tpu.memory_space<vmem>>
        %dma_wait3A_134 = arith.constant 0 : i32
        %dma_wait3A_135 = tpu.memref_slice %arg13[%mul3A_118, %dma_wait3A_134] : memref<10000x64xf32, #tpu.memory_space<vmem_shared>> -> memref<80x64xf32, #tpu.memory_space<vmem_shared>>
        %dma_wait3A_136 = arith.constant 0 : i32
        %dma_wait3A_137 = arith.constant 0 : i32
        %dma_wait3A_138 = tpu.memref_slice %arg9[%dma_wait3A_136, %dma_wait3A_137] : memref<100x64xf32, #tpu.memory_space<vmem>> -> memref<80x64xf32, #tpu.memory_space<vmem>>
        %dma_wait3A_139 = arith.constant 0 : i32
        %dma_wait3A_140 = tpu.memref_slice %arg13[%mul3A_118, %dma_wait3A_139] : memref<10000x64xf32, #tpu.memory_space<vmem_shared>> -> memref<80x64xf32, #tpu.memory_space<vmem_shared>>
        tpu.wait_dma2 semaphore(%run_scoped3A_122 : memref<!tpu.dma_semaphore, #tpu.memory_space<semaphore_mem>>) src(%dma_wait3A_140 : memref<80x64xf32, #tpu.memory_space<vmem_shared>>) dst(%dma_wait3A_138 : memref<80x64xf32, #tpu.memory_space<vmem>>)
        tpu.yield
      }) : () -> ()
      %mul3A_119 = arith.constant 10000 : i32
      %mul3A_120 = arith.muli %arg0, %mul3A_119 : i32
      %add3A_121 = arith.addi %mul3A_120, %mul3A_118 : i32
      "tpu.region"() ({
        %run_scoped3A_122 = tpu.sem_alloc : memref<!tpu.dma_semaphore, #tpu.memory_space<semaphore_mem>>
        %dma_start3A = arith.constant 0 : i32
        %dma_start3A_123 = arith.constant 0 : i32
        %dma_start3A_124 = tpu.memref_slice %arg9[%dma_start3A, %dma_start3A_123] : memref<100x64xf32, #tpu.memory_space<vmem>> -> memref<80x64xf32, #tpu.memory_space<vmem>>
        %dma_start3A_125 = arith.constant 0 : i32
        %dma_start3A_126 = tpu.memref_slice %arg6[%add3A_121, %dma_start3A_125] : memref<20000x64xf32, #tpu.memory_space<hbm>> -> memref<80x64xf32, #tpu.memory_space<hbm>>
        %dma_start3A_127 = arith.constant 0 : i32
        %dma_start3A_128 = tpu.memref_slice %arg6[%add3A_121, %dma_start3A_127] : memref<20000x64xf32, #tpu.memory_space<hbm>> -> memref<80x64xf32, #tpu.memory_space<hbm>>
        %dma_start3A_129 = arith.constant 0 : i32
        %dma_start3A_130 = arith.constant 0 : i32
        %dma_start3A_131 = tpu.memref_slice %arg9[%dma_start3A_129, %dma_start3A_130] : memref<100x64xf32, #tpu.memory_space<vmem>> -> memref<80x64xf32, #tpu.memory_space<vmem>>
        tpu.enqueue_dma source(%dma_start3A_131 : memref<80x64xf32, #tpu.memory_space<vmem>>) target(%dma_start3A_128 : memref<80x64xf32, #tpu.memory_space<hbm>>) target_semaphore(%run_scoped3A_122 : memref<!tpu.dma_semaphore, #tpu.memory_space<semaphore_mem>>)
        %dma_wait3A = arith.constant 0 : i32
        %dma_wait3A_132 = arith.constant 0 : i32
        %dma_wait3A_133 = tpu.memref_slice %arg9[%dma_wait3A, %dma_wait3A_132] : memref<100x64xf32, #tpu.memory_space<vmem>> -> memref<80x64xf32, #tpu.memory_space<vmem>>
        %dma_wait3A_134 = arith.constant 0 : i32
        %dma_wait3A_135 = tpu.memref_slice %arg6[%add3A_121, %dma_wait3A_134] : memref<20000x64xf32, #tpu.memory_space<hbm>> -> memref<80x64xf32, #tpu.memory_space<hbm>>
        %dma_wait3A_136 = arith.constant 0 : i32
        %dma_wait3A_137 = tpu.memref_slice %arg6[%add3A_121, %dma_wait3A_136] : memref<20000x64xf32, #tpu.memory_space<hbm>> -> memref<80x64xf32, #tpu.memory_space<hbm>>
        %dma_wait3A_138 = arith.constant 0 : i32
        %dma_wait3A_139 = arith.constant 0 : i32
        %dma_wait3A_140 = tpu.memref_slice %arg9[%dma_wait3A_138, %dma_wait3A_139] : memref<100x64xf32, #tpu.memory_space<vmem>> -> memref<80x64xf32, #tpu.memory_space<vmem>>
        tpu.wait_dma2 semaphore(%run_scoped3A_122 : memref<!tpu.dma_semaphore, #tpu.memory_space<semaphore_mem>>) src(%dma_wait3A_140 : memref<80x64xf32, #tpu.memory_space<vmem>>) dst(%dma_wait3A_137 : memref<80x64xf32, #tpu.memory_space<hbm>>)
        tpu.yield
      }) : () -> ()
    } else {
    }
    %add3A_103 = arith.constant 96 : i32
    %add3A_104 = arith.addi %arg1, %add3A_103 : i32
    %lt3A_105 = arith.constant 125 : i32
    %lt3A_106 = arith.cmpi slt, %add3A_104, %lt3A_105 : i32
    %convert_element_type3A_107 = arith.extui %lt3A_106 : i1 to i32
    %cond3A_108 = arith.constant 0 : i32
    %cond3A_109 = arith.cmpi ne, %convert_element_type3A_107, %cond3A_108 : i32
    scf.if %cond3A_109 {
      %mul3A_117 = arith.constant 80 : i32
      %mul3A_118 = arith.muli %add3A_104, %mul3A_117 : i32
      "tpu.region"() ({
        %run_scoped3A_122 = tpu.sem_alloc : memref<!tpu.dma_semaphore, #tpu.memory_space<semaphore_mem>>
        %dma_start3A = arith.constant 0 : i32
        %dma_start3A_123 = arith.constant 0 : i32
        %dma_start3A_124 = tpu.memref_slice %arg9[%dma_start3A, %dma_start3A_123] : memref<100x64xf32, #tpu.memory_space<vmem>> -> memref<80x64xf32, #tpu.memory_space<vmem>>
        %dma_start3A_125 = arith.constant 0 : i32
        %dma_start3A_126 = tpu.memref_slice %arg13[%mul3A_118, %dma_start3A_125] : memref<10000x64xf32, #tpu.memory_space<vmem_shared>> -> memref<80x64xf32, #tpu.memory_space<vmem_shared>>
        %dma_start3A_127 = arith.constant 0 : i32
        %dma_start3A_128 = arith.constant 0 : i32
        %dma_start3A_129 = tpu.memref_slice %arg9[%dma_start3A_127, %dma_start3A_128] : memref<100x64xf32, #tpu.memory_space<vmem>> -> memref<80x64xf32, #tpu.memory_space<vmem>>
        %dma_start3A_130 = arith.constant 0 : i32
        %dma_start3A_131 = tpu.memref_slice %arg13[%mul3A_118, %dma_start3A_130] : memref<10000x64xf32, #tpu.memory_space<vmem_shared>> -> memref<80x64xf32, #tpu.memory_space<vmem_shared>>
        tpu.enqueue_dma source(%dma_start3A_131 : memref<80x64xf32, #tpu.memory_space<vmem_shared>>) target(%dma_start3A_129 : memref<80x64xf32, #tpu.memory_space<vmem>>) target_semaphore(%run_scoped3A_122 : memref<!tpu.dma_semaphore, #tpu.memory_space<semaphore_mem>>)
        %dma_wait3A = arith.constant 0 : i32
        %dma_wait3A_132 = arith.constant 0 : i32
        %dma_wait3A_133 = tpu.memref_slice %arg9[%dma_wait3A, %dma_wait3A_132] : memref<100x64xf32, #tpu.memory_space<vmem>> -> memref<80x64xf32, #tpu.memory_space<vmem>>
        %dma_wait3A_134 = arith.constant 0 : i32
        %dma_wait3A_135 = tpu.memref_slice %arg13[%mul3A_118, %dma_wait3A_134] : memref<10000x64xf32, #tpu.memory_space<vmem_shared>> -> memref<80x64xf32, #tpu.memory_space<vmem_shared>>
        %dma_wait3A_136 = arith.constant 0 : i32
        %dma_wait3A_137 = arith.constant 0 : i32
        %dma_wait3A_138 = tpu.memref_slice %arg9[%dma_wait3A_136, %dma_wait3A_137] : memref<100x64xf32, #tpu.memory_space<vmem>> -> memref<80x64xf32, #tpu.memory_space<vmem>>
        %dma_wait3A_139 = arith.constant 0 : i32
        %dma_wait3A_140 = tpu.memref_slice %arg13[%mul3A_118, %dma_wait3A_139] : memref<10000x64xf32, #tpu.memory_space<vmem_shared>> -> memref<80x64xf32, #tpu.memory_space<vmem_shared>>
        tpu.wait_dma2 semaphore(%run_scoped3A_122 : memref<!tpu.dma_semaphore, #tpu.memory_space<semaphore_mem>>) src(%dma_wait3A_140 : memref<80x64xf32, #tpu.memory_space<vmem_shared>>) dst(%dma_wait3A_138 : memref<80x64xf32, #tpu.memory_space<vmem>>)
        tpu.yield
      }) : () -> ()
      %mul3A_119 = arith.constant 10000 : i32
      %mul3A_120 = arith.muli %arg0, %mul3A_119 : i32
      %add3A_121 = arith.addi %mul3A_120, %mul3A_118 : i32
      "tpu.region"() ({
        %run_scoped3A_122 = tpu.sem_alloc : memref<!tpu.dma_semaphore, #tpu.memory_space<semaphore_mem>>
        %dma_start3A = arith.constant 0 : i32
        %dma_start3A_123 = arith.constant 0 : i32
        %dma_start3A_124 = tpu.memref_slice %arg9[%dma_start3A, %dma_start3A_123] : memref<100x64xf32, #tpu.memory_space<vmem>> -> memref<80x64xf32, #tpu.memory_space<vmem>>
        %dma_start3A_125 = arith.constant 0 : i32
        %dma_start3A_126 = tpu.memref_slice %arg6[%add3A_121, %dma_start3A_125] : memref<20000x64xf32, #tpu.memory_space<hbm>> -> memref<80x64xf32, #tpu.memory_space<hbm>>
        %dma_start3A_127 = arith.constant 0 : i32
        %dma_start3A_128 = tpu.memref_slice %arg6[%add3A_121, %dma_start3A_127] : memref<20000x64xf32, #tpu.memory_space<hbm>> -> memref<80x64xf32, #tpu.memory_space<hbm>>
        %dma_start3A_129 = arith.constant 0 : i32
        %dma_start3A_130 = arith.constant 0 : i32
        %dma_start3A_131 = tpu.memref_slice %arg9[%dma_start3A_129, %dma_start3A_130] : memref<100x64xf32, #tpu.memory_space<vmem>> -> memref<80x64xf32, #tpu.memory_space<vmem>>
        tpu.enqueue_dma source(%dma_start3A_131 : memref<80x64xf32, #tpu.memory_space<vmem>>) target(%dma_start3A_128 : memref<80x64xf32, #tpu.memory_space<hbm>>) target_semaphore(%run_scoped3A_122 : memref<!tpu.dma_semaphore, #tpu.memory_space<semaphore_mem>>)
        %dma_wait3A = arith.constant 0 : i32
        %dma_wait3A_132 = arith.constant 0 : i32
        %dma_wait3A_133 = tpu.memref_slice %arg9[%dma_wait3A, %dma_wait3A_132] : memref<100x64xf32, #tpu.memory_space<vmem>> -> memref<80x64xf32, #tpu.memory_space<vmem>>
        %dma_wait3A_134 = arith.constant 0 : i32
        %dma_wait3A_135 = tpu.memref_slice %arg6[%add3A_121, %dma_wait3A_134] : memref<20000x64xf32, #tpu.memory_space<hbm>> -> memref<80x64xf32, #tpu.memory_space<hbm>>
        %dma_wait3A_136 = arith.constant 0 : i32
        %dma_wait3A_137 = tpu.memref_slice %arg6[%add3A_121, %dma_wait3A_136] : memref<20000x64xf32, #tpu.memory_space<hbm>> -> memref<80x64xf32, #tpu.memory_space<hbm>>
        %dma_wait3A_138 = arith.constant 0 : i32
        %dma_wait3A_139 = arith.constant 0 : i32
        %dma_wait3A_140 = tpu.memref_slice %arg9[%dma_wait3A_138, %dma_wait3A_139] : memref<100x64xf32, #tpu.memory_space<vmem>> -> memref<80x64xf32, #tpu.memory_space<vmem>>
        tpu.wait_dma2 semaphore(%run_scoped3A_122 : memref<!tpu.dma_semaphore, #tpu.memory_space<semaphore_mem>>) src(%dma_wait3A_140 : memref<80x64xf32, #tpu.memory_space<vmem>>) dst(%dma_wait3A_137 : memref<80x64xf32, #tpu.memory_space<hbm>>)
        tpu.yield
      }) : () -> ()
    } else {
    }
    %add3A_110 = arith.constant 112 : i32
    %add3A_111 = arith.addi %arg1, %add3A_110 : i32
    %lt3A_112 = arith.constant 125 : i32
    %lt3A_113 = arith.cmpi slt, %add3A_111, %lt3A_112 : i32
    %convert_element_type3A_114 = arith.extui %lt3A_113 : i1 to i32
    %cond3A_115 = arith.constant 0 : i32
    %cond3A_116 = arith.cmpi ne, %convert_element_type3A_114, %cond3A_115 : i32
    scf.if %cond3A_116 {
      %mul3A_117 = arith.constant 80 : i32
      %mul3A_118 = arith.muli %add3A_111, %mul3A_117 : i32
      "tpu.region"() ({
        %run_scoped3A_122 = tpu.sem_alloc : memref<!tpu.dma_semaphore, #tpu.memory_space<semaphore_mem>>
        %dma_start3A = arith.constant 0 : i32
        %dma_start3A_123 = arith.constant 0 : i32
        %dma_start3A_124 = tpu.memref_slice %arg9[%dma_start3A, %dma_start3A_123] : memref<100x64xf32, #tpu.memory_space<vmem>> -> memref<80x64xf32, #tpu.memory_space<vmem>>
        %dma_start3A_125 = arith.constant 0 : i32
        %dma_start3A_126 = tpu.memref_slice %arg13[%mul3A_118, %dma_start3A_125] : memref<10000x64xf32, #tpu.memory_space<vmem_shared>> -> memref<80x64xf32, #tpu.memory_space<vmem_shared>>
        %dma_start3A_127 = arith.constant 0 : i32
        %dma_start3A_128 = arith.constant 0 : i32
        %dma_start3A_129 = tpu.memref_slice %arg9[%dma_start3A_127, %dma_start3A_128] : memref<100x64xf32, #tpu.memory_space<vmem>> -> memref<80x64xf32, #tpu.memory_space<vmem>>
        %dma_start3A_130 = arith.constant 0 : i32
        %dma_start3A_131 = tpu.memref_slice %arg13[%mul3A_118, %dma_start3A_130] : memref<10000x64xf32, #tpu.memory_space<vmem_shared>> -> memref<80x64xf32, #tpu.memory_space<vmem_shared>>
        tpu.enqueue_dma source(%dma_start3A_131 : memref<80x64xf32, #tpu.memory_space<vmem_shared>>) target(%dma_start3A_129 : memref<80x64xf32, #tpu.memory_space<vmem>>) target_semaphore(%run_scoped3A_122 : memref<!tpu.dma_semaphore, #tpu.memory_space<semaphore_mem>>)
        %dma_wait3A = arith.constant 0 : i32
        %dma_wait3A_132 = arith.constant 0 : i32
        %dma_wait3A_133 = tpu.memref_slice %arg9[%dma_wait3A, %dma_wait3A_132] : memref<100x64xf32, #tpu.memory_space<vmem>> -> memref<80x64xf32, #tpu.memory_space<vmem>>
        %dma_wait3A_134 = arith.constant 0 : i32
        %dma_wait3A_135 = tpu.memref_slice %arg13[%mul3A_118, %dma_wait3A_134] : memref<10000x64xf32, #tpu.memory_space<vmem_shared>> -> memref<80x64xf32, #tpu.memory_space<vmem_shared>>
        %dma_wait3A_136 = arith.constant 0 : i32
        %dma_wait3A_137 = arith.constant 0 : i32
        %dma_wait3A_138 = tpu.memref_slice %arg9[%dma_wait3A_136, %dma_wait3A_137] : memref<100x64xf32, #tpu.memory_space<vmem>> -> memref<80x64xf32, #tpu.memory_space<vmem>>
        %dma_wait3A_139 = arith.constant 0 : i32
        %dma_wait3A_140 = tpu.memref_slice %arg13[%mul3A_118, %dma_wait3A_139] : memref<10000x64xf32, #tpu.memory_space<vmem_shared>> -> memref<80x64xf32, #tpu.memory_space<vmem_shared>>
        tpu.wait_dma2 semaphore(%run_scoped3A_122 : memref<!tpu.dma_semaphore, #tpu.memory_space<semaphore_mem>>) src(%dma_wait3A_140 : memref<80x64xf32, #tpu.memory_space<vmem_shared>>) dst(%dma_wait3A_138 : memref<80x64xf32, #tpu.memory_space<vmem>>)
        tpu.yield
      }) : () -> ()
      %mul3A_119 = arith.constant 10000 : i32
      %mul3A_120 = arith.muli %arg0, %mul3A_119 : i32
      %add3A_121 = arith.addi %mul3A_120, %mul3A_118 : i32
      "tpu.region"() ({
        %run_scoped3A_122 = tpu.sem_alloc : memref<!tpu.dma_semaphore, #tpu.memory_space<semaphore_mem>>
        %dma_start3A = arith.constant 0 : i32
        %dma_start3A_123 = arith.constant 0 : i32
        %dma_start3A_124 = tpu.memref_slice %arg9[%dma_start3A, %dma_start3A_123] : memref<100x64xf32, #tpu.memory_space<vmem>> -> memref<80x64xf32, #tpu.memory_space<vmem>>
        %dma_start3A_125 = arith.constant 0 : i32
        %dma_start3A_126 = tpu.memref_slice %arg6[%add3A_121, %dma_start3A_125] : memref<20000x64xf32, #tpu.memory_space<hbm>> -> memref<80x64xf32, #tpu.memory_space<hbm>>
        %dma_start3A_127 = arith.constant 0 : i32
        %dma_start3A_128 = tpu.memref_slice %arg6[%add3A_121, %dma_start3A_127] : memref<20000x64xf32, #tpu.memory_space<hbm>> -> memref<80x64xf32, #tpu.memory_space<hbm>>
        %dma_start3A_129 = arith.constant 0 : i32
        %dma_start3A_130 = arith.constant 0 : i32
        %dma_start3A_131 = tpu.memref_slice %arg9[%dma_start3A_129, %dma_start3A_130] : memref<100x64xf32, #tpu.memory_space<vmem>> -> memref<80x64xf32, #tpu.memory_space<vmem>>
        tpu.enqueue_dma source(%dma_start3A_131 : memref<80x64xf32, #tpu.memory_space<vmem>>) target(%dma_start3A_128 : memref<80x64xf32, #tpu.memory_space<hbm>>) target_semaphore(%run_scoped3A_122 : memref<!tpu.dma_semaphore, #tpu.memory_space<semaphore_mem>>)
        %dma_wait3A = arith.constant 0 : i32
        %dma_wait3A_132 = arith.constant 0 : i32
        %dma_wait3A_133 = tpu.memref_slice %arg9[%dma_wait3A, %dma_wait3A_132] : memref<100x64xf32, #tpu.memory_space<vmem>> -> memref<80x64xf32, #tpu.memory_space<vmem>>
        %dma_wait3A_134 = arith.constant 0 : i32
        %dma_wait3A_135 = tpu.memref_slice %arg6[%add3A_121, %dma_wait3A_134] : memref<20000x64xf32, #tpu.memory_space<hbm>> -> memref<80x64xf32, #tpu.memory_space<hbm>>
        %dma_wait3A_136 = arith.constant 0 : i32
        %dma_wait3A_137 = tpu.memref_slice %arg6[%add3A_121, %dma_wait3A_136] : memref<20000x64xf32, #tpu.memory_space<hbm>> -> memref<80x64xf32, #tpu.memory_space<hbm>>
        %dma_wait3A_138 = arith.constant 0 : i32
        %dma_wait3A_139 = arith.constant 0 : i32
        %dma_wait3A_140 = tpu.memref_slice %arg9[%dma_wait3A_138, %dma_wait3A_139] : memref<100x64xf32, #tpu.memory_space<vmem>> -> memref<80x64xf32, #tpu.memory_space<vmem>>
        tpu.wait_dma2 semaphore(%run_scoped3A_122 : memref<!tpu.dma_semaphore, #tpu.memory_space<semaphore_mem>>) src(%dma_wait3A_140 : memref<80x64xf32, #tpu.memory_space<vmem>>) dst(%dma_wait3A_137 : memref<80x64xf32, #tpu.memory_space<hbm>>)
        tpu.yield
      }) : () -> ()
    } else {
    }
    return
  }
}

module attributes {stable_mosaic.version = 14 : i64} {
  func.func @_mm1_body(%arg0: i32, %arg1: i32, %arg2: memref<1000x256xf32, #tpu.memory_space<vmem>>, %arg3: memref<256x128xf32, #tpu.memory_space<vmem>>, %arg4: memref<1000x128xf32, #tpu.memory_space<vmem>>) attributes {dimension_semantics = [#tpu.dimension_semantics<arbitrary>, #tpu.dimension_semantics<arbitrary>], iteration_bounds = array<i64: 2, 10>, scalar_prefetch = 0 : i64, scratch_operands = 0 : i64, tpu.core_type = #tpu.core_type<tc>, window_params = [{transform_indices = @transform_0, window_bounds = array<i64: 1000, 256>}, {transform_indices = @transform_1, window_bounds = array<i64: 256, 128>}, {transform_indices = @transform_2, window_bounds = array<i64: 1000, 128>}]} {
    %get3A = arith.constant 0 : index
    %get3A_0 = arith.constant 0 : index
    %get3A_1 = vector.load %arg2[%get3A, %get3A_0] : memref<1000x256xf32, #tpu.memory_space<vmem>>, vector<1000x256xf32>
    %get3A_2 = arith.constant 0 : index
    %get3A_3 = arith.constant 0 : index
    %get3A_4 = vector.load %arg3[%get3A_2, %get3A_3] : memref<256x128xf32, #tpu.memory_space<vmem>>, vector<256x128xf32>
    %dot_general3A = arith.constant dense<0.000000e+00> : vector<1000x128xf32>
    %dot_general3A_5 = tpu.matmul %get3A_1, %get3A_4, %dot_general3A {dimension_numbers = #tpu.dot_dimension_numbers<[1], [0], [0], [1], [0, 0, 1, 1], [], []>, transpose_lhs_hint = false} : vector<1000x256xf32>, vector<256x128xf32>, vector<1000x128xf32> -> vector<1000x128xf32>
    %swap3A = arith.constant 0 : index
    %swap3A_6 = arith.constant 0 : index
    %swap3A_7 = vector.load %arg4[%swap3A, %swap3A_6] : memref<1000x128xf32, #tpu.memory_space<vmem>>, vector<1000x128xf32>
    tpu.vector_store %arg4[%swap3A, %swap3A_6], %dot_general3A_5 {strides = array<i32>} : memref<1000x128xf32, #tpu.memory_space<vmem>>, vector<1000x128xf32>,
    return
  }
  func.func @transform_0(%arg0: i32, %arg1: i32) -> (i32, i32) {
    %c0_i32 = arith.constant 0 : i32
    %c0_i32_0 = arith.constant 0 : i32
    return %arg1, %c0_i32 : i32, i32
  }
  func.func @transform_1(%arg0: i32, %arg1: i32) -> (i32, i32) {
    %c0_i32 = arith.constant 0 : i32
    %c0_i32_0 = arith.constant 0 : i32
    return %c0_i32, %arg0 : i32, i32
  }
  func.func @transform_2(%arg0: i32, %arg1: i32) -> (i32, i32) {
    %mul3A = arith.constant 10 : i32
    %mul3A_0 = arith.muli %arg0, %mul3A : i32
    %add3A = arith.addi %mul3A_0, %arg1 : i32
    %c0_i32 = arith.constant 0 : i32
    %c0_i32_1 = arith.constant 0 : i32
    return %add3A, %c0_i32 : i32, i32
  }
}

module attributes {stable_mosaic.version = 14 : i64} {
  func.func @_mm2_body(%arg0: i32, %arg1: memref<1000x128xf32, #tpu.memory_space<vmem>>, %arg2: memref<1000x128xf32, #tpu.memory_space<vmem>>, %arg3: memref<8x128xf32, #tpu.memory_space<vmem>>, %arg4: memref<8x128xf32, #tpu.memory_space<vmem>>, %arg5: memref<256x64xf32, #tpu.memory_space<vmem>>, %arg6: memref<1000x64xf32, #tpu.memory_space<vmem>>) attributes {dimension_semantics = [#tpu.dimension_semantics<arbitrary>], iteration_bounds = array<i64: 10>, scalar_prefetch = 0 : i64, scratch_operands = 0 : i64, tpu.core_type = #tpu.core_type<tc>, window_params = [{transform_indices = @transform_0, window_bounds = array<i64: 1000, 128>}, {transform_indices = @transform_1, window_bounds = array<i64: 1000, 128>}, {pipeline_mode = #tpu.pipeline_mode<synchronous>, transform_indices = @transform_2, window_bounds = array<i64: 8, 128>}, {pipeline_mode = #tpu.pipeline_mode<synchronous>, transform_indices = @transform_3, window_bounds = array<i64: 8, 128>}, {pipeline_mode = #tpu.pipeline_mode<synchronous>, transform_indices = @transform_4, window_bounds = array<i64: 256, 64>}, {transform_indices = @transform_5, window_bounds = array<i64: 1000, 64>}]} {
    %get3A = arith.constant 0 : index
    %get3A_0 = arith.constant 0 : index
    %get3A_1 = vector.load %arg1[%get3A, %get3A_0] : memref<1000x128xf32, #tpu.memory_space<vmem>>, vector<1000x128xf32>
    %get3A_2 = arith.constant 0 : index
    %get3A_3 = arith.constant 0 : index
    %get3A_4 = vector.load %arg3[%get3A_2, %get3A_3] : memref<8x128xf32, #tpu.memory_space<vmem>>, vector<1x128xf32>
    %add3A = vector.broadcast %get3A_4 : vector<1x128xf32> to vector<1000x128xf32>
    %add3A_5 = arith.addf %get3A_1, %add3A : vector<1000x128xf32>
    %max3A = arith.constant 0.000000e+00 : f32
    %max3A_6 = vector.broadcast %max3A : f32 to vector<1000x128xf32>
    %max3A_7 = arith.maximumf %add3A_5, %max3A_6 : vector<1000x128xf32>
    %get3A_8 = arith.constant 0 : index
    %get3A_9 = arith.constant 0 : index
    %get3A_10 = vector.load %arg2[%get3A_8, %get3A_9] : memref<1000x128xf32, #tpu.memory_space<vmem>>, vector<1000x128xf32>
    %get3A_11 = arith.constant 0 : index
    %get3A_12 = arith.constant 0 : index
    %get3A_13 = vector.load %arg4[%get3A_11, %get3A_12] : memref<8x128xf32, #tpu.memory_space<vmem>>, vector<1x128xf32>
    %add3A_14 = vector.broadcast %get3A_13 : vector<1x128xf32> to vector<1000x128xf32>
    %add3A_15 = arith.addf %get3A_10, %add3A_14 : vector<1000x128xf32>
    %max3A_16 = arith.constant 0.000000e+00 : f32
    %max3A_17 = vector.broadcast %max3A_16 : f32 to vector<1000x128xf32>
    %max3A_18 = arith.maximumf %add3A_15, %max3A_17 : vector<1000x128xf32>
    %get3A_19 = arith.constant 0 : index
    %get3A_20 = arith.constant 0 : index
    %get3A_21 = vector.load %arg5[%get3A_19, %get3A_20] : memref<256x64xf32, #tpu.memory_space<vmem>>, vector<128x64xf32>
    %dot_general3A = arith.constant dense<0.000000e+00> : vector<1000x64xf32>
    %dot_general3A_22 = tpu.matmul %max3A_7, %get3A_21, %dot_general3A {dimension_numbers = #tpu.dot_dimension_numbers<[1], [0], [0], [1], [0, 0, 1, 1], [], []>, transpose_lhs_hint = false} : vector<1000x128xf32>, vector<128x64xf32>, vector<1000x64xf32> -> vector<1000x64xf32>
    %get3A_23 = arith.constant 128 : index
    %get3A_24 = arith.constant 0 : index
    %get3A_25 = vector.load %arg5[%get3A_23, %get3A_24] : memref<256x64xf32, #tpu.memory_space<vmem>>, vector<128x64xf32>
    %dot_general3A_26 = arith.constant dense<0.000000e+00> : vector<1000x64xf32>
    %dot_general3A_27 = tpu.matmul %max3A_18, %get3A_25, %dot_general3A_26 {dimension_numbers = #tpu.dot_dimension_numbers<[1], [0], [0], [1], [0, 0, 1, 1], [], []>, transpose_lhs_hint = false} : vector<1000x128xf32>, vector<128x64xf32>, vector<1000x64xf32> -> vector<1000x64xf32>
    %add3A_28 = arith.addf %dot_general3A_22, %dot_general3A_27 : vector<1000x64xf32>
    %swap3A = arith.constant 0 : index
    %swap3A_29 = arith.constant 0 : index
    %swap3A_30 = vector.load %arg6[%swap3A, %swap3A_29] : memref<1000x64xf32, #tpu.memory_space<vmem>>, vector<1000x64xf32>
    tpu.vector_store %arg6[%swap3A, %swap3A_29], %add3A_28 {strides = array<i32>} : memref<1000x64xf32, #tpu.memory_space<vmem>>, vector<1000x64xf32>,
    return
  }
  func.func @transform_0(%arg0: i32) -> (i32, i32) {
    %c0_i32 = arith.constant 0 : i32
    %c0_i32_0 = arith.constant 0 : i32
    return %arg0, %c0_i32 : i32, i32
  }
  func.func @transform_1(%arg0: i32) -> (i32, i32) {
    %add3A = arith.constant 10 : i32
    %add3A_0 = arith.addi %add3A, %arg0 : i32
    %c0_i32 = arith.constant 0 : i32
    %c0_i32_1 = arith.constant 0 : i32
    return %add3A_0, %c0_i32 : i32, i32
  }
  func.func @transform_2(%arg0: i32) -> (i32, i32) {
    %c0_i32 = arith.constant 0 : i32
    %c0_i32_0 = arith.constant 0 : i32
    %c0_i32_1 = arith.constant 0 : i32
    return %c0_i32, %c0_i32_0 : i32, i32
  }
  func.func @transform_3(%arg0: i32) -> (i32, i32) {
    %c0_i32 = arith.constant 0 : i32
    %c0_i32_0 = arith.constant 0 : i32
    %c0_i32_1 = arith.constant 0 : i32
    return %c0_i32, %c0_i32_0 : i32, i32
  }
  func.func @transform_4(%arg0: i32) -> (i32, i32) {
    %c0_i32 = arith.constant 0 : i32
    %c0_i32_0 = arith.constant 0 : i32
    %c0_i32_1 = arith.constant 0 : i32
    return %c0_i32, %c0_i32_0 : i32, i32
  }
  func.func @transform_5(%arg0: i32) -> (i32, i32) {
    %c0_i32 = arith.constant 0 : i32
    %c0_i32_0 = arith.constant 0 : i32
    return %arg0, %c0_i32 : i32, i32
  }
}

module attributes {stable_mosaic.version = 14 : i64} {
  func.func @_comb_body(%arg0: i32, %arg1: memref<1000x64xf32, #tpu.memory_space<vmem>>, %arg2: memref<1000x64xf32, #tpu.memory_space<vmem>>, %arg3: memref<8x64xf32, #tpu.memory_space<vmem>>, %arg4: memref<1000x64xf32, #tpu.memory_space<vmem>>) attributes {dimension_semantics = [#tpu.dimension_semantics<arbitrary>], iteration_bounds = array<i64: 10>, scalar_prefetch = 0 : i64, scratch_operands = 0 : i64, tpu.core_type = #tpu.core_type<tc>, window_params = [{transform_indices = @transform_0, window_bounds = array<i64: 1000, 64>}, {transform_indices = @transform_1, window_bounds = array<i64: 1000, 64>}, {pipeline_mode = #tpu.pipeline_mode<synchronous>, transform_indices = @transform_2, window_bounds = array<i64: 8, 64>}, {transform_indices = @transform_3, window_bounds = array<i64: 1000, 64>}]} {
    %get3A = arith.constant 0 : index
    %get3A_0 = arith.constant 0 : index
    %get3A_1 = vector.load %arg1[%get3A, %get3A_0] : memref<1000x64xf32, #tpu.memory_space<vmem>>, vector<1000x64xf32>
    %get3A_2 = arith.constant 0 : index
    %get3A_3 = arith.constant 0 : index
    %get3A_4 = vector.load %arg2[%get3A_2, %get3A_3] : memref<1000x64xf32, #tpu.memory_space<vmem>>, vector<1000x64xf32>
    %add3A = arith.addf %get3A_1, %get3A_4 : vector<1000x64xf32>
    %get3A_5 = arith.constant 0 : index
    %get3A_6 = arith.constant 0 : index
    %get3A_7 = vector.load %arg3[%get3A_5, %get3A_6] : memref<8x64xf32, #tpu.memory_space<vmem>>, vector<1x64xf32>
    %add3A_8 = vector.broadcast %get3A_7 : vector<1x64xf32> to vector<1000x64xf32>
    %add3A_9 = arith.addf %add3A, %add3A_8 : vector<1000x64xf32>
    %swap3A = arith.constant 0 : index
    %swap3A_10 = arith.constant 0 : index
    %swap3A_11 = vector.load %arg4[%swap3A, %swap3A_10] : memref<1000x64xf32, #tpu.memory_space<vmem>>, vector<1000x64xf32>
    tpu.vector_store %arg4[%swap3A, %swap3A_10], %add3A_9 {strides = array<i32>} : memref<1000x64xf32, #tpu.memory_space<vmem>>, vector<1000x64xf32>,
    return
  }
  func.func @transform_0(%arg0: i32) -> (i32, i32) {
    %c0_i32 = arith.constant 0 : i32
    %c0_i32_0 = arith.constant 0 : i32
    return %arg0, %c0_i32 : i32, i32
  }
  func.func @transform_1(%arg0: i32) -> (i32, i32) {
    %add3A = arith.constant 10 : i32
    %add3A_0 = arith.addi %add3A, %arg0 : i32
    %c0_i32 = arith.constant 0 : i32
    %c0_i32_1 = arith.constant 0 : i32
    return %add3A_0, %c0_i32 : i32, i32
  }
  func.func @transform_2(%arg0: i32) -> (i32, i32) {
    %c0_i32 = arith.constant 0 : i32
    %c0_i32_0 = arith.constant 0 : i32
    %c0_i32_1 = arith.constant 0 : i32
    return %c0_i32, %c0_i32_0 : i32, i32
  }
  func.func @transform_3(%arg0: i32) -> (i32, i32) {
    %c0_i32 = arith.constant 0 : i32
    %c0_i32_0 = arith.constant 0 : i32
    return %arg0, %c0_i32 : i32, i32
  }
}

</mosaic_0001>

<sc_bundles>
// kernel: kernel.10.cloned.1.call-start
scs
__scs_entry_jumppad:
0x0: {  	(pc) =	sbr.rel $0x88, $3  }
0x1: {  	(tag) =	ssettag $0x0;
	lr =	simm.s32 $0x1  }
0x2: {  	[smem:$0x3F9B] =	sst lr;
	_ =	strace $0xD0000000  }
0x3: {  	_ = 	snop  }
0x4: {  	_ = 	snop  }
0x5: {  	_ = 	snop  }
0x6: {  	_ = 	snop  }
0x7: {  	_ = 	snop  }
__scs_overlays_trampoline_lowered:
0x8: {  	[smem:$0x3FAA] =	sst s0  }
0x9: {  	[smem:$0x3FAB] =	sst s1  }
0xa: {  	[smem:$0x3FAC] =	sst s2  }
0xb: {  	[smem:$0x3FAD] =	sst s3  }
0xc: {  	[smem:$0x3FAE] =	sst s4  }
0xd: {  	[smem:$0x3FAF] =	sst s5  }
0xe: {  	[smem:$0x3FB0] =	sst s6  }
0xf: {  	[smem:$0x3FB1] =	sst s7  }
0x10: {  	[smem:$0x3FB2] =	sst s8  }
0x11: {  	[smem:$0x3FB3] =	sst s9;
	s0 =	simm.s32 @!p0 $0x0  }
0x12: {  	s1 =	sld [smem:$0x3F99];
	s0 =	simm.s32 @p0 $0x1  }
0x13: {  	[smem:$0x3FB4] =	sst s0;
	s0 =	simm.s32 @!p1 $0x0  }
0x14: {  	s2 =	sld [smem:$0x3F98];
	s0 =	simm.s32 @p1 $0x1  }
0x15: {  	[smem:$0x3FB5] =	sst s0;
	s0 =	simm.s32 @!p2 $0x0  }
0x16: {  	s3 =	sld [smem:$0x3FDB];
	s0 =	simm.s32 @p2 $0x1  }
0x17: {  	s4 =	simm.s32 $0x1BF5;
	[smem:$0x3FB7] =	sst s0  }
0x18: {  	s0 =	sld [smem:$0x3F9A];
	_ =	swait.ge [sflag:s4], $0x0  }
0x19: {  	s7 =	sld [smem:$0x3F9B]  }
0x1a: {  	s8 =	sadd.s32 $0xFFFFE003, lr  }
0x1b: {  	s9 =	sadd.s32 $0xFFFFFEF7, lr;
	s5 =	simm.s32 $0xFFFFFFFF;
	p2 =	slt.u32 s8, $0xFFFFF086  }
0x1c: {  	p1 =	slt.u32 s9, $0xF7A;
	s5 =	simm.s32 @!p2 $0x0  }
0x1d: {  	s5 =	simm.s32 @p1 $0x1;
	p0 =	seq.s32 s7, s2  }
0x1e: {  	s7 =	smul.u32 @!p0 $0xF7A, s2;
	p2 =	seq.s32 @!p0 s5, $0x0  }
0x1f: {  	s9 =	smul.u32 $0xF7A, s1;
	s8 =	simm.s32 @!p0 $0x1BF5;
	p2 =	por !p2, p0  }
0x20: {  	[sflag:s8] =	ssyncset.s32 @!p0 $0xFFFFF086;
	s6 =	sadd.s32 @!p0 s3, s7;
	s7 =	simm.s32 @!p0 $0x108  }
0x21: {  	s3 =	sadd.s32 s3, s9;
	s6 =	sadd.s32 @!p0 $0x88, s6;
	s7 =	simm.s32 @p2 $0x1082  }
0x22: {  	[simem:s7], [sflag:s8] =	dma.local @!p0 [hbm:s6], $0xF7A  }
0x23: {  	s9 =	sor.u32 $0xD0000000, s2;
	s6 =	simm.s32 $0x108;
	_ =	swait.ge @!p0 [sflag:s8], $0x0  }
0x24: {  	s3 =	sadd.s32 $0x88, s3;
	s6 =	simm.s32 @!p1 $0x1082;
	[sflag:s4] =	ssyncset.s32 $0xFFFFF086  }
0x25: {  	[simem:s6], [sflag:s4] =	dma.local [hbm:s3], $0xF7A  }
0x26: {  	[smem:$0x3F9B] =	sst s1;
	(tag) =	ssettag s2;
	_ =	strace s9  }
0x27: {  	s1 =	sld [smem:$0x3FAB]  }
0x28: {  	s2 =	sld [smem:$0x3FAC]  }
0x29: {  	s4 =	sld [smem:$0x3FAE]  }
0x2a: {  	p0 =	seq.s32 s5, $0x0;
	s5 =	sld [smem:$0x3FAF]  }
0x2b: {  	s6 =	sld [smem:$0x3FB0]  }
0x2c: {  	s7 =	sld [smem:$0x3FB1]  }
0x2d: {  	s3 =	simm.s32 $0x108;
	s8 =	sld [smem:$0x3FB2]  }
0x2e: {  	s3 =	simm.s32 @!p0 $0x1082;
	s9 =	sld [smem:$0x3FB3]  }
0x2f: {  	lr =	sadd.s32 s0, s3;
	s0 =	sld [smem:$0x3FAA]  }
0x30: {  	s3 =	sld [smem:$0x3FAD]  }
0x31: {  	[smem:$0x3FB6] =	sst s10  }
0x32: {  	s10 =	sld [smem:$0x3FB4];
	_ =	sdelay $0x3  }
0x33: {  	p0 =	seq.s32 s10, $0x1;
	s10 =	sld [smem:$0x3FB6];
	_ =	sdelay $0x3  }
0x34: {  	[smem:$0x3FB6] =	sst s10  }
0x35: {  	s10 =	sld [smem:$0x3FB5];
	_ =	sdelay $0x3  }
0x36: {  	p1 =	seq.s32 s10, $0x1;
	s10 =	sld [smem:$0x3FB6];
	_ =	sdelay $0x3  }
0x37: {  	[smem:$0x3FB6] =	sst s10  }
0x38: {  	s10 =	sld [smem:$0x3FB7]  }
0x39: {  	_ = 	snop;
	(pc) =	sbr.ind lr, $3  }
0x3a: {  	_ = 	snop  }
0x3b: {  	_ = 	snop  }
0x3c: {  	p2 =	seq.s32 s10, $0x1;
	s10 =	sld [smem:$0x3FB6]  }
0x3d: {  	_ =	shalt  }
0x3e: {  	_ =	shalt  }
0x3f: {  	_ =	shalt  }
0x40: {  	_ =	shalt  }
0x41: {  	_ =	shalt  }
0x42: {  	_ =	shalt  }
0x43: {  	_ =	shalt  }
0x44: {  	_ =	shalt  }
0x45: {  	_ =	shalt  }
0x46: {  	_ =	shalt  }
0x47: {  	_ =	shalt  }
0x48: {  	_ =	shalt  }
0x49: {  	_ =	shalt  }
0x4a: {  	_ =	shalt  }
0x4b: {  	_ =	shalt  }
0x4c: {  	_ =	shalt  }
0x4d: {  	_ =	shalt  }
0x4e: {  	_ =	shalt  }
0x4f: {  	_ =	shalt  }
0x50: {  	_ =	shalt  }
0x51: {  	_ =	shalt  }
0x52: {  	_ =	shalt  }
0x53: {  	_ =	shalt  }
0x54: {  	_ =	shalt  }
0x55: {  	_ =	shalt  }
0x56: {  	_ =	shalt  }
0x57: {  	_ =	shalt  }
0x58: {  	_ =	shalt  }
0x59: {  	_ =	shalt  }
0x5a: {  	_ =	shalt  }
0x5b: {  	_ =	shalt  }
0x5c: {  	_ =	shalt  }
0x5d: {  	_ =	shalt  }
0x5e: {  	_ =	shalt  }
0x5f: {  	_ =	shalt  }
0x60: {  	_ =	shalt  }
0x61: {  	_ =	shalt  }
0x62: {  	_ =	shalt  }
0x63: {  	_ =	shalt  }
0x64: {  	_ =	shalt  }
0x65: {  	_ =	shalt  }
0x66: {  	_ =	shalt  }
0x67: {  	_ =	shalt  }
0x68: {  	_ =	shalt  }
0x69: {  	_ =	shalt  }
0x6a: {  	_ =	shalt  }
0x6b: {  	_ =	shalt  }
0x6c: {  	_ =	shalt  }
0x6d: {  	_ =	shalt  }
0x6e: {  	_ =	shalt  }
0x6f: {  	_ =	shalt  }
0x70: {  	_ =	shalt  }
0x71: {  	_ =	shalt  }
0x72: {  	_ =	shalt  }
0x73: {  	_ =	shalt  }
0x74: {  	_ =	shalt  }
0x75: {  	_ =	shalt  }
0x76: {  	_ =	shalt  }
0x77: {  	_ =	shalt  }
0x78: {  	_ =	shalt  }
0x79: {  	_ =	shalt  }
0x7a: {  	_ =	shalt  }
0x7b: {  	_ =	shalt  }
0x7c: {  	_ =	shalt  }
0x7d: {  	_ =	shalt  }
0x7e: {  	_ =	shalt  }
0x7f: {  	_ =	shalt  }
0x80: {  	_ =	shalt  }
0x81: {  	_ =	shalt  }
0x82: {  	_ =	shalt  }
0x83: {  	_ =	shalt  }
0x84: {  	_ =	shalt  }
0x85: {  	_ =	shalt  }
0x86: {  	_ =	shalt  }
0x87: {  	_ =	shalt  }
.Lfunc_end0:
.L_simem_size_0:
called_computation.1_lowered:
.L_overlay_start_0:
0x88: {  	s2 =	sld [smem:$0x3FD9]  }
0x89: {  	s3 =	sld [smem:$0x3FFE];
	_ =	sdelay $0x1  }
0x8a: {  	s1 =	srdreg.scid  }
0x8b: {  	s0 =	sand.u32 $0x1, s1  }
0x8c: {  	s17 =	sshll.u32 s0, $0xA;
	s2 =	sadd.s32 s3, s2  }
0x8d: {  	s2 =	sadd.s32 s2, s17  }
0x8e: {  	[smem:$0x3FC2] =	sst s2  }
0x8f: {  	_ = 	snop  }
0x90: {  	s2 =	sld [smem:$0x3FD0];
	(tm) =	ssettm $0x1  }
0x91: {  	s18 =	sld [smem:$0x3FFB];
	_ =	sdelay $0x3  }
0x92: {  	_ =	strace s18  }
0x93: {  	s3 =	sld [smem:$0x3FFC];
	_ =	sdelay $0x3  }
0x94: {  	_ =	strace s3  }
0x95: {  	s3 =	sld [smem:$0x3FFD];
	_ =	sdelay $0x3  }
0x96: {  	_ =	strace s3  }
0x97: {  	_ =	strace $0x8FFFFFFF  }
0x98: {  	s19 =	sld [smem:$0x3FDB];
	_ =	sdelay $0x1  }
0x99: {  	s4 =	simm.s32 $_scs_section_size  }
0x9a: {  	s5 =	simm.s32 $_size__tile_overlayer_lowered;
	s6 =	simm.s32 $_tile_overlayer_lowered  }
0x9b: {  	s22 =	simm.s32 $0x1BFF;
	s21 =	sshll.u32 s6, $0x1;
	s3 =	sadd.s32 s4, s19  }
0x9c: {  	s7 =	simm.s32 $0x0;
	s20 =	sshll.u32 s5, $0x1;
	s5 =	sadd.s32 s21, s3  }
0x9d: {  	[timem:s7], [sflag:s22] =	dma.local [hbm:s5], s20  }
0x9e: {  	_ =	swait.ge [sflag:s22], s20  }
0x9f: {  	s4 =	ssub.s32 $0x0, s20;
	[sflag:s22] =	ssyncset.done $0x0  }
0xa0: {  	[sflag:s22] =	ssyncadd.s32 s4;
	_ =	sdelay $0x1  }
0xa1: {  	s23 =	simm.s32 $0x1B8B  }
0xa2: {  	_ =	swait.ge [sflag:s23], $0x1  }
0xa3: {  	[sflag:s23] =	ssyncset.done $0x0  }
0xa4: {  	s25 =	simm.s32 $0x1B8E;
	s24 =	sld [smem:$0x3FFE];
	[sflag:s23] =	ssyncadd.s32 $0xFFFFFFFF  }
0xa5: {  	s26 =	simm.s32 $execute0_lowered;
	[smem:$0x3FD2] =	sst s25  }
0xa6: {  	s5 =	sshll.u32 s26, $0x1;
	_ =	strace $0x80000049;
	[dreg:$0x1] =	wrdreg $0xFFFFFFFF  }
0xa7: {  	s28 =	simm.s32 $_size_execute0_lowered;
	s3 =	sadd.s32 s3, s5;
	[dreg:$0x0] =	wrdreg $0x0  }
0xa8: {  	s5 =	sshll.u32 s28, $0x1;
	[dreg:$0x2] =	wrdreg s3  }
0xa9: {  	[dreg:$0x3] =	wrdreg s5  }
0xaa: {  	[dreg:$0x4] =	wrdreg $0xC0  }
0xab: {  	_ =	task [dreg:s7], $0x5FFFF  }
0xac: {  	[dreg:$0x1] =	wrdreg $0xFFFFFFFF  }
0xad: {  	[dreg:$0x0] =	wrdreg $0x60  }
0xae: {  	[dreg:$0x2] =	wrdreg s2  }
0xaf: {  	[dreg:$0x3] =	wrdreg s24  }
0xb0: {  	[dreg:$0x4] =	wrdreg $0x78500  }
0xb1: {  	[dreg:$0x5] =	wrdreg $0x9  }
0xb2: {  	_ =	task.clear_ibuf [dreg:s7], $0x6FFFF;
	_ =	strace $0x90000049  }
0xb3: {  	s29 =	simm.s32 $0x9;
	_ =	strace $0x8000004B  }
0xb4: {  	_ =	swait.ge [sflag:s29], $0x1  }
0xb5: {  	[sflag:s29] =	ssyncadd.s32 $0xFFFFFFFF  }
0xb6: {  	_ =	strace $0x9000004B  }
0xb7: {  	_ =	sfence  }
0xb8: {  	s30 =	sld [smem:$0x0];
	_ =	sdelay $0x2  }
0xb9: {  	s31 =	sshll.u32 s1, $0xD;
	s1 =	sshrl.u32 s1, $0x2  }
0xba: {  	s3 =	sand.u32 $0x4000, s31;
	s1 =	sadd.s32 s1, s30  }
0xbb: {  	s0 =	sor.u32 s3, s0;
	s1 =	sshll.u32 s1, $0x11  }
0xbc: {  	s0 =	sor.u32 s1, s0  }
0xbd: {  	s0 =	sadd.s32 $0x8F2B, s0  }
0xbe: {  	[sflag:s0] =	ssyncadd.remote.s32 $0x1  }
0xbf: {  	_ =	sfence.sel $0xFFFF  }
0xc0: {  	[dreg:$0x0] =	wrdreg $0xFFFFFFFF;
	(pc) =	sbr.abs _section_cstart, $3  }
0xc1: {  	[dreg:$0x1] =	wrdreg $0xFFFFFFFF  }
0xc2: {  	_ =	task.clear_ibuf [dreg:s7], $0x2FFFF;
	_ =	strace $0x9FFFFFFF  }
0xc3: {  	(tm) =	ssettm $0x7FFFFFFF  }
tec
execute0_lowered:
.L_overlay_start_1:
0x0: {  	(tag) =	ssettag $0x1  }
0x1: {  	s1 =	rddreg [dreg:$0x0]  }
0x2: {  	s0 =	srdreg.scid;
	s3 =	rddreg [dreg:$0x1]  }
0x3: {  	s22 =	stileid.u32;
	s2 =	rddreg [dreg:$0x2];
	s23 =	simm.s32 $0x0  }
0x4: {  	s28 =	simm.s32 $0x5;
	s30 =	simm.s32 $0x1450;
	s31 =	simm.s32 $0x64  }
0x5: {  	s4 =	sand.u32 $0x1, s0;
	s26 =	sor.u32 $0x10, s22;
	s29 =	smul.u32 $0x50, s22  }
0x6: {  	s0 =	sshll.u32 s4, $0x4;
	s21 =	ssub.s32 $0x2, s4;
	s4 =	smul.u32 $0x2710, s4  }
0x7: {  	s6 =	sadd.s32 $0xACC00, s3;
	s10 =	sor.u32 $0x20, s22;
	s12 =	smul.u32 $0x50, s26  }
0x8: {  	s7 =	sadd.s32 $0xA7A00, s3;
	s11 =	sor.u32 $0x30, s22;
	s15 =	smul.u32 $0x50, s10  }
0x9: {  	s13 =	sor.u32 $0x40, s22;
	s14 =	sor.u32 $0x50, s22;
	s17 =	smul.u32 $0x50, s11  }
0xa: {  	s16 =	sor.u32 $0x60, s22;
	s18 =	sor.u32 $0x70, s22;
	s19 =	smul.u32 $0x50, s13  }
0xb: {  	[smem:$0x7FF] =	sst s23;
	s20 =	smul.u32 $0x50, s16;
	s0 =	sor.u32 s22, s0  }
0xc: {  	p0 =	sgt.u32 s22, $0xC;
	s8 =	sshrl.u32 s21, $0x1;
	s5 =	smul.u32 $0x1450, s0  }
0xd: {  	s0 =	ssub.s32 s21, s8;
	s12 =	sadd.s32 s4, s12;
	s15 =	sadd.s32 s4, s15  }
0xe: {  	s17 =	sadd.s32 s4, s17;
	s21 =	smul.u32 $0x50, s18;
	s19 =	sadd.s32 s4, s19  }
0xf: {  	s20 =	sadd.s32 s4, s20;
	s8 =	smul.u32 $0x5000, s26;
	s12 =	sshll.u32 s12, $0x3  }
0x10: {  	s15 =	sshll.u32 s15, $0x3;
	s17 =	sshll.u32 s17, $0x3;
	s9 =	sshrl.u32 s5, $0x3  }
0x11: {  	s26 =	sshll.u32 s20, $0x3;
	s0 =	smax.u32 s0, $0x1;
	s24 =	sadd.s32 s6, s9  }
0x12: {  	s5 =	sadd.s32 $0xA28, s5;
	s25 =	sadd.s32 s7, s9;
	[dreg:$0x4] =	wrdreg s24  }
0x13: {  	s5 =	sshrl.u32 s5, $0x3;
	s9 =	sadd.s32 s29, s4;
	[dreg:$0x5] =	wrdreg s25  }
0x14: {  	s6 =	sadd.s32 s6, s5;
	s5 =	sadd.s32 s7, s5;
	s7 =	sadd.s32 $0x1400, s3  }
0x15: {  	s9 =	sshll.u32 s9, $0x3;
	s25 =	sshll.u32 s19, $0x3;
	[dreg:$0x18] =	wrdreg s6  }
0x16: {  	s3 =	sadd.s32 $0x1000, s3;
	[dreg:$0x19] =	wrdreg s5;
	s9 =	sadd.s32 s7, s9  }
0x17: {  	s19 =	smul.u32 $0x5000, s14;
	s23 =	sadd.s32 s7, s15;
	[dreg:$0x6] =	wrdreg s9  }
0x18: {  	s6 =	smul.u32 $0x50, s14;
	s24 =	sadd.s32 s7, s17;
	[dreg:$0x8] =	wrdreg s23  }
0x19: {  	s29 =	sadd.s32 s7, s26;
	s15 =	smul.u32 $0x5000, s13;
	[dreg:$0x9] =	wrdreg s24  }
0x1a: {  	s13 =	simm.s32 $0xA28;
	s9 =	sadd.s32 s7, s12;
	[dreg:$0xc] =	wrdreg s29  }
0x1b: {  	s24 =	smul.u32 $0x5000, s18;
	s5 =	sadd.s32 s4, s6;
	s4 =	sadd.s32 s4, s21  }
0x1c: {  	[dreg:$0x7] =	wrdreg s9;
	s9 =	sadd.s32 s7, s25;
	s6 =	smul.u32 $0x5000, s22  }
0x1d: {  	s21 =	smul.u32 $0x5000, s16;
	s23 =	sshrl.u32 s15, $0x2;
	s25 =	sshrl.u32 s19, $0x2  }
0x1e: {  	s15 =	simm.s32 $0x3;
	s22 =	simm.s32 $0x1110;
	s5 =	sshll.u32 s5, $0x3  }
0x1f: {  	[dreg:$0xa] =	wrdreg s9;
	s4 =	sshll.u32 s4, $0x3;
	s16 =	sadd.s32 s23, s2  }
0x20: {  	s29 =	sshrl.u32 s24, $0x2;
	s23 =	simm.s32 $0x888;
	s24 =	simm.s32 $0x1178  }
0x21: {  	s5 =	sadd.s32 s7, s5;
	s4 =	sadd.s32 s7, s4;
	s7 =	smul.u32 $0x5000, s10  }
0x22: {  	s9 =	sshrl.u32 s6, $0x2;
	s10 =	smul.u32 $0x5000, s11;
	[dreg:$0xb] =	wrdreg s5  }
0x23: {  	s11 =	sshrl.u32 s8, $0x2;
	s26 =	sshrl.u32 s21, $0x2;
	[dreg:$0xd] =	wrdreg s4  }
0x24: {  	s19 =	sadd.s32 s29, s2;
	_ =	strace $0x8000004A;
	[dreg:$0xe] =	wrdreg s3  }
0x25: {  	s8 =	simm.s32 $0x1;
	s12 =	sadd.s32 s9, s2;
	[dreg:$0x17] =	wrdreg s0  }
0x26: {  	s21 =	simm.s32 $0x10A8;
	s6 =	sadd.s32 s11, s2;
	[dreg:$0xf] =	wrdreg s12  }
0x27: {  	s18 =	sadd.s32 s26, s2;
	s5 =	simm.s32 $0x4650;
	[dreg:$0x10] =	wrdreg s6  }
0x28: {  	s11 =	simm.s32 $0x2;
	s26 =	simm.s32 $0x4;
	[dreg:$0x13] =	wrdreg s16  }
0x29: {  	s17 =	sshrl.u32 s7, $0x2;
	s20 =	sshrl.u32 s10, $0x2;
	[dreg:$0x15] =	wrdreg s18  }
0x2a: {  	s0 =	simm.s32 $0x2D50;
	[dreg:$0x16] =	wrdreg s19;
	s7 =	sadd.s32 s17, s2  }
0x2b: {  	s10 =	simm.s32 $0x5F50;
	s14 =	sadd.s32 s20, s2;
	[dreg:$0x11] =	wrdreg s7  }
0x2c: {  	s3 =	simm.s32 $0x0;
	s17 =	sadd.s32 s25, s2;
	[dreg:$0x12] =	wrdreg s14  }
0x2d: {  	s25 =	simm.s32 $0x8F0;
	s20 =	simm.s32 $0x13E8;
	[dreg:$0x14] =	wrdreg s17  }
.LBB2_1:
0x2e: {  	[dreg:$0x1a] =	wrdreg s3  }
0x2f: {  	s4 =	simm.s32 $0x0;
	s9 =	rddreg [dreg:$0x4]  }
0x30: {  	[tilespmem:s4], [sflag:$0x5] =	stream.linear.gather [hbm4b:s9+s4], $0xA28, $0x38;
	[tilespmem:$0x11490] =	vst v63  }
0x31: {  	_ =	swait.ge [sflag:s28], $0xA28  }
0x32: {  	[sflag:s28] =	ssyncset.done $0x0  }
0x33: {  	s3 =	rddreg [dreg:$0x5];
	[sflag:s28] =	ssyncadd.s32 $0xFFFFF5D8  }
0x34: {  	[tilespmem:s13], [sflag:$0x5] =	stream.linear.gather [hbm4b:s3+s4], $0xA28, $0x38;
	[tilespmem:$0x11490] =	vst v63  }
0x35: {  	_ =	swait.ge [sflag:s28], $0xA28  }
0x36: {  	[sflag:s28] =	ssyncset.done $0x0  }
0x37: {  	s13 =	rddreg [dreg:$0xe];
	[sflag:s28] =	ssyncadd.s32 $0xFFFFF5D8  }
0x38: {  	[tilespmem:s30], [sflag:$0x5] =	stream.linear.gather [hbm4b:s13+s4], $0x1400, $0x38;
	[tilespmem:$0x11490] =	vst v63  }
0x39: {  	_ =	swait.ge [sflag:s28], $0x1400  }
0x3a: {  	[sflag:s28] =	ssyncset.done $0x0  }
0x3b: {  	[sflag:s28] =	ssyncadd.s32 $0xFFFFEC00  }
0x3c: {  	[spmem:s12] =	stream.linear.scatter [tilespmem:s30], [sflag:$0x5], $0x1400, $0x38;
	[tilespmem:$0x11490] =	vst v63  }
0x3d: {  	_ =	swait.ge [sflag:s28], $0x1400  }
0x3e: {  	[sflag:s28] =	ssyncset.done $0x0  }
0x3f: {  	[sflag:s28] =	ssyncadd.s32 $0xFFFFEC00  }
0x40: {  	[spmem:s6] =	stream.linear.scatter [tilespmem:s30], [sflag:$0x5], $0x1400, $0x38;
	[tilespmem:$0x11490] =	vst v63  }
0x41: {  	_ =	swait.ge [sflag:s28], $0x1400  }
0x42: {  	[sflag:s28] =	ssyncset.done $0x0  }
0x43: {  	[sflag:s28] =	ssyncadd.s32 $0xFFFFEC00  }
0x44: {  	[spmem:s7] =	stream.linear.scatter [tilespmem:s30], [sflag:$0x5], $0x1400, $0x38;
	[tilespmem:$0x11490] =	vst v63  }
0x45: {  	_ =	swait.ge [sflag:s28], $0x1400  }
0x46: {  	[sflag:s28] =	ssyncset.done $0x0  }
0x47: {  	[sflag:s28] =	ssyncadd.s32 $0xFFFFEC00  }
0x48: {  	[spmem:s14] =	stream.linear.scatter [tilespmem:s30], [sflag:$0x5], $0x1400, $0x38;
	[tilespmem:$0x11490] =	vst v63  }
0x49: {  	_ =	swait.ge [sflag:s28], $0x1400  }
0x4a: {  	[sflag:s28] =	ssyncset.done $0x0  }
0x4b: {  	[sflag:s28] =	ssyncadd.s32 $0xFFFFEC00  }
0x4c: {  	[spmem:s16] =	stream.linear.scatter [tilespmem:s30], [sflag:$0x5], $0x1400, $0x38;
	[tilespmem:$0x11490] =	vst v63  }
0x4d: {  	_ =	swait.ge [sflag:s28], $0x1400  }
0x4e: {  	[sflag:s28] =	ssyncset.done $0x0  }
0x4f: {  	[sflag:s28] =	ssyncadd.s32 $0xFFFFEC00  }
0x50: {  	[spmem:s17] =	stream.linear.scatter [tilespmem:s30], [sflag:$0x5], $0x1400, $0x38;
	[tilespmem:$0x11490] =	vst v63  }
0x51: {  	_ =	swait.ge [sflag:s28], $0x1400  }
0x52: {  	[sflag:s28] =	ssyncset.done $0x0  }
0x53: {  	[sflag:s28] =	ssyncadd.s32 $0xFFFFEC00  }
0x54: {  	[spmem:s18] =	stream.linear.scatter [tilespmem:s30], [sflag:$0x5], $0x1400, $0x38;
	[tilespmem:$0x11490] =	vst v63  }
0x55: {  	_ =	swait.ge [sflag:s28], $0x1400  }
0x56: {  	[sflag:s28] =	ssyncset.done $0x0  }
0x57: {  	s12 =	simm.s32 @!p0 $0x1450;
	[sflag:s28] =	ssyncadd.s32 $0xFFFFEC00  }
0x58: {  	[spmem:s19] =	stream.linear.scatter @!p0 [tilespmem:s12], [sflag:$0x5], $0x1400, $0x38;
	[tilespmem:$0x11490] =	vst v63  }
0x59: {  	s12 =	simm.s32 @!p0 $0x5  }
0x5a: {  	_ =	swait.ge @!p0 [sflag:s12], $0x1400  }
0x5b: {  	p1 =	por $0x1, $0x1;
	p2 =	por $0x0, $0x0;
	[sflag:s12] =	ssyncset.done @!p0 $0x0  }
0x5c: {  	s3 =	simm.s32 $0x820;
	s13 =	simm.s32 $0x958;
	[sflag:s12] =	ssyncadd.s32 @!p0 $0xFFFFEC00  }
0x5d: {  	s6 =	simm.s32 $0x1248;
	s14 =	simm.s32 $0x11E0;
	[bflag:$0x0] =	sbarrier.arrive $0xFFFF  }
0x5e: {  	s16 =	simm.s32 $0x9C0;
	s17 =	simm.s32 $0x12B0;
	s7 =	rddreg [dreg:$0x18]  }
0x5f: {  	s18 =	simm.s32 $0x1318;
	s19 =	simm.s32 $0x1380;
	s29 =	rddreg [dreg:$0x19]  }
.LBB2_2:
0x60: {  	s12 =	simm.s32 @p2 $0x0;
	s4 =	simm.s32 @p2 $0x5  }
0x61: {  	[tilespmem:s12], [sflag:$0x5] =	stream.linear.gather @p2 [hbm4b:s7+s12], $0xA28, $0x38;
	[tilespmem:$0x11490] =	vst v63  }
0x62: {  	_ =	swait.ge @p2 [sflag:s4], $0xA28  }
0x63: {  	[sflag:s4] =	ssyncset.done @p2 $0x0  }
0x64: {  	s9 =	simm.s32 @p2 $0xA28;
	[sflag:s4] =	ssyncadd.s32 @p2 $0xFFFFF5D8  }
0x65: {  	[tilespmem:s9], [sflag:$0x5] =	stream.linear.gather @p2 [hbm4b:s29+s12], $0xA28, $0x38;
	[tilespmem:$0x11490] =	vst v63  }
0x66: {  	_ =	swait.ge @p2 [sflag:s4], $0xA28  }
0x67: {  	[sflag:s4] =	ssyncset.done @p2 $0x0  }
0x68: {  	s9 =	simm.s32 $0x0;
	[sflag:s4] =	ssyncadd.s32 @p2 $0xFFFFF5D8  }
0x69: {  	[tilespmem:s30], [sflag:$0x1] =	stream.indirect.gather [hbm4b:s1+s31], $0x40, s9, s31, $0xb8;
	[tilespmem:$0x11490] =	vst v63  }
0x6a: {  	s12 =	simm.s32 $0x68  }
0x6b: {  	[tilespmem:s0], [sflag:$0x2] =	stream.indirect.gather [hbm4b:s1+s31], $0x40, s12, s31, $0xb8;
	[tilespmem:$0x11490] =	vst v63  }
0x6c: {  	s9 =	simm.s32 $0xD0  }
0x6d: {  	[tilespmem:s5], [sflag:$0x3] =	stream.indirect.gather [hbm4b:s1+s31], $0x40, s9, s31, $0xb8;
	[tilespmem:$0x11490] =	vst v63  }
0x6e: {  	_ =	swait.ge [sflag:s8], $0x1900  }
0x6f: {  	[sflag:s8] =	ssyncset.done $0x0  }
0x70: {  	s12 =	simm.s32 $0x138;
	[sflag:s8] =	ssyncadd.s32 $0xFFFFE700  }
0x71: {  	[tilespmem:s10], [sflag:$0x4] =	stream.indirect.gather [hbm4b:s1+s31], $0x40, s12, s31, $0xb8;
	[tilespmem:$0x11490] =	vst v63  }
0x72: {  	s9 =	simm.s32 $0xA28  }
0x73: {  	[spmem:s2] =	stream.indirect.scatter.add.f32 [tilespmem:s30], [sflag:$0x5], $0x40, s9, s31, $0xb8;
	[tilespmem:$0x11490] =	vst v63  }
0x74: {  	_ =	swait.ge [sflag:s28], $0x1900  }
0x75: {  	[sflag:s28] =	ssyncset.done $0x0  }
0x76: {  	[sflag:s28] =	ssyncadd.s32 $0xFFFFE700  }
0x77: {  	_ =	swait.ge [sflag:s11], $0x1900  }
0x78: {  	[sflag:s11] =	ssyncset.done $0x0  }
0x79: {  	s12 =	simm.s32 $0x1A0;
	[sflag:s11] =	ssyncadd.s32 $0xFFFFE700  }
0x7a: {  	[tilespmem:s30], [sflag:$0x1] =	stream.indirect.gather [hbm4b:s1+s31], $0x40, s12, s31, $0xb8;
	[tilespmem:$0x11490] =	vst v63  }
0x7b: {  	s9 =	simm.s32 $0xA90  }
0x7c: {  	[spmem:s2] =	stream.indirect.scatter.add.f32 [tilespmem:s0], [sflag:$0x5], $0x40, s9, s31, $0xb8;
	[tilespmem:$0x11490] =	vst v63  }
0x7d: {  	_ =	swait.ge [sflag:s28], $0x1900  }
0x7e: {  	[sflag:s28] =	ssyncset.done $0x0  }
0x7f: {  	[sflag:s28] =	ssyncadd.s32 $0xFFFFE700  }
0x80: {  	_ =	swait.ge [sflag:s15], $0x1900  }
0x81: {  	[sflag:s15] =	ssyncset.done $0x0  }
0x82: {  	s12 =	simm.s32 $0x208;
	[sflag:s15] =	ssyncadd.s32 $0xFFFFE700  }
0x83: {  	[tilespmem:s0], [sflag:$0x2] =	stream.indirect.gather [hbm4b:s1+s31], $0x40, s12, s31, $0xb8;
	[tilespmem:$0x11490] =	vst v63  }
0x84: {  	s9 =	simm.s32 $0xAF8  }
0x85: {  	[spmem:s2] =	stream.indirect.scatter.add.f32 [tilespmem:s5], [sflag:$0x5], $0x40, s9, s31, $0xb8;
	[tilespmem:$0x11490] =	vst v63  }
0x86: {  	_ =	swait.ge [sflag:s28], $0x1900  }
0x87: {  	[sflag:s28] =	ssyncset.done $0x0  }
0x88: {  	[sflag:s28] =	ssyncadd.s32 $0xFFFFE700  }
0x89: {  	_ =	swait.ge [sflag:s26], $0x1900  }
0x8a: {  	[sflag:s26] =	ssyncset.done $0x0  }
0x8b: {  	s12 =	simm.s32 $0x270;
	[sflag:s26] =	ssyncadd.s32 $0xFFFFE700  }
0x8c: {  	[tilespmem:s5], [sflag:$0x3] =	stream.indirect.gather [hbm4b:s1+s31], $0x40, s12, s31, $0xb8;
	[tilespmem:$0x11490] =	vst v63  }
0x8d: {  	s9 =	simm.s32 $0xB60  }
0x8e: {  	[spmem:s2] =	stream.indirect.scatter.add.f32 [tilespmem:s10], [sflag:$0x5], $0x40, s9, s31, $0xb8;
	[tilespmem:$0x11490] =	vst v63  }
0x8f: {  	_ =	swait.ge [sflag:s28], $0x1900  }
0x90: {  	[sflag:s28] =	ssyncset.done $0x0  }
0x91: {  	[sflag:s28] =	ssyncadd.s32 $0xFFFFE700  }
0x92: {  	_ =	swait.ge [sflag:s8], $0x1900  }
0x93: {  	[sflag:s8] =	ssyncset.done $0x0  }
0x94: {  	s12 =	simm.s32 $0x2D8;
	[sflag:s8] =	ssyncadd.s32 $0xFFFFE700  }
0x95: {  	[tilespmem:s10], [sflag:$0x4] =	stream.indirect.gather [hbm4b:s1+s31], $0x40, s12, s31, $0xb8;
	[tilespmem:$0x11490] =	vst v63  }
0x96: {  	s9 =	simm.s32 $0xBC8  }
0x97: {  	[spmem:s2] =	stream.indirect.scatter.add.f32 [tilespmem:s30], [sflag:$0x5], $0x40, s9, s31, $0xb8;
	[tilespmem:$0x11490] =	vst v63  }
0x98: {  	_ =	swait.ge [sflag:s28], $0x1900  }
0x99: {  	[sflag:s28] =	ssyncset.done $0x0  }
0x9a: {  	[sflag:s28] =	ssyncadd.s32 $0xFFFFE700  }
0x9b: {  	_ =	swait.ge [sflag:s11], $0x1900  }
0x9c: {  	[sflag:s11] =	ssyncset.done $0x0  }
0x9d: {  	s12 =	simm.s32 $0x340;
	[sflag:s11] =	ssyncadd.s32 $0xFFFFE700  }
0x9e: {  	[tilespmem:s30], [sflag:$0x1] =	stream.indirect.gather [hbm4b:s1+s31], $0x40, s12, s31, $0xb8;
	[tilespmem:$0x11490] =	vst v63  }
0x9f: {  	s9 =	simm.s32 $0xC30  }
0xa0: {  	[spmem:s2] =	stream.indirect.scatter.add.f32 [tilespmem:s0], [sflag:$0x5], $0x40, s9, s31, $0xb8;
	[tilespmem:$0x11490] =	vst v63  }
0xa1: {  	_ =	swait.ge [sflag:s28], $0x1900  }
0xa2: {  	[sflag:s28] =	ssyncset.done $0x0  }
0xa3: {  	[sflag:s28] =	ssyncadd.s32 $0xFFFFE700  }
0xa4: {  	_ =	swait.ge [sflag:s15], $0x1900  }
0xa5: {  	[sflag:s15] =	ssyncset.done $0x0  }
0xa6: {  	s12 =	simm.s32 $0x3A8;
	[sflag:s15] =	ssyncadd.s32 $0xFFFFE700  }
0xa7: {  	[tilespmem:s0], [sflag:$0x2] =	stream.indirect.gather [hbm4b:s1+s31], $0x40, s12, s31, $0xb8;
	[tilespmem:$0x11490] =	vst v63  }
0xa8: {  	s9 =	simm.s32 $0xC98  }
0xa9: {  	[spmem:s2] =	stream.indirect.scatter.add.f32 [tilespmem:s5], [sflag:$0x5], $0x40, s9, s31, $0xb8;
	[tilespmem:$0x11490] =	vst v63  }
0xaa: {  	_ =	swait.ge [sflag:s28], $0x1900  }
0xab: {  	[sflag:s28] =	ssyncset.done $0x0  }
0xac: {  	[sflag:s28] =	ssyncadd.s32 $0xFFFFE700  }
0xad: {  	_ =	swait.ge [sflag:s26], $0x1900  }
0xae: {  	[sflag:s26] =	ssyncset.done $0x0  }
0xaf: {  	s12 =	simm.s32 $0x410;
	[sflag:s26] =	ssyncadd.s32 $0xFFFFE700  }
0xb0: {  	[tilespmem:s5], [sflag:$0x3] =	stream.indirect.gather [hbm4b:s1+s31], $0x40, s12, s31, $0xb8;
	[tilespmem:$0x11490] =	vst v63  }
0xb1: {  	s9 =	simm.s32 $0xD00  }
0xb2: {  	[spmem:s2] =	stream.indirect.scatter.add.f32 [tilespmem:s10], [sflag:$0x5], $0x40, s9, s31, $0xb8;
	[tilespmem:$0x11490] =	vst v63  }
0xb3: {  	_ =	swait.ge [sflag:s28], $0x1900  }
0xb4: {  	[sflag:s28] =	ssyncset.done $0x0  }
0xb5: {  	[sflag:s28] =	ssyncadd.s32 $0xFFFFE700  }
0xb6: {  	_ =	swait.ge [sflag:s8], $0x1900  }
0xb7: {  	[sflag:s8] =	ssyncset.done $0x0  }
0xb8: {  	s12 =	simm.s32 $0x478;
	[sflag:s8] =	ssyncadd.s32 $0xFFFFE700  }
0xb9: {  	[tilespmem:s10], [sflag:$0x4] =	stream.indirect.gather [hbm4b:s1+s31], $0x40, s12, s31, $0xb8;
	[tilespmem:$0x11490] =	vst v63  }
0xba: {  	s9 =	simm.s32 $0xD68  }
0xbb: {  	[spmem:s2] =	stream.indirect.scatter.add.f32 [tilespmem:s30], [sflag:$0x5], $0x40, s9, s31, $0xb8;
	[tilespmem:$0x11490] =	vst v63  }
0xbc: {  	_ =	swait.ge [sflag:s28], $0x1900  }
0xbd: {  	[sflag:s28] =	ssyncset.done $0x0  }
0xbe: {  	[sflag:s28] =	ssyncadd.s32 $0xFFFFE700  }
0xbf: {  	_ =	swait.ge [sflag:s11], $0x1900  }
0xc0: {  	[sflag:s11] =	ssyncset.done $0x0  }
0xc1: {  	s12 =	simm.s32 $0x4E0;
	[sflag:s11] =	ssyncadd.s32 $0xFFFFE700  }
0xc2: {  	[tilespmem:s30], [sflag:$0x1] =	stream.indirect.gather [hbm4b:s1+s31], $0x40, s12, s31, $0xb8;
	[tilespmem:$0x11490] =	vst v63  }
0xc3: {  	s9 =	simm.s32 $0xDD0  }
0xc4: {  	[spmem:s2] =	stream.indirect.scatter.add.f32 [tilespmem:s0], [sflag:$0x5], $0x40, s9, s31, $0xb8;
	[tilespmem:$0x11490] =	vst v63  }
0xc5: {  	_ =	swait.ge [sflag:s28], $0x1900  }
0xc6: {  	[sflag:s28] =	ssyncset.done $0x0  }
0xc7: {  	[sflag:s28] =	ssyncadd.s32 $0xFFFFE700  }
0xc8: {  	_ =	swait.ge [sflag:s15], $0x1900  }
0xc9: {  	[sflag:s15] =	ssyncset.done $0x0  }
0xca: {  	s12 =	simm.s32 $0x548;
	[sflag:s15] =	ssyncadd.s32 $0xFFFFE700  }
0xcb: {  	[tilespmem:s0], [sflag:$0x2] =	stream.indirect.gather [hbm4b:s1+s31], $0x40, s12, s31, $0xb8;
	[tilespmem:$0x11490] =	vst v63  }
0xcc: {  	s9 =	simm.s32 $0xE38  }
0xcd: {  	[spmem:s2] =	stream.indirect.scatter.add.f32 [tilespmem:s5], [sflag:$0x5], $0x40, s9, s31, $0xb8;
	[tilespmem:$0x11490] =	vst v63  }
0xce: {  	_ =	swait.ge [sflag:s28], $0x1900  }
0xcf: {  	[sflag:s28] =	ssyncset.done $0x0  }
0xd0: {  	[sflag:s28] =	ssyncadd.s32 $0xFFFFE700  }
0xd1: {  	_ =	swait.ge [sflag:s26], $0x1900  }
0xd2: {  	[sflag:s26] =	ssyncset.done $0x0  }
0xd3: {  	s12 =	simm.s32 $0x5B0;
	[sflag:s26] =	ssyncadd.s32 $0xFFFFE700  }
0xd4: {  	[tilespmem:s5], [sflag:$0x3] =	stream.indirect.gather [hbm4b:s1+s31], $0x40, s12, s31, $0xb8;
	[tilespmem:$0x11490] =	vst v63  }
0xd5: {  	s9 =	simm.s32 $0xEA0  }
0xd6: {  	[spmem:s2] =	stream.indirect.scatter.add.f32 [tilespmem:s10], [sflag:$0x5], $0x40, s9, s31, $0xb8;
	[tilespmem:$0x11490] =	vst v63  }
0xd7: {  	_ =	swait.ge [sflag:s28], $0x1900  }
0xd8: {  	[sflag:s28] =	ssyncset.done $0x0  }
0xd9: {  	[sflag:s28] =	ssyncadd.s32 $0xFFFFE700  }
0xda: {  	_ =	swait.ge [sflag:s8], $0x1900  }
0xdb: {  	[sflag:s8] =	ssyncset.done $0x0  }
0xdc: {  	s12 =	simm.s32 $0x618;
	[sflag:s8] =	ssyncadd.s32 $0xFFFFE700  }
0xdd: {  	[tilespmem:s10], [sflag:$0x4] =	stream.indirect.gather [hbm4b:s1+s31], $0x40, s12, s31, $0xb8;
	[tilespmem:$0x11490] =	vst v63  }
0xde: {  	s9 =	simm.s32 $0xF08  }
0xdf: {  	[spmem:s2] =	stream.indirect.scatter.add.f32 [tilespmem:s30], [sflag:$0x5], $0x40, s9, s31, $0xb8;
	[tilespmem:$0x11490] =	vst v63  }
0xe0: {  	_ =	swait.ge [sflag:s28], $0x1900  }
0xe1: {  	[sflag:s28] =	ssyncset.done $0x0  }
0xe2: {  	[sflag:s28] =	ssyncadd.s32 $0xFFFFE700  }
0xe3: {  	_ =	swait.ge [sflag:s11], $0x1900  }
0xe4: {  	[sflag:s11] =	ssyncset.done $0x0  }
0xe5: {  	s12 =	simm.s32 $0x680;
	[sflag:s11] =	ssyncadd.s32 $0xFFFFE700  }
0xe6: {  	[tilespmem:s30], [sflag:$0x1] =	stream.indirect.gather [hbm4b:s1+s31], $0x40, s12, s31, $0xb8;
	[tilespmem:$0x11490] =	vst v63  }
0xe7: {  	s9 =	simm.s32 $0xF70  }
0xe8: {  	[spmem:s2] =	stream.indirect.scatter.add.f32 [tilespmem:s0], [sflag:$0x5], $0x40, s9, s31, $0xb8;
	[tilespmem:$0x11490] =	vst v63  }
0xe9: {  	_ =	swait.ge [sflag:s28], $0x1900  }
0xea: {  	[sflag:s28] =	ssyncset.done $0x0  }
0xeb: {  	[sflag:s28] =	ssyncadd.s32 $0xFFFFE700  }
0xec: {  	_ =	swait.ge [sflag:s15], $0x1900  }
0xed: {  	[sflag:s15] =	ssyncset.done $0x0  }
0xee: {  	s12 =	simm.s32 $0x6E8;
	[sflag:s15] =	ssyncadd.s32 $0xFFFFE700  }
0xef: {  	[tilespmem:s0], [sflag:$0x2] =	stream.indirect.gather [hbm4b:s1+s31], $0x40, s12, s31, $0xb8;
	[tilespmem:$0x11490] =	vst v63  }
0xf0: {  	s9 =	simm.s32 $0xFD8  }
0xf1: {  	[spmem:s2] =	stream.indirect.scatter.add.f32 [tilespmem:s5], [sflag:$0x5], $0x40, s9, s31, $0xb8;
	[tilespmem:$0x11490] =	vst v63  }
0xf2: {  	_ =	swait.ge [sflag:s28], $0x1900  }
0xf3: {  	[sflag:s28] =	ssyncset.done $0x0  }
0xf4: {  	[sflag:s28] =	ssyncadd.s32 $0xFFFFE700  }
0xf5: {  	_ =	swait.ge [sflag:s26], $0x1900  }
0xf6: {  	[sflag:s26] =	ssyncset.done $0x0  }
0xf7: {  	s12 =	simm.s32 $0x750;
	[sflag:s26] =	ssyncadd.s32 $0xFFFFE700  }
0xf8: {  	[tilespmem:s5], [sflag:$0x3] =	stream.indirect.gather [hbm4b:s1+s31], $0x40, s12, s31, $0xb8;
	[tilespmem:$0x11490] =	vst v63  }
0xf9: {  	s9 =	simm.s32 $0x1040  }
0xfa: {  	[spmem:s2] =	stream.indirect.scatter.add.f32 [tilespmem:s10], [sflag:$0x5], $0x40, s9, s31, $0xb8;
	[tilespmem:$0x11490] =	vst v63  }
0xfb: {  	_ =	swait.ge [sflag:s28], $0x1900  }
0xfc: {  	[sflag:s28] =	ssyncset.done $0x0  }
0xfd: {  	[sflag:s28] =	ssyncadd.s32 $0xFFFFE700  }
0xfe: {  	_ =	swait.ge [sflag:s8], $0x1900  }
0xff: {  	[sflag:s8] =	ssyncset.done $0x0  }
0x100: {  	s12 =	simm.s32 $0x7B8;
	[sflag:s8] =	ssyncadd.s32 $0xFFFFE700  }
0x101: {  	[tilespmem:s10], [sflag:$0x4] =	stream.indirect.gather [hbm4b:s1+s31], $0x40, s12, s31, $0xb8;
	[tilespmem:$0x11490] =	vst v63  }
0x102: {  	_ = 	snop  }
0x103: {  	[spmem:s2] =	stream.indirect.scatter.add.f32 [tilespmem:s30], [sflag:$0x5], $0x40, s21, s31, $0xb8;
	[tilespmem:$0x11490] =	vst v63  }
0x104: {  	_ =	swait.ge [sflag:s28], $0x1900  }
0x105: {  	[sflag:s28] =	ssyncset.done $0x0  }
0x106: {  	[sflag:s28] =	ssyncadd.s32 $0xFFFFE700  }
0x107: {  	_ =	swait.ge [sflag:s11], $0x1900  }
0x108: {  	[sflag:s11] =	ssyncset.done $0x0  }
0x109: {  	[sflag:s11] =	ssyncadd.s32 $0xFFFFE700  }
0x10a: {  	[tilespmem:s30], [sflag:$0x1] =	stream.indirect.gather [hbm4b:s1+s31], $0x40, s3, s31, $0xb8;
	[tilespmem:$0x11490] =	vst v63  }
0x10b: {  	_ = 	snop  }
0x10c: {  	[spmem:s2] =	stream.indirect.scatter.add.f32 [tilespmem:s0], [sflag:$0x5], $0x40, s22, s31, $0xb8;
	[tilespmem:$0x11490] =	vst v63  }
0x10d: {  	_ =	swait.ge [sflag:s28], $0x1900  }
0x10e: {  	[sflag:s28] =	ssyncset.done $0x0  }
0x10f: {  	[sflag:s28] =	ssyncadd.s32 $0xFFFFE700  }
0x110: {  	_ =	swait.ge [sflag:s15], $0x1900  }
0x111: {  	[sflag:s15] =	ssyncset.done $0x0  }
0x112: {  	[sflag:s15] =	ssyncadd.s32 $0xFFFFE700  }
0x113: {  	[tilespmem:s0], [sflag:$0x2] =	stream.indirect.gather [hbm4b:s1+s31], $0x40, s23, s31, $0xb8;
	[tilespmem:$0x11490] =	vst v63  }
0x114: {  	_ = 	snop  }
0x115: {  	[spmem:s2] =	stream.indirect.scatter.add.f32 [tilespmem:s5], [sflag:$0x5], $0x40, s24, s31, $0xb8;
	[tilespmem:$0x11490] =	vst v63  }
0x116: {  	_ =	swait.ge [sflag:s28], $0x1900  }
0x117: {  	[sflag:s28] =	ssyncset.done $0x0  }
0x118: {  	[sflag:s28] =	ssyncadd.s32 $0xFFFFE700  }
0x119: {  	_ =	swait.ge [sflag:s26], $0x1900  }
0x11a: {  	[sflag:s26] =	ssyncset.done $0x0  }
0x11b: {  	[sflag:s26] =	ssyncadd.s32 $0xFFFFE700  }
0x11c: {  	[tilespmem:s5], [sflag:$0x3] =	stream.indirect.gather [hbm4b:s1+s31], $0x40, s25, s31, $0xb8;
	[tilespmem:$0x11490] =	vst v63  }
0x11d: {  	_ = 	snop  }
0x11e: {  	[spmem:s2] =	stream.indirect.scatter.add.f32 [tilespmem:s10], [sflag:$0x5], $0x40, s14, s31, $0xb8;
	[tilespmem:$0x11490] =	vst v63  }
0x11f: {  	_ =	swait.ge [sflag:s28], $0x1900  }
0x120: {  	[sflag:s28] =	ssyncset.done $0x0  }
0x121: {  	[sflag:s28] =	ssyncadd.s32 $0xFFFFE700  }
0x122: {  	_ =	swait.ge [sflag:s8], $0x1900  }
0x123: {  	[sflag:s8] =	ssyncset.done $0x0  }
0x124: {  	[sflag:s8] =	ssyncadd.s32 $0xFFFFE700  }
0x125: {  	[tilespmem:s10], [sflag:$0x4] =	stream.indirect.gather [hbm4b:s1+s31], $0x40, s13, s31, $0xb8;
	[tilespmem:$0x11490] =	vst v63  }
0x126: {  	_ = 	snop  }
0x127: {  	[spmem:s2] =	stream.indirect.scatter.add.f32 [tilespmem:s30], [sflag:$0x5], $0x40, s6, s31, $0xb8;
	[tilespmem:$0x11490] =	vst v63  }
0x128: {  	_ =	swait.ge [sflag:s28], $0x1900  }
0x129: {  	[sflag:s28] =	ssyncset.done $0x0  }
0x12a: {  	[sflag:s28] =	ssyncadd.s32 $0xFFFFE700  }
0x12b: {  	_ =	swait.ge [sflag:s11], $0x1900  }
0x12c: {  	[sflag:s11] =	ssyncset.done $0x0  }
0x12d: {  	[sflag:s11] =	ssyncadd.s32 $0xFFFFE700  }
0x12e: {  	[tilespmem:s30], [sflag:$0x1] =	stream.indirect.gather [hbm4b:s1+s31], $0x40, s16, s31, $0xb8;
	[tilespmem:$0x11490] =	vst v63  }
0x12f: {  	_ = 	snop  }
0x130: {  	[spmem:s2] =	stream.indirect.scatter.add.f32 [tilespmem:s0], [sflag:$0x5], $0x40, s17, s31, $0xb8;
	[tilespmem:$0x11490] =	vst v63  }
0x131: {  	_ =	swait.ge [sflag:s28], $0x1900  }
0x132: {  	[sflag:s28] =	ssyncset.done $0x0  }
0x133: {  	[sflag:s28] =	ssyncadd.s32 $0xFFFFE700  }
0x134: {  	_ =	swait.ge [sflag:s15], $0x1900  }
0x135: {  	[sflag:s15] =	ssyncset.done $0x0  }
0x136: {  	[sflag:s15] =	ssyncadd.s32 $0xFFFFE700  }
0x137: {  	[spmem:s2] =	stream.indirect.scatter.add.f32 [tilespmem:s5], [sflag:$0x5], $0x40, s18, s31, $0xb8;
	[tilespmem:$0x11490] =	vst v63  }
0x138: {  	_ =	swait.ge [sflag:s28], $0x1900  }
0x139: {  	[sflag:s28] =	ssyncset.done $0x0  }
0x13a: {  	[sflag:s28] =	ssyncadd.s32 $0xFFFFE700  }
0x13b: {  	_ =	swait.ge [sflag:s26], $0x1900  }
0x13c: {  	[sflag:s26] =	ssyncset.done $0x0  }
0x13d: {  	[sflag:s26] =	ssyncadd.s32 $0xFFFFE700  }
0x13e: {  	[spmem:s2] =	stream.indirect.scatter.add.f32 [tilespmem:s10], [sflag:$0x5], $0x40, s19, s31, $0xb8;
	[tilespmem:$0x11490] =	vst v63  }
0x13f: {  	_ =	swait.ge [sflag:s28], $0x1900  }
0x140: {  	[sflag:s28] =	ssyncset.done $0x0  }
0x141: {  	[sflag:s28] =	ssyncadd.s32 $0xFFFFE700  }
0x142: {  	_ =	swait.ge [sflag:s8], $0x1900  }
0x143: {  	p3 =	por p1, p1;
	[sflag:s8] =	ssyncset.done $0x0  }
.Ltmp0:
0x144: {  	[sflag:s8] =	ssyncadd.s32 $0xFFFFE700;
	(pc) =	sbr.rel @p3 .LBB2_2-.Ltmp0, $4  }
0x145: {  	[spmem:s2] =	stream.indirect.scatter.add.f32 [tilespmem:s30], [sflag:$0x5], $0x40, s20, s31, $0xb8;
	[tilespmem:$0x11490] =	vst v63  }
0x146: {  	_ =	swait.ge [sflag:s28], $0x1900  }
0x147: {  	[sflag:s28] =	ssyncset.done $0x0  }
0x148: {  	p1 =	por $0x0, $0x0;
	p2 =	por $0x1, $0x1;
	[sflag:s28] =	ssyncadd.s32 $0xFFFFE700  }
0x149: {  	[bflag:$0x0] =	sbarrier.arrive $0xFFFF  }
0x14a: {  	s3 =	rddreg [dreg:$0xf]  }
0x14b: {  	[tilespmem:s30], [sflag:$0x5] =	stream.linear.gather [spmem:s3], $0x1400, $0x38;
	[tilespmem:$0x11490] =	vst v63  }
0x14c: {  	_ =	swait.ge [sflag:s28], $0x1400  }
0x14d: {  	[sflag:s28] =	ssyncset.done $0x0  }
0x14e: {  	s4 =	simm.s32 $0x0;
	s9 =	rddreg [dreg:$0x6];
	[sflag:s28] =	ssyncadd.s32 $0xFFFFEC00  }
0x14f: {  	[hbm4b:s9+s4] =	stream.linear.scatter [tilespmem:s30], [sflag:$0x5], $0x1400, $0x38;
	[tilespmem:$0x11490] =	vst v63  }
0x150: {  	_ =	swait.ge [sflag:s28], $0x1400  }
0x151: {  	[sflag:s28] =	ssyncset.done $0x0  }
0x152: {  	s6 =	rddreg [dreg:$0x10];
	[sflag:s28] =	ssyncadd.s32 $0xFFFFEC00  }
0x153: {  	[tilespmem:s30], [sflag:$0x5] =	stream.linear.gather [spmem:s6], $0x1400, $0x38;
	[tilespmem:$0x11490] =	vst v63  }
0x154: {  	_ =	swait.ge [sflag:s28], $0x1400  }
0x155: {  	[sflag:s28] =	ssyncset.done $0x0  }
0x156: {  	s16 =	rddreg [dreg:$0x7];
	[sflag:s28] =	ssyncadd.s32 $0xFFFFEC00  }
0x157: {  	[hbm4b:s16+s4] =	stream.linear.scatter [tilespmem:s30], [sflag:$0x5], $0x1400, $0x38;
	[tilespmem:$0x11490] =	vst v63  }
0x158: {  	_ =	swait.ge [sflag:s28], $0x1400  }
0x159: {  	[sflag:s28] =	ssyncset.done $0x0  }
0x15a: {  	s7 =	rddreg [dreg:$0x11];
	[sflag:s28] =	ssyncadd.s32 $0xFFFFEC00  }
0x15b: {  	[tilespmem:s30], [sflag:$0x5] =	stream.linear.gather [spmem:s7], $0x1400, $0x38;
	[tilespmem:$0x11490] =	vst v63  }
0x15c: {  	_ =	swait.ge [sflag:s28], $0x1400  }
0x15d: {  	[sflag:s28] =	ssyncset.done $0x0  }
0x15e: {  	s17 =	rddreg [dreg:$0x8];
	[sflag:s28] =	ssyncadd.s32 $0xFFFFEC00  }
0x15f: {  	[hbm4b:s17+s4] =	stream.linear.scatter [tilespmem:s30], [sflag:$0x5], $0x1400, $0x38;
	[tilespmem:$0x11490] =	vst v63  }
0x160: {  	_ =	swait.ge [sflag:s28], $0x1400  }
0x161: {  	[sflag:s28] =	ssyncset.done $0x0  }
0x162: {  	s14 =	rddreg [dreg:$0x12];
	[sflag:s28] =	ssyncadd.s32 $0xFFFFEC00  }
0x163: {  	[tilespmem:s30], [sflag:$0x5] =	stream.linear.gather [spmem:s14], $0x1400, $0x38;
	[tilespmem:$0x11490] =	vst v63  }
0x164: {  	_ =	swait.ge [sflag:s28], $0x1400  }
0x165: {  	[sflag:s28] =	ssyncset.done $0x0  }
0x166: {  	s18 =	rddreg [dreg:$0x9];
	[sflag:s28] =	ssyncadd.s32 $0xFFFFEC00  }
0x167: {  	[hbm4b:s18+s4] =	stream.linear.scatter [tilespmem:s30], [sflag:$0x5], $0x1400, $0x38;
	[tilespmem:$0x11490] =	vst v63  }
0x168: {  	_ =	swait.ge [sflag:s28], $0x1400  }
0x169: {  	[sflag:s28] =	ssyncset.done $0x0  }
0x16a: {  	s16 =	rddreg [dreg:$0x13];
	[sflag:s28] =	ssyncadd.s32 $0xFFFFEC00  }
0x16b: {  	[tilespmem:s30], [sflag:$0x5] =	stream.linear.gather [spmem:s16], $0x1400, $0x38;
	[tilespmem:$0x11490] =	vst v63  }
0x16c: {  	_ =	swait.ge [sflag:s28], $0x1400  }
0x16d: {  	[sflag:s28] =	ssyncset.done $0x0  }
0x16e: {  	s19 =	rddreg [dreg:$0xa];
	[sflag:s28] =	ssyncadd.s32 $0xFFFFEC00  }
0x16f: {  	[hbm4b:s19+s4] =	stream.linear.scatter [tilespmem:s30], [sflag:$0x5], $0x1400, $0x38;
	[tilespmem:$0x11490] =	vst v63  }
0x170: {  	_ =	swait.ge [sflag:s28], $0x1400  }
0x171: {  	[sflag:s28] =	ssyncset.done $0x0  }
0x172: {  	s17 =	rddreg [dreg:$0x14];
	[sflag:s28] =	ssyncadd.s32 $0xFFFFEC00  }
0x173: {  	[tilespmem:s30], [sflag:$0x5] =	stream.linear.gather [spmem:s17], $0x1400, $0x38;
	[tilespmem:$0x11490] =	vst v63  }
0x174: {  	_ =	swait.ge [sflag:s28], $0x1400  }
0x175: {  	[sflag:s28] =	ssyncset.done $0x0  }
0x176: {  	s29 =	rddreg [dreg:$0xb];
	[sflag:s28] =	ssyncadd.s32 $0xFFFFEC00  }
0x177: {  	[hbm4b:s29+s4] =	stream.linear.scatter [tilespmem:s30], [sflag:$0x5], $0x1400, $0x38;
	[tilespmem:$0x11490] =	vst v63  }
0x178: {  	_ =	swait.ge [sflag:s28], $0x1400  }
0x179: {  	[sflag:s28] =	ssyncset.done $0x0  }
0x17a: {  	s18 =	rddreg [dreg:$0x15];
	[sflag:s28] =	ssyncadd.s32 $0xFFFFEC00  }
0x17b: {  	[tilespmem:s30], [sflag:$0x5] =	stream.linear.gather [spmem:s18], $0x1400, $0x38;
	[tilespmem:$0x11490] =	vst v63  }
0x17c: {  	_ =	swait.ge [sflag:s28], $0x1400  }
0x17d: {  	[sflag:s28] =	ssyncset.done $0x0  }
0x17e: {  	s12 =	rddreg [dreg:$0xc];
	[sflag:s28] =	ssyncadd.s32 $0xFFFFEC00  }
0x17f: {  	[hbm4b:s12+s4] =	stream.linear.scatter [tilespmem:s30], [sflag:$0x5], $0x1400, $0x38;
	[tilespmem:$0x11490] =	vst v63  }
0x180: {  	_ =	swait.ge [sflag:s28], $0x1400  }
0x181: {  	s9 =	simm.s32 @!p0 $0x5;
	[sflag:s28] =	ssyncset.done $0x0  }
0x182: {  	s4 =	simm.s32 @!p0 $0x1450;
	s19 =	rddreg [dreg:$0x16];
	[sflag:s28] =	ssyncadd.s32 $0xFFFFEC00  }
0x183: {  	[tilespmem:s4], [sflag:$0x5] =	stream.linear.gather @!p0 [spmem:s19], $0x1400, $0x38;
	[tilespmem:$0x11490] =	vst v63  }
0x184: {  	_ =	swait.ge @!p0 [sflag:s9], $0x1400  }
0x185: {  	[sflag:s9] =	ssyncset.done @!p0 $0x0  }
0x186: {  	s12 =	simm.s32 @!p0 $0x0;
	s13 =	rddreg [dreg:$0xd];
	[sflag:s9] =	ssyncadd.s32 @!p0 $0xFFFFEC00  }
0x187: {  	[hbm4b:s13+s12] =	stream.linear.scatter @!p0 [tilespmem:s4], [sflag:$0x5], $0x1400, $0x38;
	[tilespmem:$0x11490] =	vst v63  }
0x188: {  	_ =	swait.ge @!p0 [sflag:s9], $0x1400  }
0x189: {  	s13 =	rddreg [dreg:$0x1a]  }
0x18a: {  	s12 =	smov.u32 s3;
	s29 =	rddreg [dreg:$0x17];
	s3 =	sadd.s32 $0x1, s13  }
0x18b: {  	p1 =	sne.s32 s3, s29  }
.Ltmp1:
0x18c: {  	_ = 	snop;
	(pc) =	sbr.rel @p1 .LBB2_1-.Ltmp1, $3  }
0x18d: {  	_ =	sdelay $0x1  }
0x18e: {  	[sflag:s9] =	ssyncset.done @!p0 $0x0  }
0x18f: {  	[sflag:s9] =	ssyncadd.s32 @!p0 $0xFFFFEC00;
	s13 =	simm.s32 $0xA28  }
0x190: {  	_ =	sfence.sel $0x180000  }
0x191: {  	[bflag:$0x0] =	sbarrier.arrive $0xFFFF  }
0x192: {  	_ =	strace $0x9000004A  }
0x193: {  	s0 =	stileid.u32;
	[bflag:$0x2] =	sbarrier.arrive $0xFFFF  }
0x194: {  	p0 =	sne.s32 s0, $0x0;
	s0 =	rddreg [dreg:$0x3]  }
0x195: {  	s0 =	sadd.s32 @!p0 $0x100000, s0  }
0x196: {  	[sflag:s0] =	ssyncadd.tile.s32 @!p0 $0x1;
	_ =	shalt  }
.Lfunc_end2:
_tile_overlayer_lowered:
.L_overlay_start_2:
0x197: {  	(tag) =	ssettag $0x2  }
0x198: {  	s0 =	rddreg [dreg:$0x0];
	s2 =	stileid.u32  }
0x199: {  	s1 =	rddreg [dreg:$0x1];
	p0 =	sne.s32 s2, $0x0  }
0x19a: {  	s3 =	rddreg [dreg:$0x2];
	[bflag:$0x3] =	sbarrier.arrive $0xFFFF;
	s2 =	simm.s32 @!p0 $0x1C05  }
0x19b: {  	[timem:s3], [sflag:s2] =	dma.local @!p0 [hbm:s0], s1  }
0x19c: {  	s0 =	simm.s32 @!p0 $0x5  }
0x19d: {  	_ =	swait.ge @!p0 [sflag:s0], s1  }
0x19e: {  	s1 =	ssub.s32 @!p0 $0x0, s1;
	[sflag:s0] =	ssyncset.done @!p0 $0x0  }
0x19f: {  	[sflag:s0] =	ssyncadd.s32 @!p0 s1  }
0x1a0: {  	[bflag:$0x3] =	sbarrier.arrive $0xFFFF  }
0x1a1: {  	_ =	shalt  }

// kernel: kernel.7.cloned.1.call-start
scs
__scs_entry_jumppad:
0x0: {  	(pc) =	sbr.rel $0x88, $3  }
0x1: {  	(tag) =	ssettag $0x0;
	lr =	simm.s32 $0x1  }
0x2: {  	[smem:$0x3F9B] =	sst lr;
	_ =	strace $0xD0000000  }
0x3: {  	_ = 	snop  }
0x4: {  	_ = 	snop  }
0x5: {  	_ = 	snop  }
0x6: {  	_ = 	snop  }
0x7: {  	_ = 	snop  }
__scs_overlays_trampoline_lowered:
0x8: {  	[smem:$0x3FAA] =	sst s0  }
0x9: {  	[smem:$0x3FAB] =	sst s1  }
0xa: {  	[smem:$0x3FAC] =	sst s2  }
0xb: {  	[smem:$0x3FAD] =	sst s3  }
0xc: {  	[smem:$0x3FAE] =	sst s4  }
0xd: {  	[smem:$0x3FAF] =	sst s5  }
0xe: {  	[smem:$0x3FB0] =	sst s6  }
0xf: {  	[smem:$0x3FB1] =	sst s7  }
0x10: {  	[smem:$0x3FB2] =	sst s8  }
0x11: {  	[smem:$0x3FB3] =	sst s9;
	s0 =	simm.s32 @!p0 $0x0  }
0x12: {  	s1 =	sld [smem:$0x3F99];
	s0 =	simm.s32 @p0 $0x1  }
0x13: {  	[smem:$0x3FB4] =	sst s0;
	s0 =	simm.s32 @!p1 $0x0  }
0x14: {  	s2 =	sld [smem:$0x3F98];
	s0 =	simm.s32 @p1 $0x1  }
0x15: {  	[smem:$0x3FB5] =	sst s0;
	s0 =	simm.s32 @!p2 $0x0  }
0x16: {  	s3 =	sld [smem:$0x3FDB];
	s0 =	simm.s32 @p2 $0x1  }
0x17: {  	s4 =	simm.s32 $0x1BF5;
	[smem:$0x3FB7] =	sst s0  }
0x18: {  	s0 =	sld [smem:$0x3F9A];
	_ =	swait.ge [sflag:s4], $0x0  }
0x19: {  	s7 =	sld [smem:$0x3F9B]  }
0x1a: {  	s8 =	sadd.s32 $0xFFFFE003, lr  }
0x1b: {  	s9 =	sadd.s32 $0xFFFFFEF7, lr;
	s5 =	simm.s32 $0xFFFFFFFF;
	p2 =	slt.u32 s8, $0xFFFFF086  }
0x1c: {  	p1 =	slt.u32 s9, $0xF7A;
	s5 =	simm.s32 @!p2 $0x0  }
0x1d: {  	s5 =	simm.s32 @p1 $0x1;
	p0 =	seq.s32 s7, s2  }
0x1e: {  	s7 =	smul.u32 @!p0 $0xF7A, s2;
	p2 =	seq.s32 @!p0 s5, $0x0  }
0x1f: {  	s9 =	smul.u32 $0xF7A, s1;
	s8 =	simm.s32 @!p0 $0x1BF5;
	p2 =	por !p2, p0  }
0x20: {  	[sflag:s8] =	ssyncset.s32 @!p0 $0xFFFFF086;
	s6 =	sadd.s32 @!p0 s3, s7;
	s7 =	simm.s32 @!p0 $0x108  }
0x21: {  	s3 =	sadd.s32 s3, s9;
	s6 =	sadd.s32 @!p0 $0x88, s6;
	s7 =	simm.s32 @p2 $0x1082  }
0x22: {  	[simem:s7], [sflag:s8] =	dma.local @!p0 [hbm:s6], $0xF7A  }
0x23: {  	s9 =	sor.u32 $0xD0000000, s2;
	s6 =	simm.s32 $0x108;
	_ =	swait.ge @!p0 [sflag:s8], $0x0  }
0x24: {  	s3 =	sadd.s32 $0x88, s3;
	s6 =	simm.s32 @!p1 $0x1082;
	[sflag:s4] =	ssyncset.s32 $0xFFFFF086  }
0x25: {  	[simem:s6], [sflag:s4] =	dma.local [hbm:s3], $0xF7A  }
0x26: {  	[smem:$0x3F9B] =	sst s1;
	(tag) =	ssettag s2;
	_ =	strace s9  }
0x27: {  	s1 =	sld [smem:$0x3FAB]  }
0x28: {  	s2 =	sld [smem:$0x3FAC]  }
0x29: {  	s4 =	sld [smem:$0x3FAE]  }
0x2a: {  	p0 =	seq.s32 s5, $0x0;
	s5 =	sld [smem:$0x3FAF]  }
0x2b: {  	s6 =	sld [smem:$0x3FB0]  }
0x2c: {  	s7 =	sld [smem:$0x3FB1]  }
0x2d: {  	s3 =	simm.s32 $0x108;
	s8 =	sld [smem:$0x3FB2]  }
0x2e: {  	s3 =	simm.s32 @!p0 $0x1082;
	s9 =	sld [smem:$0x3FB3]  }
0x2f: {  	lr =	sadd.s32 s0, s3;
	s0 =	sld [smem:$0x3FAA]  }
0x30: {  	s3 =	sld [smem:$0x3FAD]  }
0x31: {  	[smem:$0x3FB6] =	sst s10  }
0x32: {  	s10 =	sld [smem:$0x3FB4];
	_ =	sdelay $0x3  }
0x33: {  	p0 =	seq.s32 s10, $0x1;
	s10 =	sld [smem:$0x3FB6];
	_ =	sdelay $0x3  }
0x34: {  	[smem:$0x3FB6] =	sst s10  }
0x35: {  	s10 =	sld [smem:$0x3FB5];
	_ =	sdelay $0x3  }
0x36: {  	p1 =	seq.s32 s10, $0x1;
	s10 =	sld [smem:$0x3FB6];
	_ =	sdelay $0x3  }
0x37: {  	[smem:$0x3FB6] =	sst s10  }
0x38: {  	s10 =	sld [smem:$0x3FB7]  }
0x39: {  	_ = 	snop;
	(pc) =	sbr.ind lr, $3  }
0x3a: {  	_ = 	snop  }
0x3b: {  	_ = 	snop  }
0x3c: {  	p2 =	seq.s32 s10, $0x1;
	s10 =	sld [smem:$0x3FB6]  }
0x3d: {  	_ =	shalt  }
0x3e: {  	_ =	shalt  }
0x3f: {  	_ =	shalt  }
0x40: {  	_ =	shalt  }
0x41: {  	_ =	shalt  }
0x42: {  	_ =	shalt  }
0x43: {  	_ =	shalt  }
0x44: {  	_ =	shalt  }
0x45: {  	_ =	shalt  }
0x46: {  	_ =	shalt  }
0x47: {  	_ =	shalt  }
0x48: {  	_ =	shalt  }
0x49: {  	_ =	shalt  }
0x4a: {  	_ =	shalt  }
0x4b: {  	_ =	shalt  }
0x4c: {  	_ =	shalt  }
0x4d: {  	_ =	shalt  }
0x4e: {  	_ =	shalt  }
0x4f: {  	_ =	shalt  }
0x50: {  	_ =	shalt  }
0x51: {  	_ =	shalt  }
0x52: {  	_ =	shalt  }
0x53: {  	_ =	shalt  }
0x54: {  	_ =	shalt  }
0x55: {  	_ =	shalt  }
0x56: {  	_ =	shalt  }
0x57: {  	_ =	shalt  }
0x58: {  	_ =	shalt  }
0x59: {  	_ =	shalt  }
0x5a: {  	_ =	shalt  }
0x5b: {  	_ =	shalt  }
0x5c: {  	_ =	shalt  }
0x5d: {  	_ =	shalt  }
0x5e: {  	_ =	shalt  }
0x5f: {  	_ =	shalt  }
0x60: {  	_ =	shalt  }
0x61: {  	_ =	shalt  }
0x62: {  	_ =	shalt  }
0x63: {  	_ =	shalt  }
0x64: {  	_ =	shalt  }
0x65: {  	_ =	shalt  }
0x66: {  	_ =	shalt  }
0x67: {  	_ =	shalt  }
0x68: {  	_ =	shalt  }
0x69: {  	_ =	shalt  }
0x6a: {  	_ =	shalt  }
0x6b: {  	_ =	shalt  }
0x6c: {  	_ =	shalt  }
0x6d: {  	_ =	shalt  }
0x6e: {  	_ =	shalt  }
0x6f: {  	_ =	shalt  }
0x70: {  	_ =	shalt  }
0x71: {  	_ =	shalt  }
0x72: {  	_ =	shalt  }
0x73: {  	_ =	shalt  }
0x74: {  	_ =	shalt  }
0x75: {  	_ =	shalt  }
0x76: {  	_ =	shalt  }
0x77: {  	_ =	shalt  }
0x78: {  	_ =	shalt  }
0x79: {  	_ =	shalt  }
0x7a: {  	_ =	shalt  }
0x7b: {  	_ =	shalt  }
0x7c: {  	_ =	shalt  }
0x7d: {  	_ =	shalt  }
0x7e: {  	_ =	shalt  }
0x7f: {  	_ =	shalt  }
0x80: {  	_ =	shalt  }
0x81: {  	_ =	shalt  }
0x82: {  	_ =	shalt  }
0x83: {  	_ =	shalt  }
0x84: {  	_ =	shalt  }
0x85: {  	_ =	shalt  }
0x86: {  	_ =	shalt  }
0x87: {  	_ =	shalt  }
.Lfunc_end0:
.L_simem_size_0:
called_computation_lowered:
.L_overlay_start_0:
0x88: {  	s2 =	sld [smem:$0x3FD9]  }
0x89: {  	s3 =	sld [smem:$0x3FFE];
	_ =	sdelay $0x1  }
0x8a: {  	s1 =	srdreg.scid  }
0x8b: {  	s0 =	sand.u32 $0x1, s1  }
0x8c: {  	s17 =	sshll.u32 s0, $0xA;
	s2 =	sadd.s32 s3, s2  }
0x8d: {  	s2 =	sadd.s32 s2, s17  }
0x8e: {  	[smem:$0x3FC2] =	sst s2  }
0x8f: {  	_ = 	snop  }
0x90: {  	s2 =	sld [smem:$0x3FD0];
	(tm) =	ssettm $0x1  }
0x91: {  	s18 =	sld [smem:$0x3FFB];
	_ =	sdelay $0x3  }
0x92: {  	_ =	strace s18  }
0x93: {  	s3 =	sld [smem:$0x3FFC];
	_ =	sdelay $0x3  }
0x94: {  	_ =	strace s3  }
0x95: {  	s3 =	sld [smem:$0x3FFD];
	_ =	sdelay $0x3  }
0x96: {  	_ =	strace s3  }
0x97: {  	_ =	strace $0x8FFFFFFF  }
0x98: {  	s19 =	sld [smem:$0x3FDB];
	_ =	sdelay $0x1  }
0x99: {  	s4 =	simm.s32 $_scs_section_size  }
0x9a: {  	s5 =	simm.s32 $_size__tile_overlayer_lowered;
	s6 =	simm.s32 $_tile_overlayer_lowered  }
0x9b: {  	s22 =	simm.s32 $0x1BFF;
	s21 =	sshll.u32 s6, $0x1;
	s3 =	sadd.s32 s4, s19  }
0x9c: {  	s7 =	simm.s32 $0x0;
	s20 =	sshll.u32 s5, $0x1;
	s5 =	sadd.s32 s21, s3  }
0x9d: {  	[timem:s7], [sflag:s22] =	dma.local [hbm:s5], s20  }
0x9e: {  	_ =	swait.ge [sflag:s22], s20  }
0x9f: {  	s4 =	ssub.s32 $0x0, s20;
	[sflag:s22] =	ssyncset.done $0x0  }
0xa0: {  	[sflag:s22] =	ssyncadd.s32 s4;
	_ =	sdelay $0x1  }
0xa1: {  	s23 =	simm.s32 $0x1B8B  }
0xa2: {  	_ =	swait.ge [sflag:s23], $0x1  }
0xa3: {  	[sflag:s23] =	ssyncset.done $0x0  }
0xa4: {  	s25 =	simm.s32 $0x1B8E;
	s24 =	sld [smem:$0x3FFE];
	[sflag:s23] =	ssyncadd.s32 $0xFFFFFFFF  }
0xa5: {  	s26 =	simm.s32 $execute0_lowered;
	[smem:$0x3FD2] =	sst s25  }
0xa6: {  	s5 =	sshll.u32 s26, $0x1;
	_ =	strace $0x80000046;
	[dreg:$0x1] =	wrdreg $0xFFFFFFFF  }
0xa7: {  	s28 =	simm.s32 $_size_execute0_lowered;
	s3 =	sadd.s32 s3, s5;
	[dreg:$0x0] =	wrdreg $0x0  }
0xa8: {  	s5 =	sshll.u32 s28, $0x1;
	[dreg:$0x2] =	wrdreg s3  }
0xa9: {  	[dreg:$0x3] =	wrdreg s5  }
0xaa: {  	[dreg:$0x4] =	wrdreg $0xC0  }
0xab: {  	_ =	task [dreg:s7], $0x5FFFF  }
0xac: {  	[dreg:$0x1] =	wrdreg $0xFFFFFFFF  }
0xad: {  	[dreg:$0x0] =	wrdreg $0x60  }
0xae: {  	[dreg:$0x2] =	wrdreg s24  }
0xaf: {  	[dreg:$0x3] =	wrdreg s2  }
0xb0: {  	[dreg:$0x4] =	wrdreg $0xC0000  }
0xb1: {  	[dreg:$0x5] =	wrdreg $0x9  }
0xb2: {  	_ =	task.clear_ibuf [dreg:s7], $0x6FFFF;
	_ =	strace $0x90000046  }
0xb3: {  	s29 =	simm.s32 $0x9;
	_ =	strace $0x80000048  }
0xb4: {  	_ =	swait.ge [sflag:s29], $0x1  }
0xb5: {  	[sflag:s29] =	ssyncadd.s32 $0xFFFFFFFF  }
0xb6: {  	_ =	strace $0x90000048  }
0xb7: {  	_ =	sfence  }
0xb8: {  	s30 =	sld [smem:$0x0];
	_ =	sdelay $0x2  }
0xb9: {  	s31 =	sshll.u32 s1, $0xD;
	s1 =	sshrl.u32 s1, $0x2  }
0xba: {  	s3 =	sand.u32 $0x4000, s31;
	s1 =	sadd.s32 s1, s30  }
0xbb: {  	s0 =	sor.u32 s3, s0;
	s1 =	sshll.u32 s1, $0x11  }
0xbc: {  	s0 =	sor.u32 s1, s0  }
0xbd: {  	s0 =	sadd.s32 $0x8F2B, s0  }
0xbe: {  	[sflag:s0] =	ssyncadd.remote.s32 $0x1  }
0xbf: {  	_ =	sfence.sel $0xFFFF  }
0xc0: {  	[dreg:$0x0] =	wrdreg $0xFFFFFFFF;
	(pc) =	sbr.abs _section_cstart, $3  }
0xc1: {  	[dreg:$0x1] =	wrdreg $0xFFFFFFFF  }
0xc2: {  	_ =	task.clear_ibuf [dreg:s7], $0x2FFFF;
	_ =	strace $0x9FFFFFFF  }
0xc3: {  	(tm) =	ssettm $0x7FFFFFFF  }
tec
execute0_lowered:
.L_overlay_start_1:
0x0: {  	(tag) =	ssettag $0x1  }
0x1: {  	s26 =	stileid.u32  }
0x2: {  	s13 =	smul.u32 $0x5000, s26  }
0x3: {  	s0 =	srdreg.scid;
	s15 =	smul.u32 $0x50, s26  }
0x4: {  	s0 =	sand.u32 $0x1, s0;
	s23 =	smul.u32 $0xA00, s26  }
0x5: {  	s4 =	smul.u32 $0x27100, s0  }
0x6: {  	s11 =	sor.u32 $0x10, s26;
	s14 =	smul.u32 $0x2710, s0  }
0x7: {  	s10 =	sor.u32 $0x20, s26;
	s16 =	smul.u32 $0x50, s11  }
0x8: {  	s9 =	rddreg [dreg:$0x0];
	s8 =	sor.u32 $0x30, s26;
	s18 =	smul.u32 $0x50, s10  }
0x9: {  	s12 =	rddreg [dreg:$0x1];
	s7 =	sor.u32 $0x40, s26;
	s19 =	smul.u32 $0x50, s8  }
0xa: {  	s2 =	rddreg [dreg:$0x2];
	s6 =	sor.u32 $0x50, s26;
	s20 =	smul.u32 $0x50, s7  }
0xb: {  	s3 =	simm.s32 $0x0;
	s5 =	sor.u32 $0x60, s26;
	s21 =	smul.u32 $0x50, s6  }
0xc: {  	[smem:$0x7FF] =	sst s3;
	s17 =	sadd.s32 $0x1000, s9;
	s22 =	smul.u32 $0x50, s5  }
0xd: {  	_ =	strace $0x80000047;
	s0 =	ssub.s32 $0x2, s0;
	s11 =	smul.u32 $0xA000, s11  }
0xe: {  	s8 =	smul.u32 $0xA000, s8;
	s1 =	sshrl.u32 s0, $0x1;
	s25 =	sadd.s32 s23, s17  }
0xf: {  	s13 =	sshrl.u32 s13, $0x3;
	s0 =	ssub.s32 s0, s1;
	s1 =	sor.u32 $0x70, s26  }
0x10: {  	s16 =	sadd.s32 s14, s16;
	[dreg:$0x4] =	wrdreg s25;
	s17 =	sadd.s32 s17, s13  }
0x11: {  	s19 =	sadd.s32 s14, s19;
	s13 =	sadd.s32 s12, s13;
	[smem:$0x7DE] =	sst s17  }
0x12: {  	s4 =	sadd.s32 s4, s9;
	s12 =	sadd.s32 s23, s12;
	[smem:$0x7DF] =	sst s13  }
0x13: {  	s23 =	sshll.u32 s16, $0x4;
	[dreg:$0x5] =	wrdreg s12;
	s17 =	simm.s32 $0x80  }
0x14: {  	s16 =	sshll.u32 s19, $0x4;
	s19 =	simm.s32 $0x100;
	[dreg:$0x6] =	wrdreg s17  }
0x15: {  	s13 =	sadd.s32 $0x59800, s9;
	s9 =	sadd.s32 $0x59200, s9;
	[dreg:$0x7] =	wrdreg s19  }
0x16: {  	s11 =	sshrl.u32 s11, $0x2;
	s12 =	simm.s32 $0x480;
	[smem:$0x7E8] =	sst s9  }
0x17: {  	s8 =	sshrl.u32 s8, $0x2;
	s11 =	sadd.s32 s11, s2;
	[dreg:$0x13] =	wrdreg s12  }
0x18: {  	s15 =	sadd.s32 s15, s14;
	s8 =	sadd.s32 s8, s2;
	[smem:$0x7E9] =	sst s11  }
0x19: {  	s15 =	sshll.u32 s15, $0x4;
	s0 =	smax.u32 s0, $0x1;
	[smem:$0x7EA] =	sst s8  }
0x1a: {  	s18 =	sadd.s32 s14, s18;
	s15 =	sadd.s32 s13, s15;
	[smem:$0x7F4] =	sst s0  }
0x1b: {  	s20 =	sadd.s32 s14, s20;
	s17 =	simm.s32 $0x1100;
	[smem:$0x7E0] =	sst s15  }
0x1c: {  	s21 =	sadd.s32 s14, s21;
	s19 =	simm.s32 $0x1180;
	[dreg:$0xc] =	wrdreg s17  }
0x1d: {  	s24 =	smul.u32 $0x50, s1;
	s9 =	simm.s32 $0x780;
	[dreg:$0xe] =	wrdreg s19  }
0x1e: {  	s22 =	sadd.s32 s14, s22;
	s11 =	simm.s32 $0x800;
	[dreg:$0x1f] =	wrdreg s9  }
0x1f: {  	s12 =	simm.s32 $0x1680;
	s14 =	sadd.s32 s14, s24;
	[smem:$0x7EC] =	sst s11  }
0x20: {  	s24 =	sshll.u32 s18, $0x4;
	s15 =	sadd.s32 s13, s23;
	[smem:$0x7ED] =	sst s12  }
0x21: {  	s18 =	sshll.u32 s20, $0x4;
	s20 =	simm.s32 $0x180;
	[smem:$0x7E1] =	sst s15  }
0x22: {  	s23 =	simm.s32 $0x200;
	[dreg:$0x8] =	wrdreg s20  }
0x23: {  	s17 =	simm.s32 $0x1400;
	[dreg:$0x9] =	wrdreg s23  }
0x24: {  	s25 =	sadd.s32 s13, s24;
	[dreg:$0x18] =	wrdreg s17  }
0x25: {  	s1 =	smul.u32 $0xA000, s1;
	s15 =	sadd.s32 s13, s16;
	[smem:$0x7E2] =	sst s25  }
0x26: {  	s24 =	simm.s32 $0x1080;
	[smem:$0x7E3] =	sst s15  }
0x27: {  	s1 =	sshrl.u32 s1, $0x2;
	s16 =	simm.s32 $0x280;
	[dreg:$0xa] =	wrdreg s24  }
0x28: {  	s1 =	sadd.s32 s1, s2;
	[dreg:$0xb] =	wrdreg s16  }
0x29: {  	p0 =	sgt.u32 s26, $0xC;
	s17 =	simm.s32 $0x980;
	[smem:$0x7F1] =	sst s1  }
0x2a: {  	s20 =	smul.u32 $0xA000, s26;
	s26 =	simm.s32 $0x1880;
	[smem:$0x7F3] =	sst s17  }
0x2b: {  	s15 =	sadd.s32 s13, s18;
	[smem:$0x7F7] =	sst s26  }
0x2c: {  	s18 =	simm.s32 $0x300;
	[smem:$0x7E4] =	sst s15  }
0x2d: {  	s25 =	sshll.u32 s22, $0x4;
	s22 =	simm.s32 $0x1200;
	[dreg:$0xd] =	wrdreg s18  }
0x2e: {  	s28 =	simm.s32 $0x2000;
	s24 =	simm.s32 $0x400;
	[dreg:$0x10] =	wrdreg s22  }
0x2f: {  	s29 =	simm.s32 $0x50;
	s16 =	simm.s32 $0x580;
	[dreg:$0x11] =	wrdreg s24  }
0x30: {  	s21 =	sshll.u32 s21, $0x4;
	s17 =	simm.s32 $0x0;
	[dreg:$0x17] =	wrdreg s16  }
0x31: {  	s30 =	simm.s32 $0x4800;
	s15 =	sadd.s32 s13, s21;
	[smem:$0x7F8] =	sst s17  }
0x32: {  	s10 =	smul.u32 $0xA000, s10;
	s21 =	simm.s32 $0x380;
	[smem:$0x7E5] =	sst s15  }
0x33: {  	s23 =	sshrl.u32 s20, $0x2;
	s20 =	simm.s32 $0x600;
	[dreg:$0xf] =	wrdreg s21  }
0x34: {  	s7 =	smul.u32 $0xA000, s7;
	s22 =	simm.s32 $0x680;
	[dreg:$0x19] =	wrdreg s20  }
0x35: {  	s10 =	sshrl.u32 s10, $0x2;
	s24 =	simm.s32 $0x700;
	[dreg:$0x1b] =	wrdreg s22  }
0x36: {  	s18 =	sadd.s32 s10, s2;
	s10 =	simm.s32 $0x1600;
	[dreg:$0x1d] =	wrdreg s24  }
0x37: {  	s6 =	smul.u32 $0xA000, s6;
	s16 =	simm.s32 $0x1780;
	[smem:$0x7EB] =	sst s10  }
0x38: {  	s31 =	simm.s32 $0x7000;
	s5 =	smul.u32 $0xA000, s5;
	[smem:$0x7F2] =	sst s16  }
0x39: {  	s14 =	sshll.u32 s14, $0x4;
	s15 =	sadd.s32 s13, s25;
	[smem:$0x7FA] =	sst s18  }
0x3a: {  	s7 =	sshrl.u32 s7, $0x2;
	s13 =	sadd.s32 s13, s14;
	[smem:$0x7E6] =	sst s15  }
0x3b: {  	s6 =	sshrl.u32 s6, $0x2;
	s25 =	simm.s32 $0x1280;
	[smem:$0x7E7] =	sst s13  }
0x3c: {  	s5 =	sshrl.u32 s5, $0x2;
	s14 =	simm.s32 $0x500;
	[dreg:$0x12] =	wrdreg s25  }
0x3d: {  	s0 =	simm.s32 $0x9800;
	s21 =	simm.s32 $0x1480;
	[dreg:$0x15] =	wrdreg s14  }
0x3e: {  	s19 =	sadd.s32 s23, s2;
	s23 =	simm.s32 $0x1500;
	[dreg:$0x1a] =	wrdreg s21  }
0x3f: {  	s8 =	simm.s32 $0x1900;
	s24 =	simm.s32 $0x1800;
	[dreg:$0x1c] =	wrdreg s23  }
0x40: {  	s9 =	simm.s32 $0xB00;
	s11 =	simm.s32 $0xB80;
	[smem:$0x7F5] =	sst s24  }
0x41: {  	s12 =	simm.s32 $0x1A00;
	s20 =	sadd.s32 s7, s2;
	[smem:$0x7F9] =	sst s19  }
0x42: {  	s26 =	simm.s32 $0x1000;
	s22 =	sadd.s32 s5, s2;
	[smem:$0x7FB] =	sst s20  }
0x43: {  	s1 =	simm.s32 $0x1;
	s13 =	simm.s32 $0x1300;
	[smem:$0x7FD] =	sst s22  }
0x44: {  	s5 =	simm.s32 $0x3;
	s15 =	simm.s32 $0x1380;
	[dreg:$0x14] =	wrdreg s13  }
0x45: {  	s7 =	simm.s32 $0xA80;
	s25 =	simm.s32 $0x1580;
	[dreg:$0x16] =	wrdreg s15  }
0x46: {  	s10 =	simm.s32 $0x1980;
	s14 =	simm.s32 $0x1700;
	[dreg:$0x1e] =	wrdreg s25  }
0x47: {  	s16 =	simm.s32 $0x1C00;
	s21 =	sadd.s32 s6, s2;
	[smem:$0x7EF] =	sst s14  }
0x48: {  	s23 =	sadd.s32 $0xB000, s4;
	s13 =	simm.s32 $0x880;
	[smem:$0x7FC] =	sst s21  }
0x49: {  	s4 =	simm.s32 $0x2;
	s15 =	simm.s32 $0x900;
	[smem:$0x7EE] =	sst s13  }
0x4a: {  	s6 =	simm.s32 $0x4;
	s25 =	simm.s32 $0xA00;
	[smem:$0x7F0] =	sst s15  }
0x4b: {  	s24 =	simm.s32 $0x1B00;
	s14 =	simm.s32 $0x1A80;
	[smem:$0x7F6] =	sst s25  }
0x4c: {  	s25 =	simm.s32 $0x5;
	s13 =	simm.s32 $0xC00;
	s15 =	simm.s32 $0x1B80  }
.LBB2_1:
0x4d: {  	s17 =	sld [smem:$0x7DF];
	_ =	sdelay $0x2  }
0x4e: {  	[tilespmem:s3], [sflag:$0x5] =	stream.linear.gather [hbm4b:s17+s3], $0xC80, $0x38;
	[tilespmem:$0x1F880] =	vst v63  }
0x4f: {  	_ =	swait.ge [sflag:s25], $0xC80  }
0x50: {  	s17 =	sld [smem:$0x7DE]  }
0x51: {  	[sflag:s25] =	ssyncset.done $0x0  }
0x52: {  	[sflag:s25] =	ssyncadd.s32 $0xFFFFF380  }
0x53: {  	[tilespmem:s26], [sflag:$0x5] =	stream.linear.gather [hbm4b:s17+s3], $0xC80, $0x38;
	[tilespmem:$0x1F880] =	vst v63  }
0x54: {  	_ =	swait.ge [sflag:s25], $0xC80  }
0x55: {  	s17 =	sld [smem:$0x7E8]  }
0x56: {  	[sflag:s25] =	ssyncset.done $0x0  }
0x57: {  	[sflag:s25] =	ssyncadd.s32 $0xFFFFF380  }
0x58: {  	[tilespmem:s28], [sflag:$0x5] =	stream.linear.gather [hbm4b:s17+s3], $0x2800, $0x38;
	[tilespmem:$0x1F880] =	vst v63  }
0x59: {  	_ =	swait.ge [sflag:s25], $0x2800  }
0x5a: {  	[sflag:s25] =	ssyncset.done $0x0  }
0x5b: {  	[sflag:s25] =	ssyncadd.s32 $0xFFFFD800  }
0x5c: {  	[spmem:s19] =	stream.linear.scatter [tilespmem:s28], [sflag:$0x5], $0x2800, $0x38;
	[tilespmem:$0x1F880] =	vst v63  }
0x5d: {  	_ =	swait.ge [sflag:s25], $0x2800  }
0x5e: {  	s19 =	sld [smem:$0x7E9]  }
0x5f: {  	[sflag:s25] =	ssyncset.done $0x0  }
0x60: {  	[sflag:s25] =	ssyncadd.s32 $0xFFFFD800  }
0x61: {  	[spmem:s19] =	stream.linear.scatter [tilespmem:s28], [sflag:$0x5], $0x2800, $0x38;
	[tilespmem:$0x1F880] =	vst v63  }
0x62: {  	_ =	swait.ge [sflag:s25], $0x2800  }
0x63: {  	[sflag:s25] =	ssyncset.done $0x0  }
0x64: {  	[sflag:s25] =	ssyncadd.s32 $0xFFFFD800  }
0x65: {  	[spmem:s18] =	stream.linear.scatter [tilespmem:s28], [sflag:$0x5], $0x2800, $0x38;
	[tilespmem:$0x1F880] =	vst v63  }
0x66: {  	_ =	swait.ge [sflag:s25], $0x2800  }
0x67: {  	s18 =	sld [smem:$0x7EA]  }
0x68: {  	[sflag:s25] =	ssyncset.done $0x0  }
0x69: {  	[sflag:s25] =	ssyncadd.s32 $0xFFFFD800  }
0x6a: {  	[spmem:s18] =	stream.linear.scatter [tilespmem:s28], [sflag:$0x5], $0x2800, $0x38;
	[tilespmem:$0x1F880] =	vst v63  }
0x6b: {  	_ =	swait.ge [sflag:s25], $0x2800  }
0x6c: {  	[sflag:s25] =	ssyncset.done $0x0  }
0x6d: {  	[sflag:s25] =	ssyncadd.s32 $0xFFFFD800  }
0x6e: {  	[spmem:s20] =	stream.linear.scatter [tilespmem:s28], [sflag:$0x5], $0x2800, $0x38;
	[tilespmem:$0x1F880] =	vst v63  }
0x6f: {  	_ =	swait.ge [sflag:s25], $0x2800  }
0x70: {  	[sflag:s25] =	ssyncset.done $0x0  }
0x71: {  	[sflag:s25] =	ssyncadd.s32 $0xFFFFD800  }
0x72: {  	[spmem:s21] =	stream.linear.scatter [tilespmem:s28], [sflag:$0x5], $0x2800, $0x38;
	[tilespmem:$0x1F880] =	vst v63  }
0x73: {  	_ =	swait.ge [sflag:s25], $0x2800  }
0x74: {  	[sflag:s25] =	ssyncset.done $0x0  }
0x75: {  	[sflag:s25] =	ssyncadd.s32 $0xFFFFD800  }
0x76: {  	[spmem:s22] =	stream.linear.scatter [tilespmem:s28], [sflag:$0x5], $0x2800, $0x38;
	[tilespmem:$0x1F880] =	vst v63  }
0x77: {  	_ =	swait.ge [sflag:s25], $0x2800  }
0x78: {  	s17 =	sld [smem:$0x7F1]  }
0x79: {  	[sflag:s25] =	ssyncset.done $0x0  }
0x7a: {  	s18 =	simm.s32 @!p0 $0x2000;
	[sflag:s25] =	ssyncadd.s32 $0xFFFFD800  }
0x7b: {  	[spmem:s17] =	stream.linear.scatter @!p0 [tilespmem:s18], [sflag:$0x5], $0x2800, $0x38;
	[tilespmem:$0x1F880] =	vst v63  }
0x7c: {  	s18 =	simm.s32 @!p0 $0x5  }
0x7d: {  	_ =	swait.ge @!p0 [sflag:s18], $0x2800  }
0x7e: {  	[sflag:s18] =	ssyncset.done @!p0 $0x0  }
0x7f: {  	[sflag:s18] =	ssyncadd.s32 @!p0 $0xFFFFD800  }
0x80: {  	[bflag:$0x0] =	sbarrier.arrive $0xFFFF  }
0x81: {  	p1 =	por $0x1, $0x1;
	s18 =	rddreg [dreg:$0x5]  }
0x82: {  	s19 =	simm.s32 @!p1 $0x0;
	s20 =	simm.s32 @!p1 $0x5;
	s18 =	sadd.s32 @!p1 $0x0, s18  }
0x83: {  	[tilespmem:s19], [sflag:$0x5] =	stream.linear.gather @!p1 [hbm4b:s18+s19], $0xC80, $0x38;
	[tilespmem:$0x1F880] =	vst v63  }
0x84: {  	_ =	swait.ge @!p1 [sflag:s20], $0xC80  }
0x85: {  	s18 =	rddreg [dreg:$0x4];
	[sflag:s20] =	ssyncset.done @!p1 $0x0  }
0x86: {  	s21 =	simm.s32 @!p1 $0x1000;
	[sflag:s20] =	ssyncadd.s32 @!p1 $0xFFFFF380;
	s18 =	sadd.s32 @!p1 $0x0, s18  }
0x87: {  	[tilespmem:s21], [sflag:$0x5] =	stream.linear.gather @!p1 [hbm4b:s18+s19], $0xC80, $0x38;
	[tilespmem:$0x1F880] =	vst v63  }
0x88: {  	_ =	swait.ge @!p1 [sflag:s20], $0xC80  }
0x89: {  	[sflag:s20] =	ssyncset.done @!p1 $0x0  }
0x8a: {  	[sflag:s20] =	ssyncadd.s32 @!p1 $0xFFFFF380  }
0x8b: {  	[tilespmem:s28], [sflag:$0x1] =	stream.indirect.gather [hbm4b:s23+s29], $0x80, s3, s29, $0xb8;
	[tilespmem:$0x1F880] =	vst v63  }
0x8c: {  	s19 =	rddreg [dreg:$0x6]  }
0x8d: {  	[tilespmem:s30], [sflag:$0x2] =	stream.indirect.gather [hbm4b:s23+s29], $0x80, s19, s29, $0xb8;
	[tilespmem:$0x1F880] =	vst v63  }
0x8e: {  	s20 =	rddreg [dreg:$0x7]  }
0x8f: {  	[tilespmem:s31], [sflag:$0x3] =	stream.indirect.gather [hbm4b:s23+s29], $0x80, s20, s29, $0xb8;
	[tilespmem:$0x1F880] =	vst v63  }
0x90: {  	_ =	swait.ge [sflag:s1], $0x2800  }
0x91: {  	[sflag:s1] =	ssyncset.done $0x0  }
0x92: {  	s21 =	rddreg [dreg:$0x8];
	[sflag:s1] =	ssyncadd.s32 $0xFFFFD800  }
0x93: {  	[tilespmem:s0], [sflag:$0x4] =	stream.indirect.gather [hbm4b:s23+s29], $0x80, s21, s29, $0xb8;
	[tilespmem:$0x1F880] =	vst v63  }
0x94: {  	_ = 	snop  }
0x95: {  	[spmem:s2] =	stream.indirect.scatter.add.f32 [tilespmem:s28], [sflag:$0x5], $0x80, s26, s29, $0xb8;
	[tilespmem:$0x1F880] =	vst v63  }
0x96: {  	_ =	swait.ge [sflag:s25], $0x2800  }
0x97: {  	[sflag:s25] =	ssyncset.done $0x0  }
0x98: {  	[sflag:s25] =	ssyncadd.s32 $0xFFFFD800  }
0x99: {  	_ =	swait.ge [sflag:s4], $0x2800  }
0x9a: {  	[sflag:s4] =	ssyncset.done $0x0  }
0x9b: {  	s22 =	rddreg [dreg:$0x9];
	[sflag:s4] =	ssyncadd.s32 $0xFFFFD800  }
0x9c: {  	[tilespmem:s28], [sflag:$0x1] =	stream.indirect.gather [hbm4b:s23+s29], $0x80, s22, s29, $0xb8;
	[tilespmem:$0x1F880] =	vst v63  }
0x9d: {  	s17 =	rddreg [dreg:$0xa]  }
0x9e: {  	[spmem:s2] =	stream.indirect.scatter.add.f32 [tilespmem:s30], [sflag:$0x5], $0x80, s17, s29, $0xb8;
	[tilespmem:$0x1F880] =	vst v63  }
0x9f: {  	_ =	swait.ge [sflag:s25], $0x2800  }
0xa0: {  	[sflag:s25] =	ssyncset.done $0x0  }
0xa1: {  	[sflag:s25] =	ssyncadd.s32 $0xFFFFD800  }
0xa2: {  	_ =	swait.ge [sflag:s5], $0x2800  }
0xa3: {  	[sflag:s5] =	ssyncset.done $0x0  }
0xa4: {  	s20 =	rddreg [dreg:$0xb];
	[sflag:s5] =	ssyncadd.s32 $0xFFFFD800  }
0xa5: {  	[tilespmem:s30], [sflag:$0x2] =	stream.indirect.gather [hbm4b:s23+s29], $0x80, s20, s29, $0xb8;
	[tilespmem:$0x1F880] =	vst v63  }
0xa6: {  	s21 =	rddreg [dreg:$0xc]  }
0xa7: {  	[spmem:s2] =	stream.indirect.scatter.add.f32 [tilespmem:s31], [sflag:$0x5], $0x80, s21, s29, $0xb8;
	[tilespmem:$0x1F880] =	vst v63  }
0xa8: {  	_ =	swait.ge [sflag:s25], $0x2800  }
0xa9: {  	[sflag:s25] =	ssyncset.done $0x0  }
0xaa: {  	[sflag:s25] =	ssyncadd.s32 $0xFFFFD800  }
0xab: {  	_ =	swait.ge [sflag:s6], $0x2800  }
0xac: {  	[sflag:s6] =	ssyncset.done $0x0  }
0xad: {  	s22 =	rddreg [dreg:$0xd];
	[sflag:s6] =	ssyncadd.s32 $0xFFFFD800  }
0xae: {  	[tilespmem:s31], [sflag:$0x3] =	stream.indirect.gather [hbm4b:s23+s29], $0x80, s22, s29, $0xb8;
	[tilespmem:$0x1F880] =	vst v63  }
0xaf: {  	s17 =	rddreg [dreg:$0xe]  }
0xb0: {  	[spmem:s2] =	stream.indirect.scatter.add.f32 [tilespmem:s0], [sflag:$0x5], $0x80, s17, s29, $0xb8;
	[tilespmem:$0x1F880] =	vst v63  }
0xb1: {  	_ =	swait.ge [sflag:s25], $0x2800  }
0xb2: {  	[sflag:s25] =	ssyncset.done $0x0  }
0xb3: {  	[sflag:s25] =	ssyncadd.s32 $0xFFFFD800  }
0xb4: {  	_ =	swait.ge [sflag:s1], $0x2800  }
0xb5: {  	[sflag:s1] =	ssyncset.done $0x0  }
0xb6: {  	s20 =	rddreg [dreg:$0xf];
	[sflag:s1] =	ssyncadd.s32 $0xFFFFD800  }
0xb7: {  	[tilespmem:s0], [sflag:$0x4] =	stream.indirect.gather [hbm4b:s23+s29], $0x80, s20, s29, $0xb8;
	[tilespmem:$0x1F880] =	vst v63  }
0xb8: {  	s21 =	rddreg [dreg:$0x10]  }
0xb9: {  	[spmem:s2] =	stream.indirect.scatter.add.f32 [tilespmem:s28], [sflag:$0x5], $0x80, s21, s29, $0xb8;
	[tilespmem:$0x1F880] =	vst v63  }
0xba: {  	_ =	swait.ge [sflag:s25], $0x2800  }
0xbb: {  	[sflag:s25] =	ssyncset.done $0x0  }
0xbc: {  	[sflag:s25] =	ssyncadd.s32 $0xFFFFD800  }
0xbd: {  	_ =	swait.ge [sflag:s4], $0x2800  }
0xbe: {  	[sflag:s4] =	ssyncset.done $0x0  }
0xbf: {  	s22 =	rddreg [dreg:$0x11];
	[sflag:s4] =	ssyncadd.s32 $0xFFFFD800  }
0xc0: {  	[tilespmem:s28], [sflag:$0x1] =	stream.indirect.gather [hbm4b:s23+s29], $0x80, s22, s29, $0xb8;
	[tilespmem:$0x1F880] =	vst v63  }
0xc1: {  	s17 =	rddreg [dreg:$0x12]  }
0xc2: {  	[spmem:s2] =	stream.indirect.scatter.add.f32 [tilespmem:s30], [sflag:$0x5], $0x80, s17, s29, $0xb8;
	[tilespmem:$0x1F880] =	vst v63  }
0xc3: {  	_ =	swait.ge [sflag:s25], $0x2800  }
0xc4: {  	[sflag:s25] =	ssyncset.done $0x0  }
0xc5: {  	[sflag:s25] =	ssyncadd.s32 $0xFFFFD800  }
0xc6: {  	_ =	swait.ge [sflag:s5], $0x2800  }
0xc7: {  	[sflag:s5] =	ssyncset.done $0x0  }
0xc8: {  	s20 =	rddreg [dreg:$0x13];
	[sflag:s5] =	ssyncadd.s32 $0xFFFFD800  }
0xc9: {  	[tilespmem:s30], [sflag:$0x2] =	stream.indirect.gather [hbm4b:s23+s29], $0x80, s20, s29, $0xb8;
	[tilespmem:$0x1F880] =	vst v63  }
0xca: {  	s21 =	rddreg [dreg:$0x14]  }
0xcb: {  	[spmem:s2] =	stream.indirect.scatter.add.f32 [tilespmem:s31], [sflag:$0x5], $0x80, s21, s29, $0xb8;
	[tilespmem:$0x1F880] =	vst v63  }
0xcc: {  	_ =	swait.ge [sflag:s25], $0x2800  }
0xcd: {  	[sflag:s25] =	ssyncset.done $0x0  }
0xce: {  	[sflag:s25] =	ssyncadd.s32 $0xFFFFD800  }
0xcf: {  	_ =	swait.ge [sflag:s6], $0x2800  }
0xd0: {  	[sflag:s6] =	ssyncset.done $0x0  }
0xd1: {  	s22 =	rddreg [dreg:$0x15];
	[sflag:s6] =	ssyncadd.s32 $0xFFFFD800  }
0xd2: {  	[tilespmem:s31], [sflag:$0x3] =	stream.indirect.gather [hbm4b:s23+s29], $0x80, s22, s29, $0xb8;
	[tilespmem:$0x1F880] =	vst v63  }
0xd3: {  	s17 =	rddreg [dreg:$0x16]  }
0xd4: {  	[spmem:s2] =	stream.indirect.scatter.add.f32 [tilespmem:s0], [sflag:$0x5], $0x80, s17, s29, $0xb8;
	[tilespmem:$0x1F880] =	vst v63  }
0xd5: {  	_ =	swait.ge [sflag:s25], $0x2800  }
0xd6: {  	[sflag:s25] =	ssyncset.done $0x0  }
0xd7: {  	[sflag:s25] =	ssyncadd.s32 $0xFFFFD800  }
0xd8: {  	_ =	swait.ge [sflag:s1], $0x2800  }
0xd9: {  	[sflag:s1] =	ssyncset.done $0x0  }
0xda: {  	s20 =	rddreg [dreg:$0x17];
	[sflag:s1] =	ssyncadd.s32 $0xFFFFD800  }
0xdb: {  	[tilespmem:s0], [sflag:$0x4] =	stream.indirect.gather [hbm4b:s23+s29], $0x80, s20, s29, $0xb8;
	[tilespmem:$0x1F880] =	vst v63  }
0xdc: {  	s21 =	rddreg [dreg:$0x18]  }
0xdd: {  	[spmem:s2] =	stream.indirect.scatter.add.f32 [tilespmem:s28], [sflag:$0x5], $0x80, s21, s29, $0xb8;
	[tilespmem:$0x1F880] =	vst v63  }
0xde: {  	_ =	swait.ge [sflag:s25], $0x2800  }
0xdf: {  	[sflag:s25] =	ssyncset.done $0x0  }
0xe0: {  	[sflag:s25] =	ssyncadd.s32 $0xFFFFD800  }
0xe1: {  	_ =	swait.ge [sflag:s4], $0x2800  }
0xe2: {  	[sflag:s4] =	ssyncset.done $0x0  }
0xe3: {  	s22 =	rddreg [dreg:$0x19];
	[sflag:s4] =	ssyncadd.s32 $0xFFFFD800  }
0xe4: {  	[tilespmem:s28], [sflag:$0x1] =	stream.indirect.gather [hbm4b:s23+s29], $0x80, s22, s29, $0xb8;
	[tilespmem:$0x1F880] =	vst v63  }
0xe5: {  	s17 =	rddreg [dreg:$0x1a]  }
0xe6: {  	[spmem:s2] =	stream.indirect.scatter.add.f32 [tilespmem:s30], [sflag:$0x5], $0x80, s17, s29, $0xb8;
	[tilespmem:$0x1F880] =	vst v63  }
0xe7: {  	_ =	swait.ge [sflag:s25], $0x2800  }
0xe8: {  	[sflag:s25] =	ssyncset.done $0x0  }
0xe9: {  	[sflag:s25] =	ssyncadd.s32 $0xFFFFD800  }
0xea: {  	_ =	swait.ge [sflag:s5], $0x2800  }
0xeb: {  	[sflag:s5] =	ssyncset.done $0x0  }
0xec: {  	s20 =	rddreg [dreg:$0x1b];
	[sflag:s5] =	ssyncadd.s32 $0xFFFFD800  }
0xed: {  	[tilespmem:s30], [sflag:$0x2] =	stream.indirect.gather [hbm4b:s23+s29], $0x80, s20, s29, $0xb8;
	[tilespmem:$0x1F880] =	vst v63  }
0xee: {  	s21 =	rddreg [dreg:$0x1c]  }
0xef: {  	[spmem:s2] =	stream.indirect.scatter.add.f32 [tilespmem:s31], [sflag:$0x5], $0x80, s21, s29, $0xb8;
	[tilespmem:$0x1F880] =	vst v63  }
0xf0: {  	_ =	swait.ge [sflag:s25], $0x2800  }
0xf1: {  	[sflag:s25] =	ssyncset.done $0x0  }
0xf2: {  	[sflag:s25] =	ssyncadd.s32 $0xFFFFD800  }
0xf3: {  	_ =	swait.ge [sflag:s6], $0x2800  }
0xf4: {  	[sflag:s6] =	ssyncset.done $0x0  }
0xf5: {  	s22 =	rddreg [dreg:$0x1d];
	[sflag:s6] =	ssyncadd.s32 $0xFFFFD800  }
0xf6: {  	[tilespmem:s31], [sflag:$0x3] =	stream.indirect.gather [hbm4b:s23+s29], $0x80, s22, s29, $0xb8;
	[tilespmem:$0x1F880] =	vst v63  }
0xf7: {  	s17 =	rddreg [dreg:$0x1e]  }
0xf8: {  	[spmem:s2] =	stream.indirect.scatter.add.f32 [tilespmem:s0], [sflag:$0x5], $0x80, s17, s29, $0xb8;
	[tilespmem:$0x1F880] =	vst v63  }
0xf9: {  	_ =	swait.ge [sflag:s25], $0x2800  }
0xfa: {  	[sflag:s25] =	ssyncset.done $0x0  }
0xfb: {  	[sflag:s25] =	ssyncadd.s32 $0xFFFFD800  }
0xfc: {  	_ =	swait.ge [sflag:s1], $0x2800  }
0xfd: {  	s20 =	rddreg [dreg:$0x1f];
	[sflag:s1] =	ssyncset.done $0x0  }
0xfe: {  	s21 =	sld [smem:$0x7EB];
	[sflag:s1] =	ssyncadd.s32 $0xFFFFD800  }
0xff: {  	[tilespmem:s0], [sflag:$0x4] =	stream.indirect.gather [hbm4b:s23+s29], $0x80, s20, s29, $0xb8;
	[tilespmem:$0x1F880] =	vst v63  }
0x100: {  	_ = 	snop  }
0x101: {  	[spmem:s2] =	stream.indirect.scatter.add.f32 [tilespmem:s28], [sflag:$0x5], $0x80, s21, s29, $0xb8;
	[tilespmem:$0x1F880] =	vst v63  }
0x102: {  	_ =	swait.ge [sflag:s25], $0x2800  }
0x103: {  	[sflag:s25] =	ssyncset.done $0x0  }
0x104: {  	[sflag:s25] =	ssyncadd.s32 $0xFFFFD800  }
0x105: {  	_ =	swait.ge [sflag:s4], $0x2800  }
0x106: {  	s22 =	sld [smem:$0x7EC]  }
0x107: {  	[sflag:s4] =	ssyncset.done $0x0  }
0x108: {  	s17 =	sld [smem:$0x7ED];
	[sflag:s4] =	ssyncadd.s32 $0xFFFFD800  }
0x109: {  	[tilespmem:s28], [sflag:$0x1] =	stream.indirect.gather [hbm4b:s23+s29], $0x80, s22, s29, $0xb8;
	[tilespmem:$0x1F880] =	vst v63  }
0x10a: {  	_ = 	snop  }
0x10b: {  	[spmem:s2] =	stream.indirect.scatter.add.f32 [tilespmem:s30], [sflag:$0x5], $0x80, s17, s29, $0xb8;
	[tilespmem:$0x1F880] =	vst v63  }
0x10c: {  	_ =	swait.ge [sflag:s25], $0x2800  }
0x10d: {  	[sflag:s25] =	ssyncset.done $0x0  }
0x10e: {  	[sflag:s25] =	ssyncadd.s32 $0xFFFFD800  }
0x10f: {  	_ =	swait.ge [sflag:s5], $0x2800  }
0x110: {  	s20 =	sld [smem:$0x7EE]  }
0x111: {  	[sflag:s5] =	ssyncset.done $0x0  }
0x112: {  	s21 =	sld [smem:$0x7EF];
	[sflag:s5] =	ssyncadd.s32 $0xFFFFD800  }
0x113: {  	[tilespmem:s30], [sflag:$0x2] =	stream.indirect.gather [hbm4b:s23+s29], $0x80, s20, s29, $0xb8;
	[tilespmem:$0x1F880] =	vst v63  }
0x114: {  	_ = 	snop  }
0x115: {  	[spmem:s2] =	stream.indirect.scatter.add.f32 [tilespmem:s31], [sflag:$0x5], $0x80, s21, s29, $0xb8;
	[tilespmem:$0x1F880] =	vst v63  }
0x116: {  	_ =	swait.ge [sflag:s25], $0x2800  }
0x117: {  	[sflag:s25] =	ssyncset.done $0x0  }
0x118: {  	[sflag:s25] =	ssyncadd.s32 $0xFFFFD800  }
0x119: {  	_ =	swait.ge [sflag:s6], $0x2800  }
0x11a: {  	s22 =	sld [smem:$0x7F0]  }
0x11b: {  	[sflag:s6] =	ssyncset.done $0x0  }
0x11c: {  	s17 =	sld [smem:$0x7F2];
	[sflag:s6] =	ssyncadd.s32 $0xFFFFD800  }
0x11d: {  	[tilespmem:s31], [sflag:$0x3] =	stream.indirect.gather [hbm4b:s23+s29], $0x80, s22, s29, $0xb8;
	[tilespmem:$0x1F880] =	vst v63  }
0x11e: {  	_ = 	snop  }
0x11f: {  	[spmem:s2] =	stream.indirect.scatter.add.f32 [tilespmem:s0], [sflag:$0x5], $0x80, s17, s29, $0xb8;
	[tilespmem:$0x1F880] =	vst v63  }
0x120: {  	_ =	swait.ge [sflag:s25], $0x2800  }
0x121: {  	[sflag:s25] =	ssyncset.done $0x0  }
0x122: {  	[sflag:s25] =	ssyncadd.s32 $0xFFFFD800  }
0x123: {  	_ =	swait.ge [sflag:s1], $0x2800  }
0x124: {  	s19 =	sld [smem:$0x7F3]  }
0x125: {  	[sflag:s1] =	ssyncset.done $0x0  }
0x126: {  	s20 =	sld [smem:$0x7F5];
	[sflag:s1] =	ssyncadd.s32 $0xFFFFD800  }
0x127: {  	[tilespmem:s0], [sflag:$0x4] =	stream.indirect.gather [hbm4b:s23+s29], $0x80, s19, s29, $0xb8;
	[tilespmem:$0x1F880] =	vst v63  }
0x128: {  	_ = 	snop  }
0x129: {  	[spmem:s2] =	stream.indirect.scatter.add.f32 [tilespmem:s28], [sflag:$0x5], $0x80, s20, s29, $0xb8;
	[tilespmem:$0x1F880] =	vst v63  }
0x12a: {  	_ =	swait.ge [sflag:s25], $0x2800  }
0x12b: {  	[sflag:s25] =	ssyncset.done $0x0  }
0x12c: {  	[sflag:s25] =	ssyncadd.s32 $0xFFFFD800  }
0x12d: {  	_ =	swait.ge [sflag:s4], $0x2800  }
0x12e: {  	s21 =	sld [smem:$0x7F6]  }
0x12f: {  	[sflag:s4] =	ssyncset.done $0x0  }
0x130: {  	s22 =	sld [smem:$0x7F7];
	[sflag:s4] =	ssyncadd.s32 $0xFFFFD800  }
0x131: {  	[tilespmem:s28], [sflag:$0x1] =	stream.indirect.gather [hbm4b:s23+s29], $0x80, s21, s29, $0xb8;
	[tilespmem:$0x1F880] =	vst v63  }
0x132: {  	_ = 	snop  }
0x133: {  	[spmem:s2] =	stream.indirect.scatter.add.f32 [tilespmem:s30], [sflag:$0x5], $0x80, s22, s29, $0xb8;
	[tilespmem:$0x1F880] =	vst v63  }
0x134: {  	_ =	swait.ge [sflag:s25], $0x2800  }
0x135: {  	[sflag:s25] =	ssyncset.done $0x0  }
0x136: {  	[sflag:s25] =	ssyncadd.s32 $0xFFFFD800  }
0x137: {  	_ =	swait.ge [sflag:s5], $0x2800  }
0x138: {  	[sflag:s5] =	ssyncset.done $0x0  }
0x139: {  	[sflag:s5] =	ssyncadd.s32 $0xFFFFD800  }
0x13a: {  	[tilespmem:s30], [sflag:$0x2] =	stream.indirect.gather [hbm4b:s23+s29], $0x80, s7, s29, $0xb8;
	[tilespmem:$0x1F880] =	vst v63  }
0x13b: {  	_ = 	snop  }
0x13c: {  	[spmem:s2] =	stream.indirect.scatter.add.f32 [tilespmem:s31], [sflag:$0x5], $0x80, s8, s29, $0xb8;
	[tilespmem:$0x1F880] =	vst v63  }
0x13d: {  	_ =	swait.ge [sflag:s25], $0x2800  }
0x13e: {  	[sflag:s25] =	ssyncset.done $0x0  }
0x13f: {  	[sflag:s25] =	ssyncadd.s32 $0xFFFFD800  }
0x140: {  	_ =	swait.ge [sflag:s6], $0x2800  }
0x141: {  	[sflag:s6] =	ssyncset.done $0x0  }
0x142: {  	[sflag:s6] =	ssyncadd.s32 $0xFFFFD800  }
0x143: {  	[tilespmem:s31], [sflag:$0x3] =	stream.indirect.gather [hbm4b:s23+s29], $0x80, s9, s29, $0xb8;
	[tilespmem:$0x1F880] =	vst v63  }
0x144: {  	_ = 	snop  }
0x145: {  	[spmem:s2] =	stream.indirect.scatter.add.f32 [tilespmem:s0], [sflag:$0x5], $0x80, s10, s29, $0xb8;
	[tilespmem:$0x1F880] =	vst v63  }
0x146: {  	_ =	swait.ge [sflag:s25], $0x2800  }
0x147: {  	[sflag:s25] =	ssyncset.done $0x0  }
0x148: {  	[sflag:s25] =	ssyncadd.s32 $0xFFFFD800  }
0x149: {  	_ =	swait.ge [sflag:s1], $0x2800  }
0x14a: {  	[sflag:s1] =	ssyncset.done $0x0  }
0x14b: {  	[sflag:s1] =	ssyncadd.s32 $0xFFFFD800  }
0x14c: {  	[tilespmem:s0], [sflag:$0x4] =	stream.indirect.gather [hbm4b:s23+s29], $0x80, s11, s29, $0xb8;
	[tilespmem:$0x1F880] =	vst v63  }
0x14d: {  	_ = 	snop  }
0x14e: {  	[spmem:s2] =	stream.indirect.scatter.add.f32 [tilespmem:s28], [sflag:$0x5], $0x80, s12, s29, $0xb8;
	[tilespmem:$0x1F880] =	vst v63  }
0x14f: {  	_ =	swait.ge [sflag:s25], $0x2800  }
0x150: {  	[sflag:s25] =	ssyncset.done $0x0  }
0x151: {  	[sflag:s25] =	ssyncadd.s32 $0xFFFFD800  }
0x152: {  	_ =	swait.ge [sflag:s4], $0x2800  }
0x153: {  	[sflag:s4] =	ssyncset.done $0x0  }
0x154: {  	[sflag:s4] =	ssyncadd.s32 $0xFFFFD800  }
0x155: {  	[tilespmem:s28], [sflag:$0x1] =	stream.indirect.gather [hbm4b:s23+s29], $0x80, s13, s29, $0xb8;
	[tilespmem:$0x1F880] =	vst v63  }
0x156: {  	_ = 	snop  }
0x157: {  	[spmem:s2] =	stream.indirect.scatter.add.f32 [tilespmem:s30], [sflag:$0x5], $0x80, s14, s29, $0xb8;
	[tilespmem:$0x1F880] =	vst v63  }
0x158: {  	_ =	swait.ge [sflag:s25], $0x2800  }
0x159: {  	[sflag:s25] =	ssyncset.done $0x0  }
0x15a: {  	[sflag:s25] =	ssyncadd.s32 $0xFFFFD800  }
0x15b: {  	_ =	swait.ge [sflag:s5], $0x2800  }
0x15c: {  	[sflag:s5] =	ssyncset.done $0x0  }
0x15d: {  	[sflag:s5] =	ssyncadd.s32 $0xFFFFD800  }
0x15e: {  	[spmem:s2] =	stream.indirect.scatter.add.f32 [tilespmem:s31], [sflag:$0x5], $0x80, s24, s29, $0xb8;
	[tilespmem:$0x1F880] =	vst v63  }
0x15f: {  	_ =	swait.ge [sflag:s25], $0x2800  }
0x160: {  	[sflag:s25] =	ssyncset.done $0x0  }
0x161: {  	[sflag:s25] =	ssyncadd.s32 $0xFFFFD800  }
0x162: {  	_ =	swait.ge [sflag:s6], $0x2800  }
0x163: {  	[sflag:s6] =	ssyncset.done $0x0  }
0x164: {  	[sflag:s6] =	ssyncadd.s32 $0xFFFFD800  }
0x165: {  	[spmem:s2] =	stream.indirect.scatter.add.f32 [tilespmem:s0], [sflag:$0x5], $0x80, s15, s29, $0xb8;
	[tilespmem:$0x1F880] =	vst v63  }
0x166: {  	_ =	swait.ge [sflag:s25], $0x2800  }
0x167: {  	[sflag:s25] =	ssyncset.done $0x0  }
0x168: {  	[sflag:s25] =	ssyncadd.s32 $0xFFFFD800  }
0x169: {  	_ =	swait.ge [sflag:s1], $0x2800  }
0x16a: {  	[sflag:s1] =	ssyncset.done $0x0  }
0x16b: {  	[sflag:s1] =	ssyncadd.s32 $0xFFFFD800  }
0x16c: {  	[spmem:s2] =	stream.indirect.scatter.add.f32 [tilespmem:s28], [sflag:$0x5], $0x80, s16, s29, $0xb8;
	[tilespmem:$0x1F880] =	vst v63  }
0x16d: {  	s18 =	simm.s32 $0x200;
	_ =	swait.ge [sflag:s25], $0x2800  }
0x16e: {  	s19 =	simm.s32 $0x400;
	s20 =	rddreg [dreg:$0x5];
	[sflag:s25] =	ssyncset.done $0x0  }
.LBB2_2:
0x16f: {  	[sflag:s25] =	ssyncadd.s32 $0xFFFFD800;
	p2 =	seq.s32 s18, $0x0  }
0x170: {  	s20 =	sadd.s32 @!p2 s18, s20;
	s22 =	simm.s32 @!p2 $0x0;
	s17 =	simm.s32 @!p2 $0x5  }
0x171: {  	[tilespmem:s22], [sflag:$0x5] =	stream.linear.gather @!p2 [hbm4b:s20+s22], $0xC80, $0x38;
	[tilespmem:$0x1F880] =	vst v63  }
0x172: {  	_ =	swait.ge @!p2 [sflag:s17], $0xC80  }
0x173: {  	s20 =	rddreg [dreg:$0x4];
	[sflag:s17] =	ssyncset.done @!p2 $0x0  }
0x174: {  	[sflag:s17] =	ssyncadd.s32 @!p2 $0xFFFFF380;
	s18 =	sadd.s32 @!p2 s18, s20;
	s20 =	simm.s32 @!p2 $0x1000  }
0x175: {  	[tilespmem:s20], [sflag:$0x5] =	stream.linear.gather @!p2 [hbm4b:s18+s22], $0xC80, $0x38;
	[tilespmem:$0x1F880] =	vst v63  }
0x176: {  	_ =	swait.ge @!p2 [sflag:s17], $0xC80  }
0x177: {  	[sflag:s17] =	ssyncset.done @!p2 $0x0  }
0x178: {  	s21 =	smov.u32 s19;
	[sflag:s17] =	ssyncadd.s32 @!p2 $0xFFFFF380  }
0x179: {  	[tilespmem:s28], [sflag:$0x1] =	stream.indirect.gather [hbm4b:s23+s29], $0x80, s3, s29, $0xb8;
	[tilespmem:$0x1F880] =	vst v63  }
0x17a: {  	s18 =	smov.u32 s21;
	s21 =	rddreg [dreg:$0x6]  }
0x17b: {  	[tilespmem:s30], [sflag:$0x2] =	stream.indirect.gather [hbm4b:s23+s29], $0x80, s21, s29, $0xb8;
	[tilespmem:$0x1F880] =	vst v63  }
0x17c: {  	s22 =	rddreg [dreg:$0x7]  }
0x17d: {  	[tilespmem:s31], [sflag:$0x3] =	stream.indirect.gather [hbm4b:s23+s29], $0x80, s22, s29, $0xb8;
	[tilespmem:$0x1F880] =	vst v63  }
0x17e: {  	_ =	swait.ge [sflag:s1], $0x2800  }
0x17f: {  	[sflag:s1] =	ssyncset.done $0x0  }
0x180: {  	s20 =	rddreg [dreg:$0x8];
	[sflag:s1] =	ssyncadd.s32 $0xFFFFD800  }
0x181: {  	[tilespmem:s0], [sflag:$0x4] =	stream.indirect.gather [hbm4b:s23+s29], $0x80, s20, s29, $0xb8;
	[tilespmem:$0x1F880] =	vst v63  }
0x182: {  	_ = 	snop  }
0x183: {  	[spmem:s2] =	stream.indirect.scatter.add.f32 [tilespmem:s28], [sflag:$0x5], $0x80, s26, s29, $0xb8;
	[tilespmem:$0x1F880] =	vst v63  }
0x184: {  	_ =	swait.ge [sflag:s25], $0x2800  }
0x185: {  	[sflag:s25] =	ssyncset.done $0x0  }
0x186: {  	[sflag:s25] =	ssyncadd.s32 $0xFFFFD800  }
0x187: {  	_ =	swait.ge [sflag:s4], $0x2800  }
0x188: {  	[sflag:s4] =	ssyncset.done $0x0  }
0x189: {  	s21 =	rddreg [dreg:$0x9];
	[sflag:s4] =	ssyncadd.s32 $0xFFFFD800  }
0x18a: {  	[tilespmem:s28], [sflag:$0x1] =	stream.indirect.gather [hbm4b:s23+s29], $0x80, s21, s29, $0xb8;
	[tilespmem:$0x1F880] =	vst v63  }
0x18b: {  	s22 =	rddreg [dreg:$0xa]  }
0x18c: {  	[spmem:s2] =	stream.indirect.scatter.add.f32 [tilespmem:s30], [sflag:$0x5], $0x80, s22, s29, $0xb8;
	[tilespmem:$0x1F880] =	vst v63  }
0x18d: {  	_ =	swait.ge [sflag:s25], $0x2800  }
0x18e: {  	[sflag:s25] =	ssyncset.done $0x0  }
0x18f: {  	[sflag:s25] =	ssyncadd.s32 $0xFFFFD800  }
0x190: {  	_ =	swait.ge [sflag:s5], $0x2800  }
0x191: {  	[sflag:s5] =	ssyncset.done $0x0  }
0x192: {  	s21 =	rddreg [dreg:$0xb];
	[sflag:s5] =	ssyncadd.s32 $0xFFFFD800  }
0x193: {  	[tilespmem:s30], [sflag:$0x2] =	stream.indirect.gather [hbm4b:s23+s29], $0x80, s21, s29, $0xb8;
	[tilespmem:$0x1F880] =	vst v63  }
0x194: {  	s22 =	rddreg [dreg:$0xc]  }
0x195: {  	[spmem:s2] =	stream.indirect.scatter.add.f32 [tilespmem:s31], [sflag:$0x5], $0x80, s22, s29, $0xb8;
	[tilespmem:$0x1F880] =	vst v63  }
0x196: {  	_ =	swait.ge [sflag:s25], $0x2800  }
0x197: {  	[sflag:s25] =	ssyncset.done $0x0  }
0x198: {  	[sflag:s25] =	ssyncadd.s32 $0xFFFFD800  }
0x199: {  	_ =	swait.ge [sflag:s6], $0x2800  }
0x19a: {  	[sflag:s6] =	ssyncset.done $0x0  }
0x19b: {  	s21 =	rddreg [dreg:$0xd];
	[sflag:s6] =	ssyncadd.s32 $0xFFFFD800  }
0x19c: {  	[tilespmem:s31], [sflag:$0x3] =	stream.indirect.gather [hbm4b:s23+s29], $0x80, s21, s29, $0xb8;
	[tilespmem:$0x1F880] =	vst v63  }
0x19d: {  	s22 =	rddreg [dreg:$0xe]  }
0x19e: {  	[spmem:s2] =	stream.indirect.scatter.add.f32 [tilespmem:s0], [sflag:$0x5], $0x80, s22, s29, $0xb8;
	[tilespmem:$0x1F880] =	vst v63  }
0x19f: {  	_ =	swait.ge [sflag:s25], $0x2800  }
0x1a0: {  	[sflag:s25] =	ssyncset.done $0x0  }
0x1a1: {  	[sflag:s25] =	ssyncadd.s32 $0xFFFFD800  }
0x1a2: {  	_ =	swait.ge [sflag:s1], $0x2800  }
0x1a3: {  	[sflag:s1] =	ssyncset.done $0x0  }
0x1a4: {  	s21 =	rddreg [dreg:$0xf];
	[sflag:s1] =	ssyncadd.s32 $0xFFFFD800  }
0x1a5: {  	[tilespmem:s0], [sflag:$0x4] =	stream.indirect.gather [hbm4b:s23+s29], $0x80, s21, s29, $0xb8;
	[tilespmem:$0x1F880] =	vst v63  }
0x1a6: {  	s22 =	rddreg [dreg:$0x10]  }
0x1a7: {  	[spmem:s2] =	stream.indirect.scatter.add.f32 [tilespmem:s28], [sflag:$0x5], $0x80, s22, s29, $0xb8;
	[tilespmem:$0x1F880] =	vst v63  }
0x1a8: {  	_ =	swait.ge [sflag:s25], $0x2800  }
0x1a9: {  	[sflag:s25] =	ssyncset.done $0x0  }
0x1aa: {  	[sflag:s25] =	ssyncadd.s32 $0xFFFFD800  }
0x1ab: {  	_ =	swait.ge [sflag:s4], $0x2800  }
0x1ac: {  	[sflag:s4] =	ssyncset.done $0x0  }
0x1ad: {  	s21 =	rddreg [dreg:$0x11];
	[sflag:s4] =	ssyncadd.s32 $0xFFFFD800  }
0x1ae: {  	[tilespmem:s28], [sflag:$0x1] =	stream.indirect.gather [hbm4b:s23+s29], $0x80, s21, s29, $0xb8;
	[tilespmem:$0x1F880] =	vst v63  }
0x1af: {  	s22 =	rddreg [dreg:$0x12]  }
0x1b0: {  	[spmem:s2] =	stream.indirect.scatter.add.f32 [tilespmem:s30], [sflag:$0x5], $0x80, s22, s29, $0xb8;
	[tilespmem:$0x1F880] =	vst v63  }
0x1b1: {  	_ =	swait.ge [sflag:s25], $0x2800  }
0x1b2: {  	[sflag:s25] =	ssyncset.done $0x0  }
0x1b3: {  	[sflag:s25] =	ssyncadd.s32 $0xFFFFD800  }
0x1b4: {  	_ =	swait.ge [sflag:s5], $0x2800  }
0x1b5: {  	[sflag:s5] =	ssyncset.done $0x0  }
0x1b6: {  	s21 =	rddreg [dreg:$0x13];
	[sflag:s5] =	ssyncadd.s32 $0xFFFFD800  }
0x1b7: {  	[tilespmem:s30], [sflag:$0x2] =	stream.indirect.gather [hbm4b:s23+s29], $0x80, s21, s29, $0xb8;
	[tilespmem:$0x1F880] =	vst v63  }
0x1b8: {  	s22 =	rddreg [dreg:$0x14]  }
0x1b9: {  	[spmem:s2] =	stream.indirect.scatter.add.f32 [tilespmem:s31], [sflag:$0x5], $0x80, s22, s29, $0xb8;
	[tilespmem:$0x1F880] =	vst v63  }
0x1ba: {  	_ =	swait.ge [sflag:s25], $0x2800  }
0x1bb: {  	[sflag:s25] =	ssyncset.done $0x0  }
0x1bc: {  	[sflag:s25] =	ssyncadd.s32 $0xFFFFD800  }
0x1bd: {  	_ =	swait.ge [sflag:s6], $0x2800  }
0x1be: {  	[sflag:s6] =	ssyncset.done $0x0  }
0x1bf: {  	s21 =	rddreg [dreg:$0x15];
	[sflag:s6] =	ssyncadd.s32 $0xFFFFD800  }
0x1c0: {  	[tilespmem:s31], [sflag:$0x3] =	stream.indirect.gather [hbm4b:s23+s29], $0x80, s21, s29, $0xb8;
	[tilespmem:$0x1F880] =	vst v63  }
0x1c1: {  	s22 =	rddreg [dreg:$0x16]  }
0x1c2: {  	[spmem:s2] =	stream.indirect.scatter.add.f32 [tilespmem:s0], [sflag:$0x5], $0x80, s22, s29, $0xb8;
	[tilespmem:$0x1F880] =	vst v63  }
0x1c3: {  	_ =	swait.ge [sflag:s25], $0x2800  }
0x1c4: {  	[sflag:s25] =	ssyncset.done $0x0  }
0x1c5: {  	[sflag:s25] =	ssyncadd.s32 $0xFFFFD800  }
0x1c6: {  	_ =	swait.ge [sflag:s1], $0x2800  }
0x1c7: {  	[sflag:s1] =	ssyncset.done $0x0  }
0x1c8: {  	s21 =	rddreg [dreg:$0x17];
	[sflag:s1] =	ssyncadd.s32 $0xFFFFD800  }
0x1c9: {  	[tilespmem:s0], [sflag:$0x4] =	stream.indirect.gather [hbm4b:s23+s29], $0x80, s21, s29, $0xb8;
	[tilespmem:$0x1F880] =	vst v63  }
0x1ca: {  	s22 =	rddreg [dreg:$0x18]  }
0x1cb: {  	[spmem:s2] =	stream.indirect.scatter.add.f32 [tilespmem:s28], [sflag:$0x5], $0x80, s22, s29, $0xb8;
	[tilespmem:$0x1F880] =	vst v63  }
0x1cc: {  	_ =	swait.ge [sflag:s25], $0x2800  }
0x1cd: {  	[sflag:s25] =	ssyncset.done $0x0  }
0x1ce: {  	[sflag:s25] =	ssyncadd.s32 $0xFFFFD800  }
0x1cf: {  	_ =	swait.ge [sflag:s4], $0x2800  }
0x1d0: {  	[sflag:s4] =	ssyncset.done $0x0  }
0x1d1: {  	s21 =	rddreg [dreg:$0x19];
	[sflag:s4] =	ssyncadd.s32 $0xFFFFD800  }
0x1d2: {  	[tilespmem:s28], [sflag:$0x1] =	stream.indirect.gather [hbm4b:s23+s29], $0x80, s21, s29, $0xb8;
	[tilespmem:$0x1F880] =	vst v63  }
0x1d3: {  	s22 =	rddreg [dreg:$0x1a]  }
0x1d4: {  	[spmem:s2] =	stream.indirect.scatter.add.f32 [tilespmem:s30], [sflag:$0x5], $0x80, s22, s29, $0xb8;
	[tilespmem:$0x1F880] =	vst v63  }
0x1d5: {  	_ =	swait.ge [sflag:s25], $0x2800  }
0x1d6: {  	[sflag:s25] =	ssyncset.done $0x0  }
0x1d7: {  	[sflag:s25] =	ssyncadd.s32 $0xFFFFD800  }
0x1d8: {  	_ =	swait.ge [sflag:s5], $0x2800  }
0x1d9: {  	[sflag:s5] =	ssyncset.done $0x0  }
0x1da: {  	s21 =	rddreg [dreg:$0x1b];
	[sflag:s5] =	ssyncadd.s32 $0xFFFFD800  }
0x1db: {  	[tilespmem:s30], [sflag:$0x2] =	stream.indirect.gather [hbm4b:s23+s29], $0x80, s21, s29, $0xb8;
	[tilespmem:$0x1F880] =	vst v63  }
0x1dc: {  	s22 =	rddreg [dreg:$0x1c]  }
0x1dd: {  	[spmem:s2] =	stream.indirect.scatter.add.f32 [tilespmem:s31], [sflag:$0x5], $0x80, s22, s29, $0xb8;
	[tilespmem:$0x1F880] =	vst v63  }
0x1de: {  	_ =	swait.ge [sflag:s25], $0x2800  }
0x1df: {  	[sflag:s25] =	ssyncset.done $0x0  }
0x1e0: {  	[sflag:s25] =	ssyncadd.s32 $0xFFFFD800  }
0x1e1: {  	_ =	swait.ge [sflag:s6], $0x2800  }
0x1e2: {  	[sflag:s6] =	ssyncset.done $0x0  }
0x1e3: {  	s21 =	rddreg [dreg:$0x1d];
	[sflag:s6] =	ssyncadd.s32 $0xFFFFD800  }
0x1e4: {  	[tilespmem:s31], [sflag:$0x3] =	stream.indirect.gather [hbm4b:s23+s29], $0x80, s21, s29, $0xb8;
	[tilespmem:$0x1F880] =	vst v63  }
0x1e5: {  	s22 =	rddreg [dreg:$0x1e]  }
0x1e6: {  	[spmem:s2] =	stream.indirect.scatter.add.f32 [tilespmem:s0], [sflag:$0x5], $0x80, s22, s29, $0xb8;
	[tilespmem:$0x1F880] =	vst v63  }
0x1e7: {  	_ =	swait.ge [sflag:s25], $0x2800  }
0x1e8: {  	[sflag:s25] =	ssyncset.done $0x0  }
0x1e9: {  	[sflag:s25] =	ssyncadd.s32 $0xFFFFD800  }
0x1ea: {  	_ =	swait.ge [sflag:s1], $0x2800  }
0x1eb: {  	s21 =	rddreg [dreg:$0x1f];
	[sflag:s1] =	ssyncset.done $0x0  }
0x1ec: {  	s22 =	sld [smem:$0x7EB];
	[sflag:s1] =	ssyncadd.s32 $0xFFFFD800  }
0x1ed: {  	[tilespmem:s0], [sflag:$0x4] =	stream.indirect.gather [hbm4b:s23+s29], $0x80, s21, s29, $0xb8;
	[tilespmem:$0x1F880] =	vst v63  }
0x1ee: {  	_ = 	snop  }
0x1ef: {  	[spmem:s2] =	stream.indirect.scatter.add.f32 [tilespmem:s28], [sflag:$0x5], $0x80, s22, s29, $0xb8;
	[tilespmem:$0x1F880] =	vst v63  }
0x1f0: {  	_ =	swait.ge [sflag:s25], $0x2800  }
0x1f1: {  	[sflag:s25] =	ssyncset.done $0x0  }
0x1f2: {  	[sflag:s25] =	ssyncadd.s32 $0xFFFFD800  }
0x1f3: {  	_ =	swait.ge [sflag:s4], $0x2800  }
0x1f4: {  	s21 =	sld [smem:$0x7EC]  }
0x1f5: {  	[sflag:s4] =	ssyncset.done $0x0  }
0x1f6: {  	s22 =	sld [smem:$0x7ED];
	[sflag:s4] =	ssyncadd.s32 $0xFFFFD800  }
0x1f7: {  	[tilespmem:s28], [sflag:$0x1] =	stream.indirect.gather [hbm4b:s23+s29], $0x80, s21, s29, $0xb8;
	[tilespmem:$0x1F880] =	vst v63  }
0x1f8: {  	_ = 	snop  }
0x1f9: {  	[spmem:s2] =	stream.indirect.scatter.add.f32 [tilespmem:s30], [sflag:$0x5], $0x80, s22, s29, $0xb8;
	[tilespmem:$0x1F880] =	vst v63  }
0x1fa: {  	_ =	swait.ge [sflag:s25], $0x2800  }
0x1fb: {  	[sflag:s25] =	ssyncset.done $0x0  }
0x1fc: {  	[sflag:s25] =	ssyncadd.s32 $0xFFFFD800  }
0x1fd: {  	_ =	swait.ge [sflag:s5], $0x2800  }
0x1fe: {  	s21 =	sld [smem:$0x7EE]  }
0x1ff: {  	[sflag:s5] =	ssyncset.done $0x0  }
0x200: {  	s22 =	sld [smem:$0x7EF];
	[sflag:s5] =	ssyncadd.s32 $0xFFFFD800  }
0x201: {  	[tilespmem:s30], [sflag:$0x2] =	stream.indirect.gather [hbm4b:s23+s29], $0x80, s21, s29, $0xb8;
	[tilespmem:$0x1F880] =	vst v63  }
0x202: {  	_ = 	snop  }
0x203: {  	[spmem:s2] =	stream.indirect.scatter.add.f32 [tilespmem:s31], [sflag:$0x5], $0x80, s22, s29, $0xb8;
	[tilespmem:$0x1F880] =	vst v63  }
0x204: {  	_ =	swait.ge [sflag:s25], $0x2800  }
0x205: {  	[sflag:s25] =	ssyncset.done $0x0  }
0x206: {  	[sflag:s25] =	ssyncadd.s32 $0xFFFFD800  }
0x207: {  	_ =	swait.ge [sflag:s6], $0x2800  }
0x208: {  	s21 =	sld [smem:$0x7F0]  }
0x209: {  	[sflag:s6] =	ssyncset.done $0x0  }
0x20a: {  	s22 =	sld [smem:$0x7F2];
	[sflag:s6] =	ssyncadd.s32 $0xFFFFD800  }
0x20b: {  	[tilespmem:s31], [sflag:$0x3] =	stream.indirect.gather [hbm4b:s23+s29], $0x80, s21, s29, $0xb8;
	[tilespmem:$0x1F880] =	vst v63  }
0x20c: {  	_ = 	snop  }
0x20d: {  	[spmem:s2] =	stream.indirect.scatter.add.f32 [tilespmem:s0], [sflag:$0x5], $0x80, s22, s29, $0xb8;
	[tilespmem:$0x1F880] =	vst v63  }
0x20e: {  	_ =	swait.ge [sflag:s25], $0x2800  }
0x20f: {  	[sflag:s25] =	ssyncset.done $0x0  }
0x210: {  	[sflag:s25] =	ssyncadd.s32 $0xFFFFD800  }
0x211: {  	_ =	swait.ge [sflag:s1], $0x2800  }
0x212: {  	s21 =	sld [smem:$0x7F3]  }
0x213: {  	[sflag:s1] =	ssyncset.done $0x0  }
0x214: {  	s22 =	sld [smem:$0x7F5];
	[sflag:s1] =	ssyncadd.s32 $0xFFFFD800  }
0x215: {  	[tilespmem:s0], [sflag:$0x4] =	stream.indirect.gather [hbm4b:s23+s29], $0x80, s21, s29, $0xb8;
	[tilespmem:$0x1F880] =	vst v63  }
0x216: {  	_ = 	snop  }
0x217: {  	[spmem:s2] =	stream.indirect.scatter.add.f32 [tilespmem:s28], [sflag:$0x5], $0x80, s22, s29, $0xb8;
	[tilespmem:$0x1F880] =	vst v63  }
0x218: {  	_ =	swait.ge [sflag:s25], $0x2800  }
0x219: {  	[sflag:s25] =	ssyncset.done $0x0  }
0x21a: {  	[sflag:s25] =	ssyncadd.s32 $0xFFFFD800  }
0x21b: {  	_ =	swait.ge [sflag:s4], $0x2800  }
0x21c: {  	s21 =	sld [smem:$0x7F6]  }
0x21d: {  	[sflag:s4] =	ssyncset.done $0x0  }
0x21e: {  	s22 =	sld [smem:$0x7F7];
	[sflag:s4] =	ssyncadd.s32 $0xFFFFD800  }
0x21f: {  	[tilespmem:s28], [sflag:$0x1] =	stream.indirect.gather [hbm4b:s23+s29], $0x80, s21, s29, $0xb8;
	[tilespmem:$0x1F880] =	vst v63  }
0x220: {  	_ = 	snop  }
0x221: {  	[spmem:s2] =	stream.indirect.scatter.add.f32 [tilespmem:s30], [sflag:$0x5], $0x80, s22, s29, $0xb8;
	[tilespmem:$0x1F880] =	vst v63  }
0x222: {  	_ =	swait.ge [sflag:s25], $0x2800  }
0x223: {  	[sflag:s25] =	ssyncset.done $0x0  }
0x224: {  	[sflag:s25] =	ssyncadd.s32 $0xFFFFD800  }
0x225: {  	_ =	swait.ge [sflag:s5], $0x2800  }
0x226: {  	[sflag:s5] =	ssyncset.done $0x0  }
0x227: {  	[sflag:s5] =	ssyncadd.s32 $0xFFFFD800  }
0x228: {  	[tilespmem:s30], [sflag:$0x2] =	stream.indirect.gather [hbm4b:s23+s29], $0x80, s7, s29, $0xb8;
	[tilespmem:$0x1F880] =	vst v63  }
0x229: {  	_ = 	snop  }
0x22a: {  	[spmem:s2] =	stream.indirect.scatter.add.f32 [tilespmem:s31], [sflag:$0x5], $0x80, s8, s29, $0xb8;
	[tilespmem:$0x1F880] =	vst v63  }
0x22b: {  	_ =	swait.ge [sflag:s25], $0x2800  }
0x22c: {  	[sflag:s25] =	ssyncset.done $0x0  }
0x22d: {  	[sflag:s25] =	ssyncadd.s32 $0xFFFFD800  }
0x22e: {  	_ =	swait.ge [sflag:s6], $0x2800  }
0x22f: {  	[sflag:s6] =	ssyncset.done $0x0  }
0x230: {  	[sflag:s6] =	ssyncadd.s32 $0xFFFFD800  }
0x231: {  	[tilespmem:s31], [sflag:$0x3] =	stream.indirect.gather [hbm4b:s23+s29], $0x80, s9, s29, $0xb8;
	[tilespmem:$0x1F880] =	vst v63  }
0x232: {  	_ = 	snop  }
0x233: {  	[spmem:s2] =	stream.indirect.scatter.add.f32 [tilespmem:s0], [sflag:$0x5], $0x80, s10, s29, $0xb8;
	[tilespmem:$0x1F880] =	vst v63  }
0x234: {  	_ =	swait.ge [sflag:s25], $0x2800  }
0x235: {  	[sflag:s25] =	ssyncset.done $0x0  }
0x236: {  	[sflag:s25] =	ssyncadd.s32 $0xFFFFD800  }
0x237: {  	_ =	swait.ge [sflag:s1], $0x2800  }
0x238: {  	[sflag:s1] =	ssyncset.done $0x0  }
0x239: {  	[sflag:s1] =	ssyncadd.s32 $0xFFFFD800  }
0x23a: {  	[tilespmem:s0], [sflag:$0x4] =	stream.indirect.gather [hbm4b:s23+s29], $0x80, s11, s29, $0xb8;
	[tilespmem:$0x1F880] =	vst v63  }
0x23b: {  	_ = 	snop  }
0x23c: {  	[spmem:s2] =	stream.indirect.scatter.add.f32 [tilespmem:s28], [sflag:$0x5], $0x80, s12, s29, $0xb8;
	[tilespmem:$0x1F880] =	vst v63  }
0x23d: {  	_ =	swait.ge [sflag:s25], $0x2800  }
0x23e: {  	[sflag:s25] =	ssyncset.done $0x0  }
0x23f: {  	[sflag:s25] =	ssyncadd.s32 $0xFFFFD800  }
0x240: {  	_ =	swait.ge [sflag:s4], $0x2800  }
0x241: {  	[sflag:s4] =	ssyncset.done $0x0  }
0x242: {  	[sflag:s4] =	ssyncadd.s32 $0xFFFFD800  }
0x243: {  	[tilespmem:s28], [sflag:$0x1] =	stream.indirect.gather [hbm4b:s23+s29], $0x80, s13, s29, $0xb8;
	[tilespmem:$0x1F880] =	vst v63  }
0x244: {  	_ = 	snop  }
0x245: {  	[spmem:s2] =	stream.indirect.scatter.add.f32 [tilespmem:s30], [sflag:$0x5], $0x80, s14, s29, $0xb8;
	[tilespmem:$0x1F880] =	vst v63  }
0x246: {  	_ =	swait.ge [sflag:s25], $0x2800  }
0x247: {  	[sflag:s25] =	ssyncset.done $0x0  }
0x248: {  	[sflag:s25] =	ssyncadd.s32 $0xFFFFD800  }
0x249: {  	_ =	swait.ge [sflag:s5], $0x2800  }
0x24a: {  	[sflag:s5] =	ssyncset.done $0x0  }
0x24b: {  	[sflag:s5] =	ssyncadd.s32 $0xFFFFD800  }
0x24c: {  	[spmem:s2] =	stream.indirect.scatter.add.f32 [tilespmem:s31], [sflag:$0x5], $0x80, s24, s29, $0xb8;
	[tilespmem:$0x1F880] =	vst v63  }
0x24d: {  	_ =	swait.ge [sflag:s25], $0x2800  }
0x24e: {  	[sflag:s25] =	ssyncset.done $0x0  }
0x24f: {  	[sflag:s25] =	ssyncadd.s32 $0xFFFFD800  }
0x250: {  	_ =	swait.ge [sflag:s6], $0x2800  }
0x251: {  	[sflag:s6] =	ssyncset.done $0x0  }
0x252: {  	[sflag:s6] =	ssyncadd.s32 $0xFFFFD800  }
0x253: {  	[spmem:s2] =	stream.indirect.scatter.add.f32 [tilespmem:s0], [sflag:$0x5], $0x80, s15, s29, $0xb8;
	[tilespmem:$0x1F880] =	vst v63  }
0x254: {  	_ =	swait.ge [sflag:s25], $0x2800  }
0x255: {  	[sflag:s25] =	ssyncset.done $0x0  }
0x256: {  	s19 =	sadd.s32 $0x200, s19;
	[sflag:s25] =	ssyncadd.s32 $0xFFFFD800  }
0x257: {  	p1 =	sne.s32 s19, $0xA00;
	_ =	swait.ge [sflag:s1], $0x2800  }
.Ltmp0:
0x258: {  	[sflag:s1] =	ssyncset.done $0x0;
	(pc) =	sbr.rel @p1 .LBB2_2-.Ltmp0, $4  }
0x259: {  	[sflag:s1] =	ssyncadd.s32 $0xFFFFD800  }
0x25a: {  	[spmem:s2] =	stream.indirect.scatter.add.f32 [tilespmem:s28], [sflag:$0x5], $0x80, s16, s29, $0xb8;
	[tilespmem:$0x1F880] =	vst v63  }
0x25b: {  	_ =	swait.ge [sflag:s25], $0x2800  }
0x25c: {  	s20 =	rddreg [dreg:$0x5];
	[sflag:s25] =	ssyncset.done $0x0  }
0x25d: {  	[sflag:s25] =	ssyncadd.s32 $0xFFFFD800;
	p1 =	seq.s32 s18, $0x0  }
0x25e: {  	s17 =	sadd.s32 @!p1 s18, s20;
	s19 =	simm.s32 @!p1 $0x0;
	s20 =	simm.s32 @!p1 $0x5  }
0x25f: {  	[tilespmem:s19], [sflag:$0x5] =	stream.linear.gather @!p1 [hbm4b:s17+s19], $0xC80, $0x38;
	[tilespmem:$0x1F880] =	vst v63  }
0x260: {  	_ =	swait.ge @!p1 [sflag:s20], $0xC80  }
0x261: {  	s17 =	rddreg [dreg:$0x4];
	[sflag:s20] =	ssyncset.done @!p1 $0x0  }
0x262: {  	[sflag:s20] =	ssyncadd.s32 @!p1 $0xFFFFF380;
	s17 =	sadd.s32 @!p1 s18, s17;
	s18 =	simm.s32 @!p1 $0x1000  }
0x263: {  	[tilespmem:s18], [sflag:$0x5] =	stream.linear.gather @!p1 [hbm4b:s17+s19], $0xC80, $0x38;
	[tilespmem:$0x1F880] =	vst v63  }
0x264: {  	_ =	swait.ge @!p1 [sflag:s20], $0xC80  }
0x265: {  	[sflag:s20] =	ssyncset.done @!p1 $0x0  }
0x266: {  	[sflag:s20] =	ssyncadd.s32 @!p1 $0xFFFFF380  }
0x267: {  	[tilespmem:s28], [sflag:$0x1] =	stream.indirect.gather [hbm4b:s23+s29], $0x80, s3, s29, $0xb8;
	[tilespmem:$0x1F880] =	vst v63  }
0x268: {  	s18 =	rddreg [dreg:$0x6]  }
0x269: {  	[tilespmem:s30], [sflag:$0x2] =	stream.indirect.gather [hbm4b:s23+s29], $0x80, s18, s29, $0xb8;
	[tilespmem:$0x1F880] =	vst v63  }
0x26a: {  	s19 =	rddreg [dreg:$0x7]  }
0x26b: {  	[tilespmem:s31], [sflag:$0x3] =	stream.indirect.gather [hbm4b:s23+s29], $0x80, s19, s29, $0xb8;
	[tilespmem:$0x1F880] =	vst v63  }
0x26c: {  	_ =	swait.ge [sflag:s1], $0x2800  }
0x26d: {  	[sflag:s1] =	ssyncset.done $0x0  }
0x26e: {  	s20 =	rddreg [dreg:$0x8];
	[sflag:s1] =	ssyncadd.s32 $0xFFFFD800  }
0x26f: {  	[tilespmem:s0], [sflag:$0x4] =	stream.indirect.gather [hbm4b:s23+s29], $0x80, s20, s29, $0xb8;
	[tilespmem:$0x1F880] =	vst v63  }
0x270: {  	_ = 	snop  }
0x271: {  	[spmem:s2] =	stream.indirect.scatter.add.f32 [tilespmem:s28], [sflag:$0x5], $0x80, s26, s29, $0xb8;
	[tilespmem:$0x1F880] =	vst v63  }
0x272: {  	_ =	swait.ge [sflag:s25], $0x2800  }
0x273: {  	[sflag:s25] =	ssyncset.done $0x0  }
0x274: {  	[sflag:s25] =	ssyncadd.s32 $0xFFFFD800  }
0x275: {  	_ =	swait.ge [sflag:s4], $0x2800  }
0x276: {  	[sflag:s4] =	ssyncset.done $0x0  }
0x277: {  	s21 =	rddreg [dreg:$0x9];
	[sflag:s4] =	ssyncadd.s32 $0xFFFFD800  }
0x278: {  	[tilespmem:s28], [sflag:$0x1] =	stream.indirect.gather [hbm4b:s23+s29], $0x80, s21, s29, $0xb8;
	[tilespmem:$0x1F880] =	vst v63  }
0x279: {  	s22 =	rddreg [dreg:$0xa]  }
0x27a: {  	[spmem:s2] =	stream.indirect.scatter.add.f32 [tilespmem:s30], [sflag:$0x5], $0x80, s22, s29, $0xb8;
	[tilespmem:$0x1F880] =	vst v63  }
0x27b: {  	_ =	swait.ge [sflag:s25], $0x2800  }
0x27c: {  	[sflag:s25] =	ssyncset.done $0x0  }
0x27d: {  	[sflag:s25] =	ssyncadd.s32 $0xFFFFD800  }
0x27e: {  	_ =	swait.ge [sflag:s5], $0x2800  }
0x27f: {  	[sflag:s5] =	ssyncset.done $0x0  }
0x280: {  	s19 =	rddreg [dreg:$0xb];
	[sflag:s5] =	ssyncadd.s32 $0xFFFFD800  }
0x281: {  	[tilespmem:s30], [sflag:$0x2] =	stream.indirect.gather [hbm4b:s23+s29], $0x80, s19, s29, $0xb8;
	[tilespmem:$0x1F880] =	vst v63  }
0x282: {  	s20 =	rddreg [dreg:$0xc]  }
0x283: {  	[spmem:s2] =	stream.indirect.scatter.add.f32 [tilespmem:s31], [sflag:$0x5], $0x80, s20, s29, $0xb8;
	[tilespmem:$0x1F880] =	vst v63  }
0x284: {  	_ =	swait.ge [sflag:s25], $0x2800  }
0x285: {  	[sflag:s25] =	ssyncset.done $0x0  }
0x286: {  	[sflag:s25] =	ssyncadd.s32 $0xFFFFD800  }
0x287: {  	_ =	swait.ge [sflag:s6], $0x2800  }
0x288: {  	[sflag:s6] =	ssyncset.done $0x0  }
0x289: {  	s21 =	rddreg [dreg:$0xd];
	[sflag:s6] =	ssyncadd.s32 $0xFFFFD800  }
0x28a: {  	[tilespmem:s31], [sflag:$0x3] =	stream.indirect.gather [hbm4b:s23+s29], $0x80, s21, s29, $0xb8;
	[tilespmem:$0x1F880] =	vst v63  }
0x28b: {  	s22 =	rddreg [dreg:$0xe]  }
0x28c: {  	[spmem:s2] =	stream.indirect.scatter.add.f32 [tilespmem:s0], [sflag:$0x5], $0x80, s22, s29, $0xb8;
	[tilespmem:$0x1F880] =	vst v63  }
0x28d: {  	_ =	swait.ge [sflag:s25], $0x2800  }
0x28e: {  	[sflag:s25] =	ssyncset.done $0x0  }
0x28f: {  	[sflag:s25] =	ssyncadd.s32 $0xFFFFD800  }
0x290: {  	_ =	swait.ge [sflag:s1], $0x2800  }
0x291: {  	[sflag:s1] =	ssyncset.done $0x0  }
0x292: {  	s19 =	rddreg [dreg:$0xf];
	[sflag:s1] =	ssyncadd.s32 $0xFFFFD800  }
0x293: {  	[tilespmem:s0], [sflag:$0x4] =	stream.indirect.gather [hbm4b:s23+s29], $0x80, s19, s29, $0xb8;
	[tilespmem:$0x1F880] =	vst v63  }
0x294: {  	s20 =	rddreg [dreg:$0x10]  }
0x295: {  	[spmem:s2] =	stream.indirect.scatter.add.f32 [tilespmem:s28], [sflag:$0x5], $0x80, s20, s29, $0xb8;
	[tilespmem:$0x1F880] =	vst v63  }
0x296: {  	_ =	swait.ge [sflag:s25], $0x2800  }
0x297: {  	[sflag:s25] =	ssyncset.done $0x0  }
0x298: {  	[sflag:s25] =	ssyncadd.s32 $0xFFFFD800  }
0x299: {  	_ =	swait.ge [sflag:s4], $0x2800  }
0x29a: {  	[sflag:s4] =	ssyncset.done $0x0  }
0x29b: {  	s21 =	rddreg [dreg:$0x11];
	[sflag:s4] =	ssyncadd.s32 $0xFFFFD800  }
0x29c: {  	[tilespmem:s28], [sflag:$0x1] =	stream.indirect.gather [hbm4b:s23+s29], $0x80, s21, s29, $0xb8;
	[tilespmem:$0x1F880] =	vst v63  }
0x29d: {  	s22 =	rddreg [dreg:$0x12]  }
0x29e: {  	[spmem:s2] =	stream.indirect.scatter.add.f32 [tilespmem:s30], [sflag:$0x5], $0x80, s22, s29, $0xb8;
	[tilespmem:$0x1F880] =	vst v63  }
0x29f: {  	_ =	swait.ge [sflag:s25], $0x2800  }
0x2a0: {  	[sflag:s25] =	ssyncset.done $0x0  }
0x2a1: {  	[sflag:s25] =	ssyncadd.s32 $0xFFFFD800  }
0x2a2: {  	_ =	swait.ge [sflag:s5], $0x2800  }
0x2a3: {  	[sflag:s5] =	ssyncset.done $0x0  }
0x2a4: {  	s19 =	rddreg [dreg:$0x13];
	[sflag:s5] =	ssyncadd.s32 $0xFFFFD800  }
0x2a5: {  	[tilespmem:s30], [sflag:$0x2] =	stream.indirect.gather [hbm4b:s23+s29], $0x80, s19, s29, $0xb8;
	[tilespmem:$0x1F880] =	vst v63  }
0x2a6: {  	s20 =	rddreg [dreg:$0x14]  }
0x2a7: {  	[spmem:s2] =	stream.indirect.scatter.add.f32 [tilespmem:s31], [sflag:$0x5], $0x80, s20, s29, $0xb8;
	[tilespmem:$0x1F880] =	vst v63  }
0x2a8: {  	_ =	swait.ge [sflag:s25], $0x2800  }
0x2a9: {  	[sflag:s25] =	ssyncset.done $0x0  }
0x2aa: {  	[sflag:s25] =	ssyncadd.s32 $0xFFFFD800  }
0x2ab: {  	_ =	swait.ge [sflag:s6], $0x2800  }
0x2ac: {  	[sflag:s6] =	ssyncset.done $0x0  }
0x2ad: {  	s21 =	rddreg [dreg:$0x15];
	[sflag:s6] =	ssyncadd.s32 $0xFFFFD800  }
0x2ae: {  	[tilespmem:s31], [sflag:$0x3] =	stream.indirect.gather [hbm4b:s23+s29], $0x80, s21, s29, $0xb8;
	[tilespmem:$0x1F880] =	vst v63  }
0x2af: {  	s22 =	rddreg [dreg:$0x16]  }
0x2b0: {  	[spmem:s2] =	stream.indirect.scatter.add.f32 [tilespmem:s0], [sflag:$0x5], $0x80, s22, s29, $0xb8;
	[tilespmem:$0x1F880] =	vst v63  }
0x2b1: {  	_ =	swait.ge [sflag:s25], $0x2800  }
0x2b2: {  	[sflag:s25] =	ssyncset.done $0x0  }
0x2b3: {  	[sflag:s25] =	ssyncadd.s32 $0xFFFFD800  }
0x2b4: {  	_ =	swait.ge [sflag:s1], $0x2800  }
0x2b5: {  	[sflag:s1] =	ssyncset.done $0x0  }
0x2b6: {  	s19 =	rddreg [dreg:$0x17];
	[sflag:s1] =	ssyncadd.s32 $0xFFFFD800  }
0x2b7: {  	[tilespmem:s0], [sflag:$0x4] =	stream.indirect.gather [hbm4b:s23+s29], $0x80, s19, s29, $0xb8;
	[tilespmem:$0x1F880] =	vst v63  }
0x2b8: {  	s20 =	rddreg [dreg:$0x18]  }
0x2b9: {  	[spmem:s2] =	stream.indirect.scatter.add.f32 [tilespmem:s28], [sflag:$0x5], $0x80, s20, s29, $0xb8;
	[tilespmem:$0x1F880] =	vst v63  }
0x2ba: {  	_ =	swait.ge [sflag:s25], $0x2800  }
0x2bb: {  	[sflag:s25] =	ssyncset.done $0x0  }
0x2bc: {  	[sflag:s25] =	ssyncadd.s32 $0xFFFFD800  }
0x2bd: {  	_ =	swait.ge [sflag:s4], $0x2800  }
0x2be: {  	[sflag:s4] =	ssyncset.done $0x0  }
0x2bf: {  	s21 =	rddreg [dreg:$0x19];
	[sflag:s4] =	ssyncadd.s32 $0xFFFFD800  }
0x2c0: {  	[tilespmem:s28], [sflag:$0x1] =	stream.indirect.gather [hbm4b:s23+s29], $0x80, s21, s29, $0xb8;
	[tilespmem:$0x1F880] =	vst v63  }
0x2c1: {  	s22 =	rddreg [dreg:$0x1a]  }
0x2c2: {  	[spmem:s2] =	stream.indirect.scatter.add.f32 [tilespmem:s30], [sflag:$0x5], $0x80, s22, s29, $0xb8;
	[tilespmem:$0x1F880] =	vst v63  }
0x2c3: {  	_ =	swait.ge [sflag:s25], $0x2800  }
0x2c4: {  	[sflag:s25] =	ssyncset.done $0x0  }
0x2c5: {  	[sflag:s25] =	ssyncadd.s32 $0xFFFFD800  }
0x2c6: {  	_ =	swait.ge [sflag:s5], $0x2800  }
0x2c7: {  	[sflag:s5] =	ssyncset.done $0x0  }
0x2c8: {  	s19 =	rddreg [dreg:$0x1b];
	[sflag:s5] =	ssyncadd.s32 $0xFFFFD800  }
0x2c9: {  	[tilespmem:s30], [sflag:$0x2] =	stream.indirect.gather [hbm4b:s23+s29], $0x80, s19, s29, $0xb8;
	[tilespmem:$0x1F880] =	vst v63  }
0x2ca: {  	s20 =	rddreg [dreg:$0x1c]  }
0x2cb: {  	[spmem:s2] =	stream.indirect.scatter.add.f32 [tilespmem:s31], [sflag:$0x5], $0x80, s20, s29, $0xb8;
	[tilespmem:$0x1F880] =	vst v63  }
0x2cc: {  	_ =	swait.ge [sflag:s25], $0x2800  }
0x2cd: {  	[sflag:s25] =	ssyncset.done $0x0  }
0x2ce: {  	[sflag:s25] =	ssyncadd.s32 $0xFFFFD800  }
0x2cf: {  	_ =	swait.ge [sflag:s6], $0x2800  }
0x2d0: {  	[sflag:s6] =	ssyncset.done $0x0  }
0x2d1: {  	s21 =	rddreg [dreg:$0x1d];
	[sflag:s6] =	ssyncadd.s32 $0xFFFFD800  }
0x2d2: {  	[tilespmem:s31], [sflag:$0x3] =	stream.indirect.gather [hbm4b:s23+s29], $0x80, s21, s29, $0xb8;
	[tilespmem:$0x1F880] =	vst v63  }
0x2d3: {  	s22 =	rddreg [dreg:$0x1e]  }
0x2d4: {  	[spmem:s2] =	stream.indirect.scatter.add.f32 [tilespmem:s0], [sflag:$0x5], $0x80, s22, s29, $0xb8;
	[tilespmem:$0x1F880] =	vst v63  }
0x2d5: {  	_ =	swait.ge [sflag:s25], $0x2800  }
0x2d6: {  	[sflag:s25] =	ssyncset.done $0x0  }
0x2d7: {  	[sflag:s25] =	ssyncadd.s32 $0xFFFFD800  }
0x2d8: {  	_ =	swait.ge [sflag:s1], $0x2800  }
0x2d9: {  	s19 =	rddreg [dreg:$0x1f];
	[sflag:s1] =	ssyncset.done $0x0  }
0x2da: {  	s20 =	sld [smem:$0x7EB];
	[sflag:s1] =	ssyncadd.s32 $0xFFFFD800  }
0x2db: {  	[tilespmem:s0], [sflag:$0x4] =	stream.indirect.gather [hbm4b:s23+s29], $0x80, s19, s29, $0xb8;
	[tilespmem:$0x1F880] =	vst v63  }
0x2dc: {  	_ = 	snop  }
0x2dd: {  	[spmem:s2] =	stream.indirect.scatter.add.f32 [tilespmem:s28], [sflag:$0x5], $0x80, s20, s29, $0xb8;
	[tilespmem:$0x1F880] =	vst v63  }
0x2de: {  	_ =	swait.ge [sflag:s25], $0x2800  }
0x2df: {  	[sflag:s25] =	ssyncset.done $0x0  }
0x2e0: {  	[sflag:s25] =	ssyncadd.s32 $0xFFFFD800  }
0x2e1: {  	_ =	swait.ge [sflag:s4], $0x2800  }
0x2e2: {  	s21 =	sld [smem:$0x7EC]  }
0x2e3: {  	[sflag:s4] =	ssyncset.done $0x0  }
0x2e4: {  	s22 =	sld [smem:$0x7ED];
	[sflag:s4] =	ssyncadd.s32 $0xFFFFD800  }
0x2e5: {  	[tilespmem:s28], [sflag:$0x1] =	stream.indirect.gather [hbm4b:s23+s29], $0x80, s21, s29, $0xb8;
	[tilespmem:$0x1F880] =	vst v63  }
0x2e6: {  	_ = 	snop  }
0x2e7: {  	[spmem:s2] =	stream.indirect.scatter.add.f32 [tilespmem:s30], [sflag:$0x5], $0x80, s22, s29, $0xb8;
	[tilespmem:$0x1F880] =	vst v63  }
0x2e8: {  	_ =	swait.ge [sflag:s25], $0x2800  }
0x2e9: {  	[sflag:s25] =	ssyncset.done $0x0  }
0x2ea: {  	[sflag:s25] =	ssyncadd.s32 $0xFFFFD800  }
0x2eb: {  	_ =	swait.ge [sflag:s5], $0x2800  }
0x2ec: {  	s19 =	sld [smem:$0x7EE]  }
0x2ed: {  	[sflag:s5] =	ssyncset.done $0x0  }
0x2ee: {  	s20 =	sld [smem:$0x7EF];
	[sflag:s5] =	ssyncadd.s32 $0xFFFFD800  }
0x2ef: {  	[tilespmem:s30], [sflag:$0x2] =	stream.indirect.gather [hbm4b:s23+s29], $0x80, s19, s29, $0xb8;
	[tilespmem:$0x1F880] =	vst v63  }
0x2f0: {  	_ = 	snop  }
0x2f1: {  	[spmem:s2] =	stream.indirect.scatter.add.f32 [tilespmem:s31], [sflag:$0x5], $0x80, s20, s29, $0xb8;
	[tilespmem:$0x1F880] =	vst v63  }
0x2f2: {  	_ =	swait.ge [sflag:s25], $0x2800  }
0x2f3: {  	[sflag:s25] =	ssyncset.done $0x0  }
0x2f4: {  	[sflag:s25] =	ssyncadd.s32 $0xFFFFD800  }
0x2f5: {  	_ =	swait.ge [sflag:s6], $0x2800  }
0x2f6: {  	s21 =	sld [smem:$0x7F0]  }
0x2f7: {  	[sflag:s6] =	ssyncset.done $0x0  }
0x2f8: {  	s22 =	sld [smem:$0x7F2];
	[sflag:s6] =	ssyncadd.s32 $0xFFFFD800  }
0x2f9: {  	[tilespmem:s31], [sflag:$0x3] =	stream.indirect.gather [hbm4b:s23+s29], $0x80, s21, s29, $0xb8;
	[tilespmem:$0x1F880] =	vst v63  }
0x2fa: {  	_ = 	snop  }
0x2fb: {  	[spmem:s2] =	stream.indirect.scatter.add.f32 [tilespmem:s0], [sflag:$0x5], $0x80, s22, s29, $0xb8;
	[tilespmem:$0x1F880] =	vst v63  }
0x2fc: {  	_ =	swait.ge [sflag:s25], $0x2800  }
0x2fd: {  	[sflag:s25] =	ssyncset.done $0x0  }
0x2fe: {  	[sflag:s25] =	ssyncadd.s32 $0xFFFFD800  }
0x2ff: {  	_ =	swait.ge [sflag:s1], $0x2800  }
0x300: {  	s19 =	sld [smem:$0x7F3]  }
0x301: {  	[sflag:s1] =	ssyncset.done $0x0  }
0x302: {  	s20 =	sld [smem:$0x7F5];
	[sflag:s1] =	ssyncadd.s32 $0xFFFFD800  }
0x303: {  	[tilespmem:s0], [sflag:$0x4] =	stream.indirect.gather [hbm4b:s23+s29], $0x80, s19, s29, $0xb8;
	[tilespmem:$0x1F880] =	vst v63  }
0x304: {  	_ = 	snop  }
0x305: {  	[spmem:s2] =	stream.indirect.scatter.add.f32 [tilespmem:s28], [sflag:$0x5], $0x80, s20, s29, $0xb8;
	[tilespmem:$0x1F880] =	vst v63  }
0x306: {  	_ =	swait.ge [sflag:s25], $0x2800  }
0x307: {  	[sflag:s25] =	ssyncset.done $0x0  }
0x308: {  	[sflag:s25] =	ssyncadd.s32 $0xFFFFD800  }
0x309: {  	_ =	swait.ge [sflag:s4], $0x2800  }
0x30a: {  	s21 =	sld [smem:$0x7F6]  }
0x30b: {  	[sflag:s4] =	ssyncset.done $0x0  }
0x30c: {  	s22 =	sld [smem:$0x7F7];
	[sflag:s4] =	ssyncadd.s32 $0xFFFFD800  }
0x30d: {  	[tilespmem:s28], [sflag:$0x1] =	stream.indirect.gather [hbm4b:s23+s29], $0x80, s21, s29, $0xb8;
	[tilespmem:$0x1F880] =	vst v63  }
0x30e: {  	_ = 	snop  }
0x30f: {  	[spmem:s2] =	stream.indirect.scatter.add.f32 [tilespmem:s30], [sflag:$0x5], $0x80, s22, s29, $0xb8;
	[tilespmem:$0x1F880] =	vst v63  }
0x310: {  	_ =	swait.ge [sflag:s25], $0x2800  }
0x311: {  	[sflag:s25] =	ssyncset.done $0x0  }
0x312: {  	[sflag:s25] =	ssyncadd.s32 $0xFFFFD800  }
0x313: {  	_ =	swait.ge [sflag:s5], $0x2800  }
0x314: {  	[sflag:s5] =	ssyncset.done $0x0  }
0x315: {  	[sflag:s5] =	ssyncadd.s32 $0xFFFFD800  }
0x316: {  	[tilespmem:s30], [sflag:$0x2] =	stream.indirect.gather [hbm4b:s23+s29], $0x80, s7, s29, $0xb8;
	[tilespmem:$0x1F880] =	vst v63  }
0x317: {  	_ = 	snop  }
0x318: {  	[spmem:s2] =	stream.indirect.scatter.add.f32 [tilespmem:s31], [sflag:$0x5], $0x80, s8, s29, $0xb8;
	[tilespmem:$0x1F880] =	vst v63  }
0x319: {  	_ =	swait.ge [sflag:s25], $0x2800  }
0x31a: {  	[sflag:s25] =	ssyncset.done $0x0  }
0x31b: {  	[sflag:s25] =	ssyncadd.s32 $0xFFFFD800  }
0x31c: {  	_ =	swait.ge [sflag:s6], $0x2800  }
0x31d: {  	[sflag:s6] =	ssyncset.done $0x0  }
0x31e: {  	[sflag:s6] =	ssyncadd.s32 $0xFFFFD800  }
0x31f: {  	[tilespmem:s31], [sflag:$0x3] =	stream.indirect.gather [hbm4b:s23+s29], $0x80, s9, s29, $0xb8;
	[tilespmem:$0x1F880] =	vst v63  }
0x320: {  	_ = 	snop  }
0x321: {  	[spmem:s2] =	stream.indirect.scatter.add.f32 [tilespmem:s0], [sflag:$0x5], $0x80, s10, s29, $0xb8;
	[tilespmem:$0x1F880] =	vst v63  }
0x322: {  	_ =	swait.ge [sflag:s25], $0x2800  }
0x323: {  	[sflag:s25] =	ssyncset.done $0x0  }
0x324: {  	[sflag:s25] =	ssyncadd.s32 $0xFFFFD800  }
0x325: {  	_ =	swait.ge [sflag:s1], $0x2800  }
0x326: {  	[sflag:s1] =	ssyncset.done $0x0  }
0x327: {  	[sflag:s1] =	ssyncadd.s32 $0xFFFFD800  }
0x328: {  	[tilespmem:s0], [sflag:$0x4] =	stream.indirect.gather [hbm4b:s23+s29], $0x80, s11, s29, $0xb8;
	[tilespmem:$0x1F880] =	vst v63  }
0x329: {  	_ = 	snop  }
0x32a: {  	[spmem:s2] =	stream.indirect.scatter.add.f32 [tilespmem:s28], [sflag:$0x5], $0x80, s12, s29, $0xb8;
	[tilespmem:$0x1F880] =	vst v63  }
0x32b: {  	_ =	swait.ge [sflag:s25], $0x2800  }
0x32c: {  	[sflag:s25] =	ssyncset.done $0x0  }
0x32d: {  	[sflag:s25] =	ssyncadd.s32 $0xFFFFD800  }
0x32e: {  	_ =	swait.ge [sflag:s4], $0x2800  }
0x32f: {  	[sflag:s4] =	ssyncset.done $0x0  }
0x330: {  	[sflag:s4] =	ssyncadd.s32 $0xFFFFD800  }
0x331: {  	[tilespmem:s28], [sflag:$0x1] =	stream.indirect.gather [hbm4b:s23+s29], $0x80, s13, s29, $0xb8;
	[tilespmem:$0x1F880] =	vst v63  }
0x332: {  	_ = 	snop  }
0x333: {  	[spmem:s2] =	stream.indirect.scatter.add.f32 [tilespmem:s30], [sflag:$0x5], $0x80, s14, s29, $0xb8;
	[tilespmem:$0x1F880] =	vst v63  }
0x334: {  	_ =	swait.ge [sflag:s25], $0x2800  }
0x335: {  	[sflag:s25] =	ssyncset.done $0x0  }
0x336: {  	[sflag:s25] =	ssyncadd.s32 $0xFFFFD800  }
0x337: {  	_ =	swait.ge [sflag:s5], $0x2800  }
0x338: {  	[sflag:s5] =	ssyncset.done $0x0  }
0x339: {  	[sflag:s5] =	ssyncadd.s32 $0xFFFFD800  }
0x33a: {  	[spmem:s2] =	stream.indirect.scatter.add.f32 [tilespmem:s31], [sflag:$0x5], $0x80, s24, s29, $0xb8;
	[tilespmem:$0x1F880] =	vst v63  }
0x33b: {  	_ =	swait.ge [sflag:s25], $0x2800  }
0x33c: {  	[sflag:s25] =	ssyncset.done $0x0  }
0x33d: {  	[sflag:s25] =	ssyncadd.s32 $0xFFFFD800  }
0x33e: {  	_ =	swait.ge [sflag:s6], $0x2800  }
0x33f: {  	[sflag:s6] =	ssyncset.done $0x0  }
0x340: {  	[sflag:s6] =	ssyncadd.s32 $0xFFFFD800  }
0x341: {  	[spmem:s2] =	stream.indirect.scatter.add.f32 [tilespmem:s0], [sflag:$0x5], $0x80, s15, s29, $0xb8;
	[tilespmem:$0x1F880] =	vst v63  }
0x342: {  	_ =	swait.ge [sflag:s25], $0x2800  }
0x343: {  	[sflag:s25] =	ssyncset.done $0x0  }
0x344: {  	[sflag:s25] =	ssyncadd.s32 $0xFFFFD800  }
0x345: {  	_ =	swait.ge [sflag:s1], $0x2800  }
0x346: {  	[sflag:s1] =	ssyncset.done $0x0  }
0x347: {  	[sflag:s1] =	ssyncadd.s32 $0xFFFFD800  }
0x348: {  	[spmem:s2] =	stream.indirect.scatter.add.f32 [tilespmem:s28], [sflag:$0x5], $0x80, s16, s29, $0xb8;
	[tilespmem:$0x1F880] =	vst v63  }
0x349: {  	_ =	swait.ge [sflag:s25], $0x2800  }
0x34a: {  	[sflag:s25] =	ssyncset.done $0x0  }
0x34b: {  	[sflag:s25] =	ssyncadd.s32 $0xFFFFD800  }
0x34c: {  	[bflag:$0x0] =	sbarrier.arrive $0xFFFF  }
0x34d: {  	s19 =	sld [smem:$0x7F9];
	_ =	sdelay $0x2  }
0x34e: {  	[tilespmem:s28], [sflag:$0x5] =	stream.linear.gather [spmem:s19], $0x2800, $0x38;
	[tilespmem:$0x1F880] =	vst v63  }
0x34f: {  	_ =	swait.ge [sflag:s25], $0x2800  }
0x350: {  	s20 =	sld [smem:$0x7E0]  }
0x351: {  	[sflag:s25] =	ssyncset.done $0x0  }
0x352: {  	[sflag:s25] =	ssyncadd.s32 $0xFFFFD800  }
0x353: {  	[hbm4b:s20+s3] =	stream.linear.scatter [tilespmem:s28], [sflag:$0x5], $0x2800, $0x38;
	[tilespmem:$0x1F880] =	vst v63  }
0x354: {  	_ =	swait.ge [sflag:s25], $0x2800  }
0x355: {  	s21 =	sld [smem:$0x7E9]  }
0x356: {  	[sflag:s25] =	ssyncset.done $0x0  }
0x357: {  	[sflag:s25] =	ssyncadd.s32 $0xFFFFD800  }
0x358: {  	[tilespmem:s28], [sflag:$0x5] =	stream.linear.gather [spmem:s21], $0x2800, $0x38;
	[tilespmem:$0x1F880] =	vst v63  }
0x359: {  	_ =	swait.ge [sflag:s25], $0x2800  }
0x35a: {  	s22 =	sld [smem:$0x7E1]  }
0x35b: {  	[sflag:s25] =	ssyncset.done $0x0  }
0x35c: {  	[sflag:s25] =	ssyncadd.s32 $0xFFFFD800  }
0x35d: {  	[hbm4b:s22+s3] =	stream.linear.scatter [tilespmem:s28], [sflag:$0x5], $0x2800, $0x38;
	[tilespmem:$0x1F880] =	vst v63  }
0x35e: {  	_ =	swait.ge [sflag:s25], $0x2800  }
0x35f: {  	s18 =	sld [smem:$0x7FA]  }
0x360: {  	[sflag:s25] =	ssyncset.done $0x0  }
0x361: {  	[sflag:s25] =	ssyncadd.s32 $0xFFFFD800  }
0x362: {  	[tilespmem:s28], [sflag:$0x5] =	stream.linear.gather [spmem:s18], $0x2800, $0x38;
	[tilespmem:$0x1F880] =	vst v63  }
0x363: {  	_ =	swait.ge [sflag:s25], $0x2800  }
0x364: {  	s19 =	sld [smem:$0x7E2]  }
0x365: {  	[sflag:s25] =	ssyncset.done $0x0  }
0x366: {  	[sflag:s25] =	ssyncadd.s32 $0xFFFFD800  }
0x367: {  	[hbm4b:s19+s3] =	stream.linear.scatter [tilespmem:s28], [sflag:$0x5], $0x2800, $0x38;
	[tilespmem:$0x1F880] =	vst v63  }
0x368: {  	_ =	swait.ge [sflag:s25], $0x2800  }
0x369: {  	s20 =	sld [smem:$0x7EA]  }
0x36a: {  	[sflag:s25] =	ssyncset.done $0x0  }
0x36b: {  	[sflag:s25] =	ssyncadd.s32 $0xFFFFD800  }
0x36c: {  	[tilespmem:s28], [sflag:$0x5] =	stream.linear.gather [spmem:s20], $0x2800, $0x38;
	[tilespmem:$0x1F880] =	vst v63  }
0x36d: {  	_ =	swait.ge [sflag:s25], $0x2800  }
0x36e: {  	s21 =	sld [smem:$0x7E3]  }
0x36f: {  	[sflag:s25] =	ssyncset.done $0x0  }
0x370: {  	[sflag:s25] =	ssyncadd.s32 $0xFFFFD800  }
0x371: {  	[hbm4b:s21+s3] =	stream.linear.scatter [tilespmem:s28], [sflag:$0x5], $0x2800, $0x38;
	[tilespmem:$0x1F880] =	vst v63  }
0x372: {  	_ =	swait.ge [sflag:s25], $0x2800  }
0x373: {  	s22 =	sld [smem:$0x7FB]  }
0x374: {  	[sflag:s25] =	ssyncset.done $0x0  }
0x375: {  	[sflag:s25] =	ssyncadd.s32 $0xFFFFD800  }
0x376: {  	[tilespmem:s28], [sflag:$0x5] =	stream.linear.gather [spmem:s22], $0x2800, $0x38;
	[tilespmem:$0x1F880] =	vst v63  }
0x377: {  	_ =	swait.ge [sflag:s25], $0x2800  }
0x378: {  	s18 =	sld [smem:$0x7E4]  }
0x379: {  	[sflag:s25] =	ssyncset.done $0x0  }
0x37a: {  	[sflag:s25] =	ssyncadd.s32 $0xFFFFD800  }
0x37b: {  	[hbm4b:s18+s3] =	stream.linear.scatter [tilespmem:s28], [sflag:$0x5], $0x2800, $0x38;
	[tilespmem:$0x1F880] =	vst v63  }
0x37c: {  	_ =	swait.ge [sflag:s25], $0x2800  }
0x37d: {  	s21 =	sld [smem:$0x7FC]  }
0x37e: {  	[sflag:s25] =	ssyncset.done $0x0  }
0x37f: {  	[sflag:s25] =	ssyncadd.s32 $0xFFFFD800  }
0x380: {  	[tilespmem:s28], [sflag:$0x5] =	stream.linear.gather [spmem:s21], $0x2800, $0x38;
	[tilespmem:$0x1F880] =	vst v63  }
0x381: {  	_ =	swait.ge [sflag:s25], $0x2800  }
0x382: {  	s19 =	sld [smem:$0x7E5]  }
0x383: {  	[sflag:s25] =	ssyncset.done $0x0  }
0x384: {  	[sflag:s25] =	ssyncadd.s32 $0xFFFFD800  }
0x385: {  	[hbm4b:s19+s3] =	stream.linear.scatter [tilespmem:s28], [sflag:$0x5], $0x2800, $0x38;
	[tilespmem:$0x1F880] =	vst v63  }
0x386: {  	_ =	swait.ge [sflag:s25], $0x2800  }
0x387: {  	s22 =	sld [smem:$0x7FD]  }
0x388: {  	[sflag:s25] =	ssyncset.done $0x0  }
0x389: {  	[sflag:s25] =	ssyncadd.s32 $0xFFFFD800  }
0x38a: {  	[tilespmem:s28], [sflag:$0x5] =	stream.linear.gather [spmem:s22], $0x2800, $0x38;
	[tilespmem:$0x1F880] =	vst v63  }
0x38b: {  	_ =	swait.ge [sflag:s25], $0x2800  }
0x38c: {  	s20 =	sld [smem:$0x7E6]  }
0x38d: {  	[sflag:s25] =	ssyncset.done $0x0  }
0x38e: {  	[sflag:s25] =	ssyncadd.s32 $0xFFFFD800  }
0x38f: {  	[hbm4b:s20+s3] =	stream.linear.scatter [tilespmem:s28], [sflag:$0x5], $0x2800, $0x38;
	[tilespmem:$0x1F880] =	vst v63  }
0x390: {  	_ =	swait.ge [sflag:s25], $0x2800  }
0x391: {  	s18 =	sld [smem:$0x7F1]  }
0x392: {  	[sflag:s25] =	ssyncset.done $0x0  }
0x393: {  	s17 =	simm.s32 @!p0 $0x2000;
	[sflag:s25] =	ssyncadd.s32 $0xFFFFD800  }
0x394: {  	[tilespmem:s17], [sflag:$0x5] =	stream.linear.gather @!p0 [spmem:s18], $0x2800, $0x38;
	[tilespmem:$0x1F880] =	vst v63  }
0x395: {  	s18 =	simm.s32 @!p0 $0x5  }
0x396: {  	_ =	swait.ge @!p0 [sflag:s18], $0x2800  }
0x397: {  	s20 =	sld [smem:$0x7E7]  }
0x398: {  	[sflag:s18] =	ssyncset.done @!p0 $0x0  }
0x399: {  	s19 =	simm.s32 @!p0 $0x0;
	[sflag:s18] =	ssyncadd.s32 @!p0 $0xFFFFD800  }
0x39a: {  	[hbm4b:s20+s19] =	stream.linear.scatter @!p0 [tilespmem:s17], [sflag:$0x5], $0x2800, $0x38;
	[tilespmem:$0x1F880] =	vst v63  }
0x39b: {  	s20 =	sld [smem:$0x7FB];
	_ =	swait.ge @!p0 [sflag:s18], $0x2800  }
0x39c: {  	s17 =	sld [smem:$0x7F8];
	_ =	sdelay $0x2  }
0x39d: {  	s19 =	sadd.s32 $0x1, s17;
	s17 =	sld [smem:$0x7F4];
	_ =	sdelay $0x2  }
0x39e: {  	p1 =	sne.s32 s19, s17  }
.Ltmp1:
0x39f: {  	_ = 	snop;
	(pc) =	sbr.rel @p1 .LBB2_1-.Ltmp1, $4  }
0x3a0: {  	[sflag:s18] =	ssyncset.done @!p0 $0x0  }
0x3a1: {  	[sflag:s18] =	ssyncadd.s32 @!p0 $0xFFFFD800;
	s18 =	sld [smem:$0x7FA]  }
0x3a2: {  	[smem:$0x7F8] =	sst s19  }
0x3a3: {  	s19 =	sld [smem:$0x7F9]  }
0x3a4: {  	_ =	sfence.sel $0x180000  }
0x3a5: {  	[bflag:$0x0] =	sbarrier.arrive $0xFFFF  }
0x3a6: {  	_ =	strace $0x90000047  }
0x3a7: {  	s0 =	stileid.u32;
	[bflag:$0x2] =	sbarrier.arrive $0xFFFF  }
0x3a8: {  	p0 =	sne.s32 s0, $0x0;
	s0 =	rddreg [dreg:$0x3]  }
0x3a9: {  	s0 =	sadd.s32 @!p0 $0x100000, s0  }
0x3aa: {  	[sflag:s0] =	ssyncadd.tile.s32 @!p0 $0x1;
	_ =	shalt  }
.Lfunc_end2:
_tile_overlayer_lowered:
.L_overlay_start_2:
0x3ab: {  	(tag) =	ssettag $0x2  }
0x3ac: {  	s0 =	rddreg [dreg:$0x0];
	s2 =	stileid.u32  }
0x3ad: {  	s1 =	rddreg [dreg:$0x1];
	p0 =	sne.s32 s2, $0x0  }
0x3ae: {  	s3 =	rddreg [dreg:$0x2];
	[bflag:$0x3] =	sbarrier.arrive $0xFFFF;
	s2 =	simm.s32 @!p0 $0x1C05  }
0x3af: {  	[timem:s3], [sflag:s2] =	dma.local @!p0 [hbm:s0], s1  }
0x3b0: {  	s0 =	simm.s32 @!p0 $0x5  }
0x3b1: {  	_ =	swait.ge @!p0 [sflag:s0], s1  }
0x3b2: {  	s1 =	ssub.s32 @!p0 $0x0, s1;
	[sflag:s0] =	ssyncset.done @!p0 $0x0  }
0x3b3: {  	[sflag:s0] =	ssyncadd.s32 @!p0 s1  }
0x3b4: {  	[bflag:$0x3] =	sbarrier.arrive $0xFFFF  }
0x3b5: {  	_ =	shalt  }

</sc_bundles>
